<compile_context>
chip_gen: v7x
topology: tpu7x:2x2x1
jax: 0.10.2.dev20260603
libtpu: 0.0.44.dev20260713+nightly
codegen_flags: <defaults>
</compile_context>

<pallas_src>
import functools

import jax
import jax.numpy as jnp
from jax.experimental import pallas as pl
from jax.experimental.pallas import tpu as pltpu
from jax.experimental.pallas import tpu_sc as plsc

_NUM_CLASSES = 21
_NUM_PRIORS = 8732
_BATCH = 32
_NUM_GT = 10
_PAD = 8732
_CPAD = 21
_PPAD = 8832
_NCH = _PPAD // 16


def _match_sc_kernel(gt_hbm, db_hbm, posm_hbm, bti_hbm,
                     db0_v, db1_v, db2_v, db3_v, gt_v, ov_v, bti_v, pos_v):
    c = jax.lax.axis_index("c")
    s = jax.lax.axis_index("s")
    wid = s * 2 + c

    pltpu.sync_copy(db_hbm.at[0], db0_v)
    pltpu.sync_copy(db_hbm.at[1], db1_v)
    pltpu.sync_copy(db_hbm.at[2], db2_v)
    pltpu.sync_copy(db_hbm.at[3], db3_v)
    pltpu.sync_copy(gt_hbm.at[wid], gt_v)

    lane = jax.lax.iota(jnp.int32, 16)

    @plsc.parallel_loop(0, _NCH, unroll=8)
    def _init(i):
        ov_v[pl.ds(i * 16, 16)] = jnp.full((16,), -1.0, jnp.float32)
        bti_v[pl.ds(i * 16, 16)] = jnp.zeros((16,), jnp.float32)

    for g in range(_NUM_GT):
        gx0 = gt_v[4 * g + 0]
        gy0 = gt_v[4 * g + 1]
        gx1 = gt_v[4 * g + 2]
        gy1 = gt_v[4 * g + 3]
        area_g = (gx1 - gx0) * (gy1 - gy0)
        gval = jnp.full((16,), float(g), jnp.float32)

        m0 = jnp.full((16,), -2.0, jnp.float32)
        i0 = jnp.zeros((16,), jnp.int32)

        @plsc.parallel_loop(0, _NCH, unroll=8, carry=(m0, i0))
        def _chunk(i, carry):
            m_val, m_pidx = carry
            p0 = i * 16
            dx0 = db0_v[pl.ds(p0, 16)]
            dy0 = db1_v[pl.ds(p0, 16)]
            dx1 = db2_v[pl.ds(p0, 16)]
            dy1 = db3_v[pl.ds(p0, 16)]
            area_d = (dx1 - dx0) * (dy1 - dy0)
            iw = jnp.maximum(jnp.minimum(dx1, gx1) - jnp.maximum(dx0, gx0),
                             0.0)
            ih = jnp.maximum(jnp.minimum(dy1, gy1) - jnp.maximum(dy0, gy0),
                             0.0)
            inter = iw * ih
            iou = inter / (area_d + area_g - inter)
            ov_old = ov_v[pl.ds(p0, 16)]
            upd = iou > ov_old
            ov_v[pl.ds(p0, 16)] = jnp.where(upd, iou, ov_old)
            bt_old = bti_v[pl.ds(p0, 16)]
            bti_v[pl.ds(p0, 16)] = jnp.where(upd, gval, bt_old)
            gm = iou > m_val
            m_val = jnp.where(gm, iou, m_val)
            m_pidx = jnp.where(gm, p0 + lane, m_pidx)
            return (m_val, m_pidx)

        m_val, m_pidx = _chunk

        mval_s = m_val[0]
        bpi = m_pidx[0]
        for l in range(1, 16):
            v = m_val[l]
            p = m_pidx[l]
            better = (v > mval_s) | ((v == mval_s) & (p < bpi))
            mval_s = jnp.where(better, v, mval_s)
            bpi = jnp.where(better, p, bpi)
        c0 = (bpi // 16) * 16
        hit = lane == bpi % 16
        ovc = ov_v[pl.ds(c0, 16)]
        ov_v[pl.ds(c0, 16)] = jnp.where(hit, 2.0, ovc)
        btc = bti_v[pl.ds(c0, 16)]
        bti_v[pl.ds(c0, 16)] = jnp.where(hit, gval, btc)

    @plsc.parallel_loop(0, _NCH, unroll=8)
    def _posout(i):
        p0 = i * 16
        ov = ov_v[pl.ds(p0, 16)]
        pos_v[pl.ds(p0, 16)] = jnp.where(ov >= 0.5, 1.0, 0.0)

    pltpu.sync_copy(pos_v, posm_hbm.at[wid])
    pltpu.sync_copy(bti_v, bti_hbm.at[wid])


_sc_match = functools.partial(
    pl.kernel,
    mesh=plsc.VectorSubcoreMesh(core_axis_name="c", subcore_axis_name="s"),
    out_type=[jax.ShapeDtypeStruct((_BATCH, _PPAD), jnp.float32),
              jax.ShapeDtypeStruct((_BATCH, _PPAD), jnp.float32)],
    scratch_types=[pltpu.VMEM((_PPAD,), jnp.float32),
                   pltpu.VMEM((_PPAD,), jnp.float32),
                   pltpu.VMEM((_PPAD,), jnp.float32),
                   pltpu.VMEM((_PPAD,), jnp.float32),
                   pltpu.VMEM((_NUM_GT * 4, 16), jnp.float32),
                   pltpu.VMEM((_PPAD,), jnp.float32),
                   pltpu.VMEM((_PPAD,), jnp.float32),
                   pltpu.VMEM((_PPAD,), jnp.float32)],
)(_match_sc_kernel)


def _conf_kernel(conf_ref, sx_ref):
    b = pl.program_id(0)
    cf = conf_ref[0]
    eye = (jax.lax.broadcasted_iota(jnp.int32, (_CPAD, _CPAD), 0)
           == jax.lax.broadcasted_iota(jnp.int32, (_CPAD, _CPAD), 1)
           ).astype(jnp.float32)
    cfT = jax.lax.dot_general(eye, cf, (((1,), (1,)), ((), ())),
                              preferred_element_type=jnp.float32)
    ex = jnp.exp(cfT)
    sx_ref[pl.ds(b, 1), :] = jnp.sum(ex, axis=0, keepdims=True)
    sx_ref[pl.ds(_BATCH + b, 1), :] = cfT[0:1, :]


def _loss_kernel(loc_ref, gt_ref, db_ref, bti_ref, posm_ref, sx_ref,
                 num_ref, npos_ref):
    b = pl.program_id(0)

    db = db_ref[...]
    dbx0 = db[0:1, :]
    dby0 = db[1:2, :]
    dbx1 = db[2:3, :]
    dby1 = db[3:4, :]

    gt = gt_ref[0]
    pos = posm_ref[pl.ds(b, 1), 0:_PAD] > 0.5
    bt_idx = bti_ref[0, 0:1, 0:_PAD]

    g_col = jax.lax.broadcasted_iota(jnp.int32, (_NUM_GT, _PAD), 0
                                     ).astype(jnp.float32)

    sel_f = (g_col == bt_idx).astype(jnp.float32)
    zf = jnp.zeros((), jnp.float32)
    gtT = jnp.transpose(gt, (1, 0))
    x0r = gtT[0:1, :]
    y0r = gtT[1:2, :]
    x1r = gtT[2:3, :]
    y1r = gtT[3:4, :]
    cw = jnp.concatenate([(x0r + x1r) * 0.5, (y0r + y1r) * 0.5,
                          x1r - x0r, y1r - y0r], axis=0)
    m_cw = jnp.dot(cw, sel_f, preferred_element_type=jnp.float32)

    d_w = dbx1 - dbx0
    d_h = dby1 - dby0
    d_cx = dbx0 + d_w * 0.5
    d_cy = dby0 + d_h * 0.5
    dwe = d_w + 1e-8
    dhe = d_h + 1e-8
    t0 = (m_cw[0:1, :] - d_cx) / dwe
    t1 = (m_cw[1:2, :] - d_cy) / dhe
    t2 = jnp.log(m_cw[2:3, :] / dwe)
    t3 = jnp.log(m_cw[3:4, :] / dhe)

    lp = loc_ref[0]

    def _sl1(d):
        return jnp.where(d < 1.0, 0.5 * d * d, d - 0.5)

    sl1 = (_sl1(jnp.abs(lp[0:1, :] - t0)) + _sl1(jnp.abs(lp[1:2, :] - t1))
           + _sl1(jnp.abs(lp[2:3, :] - t2)) + _sl1(jnp.abs(lp[3:4, :] - t3)))
    loc_loss = jnp.sum(jnp.where(pos, sl1, zf))
    num2 = jnp.reshape(loc_loss, (1, 1))

    @pl.when(b == 0)
    def _initk():
        num_ref[:, :] = num2

    @pl.when(b != 0)
    def _acc():
        num_ref[:, :] += num2

    @pl.when(b == _BATCH - 1)
    def _neg_mine():
        posm = posm_ref[0:_BATCH, 0:_PAD]
        sx = sx_ref[...]
        closs = jnp.log(sx[0:_BATCH, :]) - sx[_BATCH:2 * _BATCH, :]
        v = jnp.where(posm > 0.5, 0.0, closs)
        vi = jax.lax.bitcast_convert_type(v, jnp.int32)
        npv = jnp.sum(posm.astype(jnp.int32), axis=1, keepdims=True)
        k = jnp.minimum(3 * npv, _NUM_PRIORS - 1)

        def _body(_, lohi):
            lo, hi = lohi
            mid = lo + (hi - lo) // 2
            cnt = jnp.sum((vi > mid).astype(jnp.int32), axis=1, keepdims=True)
            big = cnt >= k
            return (jnp.where(big, mid, lo), jnp.where(big, hi, mid))

        lo0 = jnp.full((_BATCH, 1), -1, jnp.int32)
        hi0 = jnp.full((_BATCH, 1), 0x7F800000, jnp.int32)
        _, kth = jax.lax.fori_loop(0, 31, _body, (lo0, hi0))
        gt_mask = vi > kth
        cnt_gt = jnp.sum(gt_mask.astype(jnp.int32), axis=1, keepdims=True)
        sum_gt = jnp.sum(jnp.where(gt_mask, v, 0.0), axis=1, keepdims=True)
        kth_f = jax.lax.bitcast_convert_type(kth, jnp.float32)
        neg = sum_gt + kth_f * (k - cnt_gt).astype(jnp.float32)
        neg = jnp.where(k > 0, neg, 0.0)
        num_ref[:, :] += jnp.reshape(jnp.sum(neg), (1, 1))
        npos_ref[:, :] = jnp.reshape(
            jnp.sum(npv.astype(jnp.float32)), (1, 1))


@jax.jit
def _ssd_loss(loc_preds, conf_preds, gt_boxes, default_boxes):
    locp = jnp.transpose(loc_preds, (0, 2, 1))
    dbp = jnp.transpose(default_boxes, (1, 0))
    db_pad = jnp.pad(dbp, ((0, 0), (0, _PPAD - _NUM_PRIORS)))

    gt_rep = jnp.broadcast_to(
        jnp.reshape(gt_boxes, (_BATCH, 4 * _NUM_GT, 1)),
        (_BATCH, 4 * _NUM_GT, 16))
    posm, bti = _sc_match(gt_rep, db_pad)

    sx = pl.pallas_call(
        _conf_kernel,
        grid=(_BATCH,),
        in_specs=[pl.BlockSpec((1, _PAD, _CPAD), lambda b: (b, 0, 0))],
        out_specs=pl.BlockSpec((2 * _BATCH, _PAD), lambda b: (0, 0)),
        out_shape=jax.ShapeDtypeStruct((2 * _BATCH, _PAD), jnp.float32),
    )(conf_preds)

    num, npos = pl.pallas_call(
        _loss_kernel,
        grid=(_BATCH,),
        in_specs=[
            pl.BlockSpec((1, 4, _PAD), lambda b: (b, 0, 0)),
            pl.BlockSpec((1, _NUM_GT, 4), lambda b: (b, 0, 0)),
            pl.BlockSpec((4, _PAD), lambda b: (0, 0)),
            pl.BlockSpec((1, 1, _PPAD), lambda b: (b, 0, 0)),
            pl.BlockSpec((_BATCH, _PPAD), lambda b: (0, 0)),
            pl.BlockSpec((2 * _BATCH, _PAD), lambda b: (0, 0)),
        ],
        out_specs=[
            pl.BlockSpec((1, 1), lambda b: (0, 0)),
            pl.BlockSpec((1, 1), lambda b: (0, 0)),
        ],
        out_shape=[
            jax.ShapeDtypeStruct((1, 1), jnp.float32),
            jax.ShapeDtypeStruct((1, 1), jnp.float32),
        ],
    )(locp, gt_boxes, dbp, jnp.reshape(bti, (_BATCH, 1, _PPAD)), posm, sx)

    return num[0, 0] / (npos[0, 0] + 1e-6)


def kernel(loc_preds, conf_preds, gt_boxes, gt_labels, default_boxes):
    del gt_labels
    return _ssd_loss(loc_preds, conf_preds, gt_boxes, default_boxes)

# --- scband reference (transcript-rebuilt; emitter-appended) ---
"""Pipeline reference for scband-ssd-loss-34857954574883 (READ-ONLY COPY).

The authoritative reference and input builder live on the scoring server;
editing this copy changes nothing except your own understanding.
"""

import jax, jax.numpy as jnp
import numpy as np

NUM_CLASSES = 21
NUM_PRIORS = 8732
BATCH = 32
NUM_GT = 10
THRESHOLD = 0.5
NEG_POS_RATIO = 3


def box_iou(boxes1, boxes2):
    area1 = (boxes1[:, 2] - boxes1[:, 0]) * (boxes1[:, 3] - boxes1[:, 1])
    area2 = (boxes2[:, 2] - boxes2[:, 0]) * (boxes2[:, 3] - boxes2[:, 1])
    lt = jnp.maximum(boxes1[:, None, :2], boxes2[None, :, :2])
    rb = jnp.minimum(boxes1[:, None, 2:], boxes2[None, :, 2:])
    wh = jnp.clip(rb - lt, 0.0, None)
    inter = wh[:, :, 0] * wh[:, :, 1]
    union = area1[:, None] + area2[None, :] - inter
    return inter / union


def box_to_centerwidth(boxes):
    width = boxes[:, 2] - boxes[:, 0]
    height = boxes[:, 3] - boxes[:, 1]
    ctr_x = boxes[:, 0] + width / 2
    ctr_y = boxes[:, 1] + height / 2
    return jnp.stack([ctr_x, ctr_y, width, height], axis=1)


def encode_boxes(matched_boxes, default_boxes):
    g = box_to_centerwidth(matched_boxes)
    d = box_to_centerwidth(default_boxes)
    xy = (g[:, :2] - d[:, :2]) / (d[:, 2:] + 1e-08)
    wh = jnp.log(g[:, 2:] / (d[:, 2:] + 1e-08))
    return jnp.concatenate([xy, wh], axis=1)


def match_one(truths, labels, default_boxes):
    overlaps = box_iou(default_boxes, truths)  # [P, G]
    best_truth_overlap = overlaps.max(axis=1)
    best_truth_idx = overlaps.argmax(axis=1)
    best_prior_idx = overlaps.argmax(axis=0)  # [G]
    best_truth_idx = best_truth_idx.at[best_prior_idx].set(jnp.arange(NUM_GT))
    best_truth_overlap = best_truth_overlap.at[best_prior_idx].set(2.0)
    matches = truths[best_truth_idx]
    conf = labels[best_truth_idx]
    conf = jnp.where(best_truth_overlap < THRESHOLD, 0, conf)
    loc = encode_boxes(matches, default_boxes)
    return loc, conf


def _forward(loc_preds, conf_preds, gt_boxes, default_boxes, gt_labels):
    loc_t, conf_t = jax.vmap(match_one, in_axes=(0, 0, None))(gt_boxes, gt_labels, default_boxes)
    pos = conf_t > 0  # [B, P]
    d = jnp.abs(loc_preds - loc_t)
    sl1 = jnp.where(d < 1.0, 0.5 * d * d, d - 0.5)
    loc_loss = (sl1 * pos[:, :, None].astype(sl1.dtype)).sum()
    logits = conf_preds.reshape(-1, NUM_CLASSES)
    logp = jax.nn.log_softmax(logits, axis=-1)
    ce = -jnp.take_along_axis(logp, conf_t.reshape(-1, 1), axis=1)[:, 0]
    conf_loss = ce.reshape(BATCH, -1)
    conf_loss = jnp.where(pos, 0.0, conf_loss)
    loss_idx = jnp.argsort(-conf_loss, axis=1)  # descending sort indices
    idx_rank = jnp.argsort(loss_idx, axis=1)
    num_pos = pos.astype(jnp.int32).sum(axis=1)
    num_neg = jnp.minimum(NEG_POS_RATIO * num_pos, pos.shape[1] - 1)
    neg = idx_rank < num_neg[:, None]
    pos_conf_loss = jnp.where(pos, conf_loss, 0.0).sum()  # identically 0, faithful to original
    neg_conf_loss = jnp.where(neg, conf_loss, 0.0).sum()
    epsilon = 1e-06
    loss = (loc_loss + pos_conf_loss + neg_conf_loss) / (num_pos.sum().astype(jnp.float32) + epsilon)
    return loss


def setup_inputs(seed: int = 0):
    key = jax.random.key(seed)
    k1, k2, k3, k4, k5, k6, k7 = jax.random.split(key, 7)
    loc_preds = jax.random.normal(k1, (BATCH, NUM_PRIORS, 4), dtype=jnp.float32) * 0.1
    conf_preds = jax.random.normal(k2, (BATCH, NUM_PRIORS, NUM_CLASSES), dtype=jnp.float32)
    cxy = jax.random.uniform(k3, (NUM_PRIORS, 2), minval=0.05, maxval=0.95)
    pwh = jax.random.uniform(k4, (NUM_PRIORS, 2), minval=0.05, maxval=0.3)
    default_boxes = jnp.clip(jnp.concatenate([cxy - pwh / 2, cxy + pwh / 2], axis=1), 0.0, 1.0).astype(jnp.float32)
    xy = jax.random.uniform(k5, (BATCH, NUM_GT, 2), minval=0.0, maxval=0.7)
    gwh = jax.random.uniform(k6, (BATCH, NUM_GT, 2), minval=0.05, maxval=0.3)
    gt_boxes = jnp.concatenate([xy, xy + gwh], axis=-1).astype(jnp.float32)
    gt_labels = jax.random.randint(k7, (BATCH, NUM_GT), 1, NUM_CLASSES)
    return {"loc_preds": loc_preds, "conf_preds": conf_preds, "gt_boxes": gt_boxes, "gt_labels": gt_labels, "default_boxes": default_boxes}


def reference(loc_preds, conf_preds, gt_boxes, gt_labels, default_boxes):
    return _forward(loc_preds, conf_preds, gt_boxes, default_boxes, gt_labels)

if __name__ == "__main__":
    import jax
    _d = setup_inputs()
    print(jax.jit(kernel)(*tuple(_d.values())))

</pallas_src>

<mosaic_0001>
#map = affine_map<(d0, d1) -> (0, 0, 0)>
#map1 = affine_map<(d0, d1) -> (0, 0)>
module attributes {stable_mosaic.version = 14 : i64} {
  func.func @_match_sc_kernel(%arg0: i32, %arg1: i32, %arg2: memref<32x40x16xf32, #tpu.memory_space<hbm>>, %arg3: memref<4x8832xf32, #tpu.memory_space<hbm>>, %arg4: memref<32x8832xf32, #tpu.memory_space<hbm>>, %arg5: memref<32x8832xf32, #tpu.memory_space<hbm>>, %arg6: memref<8832xf32, #tpu.memory_space<vmem>>, %arg7: memref<8832xf32, #tpu.memory_space<vmem>>, %arg8: memref<8832xf32, #tpu.memory_space<vmem>>, %arg9: memref<8832xf32, #tpu.memory_space<vmem>>, %arg10: memref<40x16xf32, #tpu.memory_space<vmem>>, %arg11: memref<8832xf32, #tpu.memory_space<vmem>>, %arg12: memref<8832xf32, #tpu.memory_space<vmem>>, %arg13: memref<8832xf32, #tpu.memory_space<vmem>>) attributes {dimension_semantics = [#tpu.dimension_semantics<core_parallel>, #tpu.dimension_semantics<subcore_parallel>], iteration_bounds = array<i64: 2, 16>, scalar_prefetch = 0 : i64, scratch_operands = 8 : i64, tpu.core_type = #tpu.core_type<sc_vector_subcore>, window_params = [{transform_indices = #map}, {transform_indices = #map1}, {transform_indices = #map1}, {transform_indices = #map1}]} {
    %mul3A = arith.constant 2 : i32
    %mul3A_0 = arith.muli %arg1, %mul3A : i32
    %add3A = arith.addi %mul3A_0, %arg0 : i32
    %run_scoped3A = arith.constant 0 : i32
    "tpu.region"() ({
      %run_scoped3A_2632 = tpu.sem_alloc : memref<!tpu.dma_semaphore, #tpu.memory_space<semaphore_mem>>
      %dma_start3A = arith.constant 0 : i32
      %dma_start3A_2633 = tpu.memref_slice %arg3[%run_scoped3A, %dma_start3A] : memref<4x8832xf32, #tpu.memory_space<hbm>> -> memref<1x8832xf32, #tpu.memory_space<hbm>>
      %dma_start3A_2634 = tpu.memref_squeeze %dma_start3A_2633 : memref<1x8832xf32, #tpu.memory_space<hbm>> -> memref<8832xf32, #tpu.memory_space<hbm>>
      %dma_start3A_2635 = arith.constant 0 : i32
      %dma_start3A_2636 = tpu.memref_slice %arg3[%run_scoped3A, %dma_start3A_2635] : memref<4x8832xf32, #tpu.memory_space<hbm>> -> memref<1x8832xf32, #tpu.memory_space<hbm>>
      %dma_start3A_2637 = tpu.memref_squeeze %dma_start3A_2636 : memref<1x8832xf32, #tpu.memory_space<hbm>> -> memref<8832xf32, #tpu.memory_space<hbm>>
      tpu.enqueue_dma source(%dma_start3A_2637 : memref<8832xf32, #tpu.memory_space<hbm>>) target(%arg6 : memref<8832xf32, #tpu.memory_space<vmem>>) target_semaphore(%run_scoped3A_2632 : memref<!tpu.dma_semaphore, #tpu.memory_space<semaphore_mem>>)
      %dma_wait3A = arith.constant 0 : i32
      %dma_wait3A_2638 = tpu.memref_slice %arg3[%run_scoped3A, %dma_wait3A] : memref<4x8832xf32, #tpu.memory_space<hbm>> -> memref<1x8832xf32, #tpu.memory_space<hbm>>
      %dma_wait3A_2639 = tpu.memref_squeeze %dma_wait3A_2638 : memref<1x8832xf32, #tpu.memory_space<hbm>> -> memref<8832xf32, #tpu.memory_space<hbm>>
      %dma_wait3A_2640 = arith.constant 0 : i32
      %dma_wait3A_2641 = tpu.memref_slice %arg3[%run_scoped3A, %dma_wait3A_2640] : memref<4x8832xf32, #tpu.memory_space<hbm>> -> memref<1x8832xf32, #tpu.memory_space<hbm>>
      %dma_wait3A_2642 = tpu.memref_squeeze %dma_wait3A_2641 : memref<1x8832xf32, #tpu.memory_space<hbm>> -> memref<8832xf32, #tpu.memory_space<hbm>>
      tpu.wait_dma2 semaphore(%run_scoped3A_2632 : memref<!tpu.dma_semaphore, #tpu.memory_space<semaphore_mem>>) src(%dma_wait3A_2642 : memref<8832xf32, #tpu.memory_space<hbm>>) dst(%arg6 : memref<8832xf32, #tpu.memory_space<vmem>>)
      tpu.yield
    }) : () -> ()
    %run_scoped3A_1 = arith.constant 1 : i32
    "tpu.region"() ({
      %run_scoped3A_2632 = tpu.sem_alloc : memref<!tpu.dma_semaphore, #tpu.memory_space<semaphore_mem>>
      %dma_start3A = arith.constant 0 : i32
      %dma_start3A_2633 = tpu.memref_slice %arg3[%run_scoped3A_1, %dma_start3A] : memref<4x8832xf32, #tpu.memory_space<hbm>> -> memref<1x8832xf32, #tpu.memory_space<hbm>>
      %dma_start3A_2634 = tpu.memref_squeeze %dma_start3A_2633 : memref<1x8832xf32, #tpu.memory_space<hbm>> -> memref<8832xf32, #tpu.memory_space<hbm>>
      %dma_start3A_2635 = arith.constant 0 : i32
      %dma_start3A_2636 = tpu.memref_slice %arg3[%run_scoped3A_1, %dma_start3A_2635] : memref<4x8832xf32, #tpu.memory_space<hbm>> -> memref<1x8832xf32, #tpu.memory_space<hbm>>
      %dma_start3A_2637 = tpu.memref_squeeze %dma_start3A_2636 : memref<1x8832xf32, #tpu.memory_space<hbm>> -> memref<8832xf32, #tpu.memory_space<hbm>>
      tpu.enqueue_dma source(%dma_start3A_2637 : memref<8832xf32, #tpu.memory_space<hbm>>) target(%arg7 : memref<8832xf32, #tpu.memory_space<vmem>>) target_semaphore(%run_scoped3A_2632 : memref<!tpu.dma_semaphore, #tpu.memory_space<semaphore_mem>>)
      %dma_wait3A = arith.constant 0 : i32
      %dma_wait3A_2638 = tpu.memref_slice %arg3[%run_scoped3A_1, %dma_wait3A] : memref<4x8832xf32, #tpu.memory_space<hbm>> -> memref<1x8832xf32, #tpu.memory_space<hbm>>
      %dma_wait3A_2639 = tpu.memref_squeeze %dma_wait3A_2638 : memref<1x8832xf32, #tpu.memory_space<hbm>> -> memref<8832xf32, #tpu.memory_space<hbm>>
      %dma_wait3A_2640 = arith.constant 0 : i32
      %dma_wait3A_2641 = tpu.memref_slice %arg3[%run_scoped3A_1, %dma_wait3A_2640] : memref<4x8832xf32, #tpu.memory_space<hbm>> -> memref<1x8832xf32, #tpu.memory_space<hbm>>
      %dma_wait3A_2642 = tpu.memref_squeeze %dma_wait3A_2641 : memref<1x8832xf32, #tpu.memory_space<hbm>> -> memref<8832xf32, #tpu.memory_space<hbm>>
      tpu.wait_dma2 semaphore(%run_scoped3A_2632 : memref<!tpu.dma_semaphore, #tpu.memory_space<semaphore_mem>>) src(%dma_wait3A_2642 : memref<8832xf32, #tpu.memory_space<hbm>>) dst(%arg7 : memref<8832xf32, #tpu.memory_space<vmem>>)
      tpu.yield
    }) : () -> ()
    %run_scoped3A_2 = arith.constant 2 : i32
    "tpu.region"() ({
      %run_scoped3A_2632 = tpu.sem_alloc : memref<!tpu.dma_semaphore, #tpu.memory_space<semaphore_mem>>
      %dma_start3A = arith.constant 0 : i32
      %dma_start3A_2633 = tpu.memref_slice %arg3[%run_scoped3A_2, %dma_start3A] : memref<4x8832xf32, #tpu.memory_space<hbm>> -> memref<1x8832xf32, #tpu.memory_space<hbm>>
      %dma_start3A_2634 = tpu.memref_squeeze %dma_start3A_2633 : memref<1x8832xf32, #tpu.memory_space<hbm>> -> memref<8832xf32, #tpu.memory_space<hbm>>
      %dma_start3A_2635 = arith.constant 0 : i32
      %dma_start3A_2636 = tpu.memref_slice %arg3[%run_scoped3A_2, %dma_start3A_2635] : memref<4x8832xf32, #tpu.memory_space<hbm>> -> memref<1x8832xf32, #tpu.memory_space<hbm>>
      %dma_start3A_2637 = tpu.memref_squeeze %dma_start3A_2636 : memref<1x8832xf32, #tpu.memory_space<hbm>> -> memref<8832xf32, #tpu.memory_space<hbm>>
      tpu.enqueue_dma source(%dma_start3A_2637 : memref<8832xf32, #tpu.memory_space<hbm>>) target(%arg8 : memref<8832xf32, #tpu.memory_space<vmem>>) target_semaphore(%run_scoped3A_2632 : memref<!tpu.dma_semaphore, #tpu.memory_space<semaphore_mem>>)
      %dma_wait3A = arith.constant 0 : i32
      %dma_wait3A_2638 = tpu.memref_slice %arg3[%run_scoped3A_2, %dma_wait3A] : memref<4x8832xf32, #tpu.memory_space<hbm>> -> memref<1x8832xf32, #tpu.memory_space<hbm>>
      %dma_wait3A_2639 = tpu.memref_squeeze %dma_wait3A_2638 : memref<1x8832xf32, #tpu.memory_space<hbm>> -> memref<8832xf32, #tpu.memory_space<hbm>>
      %dma_wait3A_2640 = arith.constant 0 : i32
      %dma_wait3A_2641 = tpu.memref_slice %arg3[%run_scoped3A_2, %dma_wait3A_2640] : memref<4x8832xf32, #tpu.memory_space<hbm>> -> memref<1x8832xf32, #tpu.memory_space<hbm>>
      %dma_wait3A_2642 = tpu.memref_squeeze %dma_wait3A_2641 : memref<1x8832xf32, #tpu.memory_space<hbm>> -> memref<8832xf32, #tpu.memory_space<hbm>>
      tpu.wait_dma2 semaphore(%run_scoped3A_2632 : memref<!tpu.dma_semaphore, #tpu.memory_space<semaphore_mem>>) src(%dma_wait3A_2642 : memref<8832xf32, #tpu.memory_space<hbm>>) dst(%arg8 : memref<8832xf32, #tpu.memory_space<vmem>>)
      tpu.yield
    }) : () -> ()
    %run_scoped3A_3 = arith.constant 3 : i32
    "tpu.region"() ({
      %run_scoped3A_2632 = tpu.sem_alloc : memref<!tpu.dma_semaphore, #tpu.memory_space<semaphore_mem>>
      %dma_start3A = arith.constant 0 : i32
      %dma_start3A_2633 = tpu.memref_slice %arg3[%run_scoped3A_3, %dma_start3A] : memref<4x8832xf32, #tpu.memory_space<hbm>> -> memref<1x8832xf32, #tpu.memory_space<hbm>>
      %dma_start3A_2634 = tpu.memref_squeeze %dma_start3A_2633 : memref<1x8832xf32, #tpu.memory_space<hbm>> -> memref<8832xf32, #tpu.memory_space<hbm>>
      %dma_start3A_2635 = arith.constant 0 : i32
      %dma_start3A_2636 = tpu.memref_slice %arg3[%run_scoped3A_3, %dma_start3A_2635] : memref<4x8832xf32, #tpu.memory_space<hbm>> -> memref<1x8832xf32, #tpu.memory_space<hbm>>
      %dma_start3A_2637 = tpu.memref_squeeze %dma_start3A_2636 : memref<1x8832xf32, #tpu.memory_space<hbm>> -> memref<8832xf32, #tpu.memory_space<hbm>>
      tpu.enqueue_dma source(%dma_start3A_2637 : memref<8832xf32, #tpu.memory_space<hbm>>) target(%arg9 : memref<8832xf32, #tpu.memory_space<vmem>>) target_semaphore(%run_scoped3A_2632 : memref<!tpu.dma_semaphore, #tpu.memory_space<semaphore_mem>>)
      %dma_wait3A = arith.constant 0 : i32
      %dma_wait3A_2638 = tpu.memref_slice %arg3[%run_scoped3A_3, %dma_wait3A] : memref<4x8832xf32, #tpu.memory_space<hbm>> -> memref<1x8832xf32, #tpu.memory_space<hbm>>
      %dma_wait3A_2639 = tpu.memref_squeeze %dma_wait3A_2638 : memref<1x8832xf32, #tpu.memory_space<hbm>> -> memref<8832xf32, #tpu.memory_space<hbm>>
      %dma_wait3A_2640 = arith.constant 0 : i32
      %dma_wait3A_2641 = tpu.memref_slice %arg3[%run_scoped3A_3, %dma_wait3A_2640] : memref<4x8832xf32, #tpu.memory_space<hbm>> -> memref<1x8832xf32, #tpu.memory_space<hbm>>
      %dma_wait3A_2642 = tpu.memref_squeeze %dma_wait3A_2641 : memref<1x8832xf32, #tpu.memory_space<hbm>> -> memref<8832xf32, #tpu.memory_space<hbm>>
      tpu.wait_dma2 semaphore(%run_scoped3A_2632 : memref<!tpu.dma_semaphore, #tpu.memory_space<semaphore_mem>>) src(%dma_wait3A_2642 : memref<8832xf32, #tpu.memory_space<hbm>>) dst(%arg9 : memref<8832xf32, #tpu.memory_space<vmem>>)
      tpu.yield
    }) : () -> ()
    "tpu.region"() ({
      %run_scoped3A_2632 = tpu.sem_alloc : memref<!tpu.dma_semaphore, #tpu.memory_space<semaphore_mem>>
      %dma_start3A = arith.constant 0 : i32
      %dma_start3A_2633 = arith.constant 0 : i32
      %dma_start3A_2634 = tpu.memref_slice %arg2[%add3A, %dma_start3A, %dma_start3A_2633] : memref<32x40x16xf32, #tpu.memory_space<hbm>> -> memref<1x40x16xf32, #tpu.memory_space<hbm>>
      %dma_start3A_2635 = tpu.memref_squeeze %dma_start3A_2634 : memref<1x40x16xf32, #tpu.memory_space<hbm>> -> memref<40x16xf32, #tpu.memory_space<hbm>>
      %dma_start3A_2636 = arith.constant 0 : i32
      %dma_start3A_2637 = arith.constant 0 : i32
      %dma_start3A_2638 = tpu.memref_slice %arg2[%add3A, %dma_start3A_2636, %dma_start3A_2637] : memref<32x40x16xf32, #tpu.memory_space<hbm>> -> memref<1x40x16xf32, #tpu.memory_space<hbm>>
      %dma_start3A_2639 = tpu.memref_squeeze %dma_start3A_2638 : memref<1x40x16xf32, #tpu.memory_space<hbm>> -> memref<40x16xf32, #tpu.memory_space<hbm>>
      tpu.enqueue_dma source(%dma_start3A_2639 : memref<40x16xf32, #tpu.memory_space<hbm>>) target(%arg10 : memref<40x16xf32, #tpu.memory_space<vmem>>) target_semaphore(%run_scoped3A_2632 : memref<!tpu.dma_semaphore, #tpu.memory_space<semaphore_mem>>)
      %dma_wait3A = arith.constant 0 : i32
      %dma_wait3A_2640 = arith.constant 0 : i32
      %dma_wait3A_2641 = tpu.memref_slice %arg2[%add3A, %dma_wait3A, %dma_wait3A_2640] : memref<32x40x16xf32, #tpu.memory_space<hbm>> -> memref<1x40x16xf32, #tpu.memory_space<hbm>>
      %dma_wait3A_2642 = tpu.memref_squeeze %dma_wait3A_2641 : memref<1x40x16xf32, #tpu.memory_space<hbm>> -> memref<40x16xf32, #tpu.memory_space<hbm>>
      %dma_wait3A_2643 = arith.constant 0 : i32
      %dma_wait3A_2644 = arith.constant 0 : i32
      %dma_wait3A_2645 = tpu.memref_slice %arg2[%add3A, %dma_wait3A_2643, %dma_wait3A_2644] : memref<32x40x16xf32, #tpu.memory_space<hbm>> -> memref<1x40x16xf32, #tpu.memory_space<hbm>>
      %dma_wait3A_2646 = tpu.memref_squeeze %dma_wait3A_2645 : memref<1x40x16xf32, #tpu.memory_space<hbm>> -> memref<40x16xf32, #tpu.memory_space<hbm>>
      tpu.wait_dma2 semaphore(%run_scoped3A_2632 : memref<!tpu.dma_semaphore, #tpu.memory_space<semaphore_mem>>) src(%dma_wait3A_2646 : memref<40x16xf32, #tpu.memory_space<hbm>>) dst(%arg10 : memref<40x16xf32, #tpu.memory_space<vmem>>)
      tpu.yield
    }) : () -> ()
    %iota3A = tpu.iota {dimensions = array<i32: 0>} : vector<16xi32>
    %parallel_loop3A = arith.constant 0 : i32
    %parallel_loop3A_4 = arith.constant 552 : i32
    %parallel_loop3A_5 = arith.constant 1 : i32
    scf.for %parallel_loop3A_2632 = %parallel_loop3A to %parallel_loop3A_4 step %parallel_loop3A_5  : i32 {
      %parallel_loop3A_2633 = arith.constant -1.000000e+00 : f32
      %parallel_loop3A_2634 = vector.broadcast %parallel_loop3A_2633 : f32 to vector<16xf32>
      %parallel_loop3A_2635 = arith.constant 16 : i32
      %parallel_loop3A_2636 = arith.muli %parallel_loop3A_2632, %parallel_loop3A_2635 : i32
      %parallel_loop3A_2637 = arith.index_cast %parallel_loop3A_2636 : i32 to index
      %parallel_loop3A_2638 = tpu.vector_load %arg11[%parallel_loop3A_2637] {strides = array<i32>} : memref<8832xf32, #tpu.memory_space<vmem>>, vector<16xf32>,
      %parallel_loop3A_2639 = vector.shape_cast %parallel_loop3A_2638 : vector<16xf32> to vector<16xf32>
      %parallel_loop3A_2640 = vector.shape_cast %parallel_loop3A_2634 : vector<16xf32> to vector<16xf32>
      tpu.vector_store %arg11[%parallel_loop3A_2637], %parallel_loop3A_2640 {strides = array<i32>} : memref<8832xf32, #tpu.memory_space<vmem>>, vector<16xf32>,
      %parallel_loop3A_2641 = arith.constant 0.000000e+00 : f32
      %parallel_loop3A_2642 = vector.broadcast %parallel_loop3A_2641 : f32 to vector<16xf32>
      %parallel_loop3A_2643 = arith.constant 16 : i32
      %parallel_loop3A_2644 = arith.muli %parallel_loop3A_2632, %parallel_loop3A_2643 : i32
      %parallel_loop3A_2645 = arith.index_cast %parallel_loop3A_2644 : i32 to index
      %parallel_loop3A_2646 = tpu.vector_load %arg12[%parallel_loop3A_2645] {strides = array<i32>} : memref<8832xf32, #tpu.memory_space<vmem>>, vector<16xf32>,
      %parallel_loop3A_2647 = vector.shape_cast %parallel_loop3A_2646 : vector<16xf32> to vector<16xf32>
      %parallel_loop3A_2648 = vector.shape_cast %parallel_loop3A_2642 : vector<16xf32> to vector<16xf32>
      tpu.vector_store %arg12[%parallel_loop3A_2645], %parallel_loop3A_2648 {strides = array<i32>} : memref<8832xf32, #tpu.memory_space<vmem>>, vector<16xf32>,
    } {sc.loop_unroll_factor = 8 : i64, sc.parallel_access}
    %get3A = arith.constant 0 : i32
    %get3A_6 = arith.index_cast %get3A : i32 to index
    %get3A_7 = arith.constant 0 : index
    %get3A_8 = tpu.vector_load %arg10[%get3A_6, %get3A_7] {strides = array<i32>} : memref<40x16xf32, #tpu.memory_space<vmem>>, vector<1x16xf32>,
    %get3A_9 = vector.shape_cast %get3A_8 : vector<1x16xf32> to vector<16xf32>
    %get3A_10 = arith.constant 1 : i32
    %get3A_11 = arith.index_cast %get3A_10 : i32 to index
    %get3A_12 = arith.constant 0 : index
    %get3A_13 = tpu.vector_load %arg10[%get3A_11, %get3A_12] {strides = array<i32>} : memref<40x16xf32, #tpu.memory_space<vmem>>, vector<1x16xf32>,
    %get3A_14 = vector.shape_cast %get3A_13 : vector<1x16xf32> to vector<16xf32>
    %get3A_15 = arith.constant 2 : i32
    %get3A_16 = arith.index_cast %get3A_15 : i32 to index
    %get3A_17 = arith.constant 0 : index
    %get3A_18 = tpu.vector_load %arg10[%get3A_16, %get3A_17] {strides = array<i32>} : memref<40x16xf32, #tpu.memory_space<vmem>>, vector<1x16xf32>,
    %get3A_19 = vector.shape_cast %get3A_18 : vector<1x16xf32> to vector<16xf32>
    %get3A_20 = arith.constant 3 : i32
    %get3A_21 = arith.index_cast %get3A_20 : i32 to index
    %get3A_22 = arith.constant 0 : index
    %get3A_23 = tpu.vector_load %arg10[%get3A_21, %get3A_22] {strides = array<i32>} : memref<40x16xf32, #tpu.memory_space<vmem>>, vector<1x16xf32>,
    %get3A_24 = vector.shape_cast %get3A_23 : vector<1x16xf32> to vector<16xf32>
    %sub3A = arith.subf %get3A_19, %get3A_9 : vector<16xf32>
    %sub3A_25 = arith.subf %get3A_24, %get3A_14 : vector<16xf32>
    %mul3A_26 = arith.mulf %sub3A, %sub3A_25 : vector<16xf32>
    %broadcast_in_dim3A = arith.constant 0.000000e+00 : f32
    %broadcast_in_dim3A_27 = vector.broadcast %broadcast_in_dim3A : f32 to vector<16xf32>
    %broadcast_in_dim3A_28 = arith.constant -2.000000e+00 : f32
    %broadcast_in_dim3A_29 = vector.broadcast %broadcast_in_dim3A_28 : f32 to vector<16xf32>
    %broadcast_in_dim3A_30 = arith.constant 0 : i32
    %broadcast_in_dim3A_31 = vector.broadcast %broadcast_in_dim3A_30 : i32 to vector<16xi32>
    %parallel_loop3A_32 = arith.constant 0 : i32
    %parallel_loop3A_33 = arith.constant 552 : i32
    %parallel_loop3A_34 = arith.constant 1 : i32
    %parallel_loop3A_35:2 = scf.for %parallel_loop3A_2632 = %parallel_loop3A_32 to %parallel_loop3A_33 step %parallel_loop3A_34 iter_args(%parallel_loop3A_2633 = %broadcast_in_dim3A_29, %parallel_loop3A_2634 = %broadcast_in_dim3A_31) -> (vector<16xf32>, vector<16xi32>)  : i32 {
      %parallel_loop3A_2635 = arith.constant 16 : i32
      %parallel_loop3A_2636 = arith.muli %parallel_loop3A_2632, %parallel_loop3A_2635 : i32
      %parallel_loop3A_2637 = arith.index_cast %parallel_loop3A_2636 : i32 to index
      %parallel_loop3A_2638 = tpu.vector_load %arg6[%parallel_loop3A_2637] {strides = array<i32>} : memref<8832xf32, #tpu.memory_space<vmem>>, vector<16xf32>,
      %parallel_loop3A_2639 = vector.shape_cast %parallel_loop3A_2638 : vector<16xf32> to vector<16xf32>
      %parallel_loop3A_2640 = arith.index_cast %parallel_loop3A_2636 : i32 to index
      %parallel_loop3A_2641 = tpu.vector_load %arg7[%parallel_loop3A_2640] {strides = array<i32>} : memref<8832xf32, #tpu.memory_space<vmem>>, vector<16xf32>,
      %parallel_loop3A_2642 = vector.shape_cast %parallel_loop3A_2641 : vector<16xf32> to vector<16xf32>
      %parallel_loop3A_2643 = arith.index_cast %parallel_loop3A_2636 : i32 to index
      %parallel_loop3A_2644 = tpu.vector_load %arg8[%parallel_loop3A_2643] {strides = array<i32>} : memref<8832xf32, #tpu.memory_space<vmem>>, vector<16xf32>,
      %parallel_loop3A_2645 = vector.shape_cast %parallel_loop3A_2644 : vector<16xf32> to vector<16xf32>
      %parallel_loop3A_2646 = arith.index_cast %parallel_loop3A_2636 : i32 to index
      %parallel_loop3A_2647 = tpu.vector_load %arg9[%parallel_loop3A_2646] {strides = array<i32>} : memref<8832xf32, #tpu.memory_space<vmem>>, vector<16xf32>,
      %parallel_loop3A_2648 = vector.shape_cast %parallel_loop3A_2647 : vector<16xf32> to vector<16xf32>
      %parallel_loop3A_2649 = arith.subf %parallel_loop3A_2645, %parallel_loop3A_2639 : vector<16xf32>
      %parallel_loop3A_2650 = arith.subf %parallel_loop3A_2648, %parallel_loop3A_2642 : vector<16xf32>
      %parallel_loop3A_2651 = arith.mulf %parallel_loop3A_2649, %parallel_loop3A_2650 : vector<16xf32>
      %parallel_loop3A_2652 = arith.minimumf %parallel_loop3A_2645, %get3A_19 : vector<16xf32>
      %parallel_loop3A_2653 = arith.maximumf %parallel_loop3A_2639, %get3A_9 : vector<16xf32>
      %parallel_loop3A_2654 = arith.subf %parallel_loop3A_2652, %parallel_loop3A_2653 : vector<16xf32>
      %parallel_loop3A_2655 = arith.constant 0.000000e+00 : f32
      %parallel_loop3A_2656 = vector.broadcast %parallel_loop3A_2655 : f32 to vector<16xf32>
      %parallel_loop3A_2657 = arith.maximumf %parallel_loop3A_2654, %parallel_loop3A_2656 : vector<16xf32>
      %parallel_loop3A_2658 = arith.minimumf %parallel_loop3A_2648, %get3A_24 : vector<16xf32>
      %parallel_loop3A_2659 = arith.maximumf %parallel_loop3A_2642, %get3A_14 : vector<16xf32>
      %parallel_loop3A_2660 = arith.subf %parallel_loop3A_2658, %parallel_loop3A_2659 : vector<16xf32>
      %parallel_loop3A_2661 = arith.constant 0.000000e+00 : f32
      %parallel_loop3A_2662 = vector.broadcast %parallel_loop3A_2661 : f32 to vector<16xf32>
      %parallel_loop3A_2663 = arith.maximumf %parallel_loop3A_2660, %parallel_loop3A_2662 : vector<16xf32>
      %parallel_loop3A_2664 = arith.mulf %parallel_loop3A_2657, %parallel_loop3A_2663 : vector<16xf32>
      %parallel_loop3A_2665 = arith.addf %parallel_loop3A_2651, %mul3A_26 : vector<16xf32>
      %parallel_loop3A_2666 = arith.subf %parallel_loop3A_2665, %parallel_loop3A_2664 : vector<16xf32>
      %parallel_loop3A_2667 = arith.divf %parallel_loop3A_2664, %parallel_loop3A_2666 : vector<16xf32>
      %parallel_loop3A_2668 = arith.index_cast %parallel_loop3A_2636 : i32 to index
      %parallel_loop3A_2669 = tpu.vector_load %arg11[%parallel_loop3A_2668] {strides = array<i32>} : memref<8832xf32, #tpu.memory_space<vmem>>, vector<16xf32>,
      %parallel_loop3A_2670 = vector.shape_cast %parallel_loop3A_2669 : vector<16xf32> to vector<16xf32>
      %parallel_loop3A_2671 = arith.cmpf ogt, %parallel_loop3A_2667, %parallel_loop3A_2670 : vector<16xf32>
      %parallel_loop3A_2672 = arith.select %parallel_loop3A_2671, %parallel_loop3A_2667, %parallel_loop3A_2670 : vector<16xi1>, vector<16xf32>
      %parallel_loop3A_2673 = arith.index_cast %parallel_loop3A_2636 : i32 to index
      %parallel_loop3A_2674 = tpu.vector_load %arg11[%parallel_loop3A_2673] {strides = array<i32>} : memref<8832xf32, #tpu.memory_space<vmem>>, vector<16xf32>,
      %parallel_loop3A_2675 = vector.shape_cast %parallel_loop3A_2674 : vector<16xf32> to vector<16xf32>
      %parallel_loop3A_2676 = vector.shape_cast %parallel_loop3A_2672 : vector<16xf32> to vector<16xf32>
      tpu.vector_store %arg11[%parallel_loop3A_2673], %parallel_loop3A_2676 {strides = array<i32>} : memref<8832xf32, #tpu.memory_space<vmem>>, vector<16xf32>,
      %parallel_loop3A_2677 = arith.index_cast %parallel_loop3A_2636 : i32 to index
      %parallel_loop3A_2678 = tpu.vector_load %arg12[%parallel_loop3A_2677] {strides = array<i32>} : memref<8832xf32, #tpu.memory_space<vmem>>, vector<16xf32>,
      %parallel_loop3A_2679 = vector.shape_cast %parallel_loop3A_2678 : vector<16xf32> to vector<16xf32>
      %parallel_loop3A_2680 = arith.select %parallel_loop3A_2671, %broadcast_in_dim3A_27, %parallel_loop3A_2679 : vector<16xi1>, vector<16xf32>
      %parallel_loop3A_2681 = arith.index_cast %parallel_loop3A_2636 : i32 to index
      %parallel_loop3A_2682 = tpu.vector_load %arg12[%parallel_loop3A_2681] {strides = array<i32>} : memref<8832xf32, #tpu.memory_space<vmem>>, vector<16xf32>,
      %parallel_loop3A_2683 = vector.shape_cast %parallel_loop3A_2682 : vector<16xf32> to vector<16xf32>
      %parallel_loop3A_2684 = vector.shape_cast %parallel_loop3A_2680 : vector<16xf32> to vector<16xf32>
      tpu.vector_store %arg12[%parallel_loop3A_2681], %parallel_loop3A_2684 {strides = array<i32>} : memref<8832xf32, #tpu.memory_space<vmem>>, vector<16xf32>,
      %parallel_loop3A_2685 = arith.cmpf ogt, %parallel_loop3A_2667, %parallel_loop3A_2633 : vector<16xf32>
      %parallel_loop3A_2686 = arith.select %parallel_loop3A_2685, %parallel_loop3A_2667, %parallel_loop3A_2633 : vector<16xi1>, vector<16xf32>
      %parallel_loop3A_2687 = vector.broadcast %parallel_loop3A_2636 : i32 to vector<16xi32>
      %parallel_loop3A_2688 = arith.addi %parallel_loop3A_2687, %iota3A : vector<16xi32>
      %parallel_loop3A_2689 = arith.select %parallel_loop3A_2685, %parallel_loop3A_2688, %parallel_loop3A_2634 : vector<16xi1>, vector<16xi32>
      scf.yield %parallel_loop3A_2686, %parallel_loop3A_2689 : vector<16xf32>, vector<16xi32>
    } {sc.loop_unroll_factor = 8 : i64, sc.parallel_access}
    %slice3A = vector.extract_strided_slice %parallel_loop3A_35#0 {offsets = [0], sizes = [1], strides = [1]} : vector<16xf32> to vector<1xf32>
    %squeeze3A = vector.extract %slice3A[0] : f32 from vector<1xf32>
    %slice3A_36 = vector.extract_strided_slice %parallel_loop3A_35#1 {offsets = [0], sizes = [1], strides = [1]} : vector<16xi32> to vector<1xi32>
    %squeeze3A_37 = vector.extract %slice3A_36[0] : i32 from vector<1xi32>
    %slice3A_38 = vector.extract_strided_slice %parallel_loop3A_35#0 {offsets = [1], sizes = [1], strides = [1]} : vector<16xf32> to vector<1xf32>
    %squeeze3A_39 = vector.extract %slice3A_38[0] : f32 from vector<1xf32>
    %slice3A_40 = vector.extract_strided_slice %parallel_loop3A_35#1 {offsets = [1], sizes = [1], strides = [1]} : vector<16xi32> to vector<1xi32>
    %squeeze3A_41 = vector.extract %slice3A_40[0] : i32 from vector<1xi32>
    %gt3A = arith.cmpf ogt, %squeeze3A_39, %squeeze3A : f32
    %eq3A = arith.cmpf oeq, %squeeze3A_39, %squeeze3A : f32
    %lt3A = arith.cmpi slt, %squeeze3A_41, %squeeze3A_37 : i32
    %and3A = arith.andi %eq3A, %lt3A : i1
    %or3A = arith.ori %gt3A, %and3A : i1
    %select_n3A = arith.select %or3A, %squeeze3A_39, %squeeze3A : f32
    %select_n3A_42 = arith.select %or3A, %squeeze3A_41, %squeeze3A_37 : i32
    %slice3A_43 = vector.extract_strided_slice %parallel_loop3A_35#0 {offsets = [2], sizes = [1], strides = [1]} : vector<16xf32> to vector<1xf32>
    %squeeze3A_44 = vector.extract %slice3A_43[0] : f32 from vector<1xf32>
    %slice3A_45 = vector.extract_strided_slice %parallel_loop3A_35#1 {offsets = [2], sizes = [1], strides = [1]} : vector<16xi32> to vector<1xi32>
    %squeeze3A_46 = vector.extract %slice3A_45[0] : i32 from vector<1xi32>
    %gt3A_47 = arith.cmpf ogt, %squeeze3A_44, %select_n3A : f32
    %eq3A_48 = arith.cmpf oeq, %squeeze3A_44, %select_n3A : f32
    %lt3A_49 = arith.cmpi slt, %squeeze3A_46, %select_n3A_42 : i32
    %and3A_50 = arith.andi %eq3A_48, %lt3A_49 : i1
    %or3A_51 = arith.ori %gt3A_47, %and3A_50 : i1
    %select_n3A_52 = arith.select %or3A_51, %squeeze3A_44, %select_n3A : f32
    %select_n3A_53 = arith.select %or3A_51, %squeeze3A_46, %select_n3A_42 : i32
    %slice3A_54 = vector.extract_strided_slice %parallel_loop3A_35#0 {offsets = [3], sizes = [1], strides = [1]} : vector<16xf32> to vector<1xf32>
    %squeeze3A_55 = vector.extract %slice3A_54[0] : f32 from vector<1xf32>
    %slice3A_56 = vector.extract_strided_slice %parallel_loop3A_35#1 {offsets = [3], sizes = [1], strides = [1]} : vector<16xi32> to vector<1xi32>
    %squeeze3A_57 = vector.extract %slice3A_56[0] : i32 from vector<1xi32>
    %gt3A_58 = arith.cmpf ogt, %squeeze3A_55, %select_n3A_52 : f32
    %eq3A_59 = arith.cmpf oeq, %squeeze3A_55, %select_n3A_52 : f32
    %lt3A_60 = arith.cmpi slt, %squeeze3A_57, %select_n3A_53 : i32
    %and3A_61 = arith.andi %eq3A_59, %lt3A_60 : i1
    %or3A_62 = arith.ori %gt3A_58, %and3A_61 : i1
    %select_n3A_63 = arith.select %or3A_62, %squeeze3A_55, %select_n3A_52 : f32
    %select_n3A_64 = arith.select %or3A_62, %squeeze3A_57, %select_n3A_53 : i32
    %slice3A_65 = vector.extract_strided_slice %parallel_loop3A_35#0 {offsets = [4], sizes = [1], strides = [1]} : vector<16xf32> to vector<1xf32>
    %squeeze3A_66 = vector.extract %slice3A_65[0] : f32 from vector<1xf32>
    %slice3A_67 = vector.extract_strided_slice %parallel_loop3A_35#1 {offsets = [4], sizes = [1], strides = [1]} : vector<16xi32> to vector<1xi32>
    %squeeze3A_68 = vector.extract %slice3A_67[0] : i32 from vector<1xi32>
    %gt3A_69 = arith.cmpf ogt, %squeeze3A_66, %select_n3A_63 : f32
    %eq3A_70 = arith.cmpf oeq, %squeeze3A_66, %select_n3A_63 : f32
    %lt3A_71 = arith.cmpi slt, %squeeze3A_68, %select_n3A_64 : i32
    %and3A_72 = arith.andi %eq3A_70, %lt3A_71 : i1
    %or3A_73 = arith.ori %gt3A_69, %and3A_72 : i1
    %select_n3A_74 = arith.select %or3A_73, %squeeze3A_66, %select_n3A_63 : f32
    %select_n3A_75 = arith.select %or3A_73, %squeeze3A_68, %select_n3A_64 : i32
    %slice3A_76 = vector.extract_strided_slice %parallel_loop3A_35#0 {offsets = [5], sizes = [1], strides = [1]} : vector<16xf32> to vector<1xf32>
    %squeeze3A_77 = vector.extract %slice3A_76[0] : f32 from vector<1xf32>
    %slice3A_78 = vector.extract_strided_slice %parallel_loop3A_35#1 {offsets = [5], sizes = [1], strides = [1]} : vector<16xi32> to vector<1xi32>
    %squeeze3A_79 = vector.extract %slice3A_78[0] : i32 from vector<1xi32>
    %gt3A_80 = arith.cmpf ogt, %squeeze3A_77, %select_n3A_74 : f32
    %eq3A_81 = arith.cmpf oeq, %squeeze3A_77, %select_n3A_74 : f32
    %lt3A_82 = arith.cmpi slt, %squeeze3A_79, %select_n3A_75 : i32
    %and3A_83 = arith.andi %eq3A_81, %lt3A_82 : i1
    %or3A_84 = arith.ori %gt3A_80, %and3A_83 : i1
    %select_n3A_85 = arith.select %or3A_84, %squeeze3A_77, %select_n3A_74 : f32
    %select_n3A_86 = arith.select %or3A_84, %squeeze3A_79, %select_n3A_75 : i32
    %slice3A_87 = vector.extract_strided_slice %parallel_loop3A_35#0 {offsets = [6], sizes = [1], strides = [1]} : vector<16xf32> to vector<1xf32>
    %squeeze3A_88 = vector.extract %slice3A_87[0] : f32 from vector<1xf32>
    %slice3A_89 = vector.extract_strided_slice %parallel_loop3A_35#1 {offsets = [6], sizes = [1], strides = [1]} : vector<16xi32> to vector<1xi32>
    %squeeze3A_90 = vector.extract %slice3A_89[0] : i32 from vector<1xi32>
    %gt3A_91 = arith.cmpf ogt, %squeeze3A_88, %select_n3A_85 : f32
    %eq3A_92 = arith.cmpf oeq, %squeeze3A_88, %select_n3A_85 : f32
    %lt3A_93 = arith.cmpi slt, %squeeze3A_90, %select_n3A_86 : i32
    %and3A_94 = arith.andi %eq3A_92, %lt3A_93 : i1
    %or3A_95 = arith.ori %gt3A_91, %and3A_94 : i1
    %select_n3A_96 = arith.select %or3A_95, %squeeze3A_88, %select_n3A_85 : f32
    %select_n3A_97 = arith.select %or3A_95, %squeeze3A_90, %select_n3A_86 : i32
    %slice3A_98 = vector.extract_strided_slice %parallel_loop3A_35#0 {offsets = [7], sizes = [1], strides = [1]} : vector<16xf32> to vector<1xf32>
    %squeeze3A_99 = vector.extract %slice3A_98[0] : f32 from vector<1xf32>
    %slice3A_100 = vector.extract_strided_slice %parallel_loop3A_35#1 {offsets = [7], sizes = [1], strides = [1]} : vector<16xi32> to vector<1xi32>
    %squeeze3A_101 = vector.extract %slice3A_100[0] : i32 from vector<1xi32>
    %gt3A_102 = arith.cmpf ogt, %squeeze3A_99, %select_n3A_96 : f32
    %eq3A_103 = arith.cmpf oeq, %squeeze3A_99, %select_n3A_96 : f32
    %lt3A_104 = arith.cmpi slt, %squeeze3A_101, %select_n3A_97 : i32
    %and3A_105 = arith.andi %eq3A_103, %lt3A_104 : i1
    %or3A_106 = arith.ori %gt3A_102, %and3A_105 : i1
    %select_n3A_107 = arith.select %or3A_106, %squeeze3A_99, %select_n3A_96 : f32
    %select_n3A_108 = arith.select %or3A_106, %squeeze3A_101, %select_n3A_97 : i32
    %slice3A_109 = vector.extract_strided_slice %parallel_loop3A_35#0 {offsets = [8], sizes = [1], strides = [1]} : vector<16xf32> to vector<1xf32>
    %squeeze3A_110 = vector.extract %slice3A_109[0] : f32 from vector<1xf32>
    %slice3A_111 = vector.extract_strided_slice %parallel_loop3A_35#1 {offsets = [8], sizes = [1], strides = [1]} : vector<16xi32> to vector<1xi32>
    %squeeze3A_112 = vector.extract %slice3A_111[0] : i32 from vector<1xi32>
    %gt3A_113 = arith.cmpf ogt, %squeeze3A_110, %select_n3A_107 : f32
    %eq3A_114 = arith.cmpf oeq, %squeeze3A_110, %select_n3A_107 : f32
    %lt3A_115 = arith.cmpi slt, %squeeze3A_112, %select_n3A_108 : i32
    %and3A_116 = arith.andi %eq3A_114, %lt3A_115 : i1
    %or3A_117 = arith.ori %gt3A_113, %and3A_116 : i1
    %select_n3A_118 = arith.select %or3A_117, %squeeze3A_110, %select_n3A_107 : f32
    %select_n3A_119 = arith.select %or3A_117, %squeeze3A_112, %select_n3A_108 : i32
    %slice3A_120 = vector.extract_strided_slice %parallel_loop3A_35#0 {offsets = [9], sizes = [1], strides = [1]} : vector<16xf32> to vector<1xf32>
    %squeeze3A_121 = vector.extract %slice3A_120[0] : f32 from vector<1xf32>
    %slice3A_122 = vector.extract_strided_slice %parallel_loop3A_35#1 {offsets = [9], sizes = [1], strides = [1]} : vector<16xi32> to vector<1xi32>
    %squeeze3A_123 = vector.extract %slice3A_122[0] : i32 from vector<1xi32>
    %gt3A_124 = arith.cmpf ogt, %squeeze3A_121, %select_n3A_118 : f32
    %eq3A_125 = arith.cmpf oeq, %squeeze3A_121, %select_n3A_118 : f32
    %lt3A_126 = arith.cmpi slt, %squeeze3A_123, %select_n3A_119 : i32
    %and3A_127 = arith.andi %eq3A_125, %lt3A_126 : i1
    %or3A_128 = arith.ori %gt3A_124, %and3A_127 : i1
    %select_n3A_129 = arith.select %or3A_128, %squeeze3A_121, %select_n3A_118 : f32
    %select_n3A_130 = arith.select %or3A_128, %squeeze3A_123, %select_n3A_119 : i32
    %slice3A_131 = vector.extract_strided_slice %parallel_loop3A_35#0 {offsets = [10], sizes = [1], strides = [1]} : vector<16xf32> to vector<1xf32>
    %squeeze3A_132 = vector.extract %slice3A_131[0] : f32 from vector<1xf32>
    %slice3A_133 = vector.extract_strided_slice %parallel_loop3A_35#1 {offsets = [10], sizes = [1], strides = [1]} : vector<16xi32> to vector<1xi32>
    %squeeze3A_134 = vector.extract %slice3A_133[0] : i32 from vector<1xi32>
    %gt3A_135 = arith.cmpf ogt, %squeeze3A_132, %select_n3A_129 : f32
    %eq3A_136 = arith.cmpf oeq, %squeeze3A_132, %select_n3A_129 : f32
    %lt3A_137 = arith.cmpi slt, %squeeze3A_134, %select_n3A_130 : i32
    %and3A_138 = arith.andi %eq3A_136, %lt3A_137 : i1
    %or3A_139 = arith.ori %gt3A_135, %and3A_138 : i1
    %select_n3A_140 = arith.select %or3A_139, %squeeze3A_132, %select_n3A_129 : f32
    %select_n3A_141 = arith.select %or3A_139, %squeeze3A_134, %select_n3A_130 : i32
    %slice3A_142 = vector.extract_strided_slice %parallel_loop3A_35#0 {offsets = [11], sizes = [1], strides = [1]} : vector<16xf32> to vector<1xf32>
    %squeeze3A_143 = vector.extract %slice3A_142[0] : f32 from vector<1xf32>
    %slice3A_144 = vector.extract_strided_slice %parallel_loop3A_35#1 {offsets = [11], sizes = [1], strides = [1]} : vector<16xi32> to vector<1xi32>
    %squeeze3A_145 = vector.extract %slice3A_144[0] : i32 from vector<1xi32>
    %gt3A_146 = arith.cmpf ogt, %squeeze3A_143, %select_n3A_140 : f32
    %eq3A_147 = arith.cmpf oeq, %squeeze3A_143, %select_n3A_140 : f32
    %lt3A_148 = arith.cmpi slt, %squeeze3A_145, %select_n3A_141 : i32
    %and3A_149 = arith.andi %eq3A_147, %lt3A_148 : i1
    %or3A_150 = arith.ori %gt3A_146, %and3A_149 : i1
    %select_n3A_151 = arith.select %or3A_150, %squeeze3A_143, %select_n3A_140 : f32
    %select_n3A_152 = arith.select %or3A_150, %squeeze3A_145, %select_n3A_141 : i32
    %slice3A_153 = vector.extract_strided_slice %parallel_loop3A_35#0 {offsets = [12], sizes = [1], strides = [1]} : vector<16xf32> to vector<1xf32>
    %squeeze3A_154 = vector.extract %slice3A_153[0] : f32 from vector<1xf32>
    %slice3A_155 = vector.extract_strided_slice %parallel_loop3A_35#1 {offsets = [12], sizes = [1], strides = [1]} : vector<16xi32> to vector<1xi32>
    %squeeze3A_156 = vector.extract %slice3A_155[0] : i32 from vector<1xi32>
    %gt3A_157 = arith.cmpf ogt, %squeeze3A_154, %select_n3A_151 : f32
    %eq3A_158 = arith.cmpf oeq, %squeeze3A_154, %select_n3A_151 : f32
    %lt3A_159 = arith.cmpi slt, %squeeze3A_156, %select_n3A_152 : i32
    %and3A_160 = arith.andi %eq3A_158, %lt3A_159 : i1
    %or3A_161 = arith.ori %gt3A_157, %and3A_160 : i1
    %select_n3A_162 = arith.select %or3A_161, %squeeze3A_154, %select_n3A_151 : f32
    %select_n3A_163 = arith.select %or3A_161, %squeeze3A_156, %select_n3A_152 : i32
    %slice3A_164 = vector.extract_strided_slice %parallel_loop3A_35#0 {offsets = [13], sizes = [1], strides = [1]} : vector<16xf32> to vector<1xf32>
    %squeeze3A_165 = vector.extract %slice3A_164[0] : f32 from vector<1xf32>
    %slice3A_166 = vector.extract_strided_slice %parallel_loop3A_35#1 {offsets = [13], sizes = [1], strides = [1]} : vector<16xi32> to vector<1xi32>
    %squeeze3A_167 = vector.extract %slice3A_166[0] : i32 from vector<1xi32>
    %gt3A_168 = arith.cmpf ogt, %squeeze3A_165, %select_n3A_162 : f32
    %eq3A_169 = arith.cmpf oeq, %squeeze3A_165, %select_n3A_162 : f32
    %lt3A_170 = arith.cmpi slt, %squeeze3A_167, %select_n3A_163 : i32
    %and3A_171 = arith.andi %eq3A_169, %lt3A_170 : i1
    %or3A_172 = arith.ori %gt3A_168, %and3A_171 : i1
    %select_n3A_173 = arith.select %or3A_172, %squeeze3A_165, %select_n3A_162 : f32
    %select_n3A_174 = arith.select %or3A_172, %squeeze3A_167, %select_n3A_163 : i32
    %slice3A_175 = vector.extract_strided_slice %parallel_loop3A_35#0 {offsets = [14], sizes = [1], strides = [1]} : vector<16xf32> to vector<1xf32>
    %squeeze3A_176 = vector.extract %slice3A_175[0] : f32 from vector<1xf32>
    %slice3A_177 = vector.extract_strided_slice %parallel_loop3A_35#1 {offsets = [14], sizes = [1], strides = [1]} : vector<16xi32> to vector<1xi32>
    %squeeze3A_178 = vector.extract %slice3A_177[0] : i32 from vector<1xi32>
    %gt3A_179 = arith.cmpf ogt, %squeeze3A_176, %select_n3A_173 : f32
    %eq3A_180 = arith.cmpf oeq, %squeeze3A_176, %select_n3A_173 : f32
    %lt3A_181 = arith.cmpi slt, %squeeze3A_178, %select_n3A_174 : i32
    %and3A_182 = arith.andi %eq3A_180, %lt3A_181 : i1
    %or3A_183 = arith.ori %gt3A_179, %and3A_182 : i1
    %select_n3A_184 = arith.select %or3A_183, %squeeze3A_176, %select_n3A_173 : f32
    %select_n3A_185 = arith.select %or3A_183, %squeeze3A_178, %select_n3A_174 : i32
    %slice3A_186 = vector.extract_strided_slice %parallel_loop3A_35#0 {offsets = [15], sizes = [1], strides = [1]} : vector<16xf32> to vector<1xf32>
    %squeeze3A_187 = vector.extract %slice3A_186[0] : f32 from vector<1xf32>
    %slice3A_188 = vector.extract_strided_slice %parallel_loop3A_35#1 {offsets = [15], sizes = [1], strides = [1]} : vector<16xi32> to vector<1xi32>
    %squeeze3A_189 = vector.extract %slice3A_188[0] : i32 from vector<1xi32>
    %gt3A_190 = arith.cmpf ogt, %squeeze3A_187, %select_n3A_184 : f32
    %eq3A_191 = arith.cmpf oeq, %squeeze3A_187, %select_n3A_184 : f32
    %lt3A_192 = arith.cmpi slt, %squeeze3A_189, %select_n3A_185 : i32
    %and3A_193 = arith.andi %eq3A_191, %lt3A_192 : i1
    %or3A_194 = arith.ori %gt3A_190, %and3A_193 : i1
    %select_n3A_195 = arith.select %or3A_194, %squeeze3A_187, %select_n3A_184 : f32
    %select_n3A_196 = arith.select %or3A_194, %squeeze3A_189, %select_n3A_185 : i32
    %jit3A = arith.constant 16 : i32
    %div3A = arith.divsi %select_n3A_196, %jit3A : i32
    %sign3A = arith.constant 0 : i32
    %sign3A_197 = arith.cmpi sgt, %select_n3A_196, %sign3A : i32
    %sign3A_198 = arith.extui %sign3A_197 : i1 to i32
    %sign3A_199 = arith.constant 0 : i32
    %sign3A_200 = arith.cmpi slt, %select_n3A_196, %sign3A_199 : i32
    %sign3A_201 = arith.extui %sign3A_200 : i1 to i32
    %sign3A_202 = arith.subi %sign3A_198, %sign3A_201 : i32
    %sign3A_203 = arith.constant 0 : i32
    %sign3A_204 = arith.cmpi sgt, %jit3A, %sign3A_203 : i32
    %sign3A_205 = arith.extui %sign3A_204 : i1 to i32
    %sign3A_206 = arith.constant 0 : i32
    %sign3A_207 = arith.cmpi slt, %jit3A, %sign3A_206 : i32
    %sign3A_208 = arith.extui %sign3A_207 : i1 to i32
    %sign3A_209 = arith.subi %sign3A_205, %sign3A_208 : i32
    %ne3A = arith.cmpi ne, %sign3A_202, %sign3A_209 : i32
    %rem3A = arith.remsi %select_n3A_196, %jit3A : i32
    %ne3A_210 = arith.constant 0 : i32
    %ne3A_211 = arith.cmpi ne, %rem3A, %ne3A_210 : i32
    %and3A_212 = arith.andi %ne3A, %ne3A_211 : i1
    %sub3A_213 = arith.constant 1 : i32
    %sub3A_214 = arith.subi %div3A, %sub3A_213 : i32
    %select_n3A_215 = arith.select %and3A_212, %sub3A_214, %div3A : i32
    %mul3A_216 = arith.constant 16 : i32
    %mul3A_217 = arith.muli %select_n3A_215, %mul3A_216 : i32
    %jit3A_218 = arith.constant 16 : i32
    %eq3A_219 = arith.constant 0 : i32
    %eq3A_220 = arith.cmpi eq, %jit3A_218, %eq3A_219 : i32
    %jit3A_221 = arith.constant 1 : i32
    %select_n3A_222 = arith.select %eq3A_220, %jit3A_221, %jit3A_218 : i32
    %rem3A_223 = arith.remsi %select_n3A_196, %select_n3A_222 : i32
    %ne3A_224 = arith.constant 0 : i32
    %ne3A_225 = arith.cmpi ne, %rem3A_223, %ne3A_224 : i32
    %lt3A_226 = arith.constant 0 : i32
    %lt3A_227 = arith.cmpi slt, %rem3A_223, %lt3A_226 : i32
    %lt3A_228 = arith.constant 0 : i32
    %lt3A_229 = arith.cmpi slt, %select_n3A_222, %lt3A_228 : i32
    %ne3A_230 = arith.xori %lt3A_227, %lt3A_229 : i1
    %and3A_231 = arith.andi %ne3A_230, %ne3A_225 : i1
    %add3A_232 = arith.addi %rem3A_223, %select_n3A_222 : i32
    %select_n3A_233 = arith.select %and3A_231, %add3A_232, %rem3A_223 : i32
    %eq3A_234 = vector.broadcast %select_n3A_233 : i32 to vector<16xi32>
    %eq3A_235 = arith.cmpi eq, %iota3A, %eq3A_234 : vector<16xi32>
    %get3A_236 = arith.index_cast %mul3A_217 : i32 to index
    %get3A_237 = tpu.vector_load %arg11[%get3A_236] {strides = array<i32>} : memref<8832xf32, #tpu.memory_space<vmem>>, vector<16xf32>,
    %get3A_238 = vector.shape_cast %get3A_237 : vector<16xf32> to vector<16xf32>
    %jit3A_239 = arith.constant 2.000000e+00 : f32
    %broadcast_in_dim3A_240 = vector.broadcast %jit3A_239 : f32 to vector<16xf32>
    %select_n3A_241 = arith.select %eq3A_235, %broadcast_in_dim3A_240, %get3A_238 : vector<16xi1>, vector<16xf32>
    %swap3A = arith.index_cast %mul3A_217 : i32 to index
    %swap3A_242 = tpu.vector_load %arg11[%swap3A] {strides = array<i32>} : memref<8832xf32, #tpu.memory_space<vmem>>, vector<16xf32>,
    %swap3A_243 = vector.shape_cast %swap3A_242 : vector<16xf32> to vector<16xf32>
    %swap3A_244 = vector.shape_cast %select_n3A_241 : vector<16xf32> to vector<16xf32>
    tpu.vector_store %arg11[%swap3A], %swap3A_244 {strides = array<i32>} : memref<8832xf32, #tpu.memory_space<vmem>>, vector<16xf32>,
    %get3A_245 = arith.index_cast %mul3A_217 : i32 to index
    %get3A_246 = tpu.vector_load %arg12[%get3A_245] {strides = array<i32>} : memref<8832xf32, #tpu.memory_space<vmem>>, vector<16xf32>,
    %get3A_247 = vector.shape_cast %get3A_246 : vector<16xf32> to vector<16xf32>
    %select_n3A_248 = arith.select %eq3A_235, %broadcast_in_dim3A_27, %get3A_247 : vector<16xi1>, vector<16xf32>
    %swap3A_249 = arith.index_cast %mul3A_217 : i32 to index
    %swap3A_250 = tpu.vector_load %arg12[%swap3A_249] {strides = array<i32>} : memref<8832xf32, #tpu.memory_space<vmem>>, vector<16xf32>,
    %swap3A_251 = vector.shape_cast %swap3A_250 : vector<16xf32> to vector<16xf32>
    %swap3A_252 = vector.shape_cast %select_n3A_248 : vector<16xf32> to vector<16xf32>
    tpu.vector_store %arg12[%swap3A_249], %swap3A_252 {strides = array<i32>} : memref<8832xf32, #tpu.memory_space<vmem>>, vector<16xf32>,
    %get3A_253 = arith.constant 4 : i32
    %get3A_254 = arith.index_cast %get3A_253 : i32 to index
    %get3A_255 = arith.constant 0 : index
    %get3A_256 = tpu.vector_load %arg10[%get3A_254, %get3A_255] {strides = array<i32>} : memref<40x16xf32, #tpu.memory_space<vmem>>, vector<1x16xf32>,
    %get3A_257 = vector.shape_cast %get3A_256 : vector<1x16xf32> to vector<16xf32>
    %get3A_258 = arith.constant 5 : i32
    %get3A_259 = arith.index_cast %get3A_258 : i32 to index
    %get3A_260 = arith.constant 0 : index
    %get3A_261 = tpu.vector_load %arg10[%get3A_259, %get3A_260] {strides = array<i32>} : memref<40x16xf32, #tpu.memory_space<vmem>>, vector<1x16xf32>,
    %get3A_262 = vector.shape_cast %get3A_261 : vector<1x16xf32> to vector<16xf32>
    %get3A_263 = arith.constant 6 : i32
    %get3A_264 = arith.index_cast %get3A_263 : i32 to index
    %get3A_265 = arith.constant 0 : index
    %get3A_266 = tpu.vector_load %arg10[%get3A_264, %get3A_265] {strides = array<i32>} : memref<40x16xf32, #tpu.memory_space<vmem>>, vector<1x16xf32>,
    %get3A_267 = vector.shape_cast %get3A_266 : vector<1x16xf32> to vector<16xf32>
    %get3A_268 = arith.constant 7 : i32
    %get3A_269 = arith.index_cast %get3A_268 : i32 to index
    %get3A_270 = arith.constant 0 : index
    %get3A_271 = tpu.vector_load %arg10[%get3A_269, %get3A_270] {strides = array<i32>} : memref<40x16xf32, #tpu.memory_space<vmem>>, vector<1x16xf32>,
    %get3A_272 = vector.shape_cast %get3A_271 : vector<1x16xf32> to vector<16xf32>
    %sub3A_273 = arith.subf %get3A_267, %get3A_257 : vector<16xf32>
    %sub3A_274 = arith.subf %get3A_272, %get3A_262 : vector<16xf32>
    %mul3A_275 = arith.mulf %sub3A_273, %sub3A_274 : vector<16xf32>
    %broadcast_in_dim3A_276 = arith.constant 1.000000e+00 : f32
    %broadcast_in_dim3A_277 = vector.broadcast %broadcast_in_dim3A_276 : f32 to vector<16xf32>
    %broadcast_in_dim3A_278 = arith.constant -2.000000e+00 : f32
    %broadcast_in_dim3A_279 = vector.broadcast %broadcast_in_dim3A_278 : f32 to vector<16xf32>
    %broadcast_in_dim3A_280 = arith.constant 0 : i32
    %broadcast_in_dim3A_281 = vector.broadcast %broadcast_in_dim3A_280 : i32 to vector<16xi32>
    %parallel_loop3A_282 = arith.constant 0 : i32
    %parallel_loop3A_283 = arith.constant 552 : i32
    %parallel_loop3A_284 = arith.constant 1 : i32
    %parallel_loop3A_285:2 = scf.for %parallel_loop3A_2632 = %parallel_loop3A_282 to %parallel_loop3A_283 step %parallel_loop3A_284 iter_args(%parallel_loop3A_2633 = %broadcast_in_dim3A_279, %parallel_loop3A_2634 = %broadcast_in_dim3A_281) -> (vector<16xf32>, vector<16xi32>)  : i32 {
      %parallel_loop3A_2635 = arith.constant 16 : i32
      %parallel_loop3A_2636 = arith.muli %parallel_loop3A_2632, %parallel_loop3A_2635 : i32
      %parallel_loop3A_2637 = arith.index_cast %parallel_loop3A_2636 : i32 to index
      %parallel_loop3A_2638 = tpu.vector_load %arg6[%parallel_loop3A_2637] {strides = array<i32>} : memref<8832xf32, #tpu.memory_space<vmem>>, vector<16xf32>,
      %parallel_loop3A_2639 = vector.shape_cast %parallel_loop3A_2638 : vector<16xf32> to vector<16xf32>
      %parallel_loop3A_2640 = arith.index_cast %parallel_loop3A_2636 : i32 to index
      %parallel_loop3A_2641 = tpu.vector_load %arg7[%parallel_loop3A_2640] {strides = array<i32>} : memref<8832xf32, #tpu.memory_space<vmem>>, vector<16xf32>,
      %parallel_loop3A_2642 = vector.shape_cast %parallel_loop3A_2641 : vector<16xf32> to vector<16xf32>
      %parallel_loop3A_2643 = arith.index_cast %parallel_loop3A_2636 : i32 to index
      %parallel_loop3A_2644 = tpu.vector_load %arg8[%parallel_loop3A_2643] {strides = array<i32>} : memref<8832xf32, #tpu.memory_space<vmem>>, vector<16xf32>,
      %parallel_loop3A_2645 = vector.shape_cast %parallel_loop3A_2644 : vector<16xf32> to vector<16xf32>
      %parallel_loop3A_2646 = arith.index_cast %parallel_loop3A_2636 : i32 to index
      %parallel_loop3A_2647 = tpu.vector_load %arg9[%parallel_loop3A_2646] {strides = array<i32>} : memref<8832xf32, #tpu.memory_space<vmem>>, vector<16xf32>,
      %parallel_loop3A_2648 = vector.shape_cast %parallel_loop3A_2647 : vector<16xf32> to vector<16xf32>
      %parallel_loop3A_2649 = arith.subf %parallel_loop3A_2645, %parallel_loop3A_2639 : vector<16xf32>
      %parallel_loop3A_2650 = arith.subf %parallel_loop3A_2648, %parallel_loop3A_2642 : vector<16xf32>
      %parallel_loop3A_2651 = arith.mulf %parallel_loop3A_2649, %parallel_loop3A_2650 : vector<16xf32>
      %parallel_loop3A_2652 = arith.minimumf %parallel_loop3A_2645, %get3A_267 : vector<16xf32>
      %parallel_loop3A_2653 = arith.maximumf %parallel_loop3A_2639, %get3A_257 : vector<16xf32>
      %parallel_loop3A_2654 = arith.subf %parallel_loop3A_2652, %parallel_loop3A_2653 : vector<16xf32>
      %parallel_loop3A_2655 = arith.constant 0.000000e+00 : f32
      %parallel_loop3A_2656 = vector.broadcast %parallel_loop3A_2655 : f32 to vector<16xf32>
      %parallel_loop3A_2657 = arith.maximumf %parallel_loop3A_2654, %parallel_loop3A_2656 : vector<16xf32>
      %parallel_loop3A_2658 = arith.minimumf %parallel_loop3A_2648, %get3A_272 : vector<16xf32>
      %parallel_loop3A_2659 = arith.maximumf %parallel_loop3A_2642, %get3A_262 : vector<16xf32>
      %parallel_loop3A_2660 = arith.subf %parallel_loop3A_2658, %parallel_loop3A_2659 : vector<16xf32>
      %parallel_loop3A_2661 = arith.constant 0.000000e+00 : f32
      %parallel_loop3A_2662 = vector.broadcast %parallel_loop3A_2661 : f32 to vector<16xf32>
      %parallel_loop3A_2663 = arith.maximumf %parallel_loop3A_2660, %parallel_loop3A_2662 : vector<16xf32>
      %parallel_loop3A_2664 = arith.mulf %parallel_loop3A_2657, %parallel_loop3A_2663 : vector<16xf32>
      %parallel_loop3A_2665 = arith.addf %parallel_loop3A_2651, %mul3A_275 : vector<16xf32>
      %parallel_loop3A_2666 = arith.subf %parallel_loop3A_2665, %parallel_loop3A_2664 : vector<16xf32>
      %parallel_loop3A_2667 = arith.divf %parallel_loop3A_2664, %parallel_loop3A_2666 : vector<16xf32>
      %parallel_loop3A_2668 = arith.index_cast %parallel_loop3A_2636 : i32 to index
      %parallel_loop3A_2669 = tpu.vector_load %arg11[%parallel_loop3A_2668] {strides = array<i32>} : memref<8832xf32, #tpu.memory_space<vmem>>, vector<16xf32>,
      %parallel_loop3A_2670 = vector.shape_cast %parallel_loop3A_2669 : vector<16xf32> to vector<16xf32>
      %parallel_loop3A_2671 = arith.cmpf ogt, %parallel_loop3A_2667, %parallel_loop3A_2670 : vector<16xf32>
      %parallel_loop3A_2672 = arith.select %parallel_loop3A_2671, %parallel_loop3A_2667, %parallel_loop3A_2670 : vector<16xi1>, vector<16xf32>
      %parallel_loop3A_2673 = arith.index_cast %parallel_loop3A_2636 : i32 to index
      %parallel_loop3A_2674 = tpu.vector_load %arg11[%parallel_loop3A_2673] {strides = array<i32>} : memref<8832xf32, #tpu.memory_space<vmem>>, vector<16xf32>,
      %parallel_loop3A_2675 = vector.shape_cast %parallel_loop3A_2674 : vector<16xf32> to vector<16xf32>
      %parallel_loop3A_2676 = vector.shape_cast %parallel_loop3A_2672 : vector<16xf32> to vector<16xf32>
      tpu.vector_store %arg11[%parallel_loop3A_2673], %parallel_loop3A_2676 {strides = array<i32>} : memref<8832xf32, #tpu.memory_space<vmem>>, vector<16xf32>,
      %parallel_loop3A_2677 = arith.index_cast %parallel_loop3A_2636 : i32 to index
      %parallel_loop3A_2678 = tpu.vector_load %arg12[%parallel_loop3A_2677] {strides = array<i32>} : memref<8832xf32, #tpu.memory_space<vmem>>, vector<16xf32>,
      %parallel_loop3A_2679 = vector.shape_cast %parallel_loop3A_2678 : vector<16xf32> to vector<16xf32>
      %parallel_loop3A_2680 = arith.select %parallel_loop3A_2671, %broadcast_in_dim3A_277, %parallel_loop3A_2679 : vector<16xi1>, vector<16xf32>
      %parallel_loop3A_2681 = arith.index_cast %parallel_loop3A_2636 : i32 to index
      %parallel_loop3A_2682 = tpu.vector_load %arg12[%parallel_loop3A_2681] {strides = array<i32>} : memref<8832xf32, #tpu.memory_space<vmem>>, vector<16xf32>,
      %parallel_loop3A_2683 = vector.shape_cast %parallel_loop3A_2682 : vector<16xf32> to vector<16xf32>
      %parallel_loop3A_2684 = vector.shape_cast %parallel_loop3A_2680 : vector<16xf32> to vector<16xf32>
      tpu.vector_store %arg12[%parallel_loop3A_2681], %parallel_loop3A_2684 {strides = array<i32>} : memref<8832xf32, #tpu.memory_space<vmem>>, vector<16xf32>,
      %parallel_loop3A_2685 = arith.cmpf ogt, %parallel_loop3A_2667, %parallel_loop3A_2633 : vector<16xf32>
      %parallel_loop3A_2686 = arith.select %parallel_loop3A_2685, %parallel_loop3A_2667, %parallel_loop3A_2633 : vector<16xi1>, vector<16xf32>
      %parallel_loop3A_2687 = vector.broadcast %parallel_loop3A_2636 : i32 to vector<16xi32>
      %parallel_loop3A_2688 = arith.addi %parallel_loop3A_2687, %iota3A : vector<16xi32>
      %parallel_loop3A_2689 = arith.select %parallel_loop3A_2685, %parallel_loop3A_2688, %parallel_loop3A_2634 : vector<16xi1>, vector<16xi32>
      scf.yield %parallel_loop3A_2686, %parallel_loop3A_2689 : vector<16xf32>, vector<16xi32>
    } {sc.loop_unroll_factor = 8 : i64, sc.parallel_access}
    %slice3A_286 = vector.extract_strided_slice %parallel_loop3A_285#0 {offsets = [0], sizes = [1], strides = [1]} : vector<16xf32> to vector<1xf32>
    %squeeze3A_287 = vector.extract %slice3A_286[0] : f32 from vector<1xf32>
    %slice3A_288 = vector.extract_strided_slice %parallel_loop3A_285#1 {offsets = [0], sizes = [1], strides = [1]} : vector<16xi32> to vector<1xi32>
    %squeeze3A_289 = vector.extract %slice3A_288[0] : i32 from vector<1xi32>
    %slice3A_290 = vector.extract_strided_slice %parallel_loop3A_285#0 {offsets = [1], sizes = [1], strides = [1]} : vector<16xf32> to vector<1xf32>
    %squeeze3A_291 = vector.extract %slice3A_290[0] : f32 from vector<1xf32>
    %slice3A_292 = vector.extract_strided_slice %parallel_loop3A_285#1 {offsets = [1], sizes = [1], strides = [1]} : vector<16xi32> to vector<1xi32>
    %squeeze3A_293 = vector.extract %slice3A_292[0] : i32 from vector<1xi32>
    %gt3A_294 = arith.cmpf ogt, %squeeze3A_291, %squeeze3A_287 : f32
    %eq3A_295 = arith.cmpf oeq, %squeeze3A_291, %squeeze3A_287 : f32
    %lt3A_296 = arith.cmpi slt, %squeeze3A_293, %squeeze3A_289 : i32
    %and3A_297 = arith.andi %eq3A_295, %lt3A_296 : i1
    %or3A_298 = arith.ori %gt3A_294, %and3A_297 : i1
    %select_n3A_299 = arith.select %or3A_298, %squeeze3A_291, %squeeze3A_287 : f32
    %select_n3A_300 = arith.select %or3A_298, %squeeze3A_293, %squeeze3A_289 : i32
    %slice3A_301 = vector.extract_strided_slice %parallel_loop3A_285#0 {offsets = [2], sizes = [1], strides = [1]} : vector<16xf32> to vector<1xf32>
    %squeeze3A_302 = vector.extract %slice3A_301[0] : f32 from vector<1xf32>
    %slice3A_303 = vector.extract_strided_slice %parallel_loop3A_285#1 {offsets = [2], sizes = [1], strides = [1]} : vector<16xi32> to vector<1xi32>
    %squeeze3A_304 = vector.extract %slice3A_303[0] : i32 from vector<1xi32>
    %gt3A_305 = arith.cmpf ogt, %squeeze3A_302, %select_n3A_299 : f32
    %eq3A_306 = arith.cmpf oeq, %squeeze3A_302, %select_n3A_299 : f32
    %lt3A_307 = arith.cmpi slt, %squeeze3A_304, %select_n3A_300 : i32
    %and3A_308 = arith.andi %eq3A_306, %lt3A_307 : i1
    %or3A_309 = arith.ori %gt3A_305, %and3A_308 : i1
    %select_n3A_310 = arith.select %or3A_309, %squeeze3A_302, %select_n3A_299 : f32
    %select_n3A_311 = arith.select %or3A_309, %squeeze3A_304, %select_n3A_300 : i32
    %slice3A_312 = vector.extract_strided_slice %parallel_loop3A_285#0 {offsets = [3], sizes = [1], strides = [1]} : vector<16xf32> to vector<1xf32>
    %squeeze3A_313 = vector.extract %slice3A_312[0] : f32 from vector<1xf32>
    %slice3A_314 = vector.extract_strided_slice %parallel_loop3A_285#1 {offsets = [3], sizes = [1], strides = [1]} : vector<16xi32> to vector<1xi32>
    %squeeze3A_315 = vector.extract %slice3A_314[0] : i32 from vector<1xi32>
    %gt3A_316 = arith.cmpf ogt, %squeeze3A_313, %select_n3A_310 : f32
    %eq3A_317 = arith.cmpf oeq, %squeeze3A_313, %select_n3A_310 : f32
    %lt3A_318 = arith.cmpi slt, %squeeze3A_315, %select_n3A_311 : i32
    %and3A_319 = arith.andi %eq3A_317, %lt3A_318 : i1
    %or3A_320 = arith.ori %gt3A_316, %and3A_319 : i1
    %select_n3A_321 = arith.select %or3A_320, %squeeze3A_313, %select_n3A_310 : f32
    %select_n3A_322 = arith.select %or3A_320, %squeeze3A_315, %select_n3A_311 : i32
    %slice3A_323 = vector.extract_strided_slice %parallel_loop3A_285#0 {offsets = [4], sizes = [1], strides = [1]} : vector<16xf32> to vector<1xf32>
    %squeeze3A_324 = vector.extract %slice3A_323[0] : f32 from vector<1xf32>
    %slice3A_325 = vector.extract_strided_slice %parallel_loop3A_285#1 {offsets = [4], sizes = [1], strides = [1]} : vector<16xi32> to vector<1xi32>
    %squeeze3A_326 = vector.extract %slice3A_325[0] : i32 from vector<1xi32>
    %gt3A_327 = arith.cmpf ogt, %squeeze3A_324, %select_n3A_321 : f32
    %eq3A_328 = arith.cmpf oeq, %squeeze3A_324, %select_n3A_321 : f32
    %lt3A_329 = arith.cmpi slt, %squeeze3A_326, %select_n3A_322 : i32
    %and3A_330 = arith.andi %eq3A_328, %lt3A_329 : i1
    %or3A_331 = arith.ori %gt3A_327, %and3A_330 : i1
    %select_n3A_332 = arith.select %or3A_331, %squeeze3A_324, %select_n3A_321 : f32
    %select_n3A_333 = arith.select %or3A_331, %squeeze3A_326, %select_n3A_322 : i32
    %slice3A_334 = vector.extract_strided_slice %parallel_loop3A_285#0 {offsets = [5], sizes = [1], strides = [1]} : vector<16xf32> to vector<1xf32>
    %squeeze3A_335 = vector.extract %slice3A_334[0] : f32 from vector<1xf32>
    %slice3A_336 = vector.extract_strided_slice %parallel_loop3A_285#1 {offsets = [5], sizes = [1], strides = [1]} : vector<16xi32> to vector<1xi32>
    %squeeze3A_337 = vector.extract %slice3A_336[0] : i32 from vector<1xi32>
    %gt3A_338 = arith.cmpf ogt, %squeeze3A_335, %select_n3A_332 : f32
    %eq3A_339 = arith.cmpf oeq, %squeeze3A_335, %select_n3A_332 : f32
    %lt3A_340 = arith.cmpi slt, %squeeze3A_337, %select_n3A_333 : i32
    %and3A_341 = arith.andi %eq3A_339, %lt3A_340 : i1
    %or3A_342 = arith.ori %gt3A_338, %and3A_341 : i1
    %select_n3A_343 = arith.select %or3A_342, %squeeze3A_335, %select_n3A_332 : f32
    %select_n3A_344 = arith.select %or3A_342, %squeeze3A_337, %select_n3A_333 : i32
    %slice3A_345 = vector.extract_strided_slice %parallel_loop3A_285#0 {offsets = [6], sizes = [1], strides = [1]} : vector<16xf32> to vector<1xf32>
    %squeeze3A_346 = vector.extract %slice3A_345[0] : f32 from vector<1xf32>
    %slice3A_347 = vector.extract_strided_slice %parallel_loop3A_285#1 {offsets = [6], sizes = [1], strides = [1]} : vector<16xi32> to vector<1xi32>
    %squeeze3A_348 = vector.extract %slice3A_347[0] : i32 from vector<1xi32>
    %gt3A_349 = arith.cmpf ogt, %squeeze3A_346, %select_n3A_343 : f32
    %eq3A_350 = arith.cmpf oeq, %squeeze3A_346, %select_n3A_343 : f32
    %lt3A_351 = arith.cmpi slt, %squeeze3A_348, %select_n3A_344 : i32
    %and3A_352 = arith.andi %eq3A_350, %lt3A_351 : i1
    %or3A_353 = arith.ori %gt3A_349, %and3A_352 : i1
    %select_n3A_354 = arith.select %or3A_353, %squeeze3A_346, %select_n3A_343 : f32
    %select_n3A_355 = arith.select %or3A_353, %squeeze3A_348, %select_n3A_344 : i32
    %slice3A_356 = vector.extract_strided_slice %parallel_loop3A_285#0 {offsets = [7], sizes = [1], strides = [1]} : vector<16xf32> to vector<1xf32>
    %squeeze3A_357 = vector.extract %slice3A_356[0] : f32 from vector<1xf32>
    %slice3A_358 = vector.extract_strided_slice %parallel_loop3A_285#1 {offsets = [7], sizes = [1], strides = [1]} : vector<16xi32> to vector<1xi32>
    %squeeze3A_359 = vector.extract %slice3A_358[0] : i32 from vector<1xi32>
    %gt3A_360 = arith.cmpf ogt, %squeeze3A_357, %select_n3A_354 : f32
    %eq3A_361 = arith.cmpf oeq, %squeeze3A_357, %select_n3A_354 : f32
    %lt3A_362 = arith.cmpi slt, %squeeze3A_359, %select_n3A_355 : i32
    %and3A_363 = arith.andi %eq3A_361, %lt3A_362 : i1
    %or3A_364 = arith.ori %gt3A_360, %and3A_363 : i1
    %select_n3A_365 = arith.select %or3A_364, %squeeze3A_357, %select_n3A_354 : f32
    %select_n3A_366 = arith.select %or3A_364, %squeeze3A_359, %select_n3A_355 : i32
    %slice3A_367 = vector.extract_strided_slice %parallel_loop3A_285#0 {offsets = [8], sizes = [1], strides = [1]} : vector<16xf32> to vector<1xf32>
    %squeeze3A_368 = vector.extract %slice3A_367[0] : f32 from vector<1xf32>
    %slice3A_369 = vector.extract_strided_slice %parallel_loop3A_285#1 {offsets = [8], sizes = [1], strides = [1]} : vector<16xi32> to vector<1xi32>
    %squeeze3A_370 = vector.extract %slice3A_369[0] : i32 from vector<1xi32>
    %gt3A_371 = arith.cmpf ogt, %squeeze3A_368, %select_n3A_365 : f32
    %eq3A_372 = arith.cmpf oeq, %squeeze3A_368, %select_n3A_365 : f32
    %lt3A_373 = arith.cmpi slt, %squeeze3A_370, %select_n3A_366 : i32
    %and3A_374 = arith.andi %eq3A_372, %lt3A_373 : i1
    %or3A_375 = arith.ori %gt3A_371, %and3A_374 : i1
    %select_n3A_376 = arith.select %or3A_375, %squeeze3A_368, %select_n3A_365 : f32
    %select_n3A_377 = arith.select %or3A_375, %squeeze3A_370, %select_n3A_366 : i32
    %slice3A_378 = vector.extract_strided_slice %parallel_loop3A_285#0 {offsets = [9], sizes = [1], strides = [1]} : vector<16xf32> to vector<1xf32>
    %squeeze3A_379 = vector.extract %slice3A_378[0] : f32 from vector<1xf32>
    %slice3A_380 = vector.extract_strided_slice %parallel_loop3A_285#1 {offsets = [9], sizes = [1], strides = [1]} : vector<16xi32> to vector<1xi32>
    %squeeze3A_381 = vector.extract %slice3A_380[0] : i32 from vector<1xi32>
    %gt3A_382 = arith.cmpf ogt, %squeeze3A_379, %select_n3A_376 : f32
    %eq3A_383 = arith.cmpf oeq, %squeeze3A_379, %select_n3A_376 : f32
    %lt3A_384 = arith.cmpi slt, %squeeze3A_381, %select_n3A_377 : i32
    %and3A_385 = arith.andi %eq3A_383, %lt3A_384 : i1
    %or3A_386 = arith.ori %gt3A_382, %and3A_385 : i1
    %select_n3A_387 = arith.select %or3A_386, %squeeze3A_379, %select_n3A_376 : f32
    %select_n3A_388 = arith.select %or3A_386, %squeeze3A_381, %select_n3A_377 : i32
    %slice3A_389 = vector.extract_strided_slice %parallel_loop3A_285#0 {offsets = [10], sizes = [1], strides = [1]} : vector<16xf32> to vector<1xf32>
    %squeeze3A_390 = vector.extract %slice3A_389[0] : f32 from vector<1xf32>
    %slice3A_391 = vector.extract_strided_slice %parallel_loop3A_285#1 {offsets = [10], sizes = [1], strides = [1]} : vector<16xi32> to vector<1xi32>
    %squeeze3A_392 = vector.extract %slice3A_391[0] : i32 from vector<1xi32>
    %gt3A_393 = arith.cmpf ogt, %squeeze3A_390, %select_n3A_387 : f32
    %eq3A_394 = arith.cmpf oeq, %squeeze3A_390, %select_n3A_387 : f32
    %lt3A_395 = arith.cmpi slt, %squeeze3A_392, %select_n3A_388 : i32
    %and3A_396 = arith.andi %eq3A_394, %lt3A_395 : i1
    %or3A_397 = arith.ori %gt3A_393, %and3A_396 : i1
    %select_n3A_398 = arith.select %or3A_397, %squeeze3A_390, %select_n3A_387 : f32
    %select_n3A_399 = arith.select %or3A_397, %squeeze3A_392, %select_n3A_388 : i32
    %slice3A_400 = vector.extract_strided_slice %parallel_loop3A_285#0 {offsets = [11], sizes = [1], strides = [1]} : vector<16xf32> to vector<1xf32>
    %squeeze3A_401 = vector.extract %slice3A_400[0] : f32 from vector<1xf32>
    %slice3A_402 = vector.extract_strided_slice %parallel_loop3A_285#1 {offsets = [11], sizes = [1], strides = [1]} : vector<16xi32> to vector<1xi32>
    %squeeze3A_403 = vector.extract %slice3A_402[0] : i32 from vector<1xi32>
    %gt3A_404 = arith.cmpf ogt, %squeeze3A_401, %select_n3A_398 : f32
    %eq3A_405 = arith.cmpf oeq, %squeeze3A_401, %select_n3A_398 : f32
    %lt3A_406 = arith.cmpi slt, %squeeze3A_403, %select_n3A_399 : i32
    %and3A_407 = arith.andi %eq3A_405, %lt3A_406 : i1
    %or3A_408 = arith.ori %gt3A_404, %and3A_407 : i1
    %select_n3A_409 = arith.select %or3A_408, %squeeze3A_401, %select_n3A_398 : f32
    %select_n3A_410 = arith.select %or3A_408, %squeeze3A_403, %select_n3A_399 : i32
    %slice3A_411 = vector.extract_strided_slice %parallel_loop3A_285#0 {offsets = [12], sizes = [1], strides = [1]} : vector<16xf32> to vector<1xf32>
    %squeeze3A_412 = vector.extract %slice3A_411[0] : f32 from vector<1xf32>
    %slice3A_413 = vector.extract_strided_slice %parallel_loop3A_285#1 {offsets = [12], sizes = [1], strides = [1]} : vector<16xi32> to vector<1xi32>
    %squeeze3A_414 = vector.extract %slice3A_413[0] : i32 from vector<1xi32>
    %gt3A_415 = arith.cmpf ogt, %squeeze3A_412, %select_n3A_409 : f32
    %eq3A_416 = arith.cmpf oeq, %squeeze3A_412, %select_n3A_409 : f32
    %lt3A_417 = arith.cmpi slt, %squeeze3A_414, %select_n3A_410 : i32
    %and3A_418 = arith.andi %eq3A_416, %lt3A_417 : i1
    %or3A_419 = arith.ori %gt3A_415, %and3A_418 : i1
    %select_n3A_420 = arith.select %or3A_419, %squeeze3A_412, %select_n3A_409 : f32
    %select_n3A_421 = arith.select %or3A_419, %squeeze3A_414, %select_n3A_410 : i32
    %slice3A_422 = vector.extract_strided_slice %parallel_loop3A_285#0 {offsets = [13], sizes = [1], strides = [1]} : vector<16xf32> to vector<1xf32>
    %squeeze3A_423 = vector.extract %slice3A_422[0] : f32 from vector<1xf32>
    %slice3A_424 = vector.extract_strided_slice %parallel_loop3A_285#1 {offsets = [13], sizes = [1], strides = [1]} : vector<16xi32> to vector<1xi32>
    %squeeze3A_425 = vector.extract %slice3A_424[0] : i32 from vector<1xi32>
    %gt3A_426 = arith.cmpf ogt, %squeeze3A_423, %select_n3A_420 : f32
    %eq3A_427 = arith.cmpf oeq, %squeeze3A_423, %select_n3A_420 : f32
    %lt3A_428 = arith.cmpi slt, %squeeze3A_425, %select_n3A_421 : i32
    %and3A_429 = arith.andi %eq3A_427, %lt3A_428 : i1
    %or3A_430 = arith.ori %gt3A_426, %and3A_429 : i1
    %select_n3A_431 = arith.select %or3A_430, %squeeze3A_423, %select_n3A_420 : f32
    %select_n3A_432 = arith.select %or3A_430, %squeeze3A_425, %select_n3A_421 : i32
    %slice3A_433 = vector.extract_strided_slice %parallel_loop3A_285#0 {offsets = [14], sizes = [1], strides = [1]} : vector<16xf32> to vector<1xf32>
    %squeeze3A_434 = vector.extract %slice3A_433[0] : f32 from vector<1xf32>
    %slice3A_435 = vector.extract_strided_slice %parallel_loop3A_285#1 {offsets = [14], sizes = [1], strides = [1]} : vector<16xi32> to vector<1xi32>
    %squeeze3A_436 = vector.extract %slice3A_435[0] : i32 from vector<1xi32>
    %gt3A_437 = arith.cmpf ogt, %squeeze3A_434, %select_n3A_431 : f32
    %eq3A_438 = arith.cmpf oeq, %squeeze3A_434, %select_n3A_431 : f32
    %lt3A_439 = arith.cmpi slt, %squeeze3A_436, %select_n3A_432 : i32
    %and3A_440 = arith.andi %eq3A_438, %lt3A_439 : i1
    %or3A_441 = arith.ori %gt3A_437, %and3A_440 : i1
    %select_n3A_442 = arith.select %or3A_441, %squeeze3A_434, %select_n3A_431 : f32
    %select_n3A_443 = arith.select %or3A_441, %squeeze3A_436, %select_n3A_432 : i32
    %slice3A_444 = vector.extract_strided_slice %parallel_loop3A_285#0 {offsets = [15], sizes = [1], strides = [1]} : vector<16xf32> to vector<1xf32>
    %squeeze3A_445 = vector.extract %slice3A_444[0] : f32 from vector<1xf32>
    %slice3A_446 = vector.extract_strided_slice %parallel_loop3A_285#1 {offsets = [15], sizes = [1], strides = [1]} : vector<16xi32> to vector<1xi32>
    %squeeze3A_447 = vector.extract %slice3A_446[0] : i32 from vector<1xi32>
    %gt3A_448 = arith.cmpf ogt, %squeeze3A_445, %select_n3A_442 : f32
    %eq3A_449 = arith.cmpf oeq, %squeeze3A_445, %select_n3A_442 : f32
    %lt3A_450 = arith.cmpi slt, %squeeze3A_447, %select_n3A_443 : i32
    %and3A_451 = arith.andi %eq3A_449, %lt3A_450 : i1
    %or3A_452 = arith.ori %gt3A_448, %and3A_451 : i1
    %select_n3A_453 = arith.select %or3A_452, %squeeze3A_445, %select_n3A_442 : f32
    %select_n3A_454 = arith.select %or3A_452, %squeeze3A_447, %select_n3A_443 : i32
    %jit3A_455 = arith.constant 16 : i32
    %div3A_456 = arith.divsi %select_n3A_454, %jit3A_455 : i32
    %sign3A_457 = arith.constant 0 : i32
    %sign3A_458 = arith.cmpi sgt, %select_n3A_454, %sign3A_457 : i32
    %sign3A_459 = arith.extui %sign3A_458 : i1 to i32
    %sign3A_460 = arith.constant 0 : i32
    %sign3A_461 = arith.cmpi slt, %select_n3A_454, %sign3A_460 : i32
    %sign3A_462 = arith.extui %sign3A_461 : i1 to i32
    %sign3A_463 = arith.subi %sign3A_459, %sign3A_462 : i32
    %sign3A_464 = arith.constant 0 : i32
    %sign3A_465 = arith.cmpi sgt, %jit3A_455, %sign3A_464 : i32
    %sign3A_466 = arith.extui %sign3A_465 : i1 to i32
    %sign3A_467 = arith.constant 0 : i32
    %sign3A_468 = arith.cmpi slt, %jit3A_455, %sign3A_467 : i32
    %sign3A_469 = arith.extui %sign3A_468 : i1 to i32
    %sign3A_470 = arith.subi %sign3A_466, %sign3A_469 : i32
    %ne3A_471 = arith.cmpi ne, %sign3A_463, %sign3A_470 : i32
    %rem3A_472 = arith.remsi %select_n3A_454, %jit3A_455 : i32
    %ne3A_473 = arith.constant 0 : i32
    %ne3A_474 = arith.cmpi ne, %rem3A_472, %ne3A_473 : i32
    %and3A_475 = arith.andi %ne3A_471, %ne3A_474 : i1
    %sub3A_476 = arith.constant 1 : i32
    %sub3A_477 = arith.subi %div3A_456, %sub3A_476 : i32
    %select_n3A_478 = arith.select %and3A_475, %sub3A_477, %div3A_456 : i32
    %mul3A_479 = arith.constant 16 : i32
    %mul3A_480 = arith.muli %select_n3A_478, %mul3A_479 : i32
    %jit3A_481 = arith.constant 16 : i32
    %eq3A_482 = arith.constant 0 : i32
    %eq3A_483 = arith.cmpi eq, %jit3A_481, %eq3A_482 : i32
    %jit3A_484 = arith.constant 1 : i32
    %select_n3A_485 = arith.select %eq3A_483, %jit3A_484, %jit3A_481 : i32
    %rem3A_486 = arith.remsi %select_n3A_454, %select_n3A_485 : i32
    %ne3A_487 = arith.constant 0 : i32
    %ne3A_488 = arith.cmpi ne, %rem3A_486, %ne3A_487 : i32
    %lt3A_489 = arith.constant 0 : i32
    %lt3A_490 = arith.cmpi slt, %rem3A_486, %lt3A_489 : i32
    %lt3A_491 = arith.constant 0 : i32
    %lt3A_492 = arith.cmpi slt, %select_n3A_485, %lt3A_491 : i32
    %ne3A_493 = arith.xori %lt3A_490, %lt3A_492 : i1
    %and3A_494 = arith.andi %ne3A_493, %ne3A_488 : i1
    %add3A_495 = arith.addi %rem3A_486, %select_n3A_485 : i32
    %select_n3A_496 = arith.select %and3A_494, %add3A_495, %rem3A_486 : i32
    %eq3A_497 = vector.broadcast %select_n3A_496 : i32 to vector<16xi32>
    %eq3A_498 = arith.cmpi eq, %iota3A, %eq3A_497 : vector<16xi32>
    %get3A_499 = arith.index_cast %mul3A_480 : i32 to index
    %get3A_500 = tpu.vector_load %arg11[%get3A_499] {strides = array<i32>} : memref<8832xf32, #tpu.memory_space<vmem>>, vector<16xf32>,
    %get3A_501 = vector.shape_cast %get3A_500 : vector<16xf32> to vector<16xf32>
    %jit3A_502 = arith.constant 2.000000e+00 : f32
    %broadcast_in_dim3A_503 = vector.broadcast %jit3A_502 : f32 to vector<16xf32>
    %select_n3A_504 = arith.select %eq3A_498, %broadcast_in_dim3A_503, %get3A_501 : vector<16xi1>, vector<16xf32>
    %swap3A_505 = arith.index_cast %mul3A_480 : i32 to index
    %swap3A_506 = tpu.vector_load %arg11[%swap3A_505] {strides = array<i32>} : memref<8832xf32, #tpu.memory_space<vmem>>, vector<16xf32>,
    %swap3A_507 = vector.shape_cast %swap3A_506 : vector<16xf32> to vector<16xf32>
    %swap3A_508 = vector.shape_cast %select_n3A_504 : vector<16xf32> to vector<16xf32>
    tpu.vector_store %arg11[%swap3A_505], %swap3A_508 {strides = array<i32>} : memref<8832xf32, #tpu.memory_space<vmem>>, vector<16xf32>,
    %get3A_509 = arith.index_cast %mul3A_480 : i32 to index
    %get3A_510 = tpu.vector_load %arg12[%get3A_509] {strides = array<i32>} : memref<8832xf32, #tpu.memory_space<vmem>>, vector<16xf32>,
    %get3A_511 = vector.shape_cast %get3A_510 : vector<16xf32> to vector<16xf32>
    %select_n3A_512 = arith.select %eq3A_498, %broadcast_in_dim3A_277, %get3A_511 : vector<16xi1>, vector<16xf32>
    %swap3A_513 = arith.index_cast %mul3A_480 : i32 to index
    %swap3A_514 = tpu.vector_load %arg12[%swap3A_513] {strides = array<i32>} : memref<8832xf32, #tpu.memory_space<vmem>>, vector<16xf32>,
    %swap3A_515 = vector.shape_cast %swap3A_514 : vector<16xf32> to vector<16xf32>
    %swap3A_516 = vector.shape_cast %select_n3A_512 : vector<16xf32> to vector<16xf32>
    tpu.vector_store %arg12[%swap3A_513], %swap3A_516 {strides = array<i32>} : memref<8832xf32, #tpu.memory_space<vmem>>, vector<16xf32>,
    %get3A_517 = arith.constant 8 : i32
    %get3A_518 = arith.index_cast %get3A_517 : i32 to index
    %get3A_519 = arith.constant 0 : index
    %get3A_520 = tpu.vector_load %arg10[%get3A_518, %get3A_519] {strides = array<i32>} : memref<40x16xf32, #tpu.memory_space<vmem>>, vector<1x16xf32>,
    %get3A_521 = vector.shape_cast %get3A_520 : vector<1x16xf32> to vector<16xf32>
    %get3A_522 = arith.constant 9 : i32
    %get3A_523 = arith.index_cast %get3A_522 : i32 to index
    %get3A_524 = arith.constant 0 : index
    %get3A_525 = tpu.vector_load %arg10[%get3A_523, %get3A_524] {strides = array<i32>} : memref<40x16xf32, #tpu.memory_space<vmem>>, vector<1x16xf32>,
    %get3A_526 = vector.shape_cast %get3A_525 : vector<1x16xf32> to vector<16xf32>
    %get3A_527 = arith.constant 10 : i32
    %get3A_528 = arith.index_cast %get3A_527 : i32 to index
    %get3A_529 = arith.constant 0 : index
    %get3A_530 = tpu.vector_load %arg10[%get3A_528, %get3A_529] {strides = array<i32>} : memref<40x16xf32, #tpu.memory_space<vmem>>, vector<1x16xf32>,
    %get3A_531 = vector.shape_cast %get3A_530 : vector<1x16xf32> to vector<16xf32>
    %get3A_532 = arith.constant 11 : i32
    %get3A_533 = arith.index_cast %get3A_532 : i32 to index
    %get3A_534 = arith.constant 0 : index
    %get3A_535 = tpu.vector_load %arg10[%get3A_533, %get3A_534] {strides = array<i32>} : memref<40x16xf32, #tpu.memory_space<vmem>>, vector<1x16xf32>,
    %get3A_536 = vector.shape_cast %get3A_535 : vector<1x16xf32> to vector<16xf32>
    %sub3A_537 = arith.subf %get3A_531, %get3A_521 : vector<16xf32>
    %sub3A_538 = arith.subf %get3A_536, %get3A_526 : vector<16xf32>
    %mul3A_539 = arith.mulf %sub3A_537, %sub3A_538 : vector<16xf32>
    %broadcast_in_dim3A_540 = arith.constant 2.000000e+00 : f32
    %broadcast_in_dim3A_541 = vector.broadcast %broadcast_in_dim3A_540 : f32 to vector<16xf32>
    %broadcast_in_dim3A_542 = arith.constant -2.000000e+00 : f32
    %broadcast_in_dim3A_543 = vector.broadcast %broadcast_in_dim3A_542 : f32 to vector<16xf32>
    %broadcast_in_dim3A_544 = arith.constant 0 : i32
    %broadcast_in_dim3A_545 = vector.broadcast %broadcast_in_dim3A_544 : i32 to vector<16xi32>
    %parallel_loop3A_546 = arith.constant 0 : i32
    %parallel_loop3A_547 = arith.constant 552 : i32
    %parallel_loop3A_548 = arith.constant 1 : i32
    %parallel_loop3A_549:2 = scf.for %parallel_loop3A_2632 = %parallel_loop3A_546 to %parallel_loop3A_547 step %parallel_loop3A_548 iter_args(%parallel_loop3A_2633 = %broadcast_in_dim3A_543, %parallel_loop3A_2634 = %broadcast_in_dim3A_545) -> (vector<16xf32>, vector<16xi32>)  : i32 {
      %parallel_loop3A_2635 = arith.constant 16 : i32
      %parallel_loop3A_2636 = arith.muli %parallel_loop3A_2632, %parallel_loop3A_2635 : i32
      %parallel_loop3A_2637 = arith.index_cast %parallel_loop3A_2636 : i32 to index
      %parallel_loop3A_2638 = tpu.vector_load %arg6[%parallel_loop3A_2637] {strides = array<i32>} : memref<8832xf32, #tpu.memory_space<vmem>>, vector<16xf32>,
      %parallel_loop3A_2639 = vector.shape_cast %parallel_loop3A_2638 : vector<16xf32> to vector<16xf32>
      %parallel_loop3A_2640 = arith.index_cast %parallel_loop3A_2636 : i32 to index
      %parallel_loop3A_2641 = tpu.vector_load %arg7[%parallel_loop3A_2640] {strides = array<i32>} : memref<8832xf32, #tpu.memory_space<vmem>>, vector<16xf32>,
      %parallel_loop3A_2642 = vector.shape_cast %parallel_loop3A_2641 : vector<16xf32> to vector<16xf32>
      %parallel_loop3A_2643 = arith.index_cast %parallel_loop3A_2636 : i32 to index
      %parallel_loop3A_2644 = tpu.vector_load %arg8[%parallel_loop3A_2643] {strides = array<i32>} : memref<8832xf32, #tpu.memory_space<vmem>>, vector<16xf32>,
      %parallel_loop3A_2645 = vector.shape_cast %parallel_loop3A_2644 : vector<16xf32> to vector<16xf32>
      %parallel_loop3A_2646 = arith.index_cast %parallel_loop3A_2636 : i32 to index
      %parallel_loop3A_2647 = tpu.vector_load %arg9[%parallel_loop3A_2646] {strides = array<i32>} : memref<8832xf32, #tpu.memory_space<vmem>>, vector<16xf32>,
      %parallel_loop3A_2648 = vector.shape_cast %parallel_loop3A_2647 : vector<16xf32> to vector<16xf32>
      %parallel_loop3A_2649 = arith.subf %parallel_loop3A_2645, %parallel_loop3A_2639 : vector<16xf32>
      %parallel_loop3A_2650 = arith.subf %parallel_loop3A_2648, %parallel_loop3A_2642 : vector<16xf32>
      %parallel_loop3A_2651 = arith.mulf %parallel_loop3A_2649, %parallel_loop3A_2650 : vector<16xf32>
      %parallel_loop3A_2652 = arith.minimumf %parallel_loop3A_2645, %get3A_531 : vector<16xf32>
      %parallel_loop3A_2653 = arith.maximumf %parallel_loop3A_2639, %get3A_521 : vector<16xf32>
      %parallel_loop3A_2654 = arith.subf %parallel_loop3A_2652, %parallel_loop3A_2653 : vector<16xf32>
      %parallel_loop3A_2655 = arith.constant 0.000000e+00 : f32
      %parallel_loop3A_2656 = vector.broadcast %parallel_loop3A_2655 : f32 to vector<16xf32>
      %parallel_loop3A_2657 = arith.maximumf %parallel_loop3A_2654, %parallel_loop3A_2656 : vector<16xf32>
      %parallel_loop3A_2658 = arith.minimumf %parallel_loop3A_2648, %get3A_536 : vector<16xf32>
      %parallel_loop3A_2659 = arith.maximumf %parallel_loop3A_2642, %get3A_526 : vector<16xf32>
      %parallel_loop3A_2660 = arith.subf %parallel_loop3A_2658, %parallel_loop3A_2659 : vector<16xf32>
      %parallel_loop3A_2661 = arith.constant 0.000000e+00 : f32
      %parallel_loop3A_2662 = vector.broadcast %parallel_loop3A_2661 : f32 to vector<16xf32>
      %parallel_loop3A_2663 = arith.maximumf %parallel_loop3A_2660, %parallel_loop3A_2662 : vector<16xf32>
      %parallel_loop3A_2664 = arith.mulf %parallel_loop3A_2657, %parallel_loop3A_2663 : vector<16xf32>
      %parallel_loop3A_2665 = arith.addf %parallel_loop3A_2651, %mul3A_539 : vector<16xf32>
      %parallel_loop3A_2666 = arith.subf %parallel_loop3A_2665, %parallel_loop3A_2664 : vector<16xf32>
      %parallel_loop3A_2667 = arith.divf %parallel_loop3A_2664, %parallel_loop3A_2666 : vector<16xf32>
      %parallel_loop3A_2668 = arith.index_cast %parallel_loop3A_2636 : i32 to index
      %parallel_loop3A_2669 = tpu.vector_load %arg11[%parallel_loop3A_2668] {strides = array<i32>} : memref<8832xf32, #tpu.memory_space<vmem>>, vector<16xf32>,
      %parallel_loop3A_2670 = vector.shape_cast %parallel_loop3A_2669 : vector<16xf32> to vector<16xf32>
      %parallel_loop3A_2671 = arith.cmpf ogt, %parallel_loop3A_2667, %parallel_loop3A_2670 : vector<16xf32>
      %parallel_loop3A_2672 = arith.select %parallel_loop3A_2671, %parallel_loop3A_2667, %parallel_loop3A_2670 : vector<16xi1>, vector<16xf32>
      %parallel_loop3A_2673 = arith.index_cast %parallel_loop3A_2636 : i32 to index
      %parallel_loop3A_2674 = tpu.vector_load %arg11[%parallel_loop3A_2673] {strides = array<i32>} : memref<8832xf32, #tpu.memory_space<vmem>>, vector<16xf32>,
      %parallel_loop3A_2675 = vector.shape_cast %parallel_loop3A_2674 : vector<16xf32> to vector<16xf32>
      %parallel_loop3A_2676 = vector.shape_cast %parallel_loop3A_2672 : vector<16xf32> to vector<16xf32>
      tpu.vector_store %arg11[%parallel_loop3A_2673], %parallel_loop3A_2676 {strides = array<i32>} : memref<8832xf32, #tpu.memory_space<vmem>>, vector<16xf32>,
      %parallel_loop3A_2677 = arith.index_cast %parallel_loop3A_2636 : i32 to index
      %parallel_loop3A_2678 = tpu.vector_load %arg12[%parallel_loop3A_2677] {strides = array<i32>} : memref<8832xf32, #tpu.memory_space<vmem>>, vector<16xf32>,
      %parallel_loop3A_2679 = vector.shape_cast %parallel_loop3A_2678 : vector<16xf32> to vector<16xf32>
      %parallel_loop3A_2680 = arith.select %parallel_loop3A_2671, %broadcast_in_dim3A_541, %parallel_loop3A_2679 : vector<16xi1>, vector<16xf32>
      %parallel_loop3A_2681 = arith.index_cast %parallel_loop3A_2636 : i32 to index
      %parallel_loop3A_2682 = tpu.vector_load %arg12[%parallel_loop3A_2681] {strides = array<i32>} : memref<8832xf32, #tpu.memory_space<vmem>>, vector<16xf32>,
      %parallel_loop3A_2683 = vector.shape_cast %parallel_loop3A_2682 : vector<16xf32> to vector<16xf32>
      %parallel_loop3A_2684 = vector.shape_cast %parallel_loop3A_2680 : vector<16xf32> to vector<16xf32>
      tpu.vector_store %arg12[%parallel_loop3A_2681], %parallel_loop3A_2684 {strides = array<i32>} : memref<8832xf32, #tpu.memory_space<vmem>>, vector<16xf32>,
      %parallel_loop3A_2685 = arith.cmpf ogt, %parallel_loop3A_2667, %parallel_loop3A_2633 : vector<16xf32>
      %parallel_loop3A_2686 = arith.select %parallel_loop3A_2685, %parallel_loop3A_2667, %parallel_loop3A_2633 : vector<16xi1>, vector<16xf32>
      %parallel_loop3A_2687 = vector.broadcast %parallel_loop3A_2636 : i32 to vector<16xi32>
      %parallel_loop3A_2688 = arith.addi %parallel_loop3A_2687, %iota3A : vector<16xi32>
      %parallel_loop3A_2689 = arith.select %parallel_loop3A_2685, %parallel_loop3A_2688, %parallel_loop3A_2634 : vector<16xi1>, vector<16xi32>
      scf.yield %parallel_loop3A_2686, %parallel_loop3A_2689 : vector<16xf32>, vector<16xi32>
    } {sc.loop_unroll_factor = 8 : i64, sc.parallel_access}
    %slice3A_550 = vector.extract_strided_slice %parallel_loop3A_549#0 {offsets = [0], sizes = [1], strides = [1]} : vector<16xf32> to vector<1xf32>
    %squeeze3A_551 = vector.extract %slice3A_550[0] : f32 from vector<1xf32>
    %slice3A_552 = vector.extract_strided_slice %parallel_loop3A_549#1 {offsets = [0], sizes = [1], strides = [1]} : vector<16xi32> to vector<1xi32>
    %squeeze3A_553 = vector.extract %slice3A_552[0] : i32 from vector<1xi32>
    %slice3A_554 = vector.extract_strided_slice %parallel_loop3A_549#0 {offsets = [1], sizes = [1], strides = [1]} : vector<16xf32> to vector<1xf32>
    %squeeze3A_555 = vector.extract %slice3A_554[0] : f32 from vector<1xf32>
    %slice3A_556 = vector.extract_strided_slice %parallel_loop3A_549#1 {offsets = [1], sizes = [1], strides = [1]} : vector<16xi32> to vector<1xi32>
    %squeeze3A_557 = vector.extract %slice3A_556[0] : i32 from vector<1xi32>
    %gt3A_558 = arith.cmpf ogt, %squeeze3A_555, %squeeze3A_551 : f32
    %eq3A_559 = arith.cmpf oeq, %squeeze3A_555, %squeeze3A_551 : f32
    %lt3A_560 = arith.cmpi slt, %squeeze3A_557, %squeeze3A_553 : i32
    %and3A_561 = arith.andi %eq3A_559, %lt3A_560 : i1
    %or3A_562 = arith.ori %gt3A_558, %and3A_561 : i1
    %select_n3A_563 = arith.select %or3A_562, %squeeze3A_555, %squeeze3A_551 : f32
    %select_n3A_564 = arith.select %or3A_562, %squeeze3A_557, %squeeze3A_553 : i32
    %slice3A_565 = vector.extract_strided_slice %parallel_loop3A_549#0 {offsets = [2], sizes = [1], strides = [1]} : vector<16xf32> to vector<1xf32>
    %squeeze3A_566 = vector.extract %slice3A_565[0] : f32 from vector<1xf32>
    %slice3A_567 = vector.extract_strided_slice %parallel_loop3A_549#1 {offsets = [2], sizes = [1], strides = [1]} : vector<16xi32> to vector<1xi32>
    %squeeze3A_568 = vector.extract %slice3A_567[0] : i32 from vector<1xi32>
    %gt3A_569 = arith.cmpf ogt, %squeeze3A_566, %select_n3A_563 : f32
    %eq3A_570 = arith.cmpf oeq, %squeeze3A_566, %select_n3A_563 : f32
    %lt3A_571 = arith.cmpi slt, %squeeze3A_568, %select_n3A_564 : i32
    %and3A_572 = arith.andi %eq3A_570, %lt3A_571 : i1
    %or3A_573 = arith.ori %gt3A_569, %and3A_572 : i1
    %select_n3A_574 = arith.select %or3A_573, %squeeze3A_566, %select_n3A_563 : f32
    %select_n3A_575 = arith.select %or3A_573, %squeeze3A_568, %select_n3A_564 : i32
    %slice3A_576 = vector.extract_strided_slice %parallel_loop3A_549#0 {offsets = [3], sizes = [1], strides = [1]} : vector<16xf32> to vector<1xf32>
    %squeeze3A_577 = vector.extract %slice3A_576[0] : f32 from vector<1xf32>
    %slice3A_578 = vector.extract_strided_slice %parallel_loop3A_549#1 {offsets = [3], sizes = [1], strides = [1]} : vector<16xi32> to vector<1xi32>
    %squeeze3A_579 = vector.extract %slice3A_578[0] : i32 from vector<1xi32>
    %gt3A_580 = arith.cmpf ogt, %squeeze3A_577, %select_n3A_574 : f32
    %eq3A_581 = arith.cmpf oeq, %squeeze3A_577, %select_n3A_574 : f32
    %lt3A_582 = arith.cmpi slt, %squeeze3A_579, %select_n3A_575 : i32
    %and3A_583 = arith.andi %eq3A_581, %lt3A_582 : i1
    %or3A_584 = arith.ori %gt3A_580, %and3A_583 : i1
    %select_n3A_585 = arith.select %or3A_584, %squeeze3A_577, %select_n3A_574 : f32
    %select_n3A_586 = arith.select %or3A_584, %squeeze3A_579, %select_n3A_575 : i32
    %slice3A_587 = vector.extract_strided_slice %parallel_loop3A_549#0 {offsets = [4], sizes = [1], strides = [1]} : vector<16xf32> to vector<1xf32>
    %squeeze3A_588 = vector.extract %slice3A_587[0] : f32 from vector<1xf32>
    %slice3A_589 = vector.extract_strided_slice %parallel_loop3A_549#1 {offsets = [4], sizes = [1], strides = [1]} : vector<16xi32> to vector<1xi32>
    %squeeze3A_590 = vector.extract %slice3A_589[0] : i32 from vector<1xi32>
    %gt3A_591 = arith.cmpf ogt, %squeeze3A_588, %select_n3A_585 : f32
    %eq3A_592 = arith.cmpf oeq, %squeeze3A_588, %select_n3A_585 : f32
    %lt3A_593 = arith.cmpi slt, %squeeze3A_590, %select_n3A_586 : i32
    %and3A_594 = arith.andi %eq3A_592, %lt3A_593 : i1
    %or3A_595 = arith.ori %gt3A_591, %and3A_594 : i1
    %select_n3A_596 = arith.select %or3A_595, %squeeze3A_588, %select_n3A_585 : f32
    %select_n3A_597 = arith.select %or3A_595, %squeeze3A_590, %select_n3A_586 : i32
    %slice3A_598 = vector.extract_strided_slice %parallel_loop3A_549#0 {offsets = [5], sizes = [1], strides = [1]} : vector<16xf32> to vector<1xf32>
    %squeeze3A_599 = vector.extract %slice3A_598[0] : f32 from vector<1xf32>
    %slice3A_600 = vector.extract_strided_slice %parallel_loop3A_549#1 {offsets = [5], sizes = [1], strides = [1]} : vector<16xi32> to vector<1xi32>
    %squeeze3A_601 = vector.extract %slice3A_600[0] : i32 from vector<1xi32>
    %gt3A_602 = arith.cmpf ogt, %squeeze3A_599, %select_n3A_596 : f32
    %eq3A_603 = arith.cmpf oeq, %squeeze3A_599, %select_n3A_596 : f32
    %lt3A_604 = arith.cmpi slt, %squeeze3A_601, %select_n3A_597 : i32
    %and3A_605 = arith.andi %eq3A_603, %lt3A_604 : i1
    %or3A_606 = arith.ori %gt3A_602, %and3A_605 : i1
    %select_n3A_607 = arith.select %or3A_606, %squeeze3A_599, %select_n3A_596 : f32
    %select_n3A_608 = arith.select %or3A_606, %squeeze3A_601, %select_n3A_597 : i32
    %slice3A_609 = vector.extract_strided_slice %parallel_loop3A_549#0 {offsets = [6], sizes = [1], strides = [1]} : vector<16xf32> to vector<1xf32>
    %squeeze3A_610 = vector.extract %slice3A_609[0] : f32 from vector<1xf32>
    %slice3A_611 = vector.extract_strided_slice %parallel_loop3A_549#1 {offsets = [6], sizes = [1], strides = [1]} : vector<16xi32> to vector<1xi32>
    %squeeze3A_612 = vector.extract %slice3A_611[0] : i32 from vector<1xi32>
    %gt3A_613 = arith.cmpf ogt, %squeeze3A_610, %select_n3A_607 : f32
    %eq3A_614 = arith.cmpf oeq, %squeeze3A_610, %select_n3A_607 : f32
    %lt3A_615 = arith.cmpi slt, %squeeze3A_612, %select_n3A_608 : i32
    %and3A_616 = arith.andi %eq3A_614, %lt3A_615 : i1
    %or3A_617 = arith.ori %gt3A_613, %and3A_616 : i1
    %select_n3A_618 = arith.select %or3A_617, %squeeze3A_610, %select_n3A_607 : f32
    %select_n3A_619 = arith.select %or3A_617, %squeeze3A_612, %select_n3A_608 : i32
    %slice3A_620 = vector.extract_strided_slice %parallel_loop3A_549#0 {offsets = [7], sizes = [1], strides = [1]} : vector<16xf32> to vector<1xf32>
    %squeeze3A_621 = vector.extract %slice3A_620[0] : f32 from vector<1xf32>
    %slice3A_622 = vector.extract_strided_slice %parallel_loop3A_549#1 {offsets = [7], sizes = [1], strides = [1]} : vector<16xi32> to vector<1xi32>
    %squeeze3A_623 = vector.extract %slice3A_622[0] : i32 from vector<1xi32>
    %gt3A_624 = arith.cmpf ogt, %squeeze3A_621, %select_n3A_618 : f32
    %eq3A_625 = arith.cmpf oeq, %squeeze3A_621, %select_n3A_618 : f32
    %lt3A_626 = arith.cmpi slt, %squeeze3A_623, %select_n3A_619 : i32
    %and3A_627 = arith.andi %eq3A_625, %lt3A_626 : i1
    %or3A_628 = arith.ori %gt3A_624, %and3A_627 : i1
    %select_n3A_629 = arith.select %or3A_628, %squeeze3A_621, %select_n3A_618 : f32
    %select_n3A_630 = arith.select %or3A_628, %squeeze3A_623, %select_n3A_619 : i32
    %slice3A_631 = vector.extract_strided_slice %parallel_loop3A_549#0 {offsets = [8], sizes = [1], strides = [1]} : vector<16xf32> to vector<1xf32>
    %squeeze3A_632 = vector.extract %slice3A_631[0] : f32 from vector<1xf32>
    %slice3A_633 = vector.extract_strided_slice %parallel_loop3A_549#1 {offsets = [8], sizes = [1], strides = [1]} : vector<16xi32> to vector<1xi32>
    %squeeze3A_634 = vector.extract %slice3A_633[0] : i32 from vector<1xi32>
    %gt3A_635 = arith.cmpf ogt, %squeeze3A_632, %select_n3A_629 : f32
    %eq3A_636 = arith.cmpf oeq, %squeeze3A_632, %select_n3A_629 : f32
    %lt3A_637 = arith.cmpi slt, %squeeze3A_634, %select_n3A_630 : i32
    %and3A_638 = arith.andi %eq3A_636, %lt3A_637 : i1
    %or3A_639 = arith.ori %gt3A_635, %and3A_638 : i1
    %select_n3A_640 = arith.select %or3A_639, %squeeze3A_632, %select_n3A_629 : f32
    %select_n3A_641 = arith.select %or3A_639, %squeeze3A_634, %select_n3A_630 : i32
    %slice3A_642 = vector.extract_strided_slice %parallel_loop3A_549#0 {offsets = [9], sizes = [1], strides = [1]} : vector<16xf32> to vector<1xf32>
    %squeeze3A_643 = vector.extract %slice3A_642[0] : f32 from vector<1xf32>
    %slice3A_644 = vector.extract_strided_slice %parallel_loop3A_549#1 {offsets = [9], sizes = [1], strides = [1]} : vector<16xi32> to vector<1xi32>
    %squeeze3A_645 = vector.extract %slice3A_644[0] : i32 from vector<1xi32>
    %gt3A_646 = arith.cmpf ogt, %squeeze3A_643, %select_n3A_640 : f32
    %eq3A_647 = arith.cmpf oeq, %squeeze3A_643, %select_n3A_640 : f32
    %lt3A_648 = arith.cmpi slt, %squeeze3A_645, %select_n3A_641 : i32
    %and3A_649 = arith.andi %eq3A_647, %lt3A_648 : i1
    %or3A_650 = arith.ori %gt3A_646, %and3A_649 : i1
    %select_n3A_651 = arith.select %or3A_650, %squeeze3A_643, %select_n3A_640 : f32
    %select_n3A_652 = arith.select %or3A_650, %squeeze3A_645, %select_n3A_641 : i32
    %slice3A_653 = vector.extract_strided_slice %parallel_loop3A_549#0 {offsets = [10], sizes = [1], strides = [1]} : vector<16xf32> to vector<1xf32>
    %squeeze3A_654 = vector.extract %slice3A_653[0] : f32 from vector<1xf32>
    %slice3A_655 = vector.extract_strided_slice %parallel_loop3A_549#1 {offsets = [10], sizes = [1], strides = [1]} : vector<16xi32> to vector<1xi32>
    %squeeze3A_656 = vector.extract %slice3A_655[0] : i32 from vector<1xi32>
    %gt3A_657 = arith.cmpf ogt, %squeeze3A_654, %select_n3A_651 : f32
    %eq3A_658 = arith.cmpf oeq, %squeeze3A_654, %select_n3A_651 : f32
    %lt3A_659 = arith.cmpi slt, %squeeze3A_656, %select_n3A_652 : i32
    %and3A_660 = arith.andi %eq3A_658, %lt3A_659 : i1
    %or3A_661 = arith.ori %gt3A_657, %and3A_660 : i1
    %select_n3A_662 = arith.select %or3A_661, %squeeze3A_654, %select_n3A_651 : f32
    %select_n3A_663 = arith.select %or3A_661, %squeeze3A_656, %select_n3A_652 : i32
    %slice3A_664 = vector.extract_strided_slice %parallel_loop3A_549#0 {offsets = [11], sizes = [1], strides = [1]} : vector<16xf32> to vector<1xf32>
    %squeeze3A_665 = vector.extract %slice3A_664[0] : f32 from vector<1xf32>
    %slice3A_666 = vector.extract_strided_slice %parallel_loop3A_549#1 {offsets = [11], sizes = [1], strides = [1]} : vector<16xi32> to vector<1xi32>
    %squeeze3A_667 = vector.extract %slice3A_666[0] : i32 from vector<1xi32>
    %gt3A_668 = arith.cmpf ogt, %squeeze3A_665, %select_n3A_662 : f32
    %eq3A_669 = arith.cmpf oeq, %squeeze3A_665, %select_n3A_662 : f32
    %lt3A_670 = arith.cmpi slt, %squeeze3A_667, %select_n3A_663 : i32
    %and3A_671 = arith.andi %eq3A_669, %lt3A_670 : i1
    %or3A_672 = arith.ori %gt3A_668, %and3A_671 : i1
    %select_n3A_673 = arith.select %or3A_672, %squeeze3A_665, %select_n3A_662 : f32
    %select_n3A_674 = arith.select %or3A_672, %squeeze3A_667, %select_n3A_663 : i32
    %slice3A_675 = vector.extract_strided_slice %parallel_loop3A_549#0 {offsets = [12], sizes = [1], strides = [1]} : vector<16xf32> to vector<1xf32>
    %squeeze3A_676 = vector.extract %slice3A_675[0] : f32 from vector<1xf32>
    %slice3A_677 = vector.extract_strided_slice %parallel_loop3A_549#1 {offsets = [12], sizes = [1], strides = [1]} : vector<16xi32> to vector<1xi32>
    %squeeze3A_678 = vector.extract %slice3A_677[0] : i32 from vector<1xi32>
    %gt3A_679 = arith.cmpf ogt, %squeeze3A_676, %select_n3A_673 : f32
    %eq3A_680 = arith.cmpf oeq, %squeeze3A_676, %select_n3A_673 : f32
    %lt3A_681 = arith.cmpi slt, %squeeze3A_678, %select_n3A_674 : i32
    %and3A_682 = arith.andi %eq3A_680, %lt3A_681 : i1
    %or3A_683 = arith.ori %gt3A_679, %and3A_682 : i1
    %select_n3A_684 = arith.select %or3A_683, %squeeze3A_676, %select_n3A_673 : f32
    %select_n3A_685 = arith.select %or3A_683, %squeeze3A_678, %select_n3A_674 : i32
    %slice3A_686 = vector.extract_strided_slice %parallel_loop3A_549#0 {offsets = [13], sizes = [1], strides = [1]} : vector<16xf32> to vector<1xf32>
    %squeeze3A_687 = vector.extract %slice3A_686[0] : f32 from vector<1xf32>
    %slice3A_688 = vector.extract_strided_slice %parallel_loop3A_549#1 {offsets = [13], sizes = [1], strides = [1]} : vector<16xi32> to vector<1xi32>
    %squeeze3A_689 = vector.extract %slice3A_688[0] : i32 from vector<1xi32>
    %gt3A_690 = arith.cmpf ogt, %squeeze3A_687, %select_n3A_684 : f32
    %eq3A_691 = arith.cmpf oeq, %squeeze3A_687, %select_n3A_684 : f32
    %lt3A_692 = arith.cmpi slt, %squeeze3A_689, %select_n3A_685 : i32
    %and3A_693 = arith.andi %eq3A_691, %lt3A_692 : i1
    %or3A_694 = arith.ori %gt3A_690, %and3A_693 : i1
    %select_n3A_695 = arith.select %or3A_694, %squeeze3A_687, %select_n3A_684 : f32
    %select_n3A_696 = arith.select %or3A_694, %squeeze3A_689, %select_n3A_685 : i32
    %slice3A_697 = vector.extract_strided_slice %parallel_loop3A_549#0 {offsets = [14], sizes = [1], strides = [1]} : vector<16xf32> to vector<1xf32>
    %squeeze3A_698 = vector.extract %slice3A_697[0] : f32 from vector<1xf32>
    %slice3A_699 = vector.extract_strided_slice %parallel_loop3A_549#1 {offsets = [14], sizes = [1], strides = [1]} : vector<16xi32> to vector<1xi32>
    %squeeze3A_700 = vector.extract %slice3A_699[0] : i32 from vector<1xi32>
    %gt3A_701 = arith.cmpf ogt, %squeeze3A_698, %select_n3A_695 : f32
    %eq3A_702 = arith.cmpf oeq, %squeeze3A_698, %select_n3A_695 : f32
    %lt3A_703 = arith.cmpi slt, %squeeze3A_700, %select_n3A_696 : i32
    %and3A_704 = arith.andi %eq3A_702, %lt3A_703 : i1
    %or3A_705 = arith.ori %gt3A_701, %and3A_704 : i1
    %select_n3A_706 = arith.select %or3A_705, %squeeze3A_698, %select_n3A_695 : f32
    %select_n3A_707 = arith.select %or3A_705, %squeeze3A_700, %select_n3A_696 : i32
    %slice3A_708 = vector.extract_strided_slice %parallel_loop3A_549#0 {offsets = [15], sizes = [1], strides = [1]} : vector<16xf32> to vector<1xf32>
    %squeeze3A_709 = vector.extract %slice3A_708[0] : f32 from vector<1xf32>
    %slice3A_710 = vector.extract_strided_slice %parallel_loop3A_549#1 {offsets = [15], sizes = [1], strides = [1]} : vector<16xi32> to vector<1xi32>
    %squeeze3A_711 = vector.extract %slice3A_710[0] : i32 from vector<1xi32>
    %gt3A_712 = arith.cmpf ogt, %squeeze3A_709, %select_n3A_706 : f32
    %eq3A_713 = arith.cmpf oeq, %squeeze3A_709, %select_n3A_706 : f32
    %lt3A_714 = arith.cmpi slt, %squeeze3A_711, %select_n3A_707 : i32
    %and3A_715 = arith.andi %eq3A_713, %lt3A_714 : i1
    %or3A_716 = arith.ori %gt3A_712, %and3A_715 : i1
    %select_n3A_717 = arith.select %or3A_716, %squeeze3A_709, %select_n3A_706 : f32
    %select_n3A_718 = arith.select %or3A_716, %squeeze3A_711, %select_n3A_707 : i32
    %jit3A_719 = arith.constant 16 : i32
    %div3A_720 = arith.divsi %select_n3A_718, %jit3A_719 : i32
    %sign3A_721 = arith.constant 0 : i32
    %sign3A_722 = arith.cmpi sgt, %select_n3A_718, %sign3A_721 : i32
    %sign3A_723 = arith.extui %sign3A_722 : i1 to i32
    %sign3A_724 = arith.constant 0 : i32
    %sign3A_725 = arith.cmpi slt, %select_n3A_718, %sign3A_724 : i32
    %sign3A_726 = arith.extui %sign3A_725 : i1 to i32
    %sign3A_727 = arith.subi %sign3A_723, %sign3A_726 : i32
    %sign3A_728 = arith.constant 0 : i32
    %sign3A_729 = arith.cmpi sgt, %jit3A_719, %sign3A_728 : i32
    %sign3A_730 = arith.extui %sign3A_729 : i1 to i32
    %sign3A_731 = arith.constant 0 : i32
    %sign3A_732 = arith.cmpi slt, %jit3A_719, %sign3A_731 : i32
    %sign3A_733 = arith.extui %sign3A_732 : i1 to i32
    %sign3A_734 = arith.subi %sign3A_730, %sign3A_733 : i32
    %ne3A_735 = arith.cmpi ne, %sign3A_727, %sign3A_734 : i32
    %rem3A_736 = arith.remsi %select_n3A_718, %jit3A_719 : i32
    %ne3A_737 = arith.constant 0 : i32
    %ne3A_738 = arith.cmpi ne, %rem3A_736, %ne3A_737 : i32
    %and3A_739 = arith.andi %ne3A_735, %ne3A_738 : i1
    %sub3A_740 = arith.constant 1 : i32
    %sub3A_741 = arith.subi %div3A_720, %sub3A_740 : i32
    %select_n3A_742 = arith.select %and3A_739, %sub3A_741, %div3A_720 : i32
    %mul3A_743 = arith.constant 16 : i32
    %mul3A_744 = arith.muli %select_n3A_742, %mul3A_743 : i32
    %jit3A_745 = arith.constant 16 : i32
    %eq3A_746 = arith.constant 0 : i32
    %eq3A_747 = arith.cmpi eq, %jit3A_745, %eq3A_746 : i32
    %jit3A_748 = arith.constant 1 : i32
    %select_n3A_749 = arith.select %eq3A_747, %jit3A_748, %jit3A_745 : i32
    %rem3A_750 = arith.remsi %select_n3A_718, %select_n3A_749 : i32
    %ne3A_751 = arith.constant 0 : i32
    %ne3A_752 = arith.cmpi ne, %rem3A_750, %ne3A_751 : i32
    %lt3A_753 = arith.constant 0 : i32
    %lt3A_754 = arith.cmpi slt, %rem3A_750, %lt3A_753 : i32
    %lt3A_755 = arith.constant 0 : i32
    %lt3A_756 = arith.cmpi slt, %select_n3A_749, %lt3A_755 : i32
    %ne3A_757 = arith.xori %lt3A_754, %lt3A_756 : i1
    %and3A_758 = arith.andi %ne3A_757, %ne3A_752 : i1
    %add3A_759 = arith.addi %rem3A_750, %select_n3A_749 : i32
    %select_n3A_760 = arith.select %and3A_758, %add3A_759, %rem3A_750 : i32
    %eq3A_761 = vector.broadcast %select_n3A_760 : i32 to vector<16xi32>
    %eq3A_762 = arith.cmpi eq, %iota3A, %eq3A_761 : vector<16xi32>
    %get3A_763 = arith.index_cast %mul3A_744 : i32 to index
    %get3A_764 = tpu.vector_load %arg11[%get3A_763] {strides = array<i32>} : memref<8832xf32, #tpu.memory_space<vmem>>, vector<16xf32>,
    %get3A_765 = vector.shape_cast %get3A_764 : vector<16xf32> to vector<16xf32>
    %jit3A_766 = arith.constant 2.000000e+00 : f32
    %broadcast_in_dim3A_767 = vector.broadcast %jit3A_766 : f32 to vector<16xf32>
    %select_n3A_768 = arith.select %eq3A_762, %broadcast_in_dim3A_767, %get3A_765 : vector<16xi1>, vector<16xf32>
    %swap3A_769 = arith.index_cast %mul3A_744 : i32 to index
    %swap3A_770 = tpu.vector_load %arg11[%swap3A_769] {strides = array<i32>} : memref<8832xf32, #tpu.memory_space<vmem>>, vector<16xf32>,
    %swap3A_771 = vector.shape_cast %swap3A_770 : vector<16xf32> to vector<16xf32>
    %swap3A_772 = vector.shape_cast %select_n3A_768 : vector<16xf32> to vector<16xf32>
    tpu.vector_store %arg11[%swap3A_769], %swap3A_772 {strides = array<i32>} : memref<8832xf32, #tpu.memory_space<vmem>>, vector<16xf32>,
    %get3A_773 = arith.index_cast %mul3A_744 : i32 to index
    %get3A_774 = tpu.vector_load %arg12[%get3A_773] {strides = array<i32>} : memref<8832xf32, #tpu.memory_space<vmem>>, vector<16xf32>,
    %get3A_775 = vector.shape_cast %get3A_774 : vector<16xf32> to vector<16xf32>
    %select_n3A_776 = arith.select %eq3A_762, %broadcast_in_dim3A_541, %get3A_775 : vector<16xi1>, vector<16xf32>
    %swap3A_777 = arith.index_cast %mul3A_744 : i32 to index
    %swap3A_778 = tpu.vector_load %arg12[%swap3A_777] {strides = array<i32>} : memref<8832xf32, #tpu.memory_space<vmem>>, vector<16xf32>,
    %swap3A_779 = vector.shape_cast %swap3A_778 : vector<16xf32> to vector<16xf32>
    %swap3A_780 = vector.shape_cast %select_n3A_776 : vector<16xf32> to vector<16xf32>
    tpu.vector_store %arg12[%swap3A_777], %swap3A_780 {strides = array<i32>} : memref<8832xf32, #tpu.memory_space<vmem>>, vector<16xf32>,
    %get3A_781 = arith.constant 12 : i32
    %get3A_782 = arith.index_cast %get3A_781 : i32 to index
    %get3A_783 = arith.constant 0 : index
    %get3A_784 = tpu.vector_load %arg10[%get3A_782, %get3A_783] {strides = array<i32>} : memref<40x16xf32, #tpu.memory_space<vmem>>, vector<1x16xf32>,
    %get3A_785 = vector.shape_cast %get3A_784 : vector<1x16xf32> to vector<16xf32>
    %get3A_786 = arith.constant 13 : i32
    %get3A_787 = arith.index_cast %get3A_786 : i32 to index
    %get3A_788 = arith.constant 0 : index
    %get3A_789 = tpu.vector_load %arg10[%get3A_787, %get3A_788] {strides = array<i32>} : memref<40x16xf32, #tpu.memory_space<vmem>>, vector<1x16xf32>,
    %get3A_790 = vector.shape_cast %get3A_789 : vector<1x16xf32> to vector<16xf32>
    %get3A_791 = arith.constant 14 : i32
    %get3A_792 = arith.index_cast %get3A_791 : i32 to index
    %get3A_793 = arith.constant 0 : index
    %get3A_794 = tpu.vector_load %arg10[%get3A_792, %get3A_793] {strides = array<i32>} : memref<40x16xf32, #tpu.memory_space<vmem>>, vector<1x16xf32>,
    %get3A_795 = vector.shape_cast %get3A_794 : vector<1x16xf32> to vector<16xf32>
    %get3A_796 = arith.constant 15 : i32
    %get3A_797 = arith.index_cast %get3A_796 : i32 to index
    %get3A_798 = arith.constant 0 : index
    %get3A_799 = tpu.vector_load %arg10[%get3A_797, %get3A_798] {strides = array<i32>} : memref<40x16xf32, #tpu.memory_space<vmem>>, vector<1x16xf32>,
    %get3A_800 = vector.shape_cast %get3A_799 : vector<1x16xf32> to vector<16xf32>
    %sub3A_801 = arith.subf %get3A_795, %get3A_785 : vector<16xf32>
    %sub3A_802 = arith.subf %get3A_800, %get3A_790 : vector<16xf32>
    %mul3A_803 = arith.mulf %sub3A_801, %sub3A_802 : vector<16xf32>
    %broadcast_in_dim3A_804 = arith.constant 3.000000e+00 : f32
    %broadcast_in_dim3A_805 = vector.broadcast %broadcast_in_dim3A_804 : f32 to vector<16xf32>
    %broadcast_in_dim3A_806 = arith.constant -2.000000e+00 : f32
    %broadcast_in_dim3A_807 = vector.broadcast %broadcast_in_dim3A_806 : f32 to vector<16xf32>
    %broadcast_in_dim3A_808 = arith.constant 0 : i32
    %broadcast_in_dim3A_809 = vector.broadcast %broadcast_in_dim3A_808 : i32 to vector<16xi32>
    %parallel_loop3A_810 = arith.constant 0 : i32
    %parallel_loop3A_811 = arith.constant 552 : i32
    %parallel_loop3A_812 = arith.constant 1 : i32
    %parallel_loop3A_813:2 = scf.for %parallel_loop3A_2632 = %parallel_loop3A_810 to %parallel_loop3A_811 step %parallel_loop3A_812 iter_args(%parallel_loop3A_2633 = %broadcast_in_dim3A_807, %parallel_loop3A_2634 = %broadcast_in_dim3A_809) -> (vector<16xf32>, vector<16xi32>)  : i32 {
      %parallel_loop3A_2635 = arith.constant 16 : i32
      %parallel_loop3A_2636 = arith.muli %parallel_loop3A_2632, %parallel_loop3A_2635 : i32
      %parallel_loop3A_2637 = arith.index_cast %parallel_loop3A_2636 : i32 to index
      %parallel_loop3A_2638 = tpu.vector_load %arg6[%parallel_loop3A_2637] {strides = array<i32>} : memref<8832xf32, #tpu.memory_space<vmem>>, vector<16xf32>,
      %parallel_loop3A_2639 = vector.shape_cast %parallel_loop3A_2638 : vector<16xf32> to vector<16xf32>
      %parallel_loop3A_2640 = arith.index_cast %parallel_loop3A_2636 : i32 to index
      %parallel_loop3A_2641 = tpu.vector_load %arg7[%parallel_loop3A_2640] {strides = array<i32>} : memref<8832xf32, #tpu.memory_space<vmem>>, vector<16xf32>,
      %parallel_loop3A_2642 = vector.shape_cast %parallel_loop3A_2641 : vector<16xf32> to vector<16xf32>
      %parallel_loop3A_2643 = arith.index_cast %parallel_loop3A_2636 : i32 to index
      %parallel_loop3A_2644 = tpu.vector_load %arg8[%parallel_loop3A_2643] {strides = array<i32>} : memref<8832xf32, #tpu.memory_space<vmem>>, vector<16xf32>,
      %parallel_loop3A_2645 = vector.shape_cast %parallel_loop3A_2644 : vector<16xf32> to vector<16xf32>
      %parallel_loop3A_2646 = arith.index_cast %parallel_loop3A_2636 : i32 to index
      %parallel_loop3A_2647 = tpu.vector_load %arg9[%parallel_loop3A_2646] {strides = array<i32>} : memref<8832xf32, #tpu.memory_space<vmem>>, vector<16xf32>,
      %parallel_loop3A_2648 = vector.shape_cast %parallel_loop3A_2647 : vector<16xf32> to vector<16xf32>
      %parallel_loop3A_2649 = arith.subf %parallel_loop3A_2645, %parallel_loop3A_2639 : vector<16xf32>
      %parallel_loop3A_2650 = arith.subf %parallel_loop3A_2648, %parallel_loop3A_2642 : vector<16xf32>
      %parallel_loop3A_2651 = arith.mulf %parallel_loop3A_2649, %parallel_loop3A_2650 : vector<16xf32>
      %parallel_loop3A_2652 = arith.minimumf %parallel_loop3A_2645, %get3A_795 : vector<16xf32>
      %parallel_loop3A_2653 = arith.maximumf %parallel_loop3A_2639, %get3A_785 : vector<16xf32>
      %parallel_loop3A_2654 = arith.subf %parallel_loop3A_2652, %parallel_loop3A_2653 : vector<16xf32>
      %parallel_loop3A_2655 = arith.constant 0.000000e+00 : f32
      %parallel_loop3A_2656 = vector.broadcast %parallel_loop3A_2655 : f32 to vector<16xf32>
      %parallel_loop3A_2657 = arith.maximumf %parallel_loop3A_2654, %parallel_loop3A_2656 : vector<16xf32>
      %parallel_loop3A_2658 = arith.minimumf %parallel_loop3A_2648, %get3A_800 : vector<16xf32>
      %parallel_loop3A_2659 = arith.maximumf %parallel_loop3A_2642, %get3A_790 : vector<16xf32>
      %parallel_loop3A_2660 = arith.subf %parallel_loop3A_2658, %parallel_loop3A_2659 : vector<16xf32>
      %parallel_loop3A_2661 = arith.constant 0.000000e+00 : f32
      %parallel_loop3A_2662 = vector.broadcast %parallel_loop3A_2661 : f32 to vector<16xf32>
      %parallel_loop3A_2663 = arith.maximumf %parallel_loop3A_2660, %parallel_loop3A_2662 : vector<16xf32>
      %parallel_loop3A_2664 = arith.mulf %parallel_loop3A_2657, %parallel_loop3A_2663 : vector<16xf32>
      %parallel_loop3A_2665 = arith.addf %parallel_loop3A_2651, %mul3A_803 : vector<16xf32>
      %parallel_loop3A_2666 = arith.subf %parallel_loop3A_2665, %parallel_loop3A_2664 : vector<16xf32>
      %parallel_loop3A_2667 = arith.divf %parallel_loop3A_2664, %parallel_loop3A_2666 : vector<16xf32>
      %parallel_loop3A_2668 = arith.index_cast %parallel_loop3A_2636 : i32 to index
      %parallel_loop3A_2669 = tpu.vector_load %arg11[%parallel_loop3A_2668] {strides = array<i32>} : memref<8832xf32, #tpu.memory_space<vmem>>, vector<16xf32>,
      %parallel_loop3A_2670 = vector.shape_cast %parallel_loop3A_2669 : vector<16xf32> to vector<16xf32>
      %parallel_loop3A_2671 = arith.cmpf ogt, %parallel_loop3A_2667, %parallel_loop3A_2670 : vector<16xf32>
      %parallel_loop3A_2672 = arith.select %parallel_loop3A_2671, %parallel_loop3A_2667, %parallel_loop3A_2670 : vector<16xi1>, vector<16xf32>
      %parallel_loop3A_2673 = arith.index_cast %parallel_loop3A_2636 : i32 to index
      %parallel_loop3A_2674 = tpu.vector_load %arg11[%parallel_loop3A_2673] {strides = array<i32>} : memref<8832xf32, #tpu.memory_space<vmem>>, vector<16xf32>,
      %parallel_loop3A_2675 = vector.shape_cast %parallel_loop3A_2674 : vector<16xf32> to vector<16xf32>
      %parallel_loop3A_2676 = vector.shape_cast %parallel_loop3A_2672 : vector<16xf32> to vector<16xf32>
      tpu.vector_store %arg11[%parallel_loop3A_2673], %parallel_loop3A_2676 {strides = array<i32>} : memref<8832xf32, #tpu.memory_space<vmem>>, vector<16xf32>,
      %parallel_loop3A_2677 = arith.index_cast %parallel_loop3A_2636 : i32 to index
      %parallel_loop3A_2678 = tpu.vector_load %arg12[%parallel_loop3A_2677] {strides = array<i32>} : memref<8832xf32, #tpu.memory_space<vmem>>, vector<16xf32>,
      %parallel_loop3A_2679 = vector.shape_cast %parallel_loop3A_2678 : vector<16xf32> to vector<16xf32>
      %parallel_loop3A_2680 = arith.select %parallel_loop3A_2671, %broadcast_in_dim3A_805, %parallel_loop3A_2679 : vector<16xi1>, vector<16xf32>
      %parallel_loop3A_2681 = arith.index_cast %parallel_loop3A_2636 : i32 to index
      %parallel_loop3A_2682 = tpu.vector_load %arg12[%parallel_loop3A_2681] {strides = array<i32>} : memref<8832xf32, #tpu.memory_space<vmem>>, vector<16xf32>,
      %parallel_loop3A_2683 = vector.shape_cast %parallel_loop3A_2682 : vector<16xf32> to vector<16xf32>
      %parallel_loop3A_2684 = vector.shape_cast %parallel_loop3A_2680 : vector<16xf32> to vector<16xf32>
      tpu.vector_store %arg12[%parallel_loop3A_2681], %parallel_loop3A_2684 {strides = array<i32>} : memref<8832xf32, #tpu.memory_space<vmem>>, vector<16xf32>,
      %parallel_loop3A_2685 = arith.cmpf ogt, %parallel_loop3A_2667, %parallel_loop3A_2633 : vector<16xf32>
      %parallel_loop3A_2686 = arith.select %parallel_loop3A_2685, %parallel_loop3A_2667, %parallel_loop3A_2633 : vector<16xi1>, vector<16xf32>
      %parallel_loop3A_2687 = vector.broadcast %parallel_loop3A_2636 : i32 to vector<16xi32>
      %parallel_loop3A_2688 = arith.addi %parallel_loop3A_2687, %iota3A : vector<16xi32>
      %parallel_loop3A_2689 = arith.select %parallel_loop3A_2685, %parallel_loop3A_2688, %parallel_loop3A_2634 : vector<16xi1>, vector<16xi32>
      scf.yield %parallel_loop3A_2686, %parallel_loop3A_2689 : vector<16xf32>, vector<16xi32>
    } {sc.loop_unroll_factor = 8 : i64, sc.parallel_access}
    %slice3A_814 = vector.extract_strided_slice %parallel_loop3A_813#0 {offsets = [0], sizes = [1], strides = [1]} : vector<16xf32> to vector<1xf32>
    %squeeze3A_815 = vector.extract %slice3A_814[0] : f32 from vector<1xf32>
    %slice3A_816 = vector.extract_strided_slice %parallel_loop3A_813#1 {offsets = [0], sizes = [1], strides = [1]} : vector<16xi32> to vector<1xi32>
    %squeeze3A_817 = vector.extract %slice3A_816[0] : i32 from vector<1xi32>
    %slice3A_818 = vector.extract_strided_slice %parallel_loop3A_813#0 {offsets = [1], sizes = [1], strides = [1]} : vector<16xf32> to vector<1xf32>
    %squeeze3A_819 = vector.extract %slice3A_818[0] : f32 from vector<1xf32>
    %slice3A_820 = vector.extract_strided_slice %parallel_loop3A_813#1 {offsets = [1], sizes = [1], strides = [1]} : vector<16xi32> to vector<1xi32>
    %squeeze3A_821 = vector.extract %slice3A_820[0] : i32 from vector<1xi32>
    %gt3A_822 = arith.cmpf ogt, %squeeze3A_819, %squeeze3A_815 : f32
    %eq3A_823 = arith.cmpf oeq, %squeeze3A_819, %squeeze3A_815 : f32
    %lt3A_824 = arith.cmpi slt, %squeeze3A_821, %squeeze3A_817 : i32
    %and3A_825 = arith.andi %eq3A_823, %lt3A_824 : i1
    %or3A_826 = arith.ori %gt3A_822, %and3A_825 : i1
    %select_n3A_827 = arith.select %or3A_826, %squeeze3A_819, %squeeze3A_815 : f32
    %select_n3A_828 = arith.select %or3A_826, %squeeze3A_821, %squeeze3A_817 : i32
    %slice3A_829 = vector.extract_strided_slice %parallel_loop3A_813#0 {offsets = [2], sizes = [1], strides = [1]} : vector<16xf32> to vector<1xf32>
    %squeeze3A_830 = vector.extract %slice3A_829[0] : f32 from vector<1xf32>
    %slice3A_831 = vector.extract_strided_slice %parallel_loop3A_813#1 {offsets = [2], sizes = [1], strides = [1]} : vector<16xi32> to vector<1xi32>
    %squeeze3A_832 = vector.extract %slice3A_831[0] : i32 from vector<1xi32>
    %gt3A_833 = arith.cmpf ogt, %squeeze3A_830, %select_n3A_827 : f32
    %eq3A_834 = arith.cmpf oeq, %squeeze3A_830, %select_n3A_827 : f32
    %lt3A_835 = arith.cmpi slt, %squeeze3A_832, %select_n3A_828 : i32
    %and3A_836 = arith.andi %eq3A_834, %lt3A_835 : i1
    %or3A_837 = arith.ori %gt3A_833, %and3A_836 : i1
    %select_n3A_838 = arith.select %or3A_837, %squeeze3A_830, %select_n3A_827 : f32
    %select_n3A_839 = arith.select %or3A_837, %squeeze3A_832, %select_n3A_828 : i32
    %slice3A_840 = vector.extract_strided_slice %parallel_loop3A_813#0 {offsets = [3], sizes = [1], strides = [1]} : vector<16xf32> to vector<1xf32>
    %squeeze3A_841 = vector.extract %slice3A_840[0] : f32 from vector<1xf32>
    %slice3A_842 = vector.extract_strided_slice %parallel_loop3A_813#1 {offsets = [3], sizes = [1], strides = [1]} : vector<16xi32> to vector<1xi32>
    %squeeze3A_843 = vector.extract %slice3A_842[0] : i32 from vector<1xi32>
    %gt3A_844 = arith.cmpf ogt, %squeeze3A_841, %select_n3A_838 : f32
    %eq3A_845 = arith.cmpf oeq, %squeeze3A_841, %select_n3A_838 : f32
    %lt3A_846 = arith.cmpi slt, %squeeze3A_843, %select_n3A_839 : i32
    %and3A_847 = arith.andi %eq3A_845, %lt3A_846 : i1
    %or3A_848 = arith.ori %gt3A_844, %and3A_847 : i1
    %select_n3A_849 = arith.select %or3A_848, %squeeze3A_841, %select_n3A_838 : f32
    %select_n3A_850 = arith.select %or3A_848, %squeeze3A_843, %select_n3A_839 : i32
    %slice3A_851 = vector.extract_strided_slice %parallel_loop3A_813#0 {offsets = [4], sizes = [1], strides = [1]} : vector<16xf32> to vector<1xf32>
    %squeeze3A_852 = vector.extract %slice3A_851[0] : f32 from vector<1xf32>
    %slice3A_853 = vector.extract_strided_slice %parallel_loop3A_813#1 {offsets = [4], sizes = [1], strides = [1]} : vector<16xi32> to vector<1xi32>
    %squeeze3A_854 = vector.extract %slice3A_853[0] : i32 from vector<1xi32>
    %gt3A_855 = arith.cmpf ogt, %squeeze3A_852, %select_n3A_849 : f32
    %eq3A_856 = arith.cmpf oeq, %squeeze3A_852, %select_n3A_849 : f32
    %lt3A_857 = arith.cmpi slt, %squeeze3A_854, %select_n3A_850 : i32
    %and3A_858 = arith.andi %eq3A_856, %lt3A_857 : i1
    %or3A_859 = arith.ori %gt3A_855, %and3A_858 : i1
    %select_n3A_860 = arith.select %or3A_859, %squeeze3A_852, %select_n3A_849 : f32
    %select_n3A_861 = arith.select %or3A_859, %squeeze3A_854, %select_n3A_850 : i32
    %slice3A_862 = vector.extract_strided_slice %parallel_loop3A_813#0 {offsets = [5], sizes = [1], strides = [1]} : vector<16xf32> to vector<1xf32>
    %squeeze3A_863 = vector.extract %slice3A_862[0] : f32 from vector<1xf32>
    %slice3A_864 = vector.extract_strided_slice %parallel_loop3A_813#1 {offsets = [5], sizes = [1], strides = [1]} : vector<16xi32> to vector<1xi32>
    %squeeze3A_865 = vector.extract %slice3A_864[0] : i32 from vector<1xi32>
    %gt3A_866 = arith.cmpf ogt, %squeeze3A_863, %select_n3A_860 : f32
    %eq3A_867 = arith.cmpf oeq, %squeeze3A_863, %select_n3A_860 : f32
    %lt3A_868 = arith.cmpi slt, %squeeze3A_865, %select_n3A_861 : i32
    %and3A_869 = arith.andi %eq3A_867, %lt3A_868 : i1
    %or3A_870 = arith.ori %gt3A_866, %and3A_869 : i1
    %select_n3A_871 = arith.select %or3A_870, %squeeze3A_863, %select_n3A_860 : f32
    %select_n3A_872 = arith.select %or3A_870, %squeeze3A_865, %select_n3A_861 : i32
    %slice3A_873 = vector.extract_strided_slice %parallel_loop3A_813#0 {offsets = [6], sizes = [1], strides = [1]} : vector<16xf32> to vector<1xf32>
    %squeeze3A_874 = vector.extract %slice3A_873[0] : f32 from vector<1xf32>
    %slice3A_875 = vector.extract_strided_slice %parallel_loop3A_813#1 {offsets = [6], sizes = [1], strides = [1]} : vector<16xi32> to vector<1xi32>
    %squeeze3A_876 = vector.extract %slice3A_875[0] : i32 from vector<1xi32>
    %gt3A_877 = arith.cmpf ogt, %squeeze3A_874, %select_n3A_871 : f32
    %eq3A_878 = arith.cmpf oeq, %squeeze3A_874, %select_n3A_871 : f32
    %lt3A_879 = arith.cmpi slt, %squeeze3A_876, %select_n3A_872 : i32
    %and3A_880 = arith.andi %eq3A_878, %lt3A_879 : i1
    %or3A_881 = arith.ori %gt3A_877, %and3A_880 : i1
    %select_n3A_882 = arith.select %or3A_881, %squeeze3A_874, %select_n3A_871 : f32
    %select_n3A_883 = arith.select %or3A_881, %squeeze3A_876, %select_n3A_872 : i32
    %slice3A_884 = vector.extract_strided_slice %parallel_loop3A_813#0 {offsets = [7], sizes = [1], strides = [1]} : vector<16xf32> to vector<1xf32>
    %squeeze3A_885 = vector.extract %slice3A_884[0] : f32 from vector<1xf32>
    %slice3A_886 = vector.extract_strided_slice %parallel_loop3A_813#1 {offsets = [7], sizes = [1], strides = [1]} : vector<16xi32> to vector<1xi32>
    %squeeze3A_887 = vector.extract %slice3A_886[0] : i32 from vector<1xi32>
    %gt3A_888 = arith.cmpf ogt, %squeeze3A_885, %select_n3A_882 : f32
    %eq3A_889 = arith.cmpf oeq, %squeeze3A_885, %select_n3A_882 : f32
    %lt3A_890 = arith.cmpi slt, %squeeze3A_887, %select_n3A_883 : i32
    %and3A_891 = arith.andi %eq3A_889, %lt3A_890 : i1
    %or3A_892 = arith.ori %gt3A_888, %and3A_891 : i1
    %select_n3A_893 = arith.select %or3A_892, %squeeze3A_885, %select_n3A_882 : f32
    %select_n3A_894 = arith.select %or3A_892, %squeeze3A_887, %select_n3A_883 : i32
    %slice3A_895 = vector.extract_strided_slice %parallel_loop3A_813#0 {offsets = [8], sizes = [1], strides = [1]} : vector<16xf32> to vector<1xf32>
    %squeeze3A_896 = vector.extract %slice3A_895[0] : f32 from vector<1xf32>
    %slice3A_897 = vector.extract_strided_slice %parallel_loop3A_813#1 {offsets = [8], sizes = [1], strides = [1]} : vector<16xi32> to vector<1xi32>
    %squeeze3A_898 = vector.extract %slice3A_897[0] : i32 from vector<1xi32>
    %gt3A_899 = arith.cmpf ogt, %squeeze3A_896, %select_n3A_893 : f32
    %eq3A_900 = arith.cmpf oeq, %squeeze3A_896, %select_n3A_893 : f32
    %lt3A_901 = arith.cmpi slt, %squeeze3A_898, %select_n3A_894 : i32
    %and3A_902 = arith.andi %eq3A_900, %lt3A_901 : i1
    %or3A_903 = arith.ori %gt3A_899, %and3A_902 : i1
    %select_n3A_904 = arith.select %or3A_903, %squeeze3A_896, %select_n3A_893 : f32
    %select_n3A_905 = arith.select %or3A_903, %squeeze3A_898, %select_n3A_894 : i32
    %slice3A_906 = vector.extract_strided_slice %parallel_loop3A_813#0 {offsets = [9], sizes = [1], strides = [1]} : vector<16xf32> to vector<1xf32>
    %squeeze3A_907 = vector.extract %slice3A_906[0] : f32 from vector<1xf32>
    %slice3A_908 = vector.extract_strided_slice %parallel_loop3A_813#1 {offsets = [9], sizes = [1], strides = [1]} : vector<16xi32> to vector<1xi32>
    %squeeze3A_909 = vector.extract %slice3A_908[0] : i32 from vector<1xi32>
    %gt3A_910 = arith.cmpf ogt, %squeeze3A_907, %select_n3A_904 : f32
    %eq3A_911 = arith.cmpf oeq, %squeeze3A_907, %select_n3A_904 : f32
    %lt3A_912 = arith.cmpi slt, %squeeze3A_909, %select_n3A_905 : i32
    %and3A_913 = arith.andi %eq3A_911, %lt3A_912 : i1
    %or3A_914 = arith.ori %gt3A_910, %and3A_913 : i1
    %select_n3A_915 = arith.select %or3A_914, %squeeze3A_907, %select_n3A_904 : f32
    %select_n3A_916 = arith.select %or3A_914, %squeeze3A_909, %select_n3A_905 : i32
    %slice3A_917 = vector.extract_strided_slice %parallel_loop3A_813#0 {offsets = [10], sizes = [1], strides = [1]} : vector<16xf32> to vector<1xf32>
    %squeeze3A_918 = vector.extract %slice3A_917[0] : f32 from vector<1xf32>
    %slice3A_919 = vector.extract_strided_slice %parallel_loop3A_813#1 {offsets = [10], sizes = [1], strides = [1]} : vector<16xi32> to vector<1xi32>
    %squeeze3A_920 = vector.extract %slice3A_919[0] : i32 from vector<1xi32>
    %gt3A_921 = arith.cmpf ogt, %squeeze3A_918, %select_n3A_915 : f32
    %eq3A_922 = arith.cmpf oeq, %squeeze3A_918, %select_n3A_915 : f32
    %lt3A_923 = arith.cmpi slt, %squeeze3A_920, %select_n3A_916 : i32
    %and3A_924 = arith.andi %eq3A_922, %lt3A_923 : i1
    %or3A_925 = arith.ori %gt3A_921, %and3A_924 : i1
    %select_n3A_926 = arith.select %or3A_925, %squeeze3A_918, %select_n3A_915 : f32
    %select_n3A_927 = arith.select %or3A_925, %squeeze3A_920, %select_n3A_916 : i32
    %slice3A_928 = vector.extract_strided_slice %parallel_loop3A_813#0 {offsets = [11], sizes = [1], strides = [1]} : vector<16xf32> to vector<1xf32>
    %squeeze3A_929 = vector.extract %slice3A_928[0] : f32 from vector<1xf32>
    %slice3A_930 = vector.extract_strided_slice %parallel_loop3A_813#1 {offsets = [11], sizes = [1], strides = [1]} : vector<16xi32> to vector<1xi32>
    %squeeze3A_931 = vector.extract %slice3A_930[0] : i32 from vector<1xi32>
    %gt3A_932 = arith.cmpf ogt, %squeeze3A_929, %select_n3A_926 : f32
    %eq3A_933 = arith.cmpf oeq, %squeeze3A_929, %select_n3A_926 : f32
    %lt3A_934 = arith.cmpi slt, %squeeze3A_931, %select_n3A_927 : i32
    %and3A_935 = arith.andi %eq3A_933, %lt3A_934 : i1
    %or3A_936 = arith.ori %gt3A_932, %and3A_935 : i1
    %select_n3A_937 = arith.select %or3A_936, %squeeze3A_929, %select_n3A_926 : f32
    %select_n3A_938 = arith.select %or3A_936, %squeeze3A_931, %select_n3A_927 : i32
    %slice3A_939 = vector.extract_strided_slice %parallel_loop3A_813#0 {offsets = [12], sizes = [1], strides = [1]} : vector<16xf32> to vector<1xf32>
    %squeeze3A_940 = vector.extract %slice3A_939[0] : f32 from vector<1xf32>
    %slice3A_941 = vector.extract_strided_slice %parallel_loop3A_813#1 {offsets = [12], sizes = [1], strides = [1]} : vector<16xi32> to vector<1xi32>
    %squeeze3A_942 = vector.extract %slice3A_941[0] : i32 from vector<1xi32>
    %gt3A_943 = arith.cmpf ogt, %squeeze3A_940, %select_n3A_937 : f32
    %eq3A_944 = arith.cmpf oeq, %squeeze3A_940, %select_n3A_937 : f32
    %lt3A_945 = arith.cmpi slt, %squeeze3A_942, %select_n3A_938 : i32
    %and3A_946 = arith.andi %eq3A_944, %lt3A_945 : i1
    %or3A_947 = arith.ori %gt3A_943, %and3A_946 : i1
    %select_n3A_948 = arith.select %or3A_947, %squeeze3A_940, %select_n3A_937 : f32
    %select_n3A_949 = arith.select %or3A_947, %squeeze3A_942, %select_n3A_938 : i32
    %slice3A_950 = vector.extract_strided_slice %parallel_loop3A_813#0 {offsets = [13], sizes = [1], strides = [1]} : vector<16xf32> to vector<1xf32>
    %squeeze3A_951 = vector.extract %slice3A_950[0] : f32 from vector<1xf32>
    %slice3A_952 = vector.extract_strided_slice %parallel_loop3A_813#1 {offsets = [13], sizes = [1], strides = [1]} : vector<16xi32> to vector<1xi32>
    %squeeze3A_953 = vector.extract %slice3A_952[0] : i32 from vector<1xi32>
    %gt3A_954 = arith.cmpf ogt, %squeeze3A_951, %select_n3A_948 : f32
    %eq3A_955 = arith.cmpf oeq, %squeeze3A_951, %select_n3A_948 : f32
    %lt3A_956 = arith.cmpi slt, %squeeze3A_953, %select_n3A_949 : i32
    %and3A_957 = arith.andi %eq3A_955, %lt3A_956 : i1
    %or3A_958 = arith.ori %gt3A_954, %and3A_957 : i1
    %select_n3A_959 = arith.select %or3A_958, %squeeze3A_951, %select_n3A_948 : f32
    %select_n3A_960 = arith.select %or3A_958, %squeeze3A_953, %select_n3A_949 : i32
    %slice3A_961 = vector.extract_strided_slice %parallel_loop3A_813#0 {offsets = [14], sizes = [1], strides = [1]} : vector<16xf32> to vector<1xf32>
    %squeeze3A_962 = vector.extract %slice3A_961[0] : f32 from vector<1xf32>
    %slice3A_963 = vector.extract_strided_slice %parallel_loop3A_813#1 {offsets = [14], sizes = [1], strides = [1]} : vector<16xi32> to vector<1xi32>
    %squeeze3A_964 = vector.extract %slice3A_963[0] : i32 from vector<1xi32>
    %gt3A_965 = arith.cmpf ogt, %squeeze3A_962, %select_n3A_959 : f32
    %eq3A_966 = arith.cmpf oeq, %squeeze3A_962, %select_n3A_959 : f32
    %lt3A_967 = arith.cmpi slt, %squeeze3A_964, %select_n3A_960 : i32
    %and3A_968 = arith.andi %eq3A_966, %lt3A_967 : i1
    %or3A_969 = arith.ori %gt3A_965, %and3A_968 : i1
    %select_n3A_970 = arith.select %or3A_969, %squeeze3A_962, %select_n3A_959 : f32
    %select_n3A_971 = arith.select %or3A_969, %squeeze3A_964, %select_n3A_960 : i32
    %slice3A_972 = vector.extract_strided_slice %parallel_loop3A_813#0 {offsets = [15], sizes = [1], strides = [1]} : vector<16xf32> to vector<1xf32>
    %squeeze3A_973 = vector.extract %slice3A_972[0] : f32 from vector<1xf32>
    %slice3A_974 = vector.extract_strided_slice %parallel_loop3A_813#1 {offsets = [15], sizes = [1], strides = [1]} : vector<16xi32> to vector<1xi32>
    %squeeze3A_975 = vector.extract %slice3A_974[0] : i32 from vector<1xi32>
    %gt3A_976 = arith.cmpf ogt, %squeeze3A_973, %select_n3A_970 : f32
    %eq3A_977 = arith.cmpf oeq, %squeeze3A_973, %select_n3A_970 : f32
    %lt3A_978 = arith.cmpi slt, %squeeze3A_975, %select_n3A_971 : i32
    %and3A_979 = arith.andi %eq3A_977, %lt3A_978 : i1
    %or3A_980 = arith.ori %gt3A_976, %and3A_979 : i1
    %select_n3A_981 = arith.select %or3A_980, %squeeze3A_973, %select_n3A_970 : f32
    %select_n3A_982 = arith.select %or3A_980, %squeeze3A_975, %select_n3A_971 : i32
    %jit3A_983 = arith.constant 16 : i32
    %div3A_984 = arith.divsi %select_n3A_982, %jit3A_983 : i32
    %sign3A_985 = arith.constant 0 : i32
    %sign3A_986 = arith.cmpi sgt, %select_n3A_982, %sign3A_985 : i32
    %sign3A_987 = arith.extui %sign3A_986 : i1 to i32
    %sign3A_988 = arith.constant 0 : i32
    %sign3A_989 = arith.cmpi slt, %select_n3A_982, %sign3A_988 : i32
    %sign3A_990 = arith.extui %sign3A_989 : i1 to i32
    %sign3A_991 = arith.subi %sign3A_987, %sign3A_990 : i32
    %sign3A_992 = arith.constant 0 : i32
    %sign3A_993 = arith.cmpi sgt, %jit3A_983, %sign3A_992 : i32
    %sign3A_994 = arith.extui %sign3A_993 : i1 to i32
    %sign3A_995 = arith.constant 0 : i32
    %sign3A_996 = arith.cmpi slt, %jit3A_983, %sign3A_995 : i32
    %sign3A_997 = arith.extui %sign3A_996 : i1 to i32
    %sign3A_998 = arith.subi %sign3A_994, %sign3A_997 : i32
    %ne3A_999 = arith.cmpi ne, %sign3A_991, %sign3A_998 : i32
    %rem3A_1000 = arith.remsi %select_n3A_982, %jit3A_983 : i32
    %ne3A_1001 = arith.constant 0 : i32
    %ne3A_1002 = arith.cmpi ne, %rem3A_1000, %ne3A_1001 : i32
    %and3A_1003 = arith.andi %ne3A_999, %ne3A_1002 : i1
    %sub3A_1004 = arith.constant 1 : i32
    %sub3A_1005 = arith.subi %div3A_984, %sub3A_1004 : i32
    %select_n3A_1006 = arith.select %and3A_1003, %sub3A_1005, %div3A_984 : i32
    %mul3A_1007 = arith.constant 16 : i32
    %mul3A_1008 = arith.muli %select_n3A_1006, %mul3A_1007 : i32
    %jit3A_1009 = arith.constant 16 : i32
    %eq3A_1010 = arith.constant 0 : i32
    %eq3A_1011 = arith.cmpi eq, %jit3A_1009, %eq3A_1010 : i32
    %jit3A_1012 = arith.constant 1 : i32
    %select_n3A_1013 = arith.select %eq3A_1011, %jit3A_1012, %jit3A_1009 : i32
    %rem3A_1014 = arith.remsi %select_n3A_982, %select_n3A_1013 : i32
    %ne3A_1015 = arith.constant 0 : i32
    %ne3A_1016 = arith.cmpi ne, %rem3A_1014, %ne3A_1015 : i32
    %lt3A_1017 = arith.constant 0 : i32
    %lt3A_1018 = arith.cmpi slt, %rem3A_1014, %lt3A_1017 : i32
    %lt3A_1019 = arith.constant 0 : i32
    %lt3A_1020 = arith.cmpi slt, %select_n3A_1013, %lt3A_1019 : i32
    %ne3A_1021 = arith.xori %lt3A_1018, %lt3A_1020 : i1
    %and3A_1022 = arith.andi %ne3A_1021, %ne3A_1016 : i1
    %add3A_1023 = arith.addi %rem3A_1014, %select_n3A_1013 : i32
    %select_n3A_1024 = arith.select %and3A_1022, %add3A_1023, %rem3A_1014 : i32
    %eq3A_1025 = vector.broadcast %select_n3A_1024 : i32 to vector<16xi32>
    %eq3A_1026 = arith.cmpi eq, %iota3A, %eq3A_1025 : vector<16xi32>
    %get3A_1027 = arith.index_cast %mul3A_1008 : i32 to index
    %get3A_1028 = tpu.vector_load %arg11[%get3A_1027] {strides = array<i32>} : memref<8832xf32, #tpu.memory_space<vmem>>, vector<16xf32>,
    %get3A_1029 = vector.shape_cast %get3A_1028 : vector<16xf32> to vector<16xf32>
    %jit3A_1030 = arith.constant 2.000000e+00 : f32
    %broadcast_in_dim3A_1031 = vector.broadcast %jit3A_1030 : f32 to vector<16xf32>
    %select_n3A_1032 = arith.select %eq3A_1026, %broadcast_in_dim3A_1031, %get3A_1029 : vector<16xi1>, vector<16xf32>
    %swap3A_1033 = arith.index_cast %mul3A_1008 : i32 to index
    %swap3A_1034 = tpu.vector_load %arg11[%swap3A_1033] {strides = array<i32>} : memref<8832xf32, #tpu.memory_space<vmem>>, vector<16xf32>,
    %swap3A_1035 = vector.shape_cast %swap3A_1034 : vector<16xf32> to vector<16xf32>
    %swap3A_1036 = vector.shape_cast %select_n3A_1032 : vector<16xf32> to vector<16xf32>
    tpu.vector_store %arg11[%swap3A_1033], %swap3A_1036 {strides = array<i32>} : memref<8832xf32, #tpu.memory_space<vmem>>, vector<16xf32>,
    %get3A_1037 = arith.index_cast %mul3A_1008 : i32 to index
    %get3A_1038 = tpu.vector_load %arg12[%get3A_1037] {strides = array<i32>} : memref<8832xf32, #tpu.memory_space<vmem>>, vector<16xf32>,
    %get3A_1039 = vector.shape_cast %get3A_1038 : vector<16xf32> to vector<16xf32>
    %select_n3A_1040 = arith.select %eq3A_1026, %broadcast_in_dim3A_805, %get3A_1039 : vector<16xi1>, vector<16xf32>
    %swap3A_1041 = arith.index_cast %mul3A_1008 : i32 to index
    %swap3A_1042 = tpu.vector_load %arg12[%swap3A_1041] {strides = array<i32>} : memref<8832xf32, #tpu.memory_space<vmem>>, vector<16xf32>,
    %swap3A_1043 = vector.shape_cast %swap3A_1042 : vector<16xf32> to vector<16xf32>
    %swap3A_1044 = vector.shape_cast %select_n3A_1040 : vector<16xf32> to vector<16xf32>
    tpu.vector_store %arg12[%swap3A_1041], %swap3A_1044 {strides = array<i32>} : memref<8832xf32, #tpu.memory_space<vmem>>, vector<16xf32>,
    %get3A_1045 = arith.constant 16 : i32
    %get3A_1046 = arith.index_cast %get3A_1045 : i32 to index
    %get3A_1047 = arith.constant 0 : index
    %get3A_1048 = tpu.vector_load %arg10[%get3A_1046, %get3A_1047] {strides = array<i32>} : memref<40x16xf32, #tpu.memory_space<vmem>>, vector<1x16xf32>,
    %get3A_1049 = vector.shape_cast %get3A_1048 : vector<1x16xf32> to vector<16xf32>
    %get3A_1050 = arith.constant 17 : i32
    %get3A_1051 = arith.index_cast %get3A_1050 : i32 to index
    %get3A_1052 = arith.constant 0 : index
    %get3A_1053 = tpu.vector_load %arg10[%get3A_1051, %get3A_1052] {strides = array<i32>} : memref<40x16xf32, #tpu.memory_space<vmem>>, vector<1x16xf32>,
    %get3A_1054 = vector.shape_cast %get3A_1053 : vector<1x16xf32> to vector<16xf32>
    %get3A_1055 = arith.constant 18 : i32
    %get3A_1056 = arith.index_cast %get3A_1055 : i32 to index
    %get3A_1057 = arith.constant 0 : index
    %get3A_1058 = tpu.vector_load %arg10[%get3A_1056, %get3A_1057] {strides = array<i32>} : memref<40x16xf32, #tpu.memory_space<vmem>>, vector<1x16xf32>,
    %get3A_1059 = vector.shape_cast %get3A_1058 : vector<1x16xf32> to vector<16xf32>
    %get3A_1060 = arith.constant 19 : i32
    %get3A_1061 = arith.index_cast %get3A_1060 : i32 to index
    %get3A_1062 = arith.constant 0 : index
    %get3A_1063 = tpu.vector_load %arg10[%get3A_1061, %get3A_1062] {strides = array<i32>} : memref<40x16xf32, #tpu.memory_space<vmem>>, vector<1x16xf32>,
    %get3A_1064 = vector.shape_cast %get3A_1063 : vector<1x16xf32> to vector<16xf32>
    %sub3A_1065 = arith.subf %get3A_1059, %get3A_1049 : vector<16xf32>
    %sub3A_1066 = arith.subf %get3A_1064, %get3A_1054 : vector<16xf32>
    %mul3A_1067 = arith.mulf %sub3A_1065, %sub3A_1066 : vector<16xf32>
    %broadcast_in_dim3A_1068 = arith.constant 4.000000e+00 : f32
    %broadcast_in_dim3A_1069 = vector.broadcast %broadcast_in_dim3A_1068 : f32 to vector<16xf32>
    %broadcast_in_dim3A_1070 = arith.constant -2.000000e+00 : f32
    %broadcast_in_dim3A_1071 = vector.broadcast %broadcast_in_dim3A_1070 : f32 to vector<16xf32>
    %broadcast_in_dim3A_1072 = arith.constant 0 : i32
    %broadcast_in_dim3A_1073 = vector.broadcast %broadcast_in_dim3A_1072 : i32 to vector<16xi32>
    %parallel_loop3A_1074 = arith.constant 0 : i32
    %parallel_loop3A_1075 = arith.constant 552 : i32
    %parallel_loop3A_1076 = arith.constant 1 : i32
    %parallel_loop3A_1077:2 = scf.for %parallel_loop3A_2632 = %parallel_loop3A_1074 to %parallel_loop3A_1075 step %parallel_loop3A_1076 iter_args(%parallel_loop3A_2633 = %broadcast_in_dim3A_1071, %parallel_loop3A_2634 = %broadcast_in_dim3A_1073) -> (vector<16xf32>, vector<16xi32>)  : i32 {
      %parallel_loop3A_2635 = arith.constant 16 : i32
      %parallel_loop3A_2636 = arith.muli %parallel_loop3A_2632, %parallel_loop3A_2635 : i32
      %parallel_loop3A_2637 = arith.index_cast %parallel_loop3A_2636 : i32 to index
      %parallel_loop3A_2638 = tpu.vector_load %arg6[%parallel_loop3A_2637] {strides = array<i32>} : memref<8832xf32, #tpu.memory_space<vmem>>, vector<16xf32>,
      %parallel_loop3A_2639 = vector.shape_cast %parallel_loop3A_2638 : vector<16xf32> to vector<16xf32>
      %parallel_loop3A_2640 = arith.index_cast %parallel_loop3A_2636 : i32 to index
      %parallel_loop3A_2641 = tpu.vector_load %arg7[%parallel_loop3A_2640] {strides = array<i32>} : memref<8832xf32, #tpu.memory_space<vmem>>, vector<16xf32>,
      %parallel_loop3A_2642 = vector.shape_cast %parallel_loop3A_2641 : vector<16xf32> to vector<16xf32>
      %parallel_loop3A_2643 = arith.index_cast %parallel_loop3A_2636 : i32 to index
      %parallel_loop3A_2644 = tpu.vector_load %arg8[%parallel_loop3A_2643] {strides = array<i32>} : memref<8832xf32, #tpu.memory_space<vmem>>, vector<16xf32>,
      %parallel_loop3A_2645 = vector.shape_cast %parallel_loop3A_2644 : vector<16xf32> to vector<16xf32>
      %parallel_loop3A_2646 = arith.index_cast %parallel_loop3A_2636 : i32 to index
      %parallel_loop3A_2647 = tpu.vector_load %arg9[%parallel_loop3A_2646] {strides = array<i32>} : memref<8832xf32, #tpu.memory_space<vmem>>, vector<16xf32>,
      %parallel_loop3A_2648 = vector.shape_cast %parallel_loop3A_2647 : vector<16xf32> to vector<16xf32>
      %parallel_loop3A_2649 = arith.subf %parallel_loop3A_2645, %parallel_loop3A_2639 : vector<16xf32>
      %parallel_loop3A_2650 = arith.subf %parallel_loop3A_2648, %parallel_loop3A_2642 : vector<16xf32>
      %parallel_loop3A_2651 = arith.mulf %parallel_loop3A_2649, %parallel_loop3A_2650 : vector<16xf32>
      %parallel_loop3A_2652 = arith.minimumf %parallel_loop3A_2645, %get3A_1059 : vector<16xf32>
      %parallel_loop3A_2653 = arith.maximumf %parallel_loop3A_2639, %get3A_1049 : vector<16xf32>
      %parallel_loop3A_2654 = arith.subf %parallel_loop3A_2652, %parallel_loop3A_2653 : vector<16xf32>
      %parallel_loop3A_2655 = arith.constant 0.000000e+00 : f32
      %parallel_loop3A_2656 = vector.broadcast %parallel_loop3A_2655 : f32 to vector<16xf32>
      %parallel_loop3A_2657 = arith.maximumf %parallel_loop3A_2654, %parallel_loop3A_2656 : vector<16xf32>
      %parallel_loop3A_2658 = arith.minimumf %parallel_loop3A_2648, %get3A_1064 : vector<16xf32>
      %parallel_loop3A_2659 = arith.maximumf %parallel_loop3A_2642, %get3A_1054 : vector<16xf32>
      %parallel_loop3A_2660 = arith.subf %parallel_loop3A_2658, %parallel_loop3A_2659 : vector<16xf32>
      %parallel_loop3A_2661 = arith.constant 0.000000e+00 : f32
      %parallel_loop3A_2662 = vector.broadcast %parallel_loop3A_2661 : f32 to vector<16xf32>
      %parallel_loop3A_2663 = arith.maximumf %parallel_loop3A_2660, %parallel_loop3A_2662 : vector<16xf32>
      %parallel_loop3A_2664 = arith.mulf %parallel_loop3A_2657, %parallel_loop3A_2663 : vector<16xf32>
      %parallel_loop3A_2665 = arith.addf %parallel_loop3A_2651, %mul3A_1067 : vector<16xf32>
      %parallel_loop3A_2666 = arith.subf %parallel_loop3A_2665, %parallel_loop3A_2664 : vector<16xf32>
      %parallel_loop3A_2667 = arith.divf %parallel_loop3A_2664, %parallel_loop3A_2666 : vector<16xf32>
      %parallel_loop3A_2668 = arith.index_cast %parallel_loop3A_2636 : i32 to index
      %parallel_loop3A_2669 = tpu.vector_load %arg11[%parallel_loop3A_2668] {strides = array<i32>} : memref<8832xf32, #tpu.memory_space<vmem>>, vector<16xf32>,
      %parallel_loop3A_2670 = vector.shape_cast %parallel_loop3A_2669 : vector<16xf32> to vector<16xf32>
      %parallel_loop3A_2671 = arith.cmpf ogt, %parallel_loop3A_2667, %parallel_loop3A_2670 : vector<16xf32>
      %parallel_loop3A_2672 = arith.select %parallel_loop3A_2671, %parallel_loop3A_2667, %parallel_loop3A_2670 : vector<16xi1>, vector<16xf32>
      %parallel_loop3A_2673 = arith.index_cast %parallel_loop3A_2636 : i32 to index
      %parallel_loop3A_2674 = tpu.vector_load %arg11[%parallel_loop3A_2673] {strides = array<i32>} : memref<8832xf32, #tpu.memory_space<vmem>>, vector<16xf32>,
      %parallel_loop3A_2675 = vector.shape_cast %parallel_loop3A_2674 : vector<16xf32> to vector<16xf32>
      %parallel_loop3A_2676 = vector.shape_cast %parallel_loop3A_2672 : vector<16xf32> to vector<16xf32>
      tpu.vector_store %arg11[%parallel_loop3A_2673], %parallel_loop3A_2676 {strides = array<i32>} : memref<8832xf32, #tpu.memory_space<vmem>>, vector<16xf32>,
      %parallel_loop3A_2677 = arith.index_cast %parallel_loop3A_2636 : i32 to index
      %parallel_loop3A_2678 = tpu.vector_load %arg12[%parallel_loop3A_2677] {strides = array<i32>} : memref<8832xf32, #tpu.memory_space<vmem>>, vector<16xf32>,
      %parallel_loop3A_2679 = vector.shape_cast %parallel_loop3A_2678 : vector<16xf32> to vector<16xf32>
      %parallel_loop3A_2680 = arith.select %parallel_loop3A_2671, %broadcast_in_dim3A_1069, %parallel_loop3A_2679 : vector<16xi1>, vector<16xf32>
      %parallel_loop3A_2681 = arith.index_cast %parallel_loop3A_2636 : i32 to index
      %parallel_loop3A_2682 = tpu.vector_load %arg12[%parallel_loop3A_2681] {strides = array<i32>} : memref<8832xf32, #tpu.memory_space<vmem>>, vector<16xf32>,
      %parallel_loop3A_2683 = vector.shape_cast %parallel_loop3A_2682 : vector<16xf32> to vector<16xf32>
      %parallel_loop3A_2684 = vector.shape_cast %parallel_loop3A_2680 : vector<16xf32> to vector<16xf32>
      tpu.vector_store %arg12[%parallel_loop3A_2681], %parallel_loop3A_2684 {strides = array<i32>} : memref<8832xf32, #tpu.memory_space<vmem>>, vector<16xf32>,
      %parallel_loop3A_2685 = arith.cmpf ogt, %parallel_loop3A_2667, %parallel_loop3A_2633 : vector<16xf32>
      %parallel_loop3A_2686 = arith.select %parallel_loop3A_2685, %parallel_loop3A_2667, %parallel_loop3A_2633 : vector<16xi1>, vector<16xf32>
      %parallel_loop3A_2687 = vector.broadcast %parallel_loop3A_2636 : i32 to vector<16xi32>
      %parallel_loop3A_2688 = arith.addi %parallel_loop3A_2687, %iota3A : vector<16xi32>
      %parallel_loop3A_2689 = arith.select %parallel_loop3A_2685, %parallel_loop3A_2688, %parallel_loop3A_2634 : vector<16xi1>, vector<16xi32>
      scf.yield %parallel_loop3A_2686, %parallel_loop3A_2689 : vector<16xf32>, vector<16xi32>
    } {sc.loop_unroll_factor = 8 : i64, sc.parallel_access}
    %slice3A_1078 = vector.extract_strided_slice %parallel_loop3A_1077#0 {offsets = [0], sizes = [1], strides = [1]} : vector<16xf32> to vector<1xf32>
    %squeeze3A_1079 = vector.extract %slice3A_1078[0] : f32 from vector<1xf32>
    %slice3A_1080 = vector.extract_strided_slice %parallel_loop3A_1077#1 {offsets = [0], sizes = [1], strides = [1]} : vector<16xi32> to vector<1xi32>
    %squeeze3A_1081 = vector.extract %slice3A_1080[0] : i32 from vector<1xi32>
    %slice3A_1082 = vector.extract_strided_slice %parallel_loop3A_1077#0 {offsets = [1], sizes = [1], strides = [1]} : vector<16xf32> to vector<1xf32>
    %squeeze3A_1083 = vector.extract %slice3A_1082[0] : f32 from vector<1xf32>
    %slice3A_1084 = vector.extract_strided_slice %parallel_loop3A_1077#1 {offsets = [1], sizes = [1], strides = [1]} : vector<16xi32> to vector<1xi32>
    %squeeze3A_1085 = vector.extract %slice3A_1084[0] : i32 from vector<1xi32>
    %gt3A_1086 = arith.cmpf ogt, %squeeze3A_1083, %squeeze3A_1079 : f32
    %eq3A_1087 = arith.cmpf oeq, %squeeze3A_1083, %squeeze3A_1079 : f32
    %lt3A_1088 = arith.cmpi slt, %squeeze3A_1085, %squeeze3A_1081 : i32
    %and3A_1089 = arith.andi %eq3A_1087, %lt3A_1088 : i1
    %or3A_1090 = arith.ori %gt3A_1086, %and3A_1089 : i1
    %select_n3A_1091 = arith.select %or3A_1090, %squeeze3A_1083, %squeeze3A_1079 : f32
    %select_n3A_1092 = arith.select %or3A_1090, %squeeze3A_1085, %squeeze3A_1081 : i32
    %slice3A_1093 = vector.extract_strided_slice %parallel_loop3A_1077#0 {offsets = [2], sizes = [1], strides = [1]} : vector<16xf32> to vector<1xf32>
    %squeeze3A_1094 = vector.extract %slice3A_1093[0] : f32 from vector<1xf32>
    %slice3A_1095 = vector.extract_strided_slice %parallel_loop3A_1077#1 {offsets = [2], sizes = [1], strides = [1]} : vector<16xi32> to vector<1xi32>
    %squeeze3A_1096 = vector.extract %slice3A_1095[0] : i32 from vector<1xi32>
    %gt3A_1097 = arith.cmpf ogt, %squeeze3A_1094, %select_n3A_1091 : f32
    %eq3A_1098 = arith.cmpf oeq, %squeeze3A_1094, %select_n3A_1091 : f32
    %lt3A_1099 = arith.cmpi slt, %squeeze3A_1096, %select_n3A_1092 : i32
    %and3A_1100 = arith.andi %eq3A_1098, %lt3A_1099 : i1
    %or3A_1101 = arith.ori %gt3A_1097, %and3A_1100 : i1
    %select_n3A_1102 = arith.select %or3A_1101, %squeeze3A_1094, %select_n3A_1091 : f32
    %select_n3A_1103 = arith.select %or3A_1101, %squeeze3A_1096, %select_n3A_1092 : i32
    %slice3A_1104 = vector.extract_strided_slice %parallel_loop3A_1077#0 {offsets = [3], sizes = [1], strides = [1]} : vector<16xf32> to vector<1xf32>
    %squeeze3A_1105 = vector.extract %slice3A_1104[0] : f32 from vector<1xf32>
    %slice3A_1106 = vector.extract_strided_slice %parallel_loop3A_1077#1 {offsets = [3], sizes = [1], strides = [1]} : vector<16xi32> to vector<1xi32>
    %squeeze3A_1107 = vector.extract %slice3A_1106[0] : i32 from vector<1xi32>
    %gt3A_1108 = arith.cmpf ogt, %squeeze3A_1105, %select_n3A_1102 : f32
    %eq3A_1109 = arith.cmpf oeq, %squeeze3A_1105, %select_n3A_1102 : f32
    %lt3A_1110 = arith.cmpi slt, %squeeze3A_1107, %select_n3A_1103 : i32
    %and3A_1111 = arith.andi %eq3A_1109, %lt3A_1110 : i1
    %or3A_1112 = arith.ori %gt3A_1108, %and3A_1111 : i1
    %select_n3A_1113 = arith.select %or3A_1112, %squeeze3A_1105, %select_n3A_1102 : f32
    %select_n3A_1114 = arith.select %or3A_1112, %squeeze3A_1107, %select_n3A_1103 : i32
    %slice3A_1115 = vector.extract_strided_slice %parallel_loop3A_1077#0 {offsets = [4], sizes = [1], strides = [1]} : vector<16xf32> to vector<1xf32>
    %squeeze3A_1116 = vector.extract %slice3A_1115[0] : f32 from vector<1xf32>
    %slice3A_1117 = vector.extract_strided_slice %parallel_loop3A_1077#1 {offsets = [4], sizes = [1], strides = [1]} : vector<16xi32> to vector<1xi32>
    %squeeze3A_1118 = vector.extract %slice3A_1117[0] : i32 from vector<1xi32>
    %gt3A_1119 = arith.cmpf ogt, %squeeze3A_1116, %select_n3A_1113 : f32
    %eq3A_1120 = arith.cmpf oeq, %squeeze3A_1116, %select_n3A_1113 : f32
    %lt3A_1121 = arith.cmpi slt, %squeeze3A_1118, %select_n3A_1114 : i32
    %and3A_1122 = arith.andi %eq3A_1120, %lt3A_1121 : i1
    %or3A_1123 = arith.ori %gt3A_1119, %and3A_1122 : i1
    %select_n3A_1124 = arith.select %or3A_1123, %squeeze3A_1116, %select_n3A_1113 : f32
    %select_n3A_1125 = arith.select %or3A_1123, %squeeze3A_1118, %select_n3A_1114 : i32
    %slice3A_1126 = vector.extract_strided_slice %parallel_loop3A_1077#0 {offsets = [5], sizes = [1], strides = [1]} : vector<16xf32> to vector<1xf32>
    %squeeze3A_1127 = vector.extract %slice3A_1126[0] : f32 from vector<1xf32>
    %slice3A_1128 = vector.extract_strided_slice %parallel_loop3A_1077#1 {offsets = [5], sizes = [1], strides = [1]} : vector<16xi32> to vector<1xi32>
    %squeeze3A_1129 = vector.extract %slice3A_1128[0] : i32 from vector<1xi32>
    %gt3A_1130 = arith.cmpf ogt, %squeeze3A_1127, %select_n3A_1124 : f32
    %eq3A_1131 = arith.cmpf oeq, %squeeze3A_1127, %select_n3A_1124 : f32
    %lt3A_1132 = arith.cmpi slt, %squeeze3A_1129, %select_n3A_1125 : i32
    %and3A_1133 = arith.andi %eq3A_1131, %lt3A_1132 : i1
    %or3A_1134 = arith.ori %gt3A_1130, %and3A_1133 : i1
    %select_n3A_1135 = arith.select %or3A_1134, %squeeze3A_1127, %select_n3A_1124 : f32
    %select_n3A_1136 = arith.select %or3A_1134, %squeeze3A_1129, %select_n3A_1125 : i32
    %slice3A_1137 = vector.extract_strided_slice %parallel_loop3A_1077#0 {offsets = [6], sizes = [1], strides = [1]} : vector<16xf32> to vector<1xf32>
    %squeeze3A_1138 = vector.extract %slice3A_1137[0] : f32 from vector<1xf32>
    %slice3A_1139 = vector.extract_strided_slice %parallel_loop3A_1077#1 {offsets = [6], sizes = [1], strides = [1]} : vector<16xi32> to vector<1xi32>
    %squeeze3A_1140 = vector.extract %slice3A_1139[0] : i32 from vector<1xi32>
    %gt3A_1141 = arith.cmpf ogt, %squeeze3A_1138, %select_n3A_1135 : f32
    %eq3A_1142 = arith.cmpf oeq, %squeeze3A_1138, %select_n3A_1135 : f32
    %lt3A_1143 = arith.cmpi slt, %squeeze3A_1140, %select_n3A_1136 : i32
    %and3A_1144 = arith.andi %eq3A_1142, %lt3A_1143 : i1
    %or3A_1145 = arith.ori %gt3A_1141, %and3A_1144 : i1
    %select_n3A_1146 = arith.select %or3A_1145, %squeeze3A_1138, %select_n3A_1135 : f32
    %select_n3A_1147 = arith.select %or3A_1145, %squeeze3A_1140, %select_n3A_1136 : i32
    %slice3A_1148 = vector.extract_strided_slice %parallel_loop3A_1077#0 {offsets = [7], sizes = [1], strides = [1]} : vector<16xf32> to vector<1xf32>
    %squeeze3A_1149 = vector.extract %slice3A_1148[0] : f32 from vector<1xf32>
    %slice3A_1150 = vector.extract_strided_slice %parallel_loop3A_1077#1 {offsets = [7], sizes = [1], strides = [1]} : vector<16xi32> to vector<1xi32>
    %squeeze3A_1151 = vector.extract %slice3A_1150[0] : i32 from vector<1xi32>
    %gt3A_1152 = arith.cmpf ogt, %squeeze3A_1149, %select_n3A_1146 : f32
    %eq3A_1153 = arith.cmpf oeq, %squeeze3A_1149, %select_n3A_1146 : f32
    %lt3A_1154 = arith.cmpi slt, %squeeze3A_1151, %select_n3A_1147 : i32
    %and3A_1155 = arith.andi %eq3A_1153, %lt3A_1154 : i1
    %or3A_1156 = arith.ori %gt3A_1152, %and3A_1155 : i1
    %select_n3A_1157 = arith.select %or3A_1156, %squeeze3A_1149, %select_n3A_1146 : f32
    %select_n3A_1158 = arith.select %or3A_1156, %squeeze3A_1151, %select_n3A_1147 : i32
    %slice3A_1159 = vector.extract_strided_slice %parallel_loop3A_1077#0 {offsets = [8], sizes = [1], strides = [1]} : vector<16xf32> to vector<1xf32>
    %squeeze3A_1160 = vector.extract %slice3A_1159[0] : f32 from vector<1xf32>
    %slice3A_1161 = vector.extract_strided_slice %parallel_loop3A_1077#1 {offsets = [8], sizes = [1], strides = [1]} : vector<16xi32> to vector<1xi32>
    %squeeze3A_1162 = vector.extract %slice3A_1161[0] : i32 from vector<1xi32>
    %gt3A_1163 = arith.cmpf ogt, %squeeze3A_1160, %select_n3A_1157 : f32
    %eq3A_1164 = arith.cmpf oeq, %squeeze3A_1160, %select_n3A_1157 : f32
    %lt3A_1165 = arith.cmpi slt, %squeeze3A_1162, %select_n3A_1158 : i32
    %and3A_1166 = arith.andi %eq3A_1164, %lt3A_1165 : i1
    %or3A_1167 = arith.ori %gt3A_1163, %and3A_1166 : i1
    %select_n3A_1168 = arith.select %or3A_1167, %squeeze3A_1160, %select_n3A_1157 : f32
    %select_n3A_1169 = arith.select %or3A_1167, %squeeze3A_1162, %select_n3A_1158 : i32
    %slice3A_1170 = vector.extract_strided_slice %parallel_loop3A_1077#0 {offsets = [9], sizes = [1], strides = [1]} : vector<16xf32> to vector<1xf32>
    %squeeze3A_1171 = vector.extract %slice3A_1170[0] : f32 from vector<1xf32>
    %slice3A_1172 = vector.extract_strided_slice %parallel_loop3A_1077#1 {offsets = [9], sizes = [1], strides = [1]} : vector<16xi32> to vector<1xi32>
    %squeeze3A_1173 = vector.extract %slice3A_1172[0] : i32 from vector<1xi32>
    %gt3A_1174 = arith.cmpf ogt, %squeeze3A_1171, %select_n3A_1168 : f32
    %eq3A_1175 = arith.cmpf oeq, %squeeze3A_1171, %select_n3A_1168 : f32
    %lt3A_1176 = arith.cmpi slt, %squeeze3A_1173, %select_n3A_1169 : i32
    %and3A_1177 = arith.andi %eq3A_1175, %lt3A_1176 : i1
    %or3A_1178 = arith.ori %gt3A_1174, %and3A_1177 : i1
    %select_n3A_1179 = arith.select %or3A_1178, %squeeze3A_1171, %select_n3A_1168 : f32
    %select_n3A_1180 = arith.select %or3A_1178, %squeeze3A_1173, %select_n3A_1169 : i32
    %slice3A_1181 = vector.extract_strided_slice %parallel_loop3A_1077#0 {offsets = [10], sizes = [1], strides = [1]} : vector<16xf32> to vector<1xf32>
    %squeeze3A_1182 = vector.extract %slice3A_1181[0] : f32 from vector<1xf32>
    %slice3A_1183 = vector.extract_strided_slice %parallel_loop3A_1077#1 {offsets = [10], sizes = [1], strides = [1]} : vector<16xi32> to vector<1xi32>
    %squeeze3A_1184 = vector.extract %slice3A_1183[0] : i32 from vector<1xi32>
    %gt3A_1185 = arith.cmpf ogt, %squeeze3A_1182, %select_n3A_1179 : f32
    %eq3A_1186 = arith.cmpf oeq, %squeeze3A_1182, %select_n3A_1179 : f32
    %lt3A_1187 = arith.cmpi slt, %squeeze3A_1184, %select_n3A_1180 : i32
    %and3A_1188 = arith.andi %eq3A_1186, %lt3A_1187 : i1
    %or3A_1189 = arith.ori %gt3A_1185, %and3A_1188 : i1
    %select_n3A_1190 = arith.select %or3A_1189, %squeeze3A_1182, %select_n3A_1179 : f32
    %select_n3A_1191 = arith.select %or3A_1189, %squeeze3A_1184, %select_n3A_1180 : i32
    %slice3A_1192 = vector.extract_strided_slice %parallel_loop3A_1077#0 {offsets = [11], sizes = [1], strides = [1]} : vector<16xf32> to vector<1xf32>
    %squeeze3A_1193 = vector.extract %slice3A_1192[0] : f32 from vector<1xf32>
    %slice3A_1194 = vector.extract_strided_slice %parallel_loop3A_1077#1 {offsets = [11], sizes = [1], strides = [1]} : vector<16xi32> to vector<1xi32>
    %squeeze3A_1195 = vector.extract %slice3A_1194[0] : i32 from vector<1xi32>
    %gt3A_1196 = arith.cmpf ogt, %squeeze3A_1193, %select_n3A_1190 : f32
    %eq3A_1197 = arith.cmpf oeq, %squeeze3A_1193, %select_n3A_1190 : f32
    %lt3A_1198 = arith.cmpi slt, %squeeze3A_1195, %select_n3A_1191 : i32
    %and3A_1199 = arith.andi %eq3A_1197, %lt3A_1198 : i1
    %or3A_1200 = arith.ori %gt3A_1196, %and3A_1199 : i1
    %select_n3A_1201 = arith.select %or3A_1200, %squeeze3A_1193, %select_n3A_1190 : f32
    %select_n3A_1202 = arith.select %or3A_1200, %squeeze3A_1195, %select_n3A_1191 : i32
    %slice3A_1203 = vector.extract_strided_slice %parallel_loop3A_1077#0 {offsets = [12], sizes = [1], strides = [1]} : vector<16xf32> to vector<1xf32>
    %squeeze3A_1204 = vector.extract %slice3A_1203[0] : f32 from vector<1xf32>
    %slice3A_1205 = vector.extract_strided_slice %parallel_loop3A_1077#1 {offsets = [12], sizes = [1], strides = [1]} : vector<16xi32> to vector<1xi32>
    %squeeze3A_1206 = vector.extract %slice3A_1205[0] : i32 from vector<1xi32>
    %gt3A_1207 = arith.cmpf ogt, %squeeze3A_1204, %select_n3A_1201 : f32
    %eq3A_1208 = arith.cmpf oeq, %squeeze3A_1204, %select_n3A_1201 : f32
    %lt3A_1209 = arith.cmpi slt, %squeeze3A_1206, %select_n3A_1202 : i32
    %and3A_1210 = arith.andi %eq3A_1208, %lt3A_1209 : i1
    %or3A_1211 = arith.ori %gt3A_1207, %and3A_1210 : i1
    %select_n3A_1212 = arith.select %or3A_1211, %squeeze3A_1204, %select_n3A_1201 : f32
    %select_n3A_1213 = arith.select %or3A_1211, %squeeze3A_1206, %select_n3A_1202 : i32
    %slice3A_1214 = vector.extract_strided_slice %parallel_loop3A_1077#0 {offsets = [13], sizes = [1], strides = [1]} : vector<16xf32> to vector<1xf32>
    %squeeze3A_1215 = vector.extract %slice3A_1214[0] : f32 from vector<1xf32>
    %slice3A_1216 = vector.extract_strided_slice %parallel_loop3A_1077#1 {offsets = [13], sizes = [1], strides = [1]} : vector<16xi32> to vector<1xi32>
    %squeeze3A_1217 = vector.extract %slice3A_1216[0] : i32 from vector<1xi32>
    %gt3A_1218 = arith.cmpf ogt, %squeeze3A_1215, %select_n3A_1212 : f32
    %eq3A_1219 = arith.cmpf oeq, %squeeze3A_1215, %select_n3A_1212 : f32
    %lt3A_1220 = arith.cmpi slt, %squeeze3A_1217, %select_n3A_1213 : i32
    %and3A_1221 = arith.andi %eq3A_1219, %lt3A_1220 : i1
    %or3A_1222 = arith.ori %gt3A_1218, %and3A_1221 : i1
    %select_n3A_1223 = arith.select %or3A_1222, %squeeze3A_1215, %select_n3A_1212 : f32
    %select_n3A_1224 = arith.select %or3A_1222, %squeeze3A_1217, %select_n3A_1213 : i32
    %slice3A_1225 = vector.extract_strided_slice %parallel_loop3A_1077#0 {offsets = [14], sizes = [1], strides = [1]} : vector<16xf32> to vector<1xf32>
    %squeeze3A_1226 = vector.extract %slice3A_1225[0] : f32 from vector<1xf32>
    %slice3A_1227 = vector.extract_strided_slice %parallel_loop3A_1077#1 {offsets = [14], sizes = [1], strides = [1]} : vector<16xi32> to vector<1xi32>
    %squeeze3A_1228 = vector.extract %slice3A_1227[0] : i32 from vector<1xi32>
    %gt3A_1229 = arith.cmpf ogt, %squeeze3A_1226, %select_n3A_1223 : f32
    %eq3A_1230 = arith.cmpf oeq, %squeeze3A_1226, %select_n3A_1223 : f32
    %lt3A_1231 = arith.cmpi slt, %squeeze3A_1228, %select_n3A_1224 : i32
    %and3A_1232 = arith.andi %eq3A_1230, %lt3A_1231 : i1
    %or3A_1233 = arith.ori %gt3A_1229, %and3A_1232 : i1
    %select_n3A_1234 = arith.select %or3A_1233, %squeeze3A_1226, %select_n3A_1223 : f32
    %select_n3A_1235 = arith.select %or3A_1233, %squeeze3A_1228, %select_n3A_1224 : i32
    %slice3A_1236 = vector.extract_strided_slice %parallel_loop3A_1077#0 {offsets = [15], sizes = [1], strides = [1]} : vector<16xf32> to vector<1xf32>
    %squeeze3A_1237 = vector.extract %slice3A_1236[0] : f32 from vector<1xf32>
    %slice3A_1238 = vector.extract_strided_slice %parallel_loop3A_1077#1 {offsets = [15], sizes = [1], strides = [1]} : vector<16xi32> to vector<1xi32>
    %squeeze3A_1239 = vector.extract %slice3A_1238[0] : i32 from vector<1xi32>
    %gt3A_1240 = arith.cmpf ogt, %squeeze3A_1237, %select_n3A_1234 : f32
    %eq3A_1241 = arith.cmpf oeq, %squeeze3A_1237, %select_n3A_1234 : f32
    %lt3A_1242 = arith.cmpi slt, %squeeze3A_1239, %select_n3A_1235 : i32
    %and3A_1243 = arith.andi %eq3A_1241, %lt3A_1242 : i1
    %or3A_1244 = arith.ori %gt3A_1240, %and3A_1243 : i1
    %select_n3A_1245 = arith.select %or3A_1244, %squeeze3A_1237, %select_n3A_1234 : f32
    %select_n3A_1246 = arith.select %or3A_1244, %squeeze3A_1239, %select_n3A_1235 : i32
    %jit3A_1247 = arith.constant 16 : i32
    %div3A_1248 = arith.divsi %select_n3A_1246, %jit3A_1247 : i32
    %sign3A_1249 = arith.constant 0 : i32
    %sign3A_1250 = arith.cmpi sgt, %select_n3A_1246, %sign3A_1249 : i32
    %sign3A_1251 = arith.extui %sign3A_1250 : i1 to i32
    %sign3A_1252 = arith.constant 0 : i32
    %sign3A_1253 = arith.cmpi slt, %select_n3A_1246, %sign3A_1252 : i32
    %sign3A_1254 = arith.extui %sign3A_1253 : i1 to i32
    %sign3A_1255 = arith.subi %sign3A_1251, %sign3A_1254 : i32
    %sign3A_1256 = arith.constant 0 : i32
    %sign3A_1257 = arith.cmpi sgt, %jit3A_1247, %sign3A_1256 : i32
    %sign3A_1258 = arith.extui %sign3A_1257 : i1 to i32
    %sign3A_1259 = arith.constant 0 : i32
    %sign3A_1260 = arith.cmpi slt, %jit3A_1247, %sign3A_1259 : i32
    %sign3A_1261 = arith.extui %sign3A_1260 : i1 to i32
    %sign3A_1262 = arith.subi %sign3A_1258, %sign3A_1261 : i32
    %ne3A_1263 = arith.cmpi ne, %sign3A_1255, %sign3A_1262 : i32
    %rem3A_1264 = arith.remsi %select_n3A_1246, %jit3A_1247 : i32
    %ne3A_1265 = arith.constant 0 : i32
    %ne3A_1266 = arith.cmpi ne, %rem3A_1264, %ne3A_1265 : i32
    %and3A_1267 = arith.andi %ne3A_1263, %ne3A_1266 : i1
    %sub3A_1268 = arith.constant 1 : i32
    %sub3A_1269 = arith.subi %div3A_1248, %sub3A_1268 : i32
    %select_n3A_1270 = arith.select %and3A_1267, %sub3A_1269, %div3A_1248 : i32
    %mul3A_1271 = arith.constant 16 : i32
    %mul3A_1272 = arith.muli %select_n3A_1270, %mul3A_1271 : i32
    %jit3A_1273 = arith.constant 16 : i32
    %eq3A_1274 = arith.constant 0 : i32
    %eq3A_1275 = arith.cmpi eq, %jit3A_1273, %eq3A_1274 : i32
    %jit3A_1276 = arith.constant 1 : i32
    %select_n3A_1277 = arith.select %eq3A_1275, %jit3A_1276, %jit3A_1273 : i32
    %rem3A_1278 = arith.remsi %select_n3A_1246, %select_n3A_1277 : i32
    %ne3A_1279 = arith.constant 0 : i32
    %ne3A_1280 = arith.cmpi ne, %rem3A_1278, %ne3A_1279 : i32
    %lt3A_1281 = arith.constant 0 : i32
    %lt3A_1282 = arith.cmpi slt, %rem3A_1278, %lt3A_1281 : i32
    %lt3A_1283 = arith.constant 0 : i32
    %lt3A_1284 = arith.cmpi slt, %select_n3A_1277, %lt3A_1283 : i32
    %ne3A_1285 = arith.xori %lt3A_1282, %lt3A_1284 : i1
    %and3A_1286 = arith.andi %ne3A_1285, %ne3A_1280 : i1
    %add3A_1287 = arith.addi %rem3A_1278, %select_n3A_1277 : i32
    %select_n3A_1288 = arith.select %and3A_1286, %add3A_1287, %rem3A_1278 : i32
    %eq3A_1289 = vector.broadcast %select_n3A_1288 : i32 to vector<16xi32>
    %eq3A_1290 = arith.cmpi eq, %iota3A, %eq3A_1289 : vector<16xi32>
    %get3A_1291 = arith.index_cast %mul3A_1272 : i32 to index
    %get3A_1292 = tpu.vector_load %arg11[%get3A_1291] {strides = array<i32>} : memref<8832xf32, #tpu.memory_space<vmem>>, vector<16xf32>,
    %get3A_1293 = vector.shape_cast %get3A_1292 : vector<16xf32> to vector<16xf32>
    %jit3A_1294 = arith.constant 2.000000e+00 : f32
    %broadcast_in_dim3A_1295 = vector.broadcast %jit3A_1294 : f32 to vector<16xf32>
    %select_n3A_1296 = arith.select %eq3A_1290, %broadcast_in_dim3A_1295, %get3A_1293 : vector<16xi1>, vector<16xf32>
    %swap3A_1297 = arith.index_cast %mul3A_1272 : i32 to index
    %swap3A_1298 = tpu.vector_load %arg11[%swap3A_1297] {strides = array<i32>} : memref<8832xf32, #tpu.memory_space<vmem>>, vector<16xf32>,
    %swap3A_1299 = vector.shape_cast %swap3A_1298 : vector<16xf32> to vector<16xf32>
    %swap3A_1300 = vector.shape_cast %select_n3A_1296 : vector<16xf32> to vector<16xf32>
    tpu.vector_store %arg11[%swap3A_1297], %swap3A_1300 {strides = array<i32>} : memref<8832xf32, #tpu.memory_space<vmem>>, vector<16xf32>,
    %get3A_1301 = arith.index_cast %mul3A_1272 : i32 to index
    %get3A_1302 = tpu.vector_load %arg12[%get3A_1301] {strides = array<i32>} : memref<8832xf32, #tpu.memory_space<vmem>>, vector<16xf32>,
    %get3A_1303 = vector.shape_cast %get3A_1302 : vector<16xf32> to vector<16xf32>
    %select_n3A_1304 = arith.select %eq3A_1290, %broadcast_in_dim3A_1069, %get3A_1303 : vector<16xi1>, vector<16xf32>
    %swap3A_1305 = arith.index_cast %mul3A_1272 : i32 to index
    %swap3A_1306 = tpu.vector_load %arg12[%swap3A_1305] {strides = array<i32>} : memref<8832xf32, #tpu.memory_space<vmem>>, vector<16xf32>,
    %swap3A_1307 = vector.shape_cast %swap3A_1306 : vector<16xf32> to vector<16xf32>
    %swap3A_1308 = vector.shape_cast %select_n3A_1304 : vector<16xf32> to vector<16xf32>
    tpu.vector_store %arg12[%swap3A_1305], %swap3A_1308 {strides = array<i32>} : memref<8832xf32, #tpu.memory_space<vmem>>, vector<16xf32>,
    %get3A_1309 = arith.constant 20 : i32
    %get3A_1310 = arith.index_cast %get3A_1309 : i32 to index
    %get3A_1311 = arith.constant 0 : index
    %get3A_1312 = tpu.vector_load %arg10[%get3A_1310, %get3A_1311] {strides = array<i32>} : memref<40x16xf32, #tpu.memory_space<vmem>>, vector<1x16xf32>,
    %get3A_1313 = vector.shape_cast %get3A_1312 : vector<1x16xf32> to vector<16xf32>
    %get3A_1314 = arith.constant 21 : i32
    %get3A_1315 = arith.index_cast %get3A_1314 : i32 to index
    %get3A_1316 = arith.constant 0 : index
    %get3A_1317 = tpu.vector_load %arg10[%get3A_1315, %get3A_1316] {strides = array<i32>} : memref<40x16xf32, #tpu.memory_space<vmem>>, vector<1x16xf32>,
    %get3A_1318 = vector.shape_cast %get3A_1317 : vector<1x16xf32> to vector<16xf32>
    %get3A_1319 = arith.constant 22 : i32
    %get3A_1320 = arith.index_cast %get3A_1319 : i32 to index
    %get3A_1321 = arith.constant 0 : index
    %get3A_1322 = tpu.vector_load %arg10[%get3A_1320, %get3A_1321] {strides = array<i32>} : memref<40x16xf32, #tpu.memory_space<vmem>>, vector<1x16xf32>,
    %get3A_1323 = vector.shape_cast %get3A_1322 : vector<1x16xf32> to vector<16xf32>
    %get3A_1324 = arith.constant 23 : i32
    %get3A_1325 = arith.index_cast %get3A_1324 : i32 to index
    %get3A_1326 = arith.constant 0 : index
    %get3A_1327 = tpu.vector_load %arg10[%get3A_1325, %get3A_1326] {strides = array<i32>} : memref<40x16xf32, #tpu.memory_space<vmem>>, vector<1x16xf32>,
    %get3A_1328 = vector.shape_cast %get3A_1327 : vector<1x16xf32> to vector<16xf32>
    %sub3A_1329 = arith.subf %get3A_1323, %get3A_1313 : vector<16xf32>
    %sub3A_1330 = arith.subf %get3A_1328, %get3A_1318 : vector<16xf32>
    %mul3A_1331 = arith.mulf %sub3A_1329, %sub3A_1330 : vector<16xf32>
    %broadcast_in_dim3A_1332 = arith.constant 5.000000e+00 : f32
    %broadcast_in_dim3A_1333 = vector.broadcast %broadcast_in_dim3A_1332 : f32 to vector<16xf32>
    %broadcast_in_dim3A_1334 = arith.constant -2.000000e+00 : f32
    %broadcast_in_dim3A_1335 = vector.broadcast %broadcast_in_dim3A_1334 : f32 to vector<16xf32>
    %broadcast_in_dim3A_1336 = arith.constant 0 : i32
    %broadcast_in_dim3A_1337 = vector.broadcast %broadcast_in_dim3A_1336 : i32 to vector<16xi32>
    %parallel_loop3A_1338 = arith.constant 0 : i32
    %parallel_loop3A_1339 = arith.constant 552 : i32
    %parallel_loop3A_1340 = arith.constant 1 : i32
    %parallel_loop3A_1341:2 = scf.for %parallel_loop3A_2632 = %parallel_loop3A_1338 to %parallel_loop3A_1339 step %parallel_loop3A_1340 iter_args(%parallel_loop3A_2633 = %broadcast_in_dim3A_1335, %parallel_loop3A_2634 = %broadcast_in_dim3A_1337) -> (vector<16xf32>, vector<16xi32>)  : i32 {
      %parallel_loop3A_2635 = arith.constant 16 : i32
      %parallel_loop3A_2636 = arith.muli %parallel_loop3A_2632, %parallel_loop3A_2635 : i32
      %parallel_loop3A_2637 = arith.index_cast %parallel_loop3A_2636 : i32 to index
      %parallel_loop3A_2638 = tpu.vector_load %arg6[%parallel_loop3A_2637] {strides = array<i32>} : memref<8832xf32, #tpu.memory_space<vmem>>, vector<16xf32>,
      %parallel_loop3A_2639 = vector.shape_cast %parallel_loop3A_2638 : vector<16xf32> to vector<16xf32>
      %parallel_loop3A_2640 = arith.index_cast %parallel_loop3A_2636 : i32 to index
      %parallel_loop3A_2641 = tpu.vector_load %arg7[%parallel_loop3A_2640] {strides = array<i32>} : memref<8832xf32, #tpu.memory_space<vmem>>, vector<16xf32>,
      %parallel_loop3A_2642 = vector.shape_cast %parallel_loop3A_2641 : vector<16xf32> to vector<16xf32>
      %parallel_loop3A_2643 = arith.index_cast %parallel_loop3A_2636 : i32 to index
      %parallel_loop3A_2644 = tpu.vector_load %arg8[%parallel_loop3A_2643] {strides = array<i32>} : memref<8832xf32, #tpu.memory_space<vmem>>, vector<16xf32>,
      %parallel_loop3A_2645 = vector.shape_cast %parallel_loop3A_2644 : vector<16xf32> to vector<16xf32>
      %parallel_loop3A_2646 = arith.index_cast %parallel_loop3A_2636 : i32 to index
      %parallel_loop3A_2647 = tpu.vector_load %arg9[%parallel_loop3A_2646] {strides = array<i32>} : memref<8832xf32, #tpu.memory_space<vmem>>, vector<16xf32>,
      %parallel_loop3A_2648 = vector.shape_cast %parallel_loop3A_2647 : vector<16xf32> to vector<16xf32>
      %parallel_loop3A_2649 = arith.subf %parallel_loop3A_2645, %parallel_loop3A_2639 : vector<16xf32>
      %parallel_loop3A_2650 = arith.subf %parallel_loop3A_2648, %parallel_loop3A_2642 : vector<16xf32>
      %parallel_loop3A_2651 = arith.mulf %parallel_loop3A_2649, %parallel_loop3A_2650 : vector<16xf32>
      %parallel_loop3A_2652 = arith.minimumf %parallel_loop3A_2645, %get3A_1323 : vector<16xf32>
      %parallel_loop3A_2653 = arith.maximumf %parallel_loop3A_2639, %get3A_1313 : vector<16xf32>
      %parallel_loop3A_2654 = arith.subf %parallel_loop3A_2652, %parallel_loop3A_2653 : vector<16xf32>
      %parallel_loop3A_2655 = arith.constant 0.000000e+00 : f32
      %parallel_loop3A_2656 = vector.broadcast %parallel_loop3A_2655 : f32 to vector<16xf32>
      %parallel_loop3A_2657 = arith.maximumf %parallel_loop3A_2654, %parallel_loop3A_2656 : vector<16xf32>
      %parallel_loop3A_2658 = arith.minimumf %parallel_loop3A_2648, %get3A_1328 : vector<16xf32>
      %parallel_loop3A_2659 = arith.maximumf %parallel_loop3A_2642, %get3A_1318 : vector<16xf32>
      %parallel_loop3A_2660 = arith.subf %parallel_loop3A_2658, %parallel_loop3A_2659 : vector<16xf32>
      %parallel_loop3A_2661 = arith.constant 0.000000e+00 : f32
      %parallel_loop3A_2662 = vector.broadcast %parallel_loop3A_2661 : f32 to vector<16xf32>
      %parallel_loop3A_2663 = arith.maximumf %parallel_loop3A_2660, %parallel_loop3A_2662 : vector<16xf32>
      %parallel_loop3A_2664 = arith.mulf %parallel_loop3A_2657, %parallel_loop3A_2663 : vector<16xf32>
      %parallel_loop3A_2665 = arith.addf %parallel_loop3A_2651, %mul3A_1331 : vector<16xf32>
      %parallel_loop3A_2666 = arith.subf %parallel_loop3A_2665, %parallel_loop3A_2664 : vector<16xf32>
      %parallel_loop3A_2667 = arith.divf %parallel_loop3A_2664, %parallel_loop3A_2666 : vector<16xf32>
      %parallel_loop3A_2668 = arith.index_cast %parallel_loop3A_2636 : i32 to index
      %parallel_loop3A_2669 = tpu.vector_load %arg11[%parallel_loop3A_2668] {strides = array<i32>} : memref<8832xf32, #tpu.memory_space<vmem>>, vector<16xf32>,
      %parallel_loop3A_2670 = vector.shape_cast %parallel_loop3A_2669 : vector<16xf32> to vector<16xf32>
      %parallel_loop3A_2671 = arith.cmpf ogt, %parallel_loop3A_2667, %parallel_loop3A_2670 : vector<16xf32>
      %parallel_loop3A_2672 = arith.select %parallel_loop3A_2671, %parallel_loop3A_2667, %parallel_loop3A_2670 : vector<16xi1>, vector<16xf32>
      %parallel_loop3A_2673 = arith.index_cast %parallel_loop3A_2636 : i32 to index
      %parallel_loop3A_2674 = tpu.vector_load %arg11[%parallel_loop3A_2673] {strides = array<i32>} : memref<8832xf32, #tpu.memory_space<vmem>>, vector<16xf32>,
      %parallel_loop3A_2675 = vector.shape_cast %parallel_loop3A_2674 : vector<16xf32> to vector<16xf32>
      %parallel_loop3A_2676 = vector.shape_cast %parallel_loop3A_2672 : vector<16xf32> to vector<16xf32>
      tpu.vector_store %arg11[%parallel_loop3A_2673], %parallel_loop3A_2676 {strides = array<i32>} : memref<8832xf32, #tpu.memory_space<vmem>>, vector<16xf32>,
      %parallel_loop3A_2677 = arith.index_cast %parallel_loop3A_2636 : i32 to index
      %parallel_loop3A_2678 = tpu.vector_load %arg12[%parallel_loop3A_2677] {strides = array<i32>} : memref<8832xf32, #tpu.memory_space<vmem>>, vector<16xf32>,
      %parallel_loop3A_2679 = vector.shape_cast %parallel_loop3A_2678 : vector<16xf32> to vector<16xf32>
      %parallel_loop3A_2680 = arith.select %parallel_loop3A_2671, %broadcast_in_dim3A_1333, %parallel_loop3A_2679 : vector<16xi1>, vector<16xf32>
      %parallel_loop3A_2681 = arith.index_cast %parallel_loop3A_2636 : i32 to index
      %parallel_loop3A_2682 = tpu.vector_load %arg12[%parallel_loop3A_2681] {strides = array<i32>} : memref<8832xf32, #tpu.memory_space<vmem>>, vector<16xf32>,
      %parallel_loop3A_2683 = vector.shape_cast %parallel_loop3A_2682 : vector<16xf32> to vector<16xf32>
      %parallel_loop3A_2684 = vector.shape_cast %parallel_loop3A_2680 : vector<16xf32> to vector<16xf32>
      tpu.vector_store %arg12[%parallel_loop3A_2681], %parallel_loop3A_2684 {strides = array<i32>} : memref<8832xf32, #tpu.memory_space<vmem>>, vector<16xf32>,
      %parallel_loop3A_2685 = arith.cmpf ogt, %parallel_loop3A_2667, %parallel_loop3A_2633 : vector<16xf32>
      %parallel_loop3A_2686 = arith.select %parallel_loop3A_2685, %parallel_loop3A_2667, %parallel_loop3A_2633 : vector<16xi1>, vector<16xf32>
      %parallel_loop3A_2687 = vector.broadcast %parallel_loop3A_2636 : i32 to vector<16xi32>
      %parallel_loop3A_2688 = arith.addi %parallel_loop3A_2687, %iota3A : vector<16xi32>
      %parallel_loop3A_2689 = arith.select %parallel_loop3A_2685, %parallel_loop3A_2688, %parallel_loop3A_2634 : vector<16xi1>, vector<16xi32>
      scf.yield %parallel_loop3A_2686, %parallel_loop3A_2689 : vector<16xf32>, vector<16xi32>
    } {sc.loop_unroll_factor = 8 : i64, sc.parallel_access}
    %slice3A_1342 = vector.extract_strided_slice %parallel_loop3A_1341#0 {offsets = [0], sizes = [1], strides = [1]} : vector<16xf32> to vector<1xf32>
    %squeeze3A_1343 = vector.extract %slice3A_1342[0] : f32 from vector<1xf32>
    %slice3A_1344 = vector.extract_strided_slice %parallel_loop3A_1341#1 {offsets = [0], sizes = [1], strides = [1]} : vector<16xi32> to vector<1xi32>
    %squeeze3A_1345 = vector.extract %slice3A_1344[0] : i32 from vector<1xi32>
    %slice3A_1346 = vector.extract_strided_slice %parallel_loop3A_1341#0 {offsets = [1], sizes = [1], strides = [1]} : vector<16xf32> to vector<1xf32>
    %squeeze3A_1347 = vector.extract %slice3A_1346[0] : f32 from vector<1xf32>
    %slice3A_1348 = vector.extract_strided_slice %parallel_loop3A_1341#1 {offsets = [1], sizes = [1], strides = [1]} : vector<16xi32> to vector<1xi32>
    %squeeze3A_1349 = vector.extract %slice3A_1348[0] : i32 from vector<1xi32>
    %gt3A_1350 = arith.cmpf ogt, %squeeze3A_1347, %squeeze3A_1343 : f32
    %eq3A_1351 = arith.cmpf oeq, %squeeze3A_1347, %squeeze3A_1343 : f32
    %lt3A_1352 = arith.cmpi slt, %squeeze3A_1349, %squeeze3A_1345 : i32
    %and3A_1353 = arith.andi %eq3A_1351, %lt3A_1352 : i1
    %or3A_1354 = arith.ori %gt3A_1350, %and3A_1353 : i1
    %select_n3A_1355 = arith.select %or3A_1354, %squeeze3A_1347, %squeeze3A_1343 : f32
    %select_n3A_1356 = arith.select %or3A_1354, %squeeze3A_1349, %squeeze3A_1345 : i32
    %slice3A_1357 = vector.extract_strided_slice %parallel_loop3A_1341#0 {offsets = [2], sizes = [1], strides = [1]} : vector<16xf32> to vector<1xf32>
    %squeeze3A_1358 = vector.extract %slice3A_1357[0] : f32 from vector<1xf32>
    %slice3A_1359 = vector.extract_strided_slice %parallel_loop3A_1341#1 {offsets = [2], sizes = [1], strides = [1]} : vector<16xi32> to vector<1xi32>
    %squeeze3A_1360 = vector.extract %slice3A_1359[0] : i32 from vector<1xi32>
    %gt3A_1361 = arith.cmpf ogt, %squeeze3A_1358, %select_n3A_1355 : f32
    %eq3A_1362 = arith.cmpf oeq, %squeeze3A_1358, %select_n3A_1355 : f32
    %lt3A_1363 = arith.cmpi slt, %squeeze3A_1360, %select_n3A_1356 : i32
    %and3A_1364 = arith.andi %eq3A_1362, %lt3A_1363 : i1
    %or3A_1365 = arith.ori %gt3A_1361, %and3A_1364 : i1
    %select_n3A_1366 = arith.select %or3A_1365, %squeeze3A_1358, %select_n3A_1355 : f32
    %select_n3A_1367 = arith.select %or3A_1365, %squeeze3A_1360, %select_n3A_1356 : i32
    %slice3A_1368 = vector.extract_strided_slice %parallel_loop3A_1341#0 {offsets = [3], sizes = [1], strides = [1]} : vector<16xf32> to vector<1xf32>
    %squeeze3A_1369 = vector.extract %slice3A_1368[0] : f32 from vector<1xf32>
    %slice3A_1370 = vector.extract_strided_slice %parallel_loop3A_1341#1 {offsets = [3], sizes = [1], strides = [1]} : vector<16xi32> to vector<1xi32>
    %squeeze3A_1371 = vector.extract %slice3A_1370[0] : i32 from vector<1xi32>
    %gt3A_1372 = arith.cmpf ogt, %squeeze3A_1369, %select_n3A_1366 : f32
    %eq3A_1373 = arith.cmpf oeq, %squeeze3A_1369, %select_n3A_1366 : f32
    %lt3A_1374 = arith.cmpi slt, %squeeze3A_1371, %select_n3A_1367 : i32
    %and3A_1375 = arith.andi %eq3A_1373, %lt3A_1374 : i1
    %or3A_1376 = arith.ori %gt3A_1372, %and3A_1375 : i1
    %select_n3A_1377 = arith.select %or3A_1376, %squeeze3A_1369, %select_n3A_1366 : f32
    %select_n3A_1378 = arith.select %or3A_1376, %squeeze3A_1371, %select_n3A_1367 : i32
    %slice3A_1379 = vector.extract_strided_slice %parallel_loop3A_1341#0 {offsets = [4], sizes = [1], strides = [1]} : vector<16xf32> to vector<1xf32>
    %squeeze3A_1380 = vector.extract %slice3A_1379[0] : f32 from vector<1xf32>
    %slice3A_1381 = vector.extract_strided_slice %parallel_loop3A_1341#1 {offsets = [4], sizes = [1], strides = [1]} : vector<16xi32> to vector<1xi32>
    %squeeze3A_1382 = vector.extract %slice3A_1381[0] : i32 from vector<1xi32>
    %gt3A_1383 = arith.cmpf ogt, %squeeze3A_1380, %select_n3A_1377 : f32
    %eq3A_1384 = arith.cmpf oeq, %squeeze3A_1380, %select_n3A_1377 : f32
    %lt3A_1385 = arith.cmpi slt, %squeeze3A_1382, %select_n3A_1378 : i32
    %and3A_1386 = arith.andi %eq3A_1384, %lt3A_1385 : i1
    %or3A_1387 = arith.ori %gt3A_1383, %and3A_1386 : i1
    %select_n3A_1388 = arith.select %or3A_1387, %squeeze3A_1380, %select_n3A_1377 : f32
    %select_n3A_1389 = arith.select %or3A_1387, %squeeze3A_1382, %select_n3A_1378 : i32
    %slice3A_1390 = vector.extract_strided_slice %parallel_loop3A_1341#0 {offsets = [5], sizes = [1], strides = [1]} : vector<16xf32> to vector<1xf32>
    %squeeze3A_1391 = vector.extract %slice3A_1390[0] : f32 from vector<1xf32>
    %slice3A_1392 = vector.extract_strided_slice %parallel_loop3A_1341#1 {offsets = [5], sizes = [1], strides = [1]} : vector<16xi32> to vector<1xi32>
    %squeeze3A_1393 = vector.extract %slice3A_1392[0] : i32 from vector<1xi32>
    %gt3A_1394 = arith.cmpf ogt, %squeeze3A_1391, %select_n3A_1388 : f32
    %eq3A_1395 = arith.cmpf oeq, %squeeze3A_1391, %select_n3A_1388 : f32
    %lt3A_1396 = arith.cmpi slt, %squeeze3A_1393, %select_n3A_1389 : i32
    %and3A_1397 = arith.andi %eq3A_1395, %lt3A_1396 : i1
    %or3A_1398 = arith.ori %gt3A_1394, %and3A_1397 : i1
    %select_n3A_1399 = arith.select %or3A_1398, %squeeze3A_1391, %select_n3A_1388 : f32
    %select_n3A_1400 = arith.select %or3A_1398, %squeeze3A_1393, %select_n3A_1389 : i32
    %slice3A_1401 = vector.extract_strided_slice %parallel_loop3A_1341#0 {offsets = [6], sizes = [1], strides = [1]} : vector<16xf32> to vector<1xf32>
    %squeeze3A_1402 = vector.extract %slice3A_1401[0] : f32 from vector<1xf32>
    %slice3A_1403 = vector.extract_strided_slice %parallel_loop3A_1341#1 {offsets = [6], sizes = [1], strides = [1]} : vector<16xi32> to vector<1xi32>
    %squeeze3A_1404 = vector.extract %slice3A_1403[0] : i32 from vector<1xi32>
    %gt3A_1405 = arith.cmpf ogt, %squeeze3A_1402, %select_n3A_1399 : f32
    %eq3A_1406 = arith.cmpf oeq, %squeeze3A_1402, %select_n3A_1399 : f32
    %lt3A_1407 = arith.cmpi slt, %squeeze3A_1404, %select_n3A_1400 : i32
    %and3A_1408 = arith.andi %eq3A_1406, %lt3A_1407 : i1
    %or3A_1409 = arith.ori %gt3A_1405, %and3A_1408 : i1
    %select_n3A_1410 = arith.select %or3A_1409, %squeeze3A_1402, %select_n3A_1399 : f32
    %select_n3A_1411 = arith.select %or3A_1409, %squeeze3A_1404, %select_n3A_1400 : i32
    %slice3A_1412 = vector.extract_strided_slice %parallel_loop3A_1341#0 {offsets = [7], sizes = [1], strides = [1]} : vector<16xf32> to vector<1xf32>
    %squeeze3A_1413 = vector.extract %slice3A_1412[0] : f32 from vector<1xf32>
    %slice3A_1414 = vector.extract_strided_slice %parallel_loop3A_1341#1 {offsets = [7], sizes = [1], strides = [1]} : vector<16xi32> to vector<1xi32>
    %squeeze3A_1415 = vector.extract %slice3A_1414[0] : i32 from vector<1xi32>
    %gt3A_1416 = arith.cmpf ogt, %squeeze3A_1413, %select_n3A_1410 : f32
    %eq3A_1417 = arith.cmpf oeq, %squeeze3A_1413, %select_n3A_1410 : f32
    %lt3A_1418 = arith.cmpi slt, %squeeze3A_1415, %select_n3A_1411 : i32
    %and3A_1419 = arith.andi %eq3A_1417, %lt3A_1418 : i1
    %or3A_1420 = arith.ori %gt3A_1416, %and3A_1419 : i1
    %select_n3A_1421 = arith.select %or3A_1420, %squeeze3A_1413, %select_n3A_1410 : f32
    %select_n3A_1422 = arith.select %or3A_1420, %squeeze3A_1415, %select_n3A_1411 : i32
    %slice3A_1423 = vector.extract_strided_slice %parallel_loop3A_1341#0 {offsets = [8], sizes = [1], strides = [1]} : vector<16xf32> to vector<1xf32>
    %squeeze3A_1424 = vector.extract %slice3A_1423[0] : f32 from vector<1xf32>
    %slice3A_1425 = vector.extract_strided_slice %parallel_loop3A_1341#1 {offsets = [8], sizes = [1], strides = [1]} : vector<16xi32> to vector<1xi32>
    %squeeze3A_1426 = vector.extract %slice3A_1425[0] : i32 from vector<1xi32>
    %gt3A_1427 = arith.cmpf ogt, %squeeze3A_1424, %select_n3A_1421 : f32
    %eq3A_1428 = arith.cmpf oeq, %squeeze3A_1424, %select_n3A_1421 : f32
    %lt3A_1429 = arith.cmpi slt, %squeeze3A_1426, %select_n3A_1422 : i32
    %and3A_1430 = arith.andi %eq3A_1428, %lt3A_1429 : i1
    %or3A_1431 = arith.ori %gt3A_1427, %and3A_1430 : i1
    %select_n3A_1432 = arith.select %or3A_1431, %squeeze3A_1424, %select_n3A_1421 : f32
    %select_n3A_1433 = arith.select %or3A_1431, %squeeze3A_1426, %select_n3A_1422 : i32
    %slice3A_1434 = vector.extract_strided_slice %parallel_loop3A_1341#0 {offsets = [9], sizes = [1], strides = [1]} : vector<16xf32> to vector<1xf32>
    %squeeze3A_1435 = vector.extract %slice3A_1434[0] : f32 from vector<1xf32>
    %slice3A_1436 = vector.extract_strided_slice %parallel_loop3A_1341#1 {offsets = [9], sizes = [1], strides = [1]} : vector<16xi32> to vector<1xi32>
    %squeeze3A_1437 = vector.extract %slice3A_1436[0] : i32 from vector<1xi32>
    %gt3A_1438 = arith.cmpf ogt, %squeeze3A_1435, %select_n3A_1432 : f32
    %eq3A_1439 = arith.cmpf oeq, %squeeze3A_1435, %select_n3A_1432 : f32
    %lt3A_1440 = arith.cmpi slt, %squeeze3A_1437, %select_n3A_1433 : i32
    %and3A_1441 = arith.andi %eq3A_1439, %lt3A_1440 : i1
    %or3A_1442 = arith.ori %gt3A_1438, %and3A_1441 : i1
    %select_n3A_1443 = arith.select %or3A_1442, %squeeze3A_1435, %select_n3A_1432 : f32
    %select_n3A_1444 = arith.select %or3A_1442, %squeeze3A_1437, %select_n3A_1433 : i32
    %slice3A_1445 = vector.extract_strided_slice %parallel_loop3A_1341#0 {offsets = [10], sizes = [1], strides = [1]} : vector<16xf32> to vector<1xf32>
    %squeeze3A_1446 = vector.extract %slice3A_1445[0] : f32 from vector<1xf32>
    %slice3A_1447 = vector.extract_strided_slice %parallel_loop3A_1341#1 {offsets = [10], sizes = [1], strides = [1]} : vector<16xi32> to vector<1xi32>
    %squeeze3A_1448 = vector.extract %slice3A_1447[0] : i32 from vector<1xi32>
    %gt3A_1449 = arith.cmpf ogt, %squeeze3A_1446, %select_n3A_1443 : f32
    %eq3A_1450 = arith.cmpf oeq, %squeeze3A_1446, %select_n3A_1443 : f32
    %lt3A_1451 = arith.cmpi slt, %squeeze3A_1448, %select_n3A_1444 : i32
    %and3A_1452 = arith.andi %eq3A_1450, %lt3A_1451 : i1
    %or3A_1453 = arith.ori %gt3A_1449, %and3A_1452 : i1
    %select_n3A_1454 = arith.select %or3A_1453, %squeeze3A_1446, %select_n3A_1443 : f32
    %select_n3A_1455 = arith.select %or3A_1453, %squeeze3A_1448, %select_n3A_1444 : i32
    %slice3A_1456 = vector.extract_strided_slice %parallel_loop3A_1341#0 {offsets = [11], sizes = [1], strides = [1]} : vector<16xf32> to vector<1xf32>
    %squeeze3A_1457 = vector.extract %slice3A_1456[0] : f32 from vector<1xf32>
    %slice3A_1458 = vector.extract_strided_slice %parallel_loop3A_1341#1 {offsets = [11], sizes = [1], strides = [1]} : vector<16xi32> to vector<1xi32>
    %squeeze3A_1459 = vector.extract %slice3A_1458[0] : i32 from vector<1xi32>
    %gt3A_1460 = arith.cmpf ogt, %squeeze3A_1457, %select_n3A_1454 : f32
    %eq3A_1461 = arith.cmpf oeq, %squeeze3A_1457, %select_n3A_1454 : f32
    %lt3A_1462 = arith.cmpi slt, %squeeze3A_1459, %select_n3A_1455 : i32
    %and3A_1463 = arith.andi %eq3A_1461, %lt3A_1462 : i1
    %or3A_1464 = arith.ori %gt3A_1460, %and3A_1463 : i1
    %select_n3A_1465 = arith.select %or3A_1464, %squeeze3A_1457, %select_n3A_1454 : f32
    %select_n3A_1466 = arith.select %or3A_1464, %squeeze3A_1459, %select_n3A_1455 : i32
    %slice3A_1467 = vector.extract_strided_slice %parallel_loop3A_1341#0 {offsets = [12], sizes = [1], strides = [1]} : vector<16xf32> to vector<1xf32>
    %squeeze3A_1468 = vector.extract %slice3A_1467[0] : f32 from vector<1xf32>
    %slice3A_1469 = vector.extract_strided_slice %parallel_loop3A_1341#1 {offsets = [12], sizes = [1], strides = [1]} : vector<16xi32> to vector<1xi32>
    %squeeze3A_1470 = vector.extract %slice3A_1469[0] : i32 from vector<1xi32>
    %gt3A_1471 = arith.cmpf ogt, %squeeze3A_1468, %select_n3A_1465 : f32
    %eq3A_1472 = arith.cmpf oeq, %squeeze3A_1468, %select_n3A_1465 : f32
    %lt3A_1473 = arith.cmpi slt, %squeeze3A_1470, %select_n3A_1466 : i32
    %and3A_1474 = arith.andi %eq3A_1472, %lt3A_1473 : i1
    %or3A_1475 = arith.ori %gt3A_1471, %and3A_1474 : i1
    %select_n3A_1476 = arith.select %or3A_1475, %squeeze3A_1468, %select_n3A_1465 : f32
    %select_n3A_1477 = arith.select %or3A_1475, %squeeze3A_1470, %select_n3A_1466 : i32
    %slice3A_1478 = vector.extract_strided_slice %parallel_loop3A_1341#0 {offsets = [13], sizes = [1], strides = [1]} : vector<16xf32> to vector<1xf32>
    %squeeze3A_1479 = vector.extract %slice3A_1478[0] : f32 from vector<1xf32>
    %slice3A_1480 = vector.extract_strided_slice %parallel_loop3A_1341#1 {offsets = [13], sizes = [1], strides = [1]} : vector<16xi32> to vector<1xi32>
    %squeeze3A_1481 = vector.extract %slice3A_1480[0] : i32 from vector<1xi32>
    %gt3A_1482 = arith.cmpf ogt, %squeeze3A_1479, %select_n3A_1476 : f32
    %eq3A_1483 = arith.cmpf oeq, %squeeze3A_1479, %select_n3A_1476 : f32
    %lt3A_1484 = arith.cmpi slt, %squeeze3A_1481, %select_n3A_1477 : i32
    %and3A_1485 = arith.andi %eq3A_1483, %lt3A_1484 : i1
    %or3A_1486 = arith.ori %gt3A_1482, %and3A_1485 : i1
    %select_n3A_1487 = arith.select %or3A_1486, %squeeze3A_1479, %select_n3A_1476 : f32
    %select_n3A_1488 = arith.select %or3A_1486, %squeeze3A_1481, %select_n3A_1477 : i32
    %slice3A_1489 = vector.extract_strided_slice %parallel_loop3A_1341#0 {offsets = [14], sizes = [1], strides = [1]} : vector<16xf32> to vector<1xf32>
    %squeeze3A_1490 = vector.extract %slice3A_1489[0] : f32 from vector<1xf32>
    %slice3A_1491 = vector.extract_strided_slice %parallel_loop3A_1341#1 {offsets = [14], sizes = [1], strides = [1]} : vector<16xi32> to vector<1xi32>
    %squeeze3A_1492 = vector.extract %slice3A_1491[0] : i32 from vector<1xi32>
    %gt3A_1493 = arith.cmpf ogt, %squeeze3A_1490, %select_n3A_1487 : f32
    %eq3A_1494 = arith.cmpf oeq, %squeeze3A_1490, %select_n3A_1487 : f32
    %lt3A_1495 = arith.cmpi slt, %squeeze3A_1492, %select_n3A_1488 : i32
    %and3A_1496 = arith.andi %eq3A_1494, %lt3A_1495 : i1
    %or3A_1497 = arith.ori %gt3A_1493, %and3A_1496 : i1
    %select_n3A_1498 = arith.select %or3A_1497, %squeeze3A_1490, %select_n3A_1487 : f32
    %select_n3A_1499 = arith.select %or3A_1497, %squeeze3A_1492, %select_n3A_1488 : i32
    %slice3A_1500 = vector.extract_strided_slice %parallel_loop3A_1341#0 {offsets = [15], sizes = [1], strides = [1]} : vector<16xf32> to vector<1xf32>
    %squeeze3A_1501 = vector.extract %slice3A_1500[0] : f32 from vector<1xf32>
    %slice3A_1502 = vector.extract_strided_slice %parallel_loop3A_1341#1 {offsets = [15], sizes = [1], strides = [1]} : vector<16xi32> to vector<1xi32>
    %squeeze3A_1503 = vector.extract %slice3A_1502[0] : i32 from vector<1xi32>
    %gt3A_1504 = arith.cmpf ogt, %squeeze3A_1501, %select_n3A_1498 : f32
    %eq3A_1505 = arith.cmpf oeq, %squeeze3A_1501, %select_n3A_1498 : f32
    %lt3A_1506 = arith.cmpi slt, %squeeze3A_1503, %select_n3A_1499 : i32
    %and3A_1507 = arith.andi %eq3A_1505, %lt3A_1506 : i1
    %or3A_1508 = arith.ori %gt3A_1504, %and3A_1507 : i1
    %select_n3A_1509 = arith.select %or3A_1508, %squeeze3A_1501, %select_n3A_1498 : f32
    %select_n3A_1510 = arith.select %or3A_1508, %squeeze3A_1503, %select_n3A_1499 : i32
    %jit3A_1511 = arith.constant 16 : i32
    %div3A_1512 = arith.divsi %select_n3A_1510, %jit3A_1511 : i32
    %sign3A_1513 = arith.constant 0 : i32
    %sign3A_1514 = arith.cmpi sgt, %select_n3A_1510, %sign3A_1513 : i32
    %sign3A_1515 = arith.extui %sign3A_1514 : i1 to i32
    %sign3A_1516 = arith.constant 0 : i32
    %sign3A_1517 = arith.cmpi slt, %select_n3A_1510, %sign3A_1516 : i32
    %sign3A_1518 = arith.extui %sign3A_1517 : i1 to i32
    %sign3A_1519 = arith.subi %sign3A_1515, %sign3A_1518 : i32
    %sign3A_1520 = arith.constant 0 : i32
    %sign3A_1521 = arith.cmpi sgt, %jit3A_1511, %sign3A_1520 : i32
    %sign3A_1522 = arith.extui %sign3A_1521 : i1 to i32
    %sign3A_1523 = arith.constant 0 : i32
    %sign3A_1524 = arith.cmpi slt, %jit3A_1511, %sign3A_1523 : i32
    %sign3A_1525 = arith.extui %sign3A_1524 : i1 to i32
    %sign3A_1526 = arith.subi %sign3A_1522, %sign3A_1525 : i32
    %ne3A_1527 = arith.cmpi ne, %sign3A_1519, %sign3A_1526 : i32
    %rem3A_1528 = arith.remsi %select_n3A_1510, %jit3A_1511 : i32
    %ne3A_1529 = arith.constant 0 : i32
    %ne3A_1530 = arith.cmpi ne, %rem3A_1528, %ne3A_1529 : i32
    %and3A_1531 = arith.andi %ne3A_1527, %ne3A_1530 : i1
    %sub3A_1532 = arith.constant 1 : i32
    %sub3A_1533 = arith.subi %div3A_1512, %sub3A_1532 : i32
    %select_n3A_1534 = arith.select %and3A_1531, %sub3A_1533, %div3A_1512 : i32
    %mul3A_1535 = arith.constant 16 : i32
    %mul3A_1536 = arith.muli %select_n3A_1534, %mul3A_1535 : i32
    %jit3A_1537 = arith.constant 16 : i32
    %eq3A_1538 = arith.constant 0 : i32
    %eq3A_1539 = arith.cmpi eq, %jit3A_1537, %eq3A_1538 : i32
    %jit3A_1540 = arith.constant 1 : i32
    %select_n3A_1541 = arith.select %eq3A_1539, %jit3A_1540, %jit3A_1537 : i32
    %rem3A_1542 = arith.remsi %select_n3A_1510, %select_n3A_1541 : i32
    %ne3A_1543 = arith.constant 0 : i32
    %ne3A_1544 = arith.cmpi ne, %rem3A_1542, %ne3A_1543 : i32
    %lt3A_1545 = arith.constant 0 : i32
    %lt3A_1546 = arith.cmpi slt, %rem3A_1542, %lt3A_1545 : i32
    %lt3A_1547 = arith.constant 0 : i32
    %lt3A_1548 = arith.cmpi slt, %select_n3A_1541, %lt3A_1547 : i32
    %ne3A_1549 = arith.xori %lt3A_1546, %lt3A_1548 : i1
    %and3A_1550 = arith.andi %ne3A_1549, %ne3A_1544 : i1
    %add3A_1551 = arith.addi %rem3A_1542, %select_n3A_1541 : i32
    %select_n3A_1552 = arith.select %and3A_1550, %add3A_1551, %rem3A_1542 : i32
    %eq3A_1553 = vector.broadcast %select_n3A_1552 : i32 to vector<16xi32>
    %eq3A_1554 = arith.cmpi eq, %iota3A, %eq3A_1553 : vector<16xi32>
    %get3A_1555 = arith.index_cast %mul3A_1536 : i32 to index
    %get3A_1556 = tpu.vector_load %arg11[%get3A_1555] {strides = array<i32>} : memref<8832xf32, #tpu.memory_space<vmem>>, vector<16xf32>,
    %get3A_1557 = vector.shape_cast %get3A_1556 : vector<16xf32> to vector<16xf32>
    %jit3A_1558 = arith.constant 2.000000e+00 : f32
    %broadcast_in_dim3A_1559 = vector.broadcast %jit3A_1558 : f32 to vector<16xf32>
    %select_n3A_1560 = arith.select %eq3A_1554, %broadcast_in_dim3A_1559, %get3A_1557 : vector<16xi1>, vector<16xf32>
    %swap3A_1561 = arith.index_cast %mul3A_1536 : i32 to index
    %swap3A_1562 = tpu.vector_load %arg11[%swap3A_1561] {strides = array<i32>} : memref<8832xf32, #tpu.memory_space<vmem>>, vector<16xf32>,
    %swap3A_1563 = vector.shape_cast %swap3A_1562 : vector<16xf32> to vector<16xf32>
    %swap3A_1564 = vector.shape_cast %select_n3A_1560 : vector<16xf32> to vector<16xf32>
    tpu.vector_store %arg11[%swap3A_1561], %swap3A_1564 {strides = array<i32>} : memref<8832xf32, #tpu.memory_space<vmem>>, vector<16xf32>,
    %get3A_1565 = arith.index_cast %mul3A_1536 : i32 to index
    %get3A_1566 = tpu.vector_load %arg12[%get3A_1565] {strides = array<i32>} : memref<8832xf32, #tpu.memory_space<vmem>>, vector<16xf32>,
    %get3A_1567 = vector.shape_cast %get3A_1566 : vector<16xf32> to vector<16xf32>
    %select_n3A_1568 = arith.select %eq3A_1554, %broadcast_in_dim3A_1333, %get3A_1567 : vector<16xi1>, vector<16xf32>
    %swap3A_1569 = arith.index_cast %mul3A_1536 : i32 to index
    %swap3A_1570 = tpu.vector_load %arg12[%swap3A_1569] {strides = array<i32>} : memref<8832xf32, #tpu.memory_space<vmem>>, vector<16xf32>,
    %swap3A_1571 = vector.shape_cast %swap3A_1570 : vector<16xf32> to vector<16xf32>
    %swap3A_1572 = vector.shape_cast %select_n3A_1568 : vector<16xf32> to vector<16xf32>
    tpu.vector_store %arg12[%swap3A_1569], %swap3A_1572 {strides = array<i32>} : memref<8832xf32, #tpu.memory_space<vmem>>, vector<16xf32>,
    %get3A_1573 = arith.constant 24 : i32
    %get3A_1574 = arith.index_cast %get3A_1573 : i32 to index
    %get3A_1575 = arith.constant 0 : index
    %get3A_1576 = tpu.vector_load %arg10[%get3A_1574, %get3A_1575] {strides = array<i32>} : memref<40x16xf32, #tpu.memory_space<vmem>>, vector<1x16xf32>,
    %get3A_1577 = vector.shape_cast %get3A_1576 : vector<1x16xf32> to vector<16xf32>
    %get3A_1578 = arith.constant 25 : i32
    %get3A_1579 = arith.index_cast %get3A_1578 : i32 to index
    %get3A_1580 = arith.constant 0 : index
    %get3A_1581 = tpu.vector_load %arg10[%get3A_1579, %get3A_1580] {strides = array<i32>} : memref<40x16xf32, #tpu.memory_space<vmem>>, vector<1x16xf32>,
    %get3A_1582 = vector.shape_cast %get3A_1581 : vector<1x16xf32> to vector<16xf32>
    %get3A_1583 = arith.constant 26 : i32
    %get3A_1584 = arith.index_cast %get3A_1583 : i32 to index
    %get3A_1585 = arith.constant 0 : index
    %get3A_1586 = tpu.vector_load %arg10[%get3A_1584, %get3A_1585] {strides = array<i32>} : memref<40x16xf32, #tpu.memory_space<vmem>>, vector<1x16xf32>,
    %get3A_1587 = vector.shape_cast %get3A_1586 : vector<1x16xf32> to vector<16xf32>
    %get3A_1588 = arith.constant 27 : i32
    %get3A_1589 = arith.index_cast %get3A_1588 : i32 to index
    %get3A_1590 = arith.constant 0 : index
    %get3A_1591 = tpu.vector_load %arg10[%get3A_1589, %get3A_1590] {strides = array<i32>} : memref<40x16xf32, #tpu.memory_space<vmem>>, vector<1x16xf32>,
    %get3A_1592 = vector.shape_cast %get3A_1591 : vector<1x16xf32> to vector<16xf32>
    %sub3A_1593 = arith.subf %get3A_1587, %get3A_1577 : vector<16xf32>
    %sub3A_1594 = arith.subf %get3A_1592, %get3A_1582 : vector<16xf32>
    %mul3A_1595 = arith.mulf %sub3A_1593, %sub3A_1594 : vector<16xf32>
    %broadcast_in_dim3A_1596 = arith.constant 6.000000e+00 : f32
    %broadcast_in_dim3A_1597 = vector.broadcast %broadcast_in_dim3A_1596 : f32 to vector<16xf32>
    %broadcast_in_dim3A_1598 = arith.constant -2.000000e+00 : f32
    %broadcast_in_dim3A_1599 = vector.broadcast %broadcast_in_dim3A_1598 : f32 to vector<16xf32>
    %broadcast_in_dim3A_1600 = arith.constant 0 : i32
    %broadcast_in_dim3A_1601 = vector.broadcast %broadcast_in_dim3A_1600 : i32 to vector<16xi32>
    %parallel_loop3A_1602 = arith.constant 0 : i32
    %parallel_loop3A_1603 = arith.constant 552 : i32
    %parallel_loop3A_1604 = arith.constant 1 : i32
    %parallel_loop3A_1605:2 = scf.for %parallel_loop3A_2632 = %parallel_loop3A_1602 to %parallel_loop3A_1603 step %parallel_loop3A_1604 iter_args(%parallel_loop3A_2633 = %broadcast_in_dim3A_1599, %parallel_loop3A_2634 = %broadcast_in_dim3A_1601) -> (vector<16xf32>, vector<16xi32>)  : i32 {
      %parallel_loop3A_2635 = arith.constant 16 : i32
      %parallel_loop3A_2636 = arith.muli %parallel_loop3A_2632, %parallel_loop3A_2635 : i32
      %parallel_loop3A_2637 = arith.index_cast %parallel_loop3A_2636 : i32 to index
      %parallel_loop3A_2638 = tpu.vector_load %arg6[%parallel_loop3A_2637] {strides = array<i32>} : memref<8832xf32, #tpu.memory_space<vmem>>, vector<16xf32>,
      %parallel_loop3A_2639 = vector.shape_cast %parallel_loop3A_2638 : vector<16xf32> to vector<16xf32>
      %parallel_loop3A_2640 = arith.index_cast %parallel_loop3A_2636 : i32 to index
      %parallel_loop3A_2641 = tpu.vector_load %arg7[%parallel_loop3A_2640] {strides = array<i32>} : memref<8832xf32, #tpu.memory_space<vmem>>, vector<16xf32>,
      %parallel_loop3A_2642 = vector.shape_cast %parallel_loop3A_2641 : vector<16xf32> to vector<16xf32>
      %parallel_loop3A_2643 = arith.index_cast %parallel_loop3A_2636 : i32 to index
      %parallel_loop3A_2644 = tpu.vector_load %arg8[%parallel_loop3A_2643] {strides = array<i32>} : memref<8832xf32, #tpu.memory_space<vmem>>, vector<16xf32>,
      %parallel_loop3A_2645 = vector.shape_cast %parallel_loop3A_2644 : vector<16xf32> to vector<16xf32>
      %parallel_loop3A_2646 = arith.index_cast %parallel_loop3A_2636 : i32 to index
      %parallel_loop3A_2647 = tpu.vector_load %arg9[%parallel_loop3A_2646] {strides = array<i32>} : memref<8832xf32, #tpu.memory_space<vmem>>, vector<16xf32>,
      %parallel_loop3A_2648 = vector.shape_cast %parallel_loop3A_2647 : vector<16xf32> to vector<16xf32>
      %parallel_loop3A_2649 = arith.subf %parallel_loop3A_2645, %parallel_loop3A_2639 : vector<16xf32>
      %parallel_loop3A_2650 = arith.subf %parallel_loop3A_2648, %parallel_loop3A_2642 : vector<16xf32>
      %parallel_loop3A_2651 = arith.mulf %parallel_loop3A_2649, %parallel_loop3A_2650 : vector<16xf32>
      %parallel_loop3A_2652 = arith.minimumf %parallel_loop3A_2645, %get3A_1587 : vector<16xf32>
      %parallel_loop3A_2653 = arith.maximumf %parallel_loop3A_2639, %get3A_1577 : vector<16xf32>
      %parallel_loop3A_2654 = arith.subf %parallel_loop3A_2652, %parallel_loop3A_2653 : vector<16xf32>
      %parallel_loop3A_2655 = arith.constant 0.000000e+00 : f32
      %parallel_loop3A_2656 = vector.broadcast %parallel_loop3A_2655 : f32 to vector<16xf32>
      %parallel_loop3A_2657 = arith.maximumf %parallel_loop3A_2654, %parallel_loop3A_2656 : vector<16xf32>
      %parallel_loop3A_2658 = arith.minimumf %parallel_loop3A_2648, %get3A_1592 : vector<16xf32>
      %parallel_loop3A_2659 = arith.maximumf %parallel_loop3A_2642, %get3A_1582 : vector<16xf32>
      %parallel_loop3A_2660 = arith.subf %parallel_loop3A_2658, %parallel_loop3A_2659 : vector<16xf32>
      %parallel_loop3A_2661 = arith.constant 0.000000e+00 : f32
      %parallel_loop3A_2662 = vector.broadcast %parallel_loop3A_2661 : f32 to vector<16xf32>
      %parallel_loop3A_2663 = arith.maximumf %parallel_loop3A_2660, %parallel_loop3A_2662 : vector<16xf32>
      %parallel_loop3A_2664 = arith.mulf %parallel_loop3A_2657, %parallel_loop3A_2663 : vector<16xf32>
      %parallel_loop3A_2665 = arith.addf %parallel_loop3A_2651, %mul3A_1595 : vector<16xf32>
      %parallel_loop3A_2666 = arith.subf %parallel_loop3A_2665, %parallel_loop3A_2664 : vector<16xf32>
      %parallel_loop3A_2667 = arith.divf %parallel_loop3A_2664, %parallel_loop3A_2666 : vector<16xf32>
      %parallel_loop3A_2668 = arith.index_cast %parallel_loop3A_2636 : i32 to index
      %parallel_loop3A_2669 = tpu.vector_load %arg11[%parallel_loop3A_2668] {strides = array<i32>} : memref<8832xf32, #tpu.memory_space<vmem>>, vector<16xf32>,
      %parallel_loop3A_2670 = vector.shape_cast %parallel_loop3A_2669 : vector<16xf32> to vector<16xf32>
      %parallel_loop3A_2671 = arith.cmpf ogt, %parallel_loop3A_2667, %parallel_loop3A_2670 : vector<16xf32>
      %parallel_loop3A_2672 = arith.select %parallel_loop3A_2671, %parallel_loop3A_2667, %parallel_loop3A_2670 : vector<16xi1>, vector<16xf32>
      %parallel_loop3A_2673 = arith.index_cast %parallel_loop3A_2636 : i32 to index
      %parallel_loop3A_2674 = tpu.vector_load %arg11[%parallel_loop3A_2673] {strides = array<i32>} : memref<8832xf32, #tpu.memory_space<vmem>>, vector<16xf32>,
      %parallel_loop3A_2675 = vector.shape_cast %parallel_loop3A_2674 : vector<16xf32> to vector<16xf32>
      %parallel_loop3A_2676 = vector.shape_cast %parallel_loop3A_2672 : vector<16xf32> to vector<16xf32>
      tpu.vector_store %arg11[%parallel_loop3A_2673], %parallel_loop3A_2676 {strides = array<i32>} : memref<8832xf32, #tpu.memory_space<vmem>>, vector<16xf32>,
      %parallel_loop3A_2677 = arith.index_cast %parallel_loop3A_2636 : i32 to index
      %parallel_loop3A_2678 = tpu.vector_load %arg12[%parallel_loop3A_2677] {strides = array<i32>} : memref<8832xf32, #tpu.memory_space<vmem>>, vector<16xf32>,
      %parallel_loop3A_2679 = vector.shape_cast %parallel_loop3A_2678 : vector<16xf32> to vector<16xf32>
      %parallel_loop3A_2680 = arith.select %parallel_loop3A_2671, %broadcast_in_dim3A_1597, %parallel_loop3A_2679 : vector<16xi1>, vector<16xf32>
      %parallel_loop3A_2681 = arith.index_cast %parallel_loop3A_2636 : i32 to index
      %parallel_loop3A_2682 = tpu.vector_load %arg12[%parallel_loop3A_2681] {strides = array<i32>} : memref<8832xf32, #tpu.memory_space<vmem>>, vector<16xf32>,
      %parallel_loop3A_2683 = vector.shape_cast %parallel_loop3A_2682 : vector<16xf32> to vector<16xf32>
      %parallel_loop3A_2684 = vector.shape_cast %parallel_loop3A_2680 : vector<16xf32> to vector<16xf32>
      tpu.vector_store %arg12[%parallel_loop3A_2681], %parallel_loop3A_2684 {strides = array<i32>} : memref<8832xf32, #tpu.memory_space<vmem>>, vector<16xf32>,
      %parallel_loop3A_2685 = arith.cmpf ogt, %parallel_loop3A_2667, %parallel_loop3A_2633 : vector<16xf32>
      %parallel_loop3A_2686 = arith.select %parallel_loop3A_2685, %parallel_loop3A_2667, %parallel_loop3A_2633 : vector<16xi1>, vector<16xf32>
      %parallel_loop3A_2687 = vector.broadcast %parallel_loop3A_2636 : i32 to vector<16xi32>
      %parallel_loop3A_2688 = arith.addi %parallel_loop3A_2687, %iota3A : vector<16xi32>
      %parallel_loop3A_2689 = arith.select %parallel_loop3A_2685, %parallel_loop3A_2688, %parallel_loop3A_2634 : vector<16xi1>, vector<16xi32>
      scf.yield %parallel_loop3A_2686, %parallel_loop3A_2689 : vector<16xf32>, vector<16xi32>
    } {sc.loop_unroll_factor = 8 : i64, sc.parallel_access}
    %slice3A_1606 = vector.extract_strided_slice %parallel_loop3A_1605#0 {offsets = [0], sizes = [1], strides = [1]} : vector<16xf32> to vector<1xf32>
    %squeeze3A_1607 = vector.extract %slice3A_1606[0] : f32 from vector<1xf32>
    %slice3A_1608 = vector.extract_strided_slice %parallel_loop3A_1605#1 {offsets = [0], sizes = [1], strides = [1]} : vector<16xi32> to vector<1xi32>
    %squeeze3A_1609 = vector.extract %slice3A_1608[0] : i32 from vector<1xi32>
    %slice3A_1610 = vector.extract_strided_slice %parallel_loop3A_1605#0 {offsets = [1], sizes = [1], strides = [1]} : vector<16xf32> to vector<1xf32>
    %squeeze3A_1611 = vector.extract %slice3A_1610[0] : f32 from vector<1xf32>
    %slice3A_1612 = vector.extract_strided_slice %parallel_loop3A_1605#1 {offsets = [1], sizes = [1], strides = [1]} : vector<16xi32> to vector<1xi32>
    %squeeze3A_1613 = vector.extract %slice3A_1612[0] : i32 from vector<1xi32>
    %gt3A_1614 = arith.cmpf ogt, %squeeze3A_1611, %squeeze3A_1607 : f32
    %eq3A_1615 = arith.cmpf oeq, %squeeze3A_1611, %squeeze3A_1607 : f32
    %lt3A_1616 = arith.cmpi slt, %squeeze3A_1613, %squeeze3A_1609 : i32
    %and3A_1617 = arith.andi %eq3A_1615, %lt3A_1616 : i1
    %or3A_1618 = arith.ori %gt3A_1614, %and3A_1617 : i1
    %select_n3A_1619 = arith.select %or3A_1618, %squeeze3A_1611, %squeeze3A_1607 : f32
    %select_n3A_1620 = arith.select %or3A_1618, %squeeze3A_1613, %squeeze3A_1609 : i32
    %slice3A_1621 = vector.extract_strided_slice %parallel_loop3A_1605#0 {offsets = [2], sizes = [1], strides = [1]} : vector<16xf32> to vector<1xf32>
    %squeeze3A_1622 = vector.extract %slice3A_1621[0] : f32 from vector<1xf32>
    %slice3A_1623 = vector.extract_strided_slice %parallel_loop3A_1605#1 {offsets = [2], sizes = [1], strides = [1]} : vector<16xi32> to vector<1xi32>
    %squeeze3A_1624 = vector.extract %slice3A_1623[0] : i32 from vector<1xi32>
    %gt3A_1625 = arith.cmpf ogt, %squeeze3A_1622, %select_n3A_1619 : f32
    %eq3A_1626 = arith.cmpf oeq, %squeeze3A_1622, %select_n3A_1619 : f32
    %lt3A_1627 = arith.cmpi slt, %squeeze3A_1624, %select_n3A_1620 : i32
    %and3A_1628 = arith.andi %eq3A_1626, %lt3A_1627 : i1
    %or3A_1629 = arith.ori %gt3A_1625, %and3A_1628 : i1
    %select_n3A_1630 = arith.select %or3A_1629, %squeeze3A_1622, %select_n3A_1619 : f32
    %select_n3A_1631 = arith.select %or3A_1629, %squeeze3A_1624, %select_n3A_1620 : i32
    %slice3A_1632 = vector.extract_strided_slice %parallel_loop3A_1605#0 {offsets = [3], sizes = [1], strides = [1]} : vector<16xf32> to vector<1xf32>
    %squeeze3A_1633 = vector.extract %slice3A_1632[0] : f32 from vector<1xf32>
    %slice3A_1634 = vector.extract_strided_slice %parallel_loop3A_1605#1 {offsets = [3], sizes = [1], strides = [1]} : vector<16xi32> to vector<1xi32>
    %squeeze3A_1635 = vector.extract %slice3A_1634[0] : i32 from vector<1xi32>
    %gt3A_1636 = arith.cmpf ogt, %squeeze3A_1633, %select_n3A_1630 : f32
    %eq3A_1637 = arith.cmpf oeq, %squeeze3A_1633, %select_n3A_1630 : f32
    %lt3A_1638 = arith.cmpi slt, %squeeze3A_1635, %select_n3A_1631 : i32
    %and3A_1639 = arith.andi %eq3A_1637, %lt3A_1638 : i1
    %or3A_1640 = arith.ori %gt3A_1636, %and3A_1639 : i1
    %select_n3A_1641 = arith.select %or3A_1640, %squeeze3A_1633, %select_n3A_1630 : f32
    %select_n3A_1642 = arith.select %or3A_1640, %squeeze3A_1635, %select_n3A_1631 : i32
    %slice3A_1643 = vector.extract_strided_slice %parallel_loop3A_1605#0 {offsets = [4], sizes = [1], strides = [1]} : vector<16xf32> to vector<1xf32>
    %squeeze3A_1644 = vector.extract %slice3A_1643[0] : f32 from vector<1xf32>
    %slice3A_1645 = vector.extract_strided_slice %parallel_loop3A_1605#1 {offsets = [4], sizes = [1], strides = [1]} : vector<16xi32> to vector<1xi32>
    %squeeze3A_1646 = vector.extract %slice3A_1645[0] : i32 from vector<1xi32>
    %gt3A_1647 = arith.cmpf ogt, %squeeze3A_1644, %select_n3A_1641 : f32
    %eq3A_1648 = arith.cmpf oeq, %squeeze3A_1644, %select_n3A_1641 : f32
    %lt3A_1649 = arith.cmpi slt, %squeeze3A_1646, %select_n3A_1642 : i32
    %and3A_1650 = arith.andi %eq3A_1648, %lt3A_1649 : i1
    %or3A_1651 = arith.ori %gt3A_1647, %and3A_1650 : i1
    %select_n3A_1652 = arith.select %or3A_1651, %squeeze3A_1644, %select_n3A_1641 : f32
    %select_n3A_1653 = arith.select %or3A_1651, %squeeze3A_1646, %select_n3A_1642 : i32
    %slice3A_1654 = vector.extract_strided_slice %parallel_loop3A_1605#0 {offsets = [5], sizes = [1], strides = [1]} : vector<16xf32> to vector<1xf32>
    %squeeze3A_1655 = vector.extract %slice3A_1654[0] : f32 from vector<1xf32>
    %slice3A_1656 = vector.extract_strided_slice %parallel_loop3A_1605#1 {offsets = [5], sizes = [1], strides = [1]} : vector<16xi32> to vector<1xi32>
    %squeeze3A_1657 = vector.extract %slice3A_1656[0] : i32 from vector<1xi32>
    %gt3A_1658 = arith.cmpf ogt, %squeeze3A_1655, %select_n3A_1652 : f32
    %eq3A_1659 = arith.cmpf oeq, %squeeze3A_1655, %select_n3A_1652 : f32
    %lt3A_1660 = arith.cmpi slt, %squeeze3A_1657, %select_n3A_1653 : i32
    %and3A_1661 = arith.andi %eq3A_1659, %lt3A_1660 : i1
    %or3A_1662 = arith.ori %gt3A_1658, %and3A_1661 : i1
    %select_n3A_1663 = arith.select %or3A_1662, %squeeze3A_1655, %select_n3A_1652 : f32
    %select_n3A_1664 = arith.select %or3A_1662, %squeeze3A_1657, %select_n3A_1653 : i32
    %slice3A_1665 = vector.extract_strided_slice %parallel_loop3A_1605#0 {offsets = [6], sizes = [1], strides = [1]} : vector<16xf32> to vector<1xf32>
    %squeeze3A_1666 = vector.extract %slice3A_1665[0] : f32 from vector<1xf32>
    %slice3A_1667 = vector.extract_strided_slice %parallel_loop3A_1605#1 {offsets = [6], sizes = [1], strides = [1]} : vector<16xi32> to vector<1xi32>
    %squeeze3A_1668 = vector.extract %slice3A_1667[0] : i32 from vector<1xi32>
    %gt3A_1669 = arith.cmpf ogt, %squeeze3A_1666, %select_n3A_1663 : f32
    %eq3A_1670 = arith.cmpf oeq, %squeeze3A_1666, %select_n3A_1663 : f32
    %lt3A_1671 = arith.cmpi slt, %squeeze3A_1668, %select_n3A_1664 : i32
    %and3A_1672 = arith.andi %eq3A_1670, %lt3A_1671 : i1
    %or3A_1673 = arith.ori %gt3A_1669, %and3A_1672 : i1
    %select_n3A_1674 = arith.select %or3A_1673, %squeeze3A_1666, %select_n3A_1663 : f32
    %select_n3A_1675 = arith.select %or3A_1673, %squeeze3A_1668, %select_n3A_1664 : i32
    %slice3A_1676 = vector.extract_strided_slice %parallel_loop3A_1605#0 {offsets = [7], sizes = [1], strides = [1]} : vector<16xf32> to vector<1xf32>
    %squeeze3A_1677 = vector.extract %slice3A_1676[0] : f32 from vector<1xf32>
    %slice3A_1678 = vector.extract_strided_slice %parallel_loop3A_1605#1 {offsets = [7], sizes = [1], strides = [1]} : vector<16xi32> to vector<1xi32>
    %squeeze3A_1679 = vector.extract %slice3A_1678[0] : i32 from vector<1xi32>
    %gt3A_1680 = arith.cmpf ogt, %squeeze3A_1677, %select_n3A_1674 : f32
    %eq3A_1681 = arith.cmpf oeq, %squeeze3A_1677, %select_n3A_1674 : f32
    %lt3A_1682 = arith.cmpi slt, %squeeze3A_1679, %select_n3A_1675 : i32
    %and3A_1683 = arith.andi %eq3A_1681, %lt3A_1682 : i1
    %or3A_1684 = arith.ori %gt3A_1680, %and3A_1683 : i1
    %select_n3A_1685 = arith.select %or3A_1684, %squeeze3A_1677, %select_n3A_1674 : f32
    %select_n3A_1686 = arith.select %or3A_1684, %squeeze3A_1679, %select_n3A_1675 : i32
    %slice3A_1687 = vector.extract_strided_slice %parallel_loop3A_1605#0 {offsets = [8], sizes = [1], strides = [1]} : vector<16xf32> to vector<1xf32>
    %squeeze3A_1688 = vector.extract %slice3A_1687[0] : f32 from vector<1xf32>
    %slice3A_1689 = vector.extract_strided_slice %parallel_loop3A_1605#1 {offsets = [8], sizes = [1], strides = [1]} : vector<16xi32> to vector<1xi32>
    %squeeze3A_1690 = vector.extract %slice3A_1689[0] : i32 from vector<1xi32>
    %gt3A_1691 = arith.cmpf ogt, %squeeze3A_1688, %select_n3A_1685 : f32
    %eq3A_1692 = arith.cmpf oeq, %squeeze3A_1688, %select_n3A_1685 : f32
    %lt3A_1693 = arith.cmpi slt, %squeeze3A_1690, %select_n3A_1686 : i32
    %and3A_1694 = arith.andi %eq3A_1692, %lt3A_1693 : i1
    %or3A_1695 = arith.ori %gt3A_1691, %and3A_1694 : i1
    %select_n3A_1696 = arith.select %or3A_1695, %squeeze3A_1688, %select_n3A_1685 : f32
    %select_n3A_1697 = arith.select %or3A_1695, %squeeze3A_1690, %select_n3A_1686 : i32
    %slice3A_1698 = vector.extract_strided_slice %parallel_loop3A_1605#0 {offsets = [9], sizes = [1], strides = [1]} : vector<16xf32> to vector<1xf32>
    %squeeze3A_1699 = vector.extract %slice3A_1698[0] : f32 from vector<1xf32>
    %slice3A_1700 = vector.extract_strided_slice %parallel_loop3A_1605#1 {offsets = [9], sizes = [1], strides = [1]} : vector<16xi32> to vector<1xi32>
    %squeeze3A_1701 = vector.extract %slice3A_1700[0] : i32 from vector<1xi32>
    %gt3A_1702 = arith.cmpf ogt, %squeeze3A_1699, %select_n3A_1696 : f32
    %eq3A_1703 = arith.cmpf oeq, %squeeze3A_1699, %select_n3A_1696 : f32
    %lt3A_1704 = arith.cmpi slt, %squeeze3A_1701, %select_n3A_1697 : i32
    %and3A_1705 = arith.andi %eq3A_1703, %lt3A_1704 : i1
    %or3A_1706 = arith.ori %gt3A_1702, %and3A_1705 : i1
    %select_n3A_1707 = arith.select %or3A_1706, %squeeze3A_1699, %select_n3A_1696 : f32
    %select_n3A_1708 = arith.select %or3A_1706, %squeeze3A_1701, %select_n3A_1697 : i32
    %slice3A_1709 = vector.extract_strided_slice %parallel_loop3A_1605#0 {offsets = [10], sizes = [1], strides = [1]} : vector<16xf32> to vector<1xf32>
    %squeeze3A_1710 = vector.extract %slice3A_1709[0] : f32 from vector<1xf32>
    %slice3A_1711 = vector.extract_strided_slice %parallel_loop3A_1605#1 {offsets = [10], sizes = [1], strides = [1]} : vector<16xi32> to vector<1xi32>
    %squeeze3A_1712 = vector.extract %slice3A_1711[0] : i32 from vector<1xi32>
    %gt3A_1713 = arith.cmpf ogt, %squeeze3A_1710, %select_n3A_1707 : f32
    %eq3A_1714 = arith.cmpf oeq, %squeeze3A_1710, %select_n3A_1707 : f32
    %lt3A_1715 = arith.cmpi slt, %squeeze3A_1712, %select_n3A_1708 : i32
    %and3A_1716 = arith.andi %eq3A_1714, %lt3A_1715 : i1
    %or3A_1717 = arith.ori %gt3A_1713, %and3A_1716 : i1
    %select_n3A_1718 = arith.select %or3A_1717, %squeeze3A_1710, %select_n3A_1707 : f32
    %select_n3A_1719 = arith.select %or3A_1717, %squeeze3A_1712, %select_n3A_1708 : i32
    %slice3A_1720 = vector.extract_strided_slice %parallel_loop3A_1605#0 {offsets = [11], sizes = [1], strides = [1]} : vector<16xf32> to vector<1xf32>
    %squeeze3A_1721 = vector.extract %slice3A_1720[0] : f32 from vector<1xf32>
    %slice3A_1722 = vector.extract_strided_slice %parallel_loop3A_1605#1 {offsets = [11], sizes = [1], strides = [1]} : vector<16xi32> to vector<1xi32>
    %squeeze3A_1723 = vector.extract %slice3A_1722[0] : i32 from vector<1xi32>
    %gt3A_1724 = arith.cmpf ogt, %squeeze3A_1721, %select_n3A_1718 : f32
    %eq3A_1725 = arith.cmpf oeq, %squeeze3A_1721, %select_n3A_1718 : f32
    %lt3A_1726 = arith.cmpi slt, %squeeze3A_1723, %select_n3A_1719 : i32
    %and3A_1727 = arith.andi %eq3A_1725, %lt3A_1726 : i1
    %or3A_1728 = arith.ori %gt3A_1724, %and3A_1727 : i1
    %select_n3A_1729 = arith.select %or3A_1728, %squeeze3A_1721, %select_n3A_1718 : f32
    %select_n3A_1730 = arith.select %or3A_1728, %squeeze3A_1723, %select_n3A_1719 : i32
    %slice3A_1731 = vector.extract_strided_slice %parallel_loop3A_1605#0 {offsets = [12], sizes = [1], strides = [1]} : vector<16xf32> to vector<1xf32>
    %squeeze3A_1732 = vector.extract %slice3A_1731[0] : f32 from vector<1xf32>
    %slice3A_1733 = vector.extract_strided_slice %parallel_loop3A_1605#1 {offsets = [12], sizes = [1], strides = [1]} : vector<16xi32> to vector<1xi32>
    %squeeze3A_1734 = vector.extract %slice3A_1733[0] : i32 from vector<1xi32>
    %gt3A_1735 = arith.cmpf ogt, %squeeze3A_1732, %select_n3A_1729 : f32
    %eq3A_1736 = arith.cmpf oeq, %squeeze3A_1732, %select_n3A_1729 : f32
    %lt3A_1737 = arith.cmpi slt, %squeeze3A_1734, %select_n3A_1730 : i32
    %and3A_1738 = arith.andi %eq3A_1736, %lt3A_1737 : i1
    %or3A_1739 = arith.ori %gt3A_1735, %and3A_1738 : i1
    %select_n3A_1740 = arith.select %or3A_1739, %squeeze3A_1732, %select_n3A_1729 : f32
    %select_n3A_1741 = arith.select %or3A_1739, %squeeze3A_1734, %select_n3A_1730 : i32
    %slice3A_1742 = vector.extract_strided_slice %parallel_loop3A_1605#0 {offsets = [13], sizes = [1], strides = [1]} : vector<16xf32> to vector<1xf32>
    %squeeze3A_1743 = vector.extract %slice3A_1742[0] : f32 from vector<1xf32>
    %slice3A_1744 = vector.extract_strided_slice %parallel_loop3A_1605#1 {offsets = [13], sizes = [1], strides = [1]} : vector<16xi32> to vector<1xi32>
    %squeeze3A_1745 = vector.extract %slice3A_1744[0] : i32 from vector<1xi32>
    %gt3A_1746 = arith.cmpf ogt, %squeeze3A_1743, %select_n3A_1740 : f32
    %eq3A_1747 = arith.cmpf oeq, %squeeze3A_1743, %select_n3A_1740 : f32
    %lt3A_1748 = arith.cmpi slt, %squeeze3A_1745, %select_n3A_1741 : i32
    %and3A_1749 = arith.andi %eq3A_1747, %lt3A_1748 : i1
    %or3A_1750 = arith.ori %gt3A_1746, %and3A_1749 : i1
    %select_n3A_1751 = arith.select %or3A_1750, %squeeze3A_1743, %select_n3A_1740 : f32
    %select_n3A_1752 = arith.select %or3A_1750, %squeeze3A_1745, %select_n3A_1741 : i32
    %slice3A_1753 = vector.extract_strided_slice %parallel_loop3A_1605#0 {offsets = [14], sizes = [1], strides = [1]} : vector<16xf32> to vector<1xf32>
    %squeeze3A_1754 = vector.extract %slice3A_1753[0] : f32 from vector<1xf32>
    %slice3A_1755 = vector.extract_strided_slice %parallel_loop3A_1605#1 {offsets = [14], sizes = [1], strides = [1]} : vector<16xi32> to vector<1xi32>
    %squeeze3A_1756 = vector.extract %slice3A_1755[0] : i32 from vector<1xi32>
    %gt3A_1757 = arith.cmpf ogt, %squeeze3A_1754, %select_n3A_1751 : f32
    %eq3A_1758 = arith.cmpf oeq, %squeeze3A_1754, %select_n3A_1751 : f32
    %lt3A_1759 = arith.cmpi slt, %squeeze3A_1756, %select_n3A_1752 : i32
    %and3A_1760 = arith.andi %eq3A_1758, %lt3A_1759 : i1
    %or3A_1761 = arith.ori %gt3A_1757, %and3A_1760 : i1
    %select_n3A_1762 = arith.select %or3A_1761, %squeeze3A_1754, %select_n3A_1751 : f32
    %select_n3A_1763 = arith.select %or3A_1761, %squeeze3A_1756, %select_n3A_1752 : i32
    %slice3A_1764 = vector.extract_strided_slice %parallel_loop3A_1605#0 {offsets = [15], sizes = [1], strides = [1]} : vector<16xf32> to vector<1xf32>
    %squeeze3A_1765 = vector.extract %slice3A_1764[0] : f32 from vector<1xf32>
    %slice3A_1766 = vector.extract_strided_slice %parallel_loop3A_1605#1 {offsets = [15], sizes = [1], strides = [1]} : vector<16xi32> to vector<1xi32>
    %squeeze3A_1767 = vector.extract %slice3A_1766[0] : i32 from vector<1xi32>
    %gt3A_1768 = arith.cmpf ogt, %squeeze3A_1765, %select_n3A_1762 : f32
    %eq3A_1769 = arith.cmpf oeq, %squeeze3A_1765, %select_n3A_1762 : f32
    %lt3A_1770 = arith.cmpi slt, %squeeze3A_1767, %select_n3A_1763 : i32
    %and3A_1771 = arith.andi %eq3A_1769, %lt3A_1770 : i1
    %or3A_1772 = arith.ori %gt3A_1768, %and3A_1771 : i1
    %select_n3A_1773 = arith.select %or3A_1772, %squeeze3A_1765, %select_n3A_1762 : f32
    %select_n3A_1774 = arith.select %or3A_1772, %squeeze3A_1767, %select_n3A_1763 : i32
    %jit3A_1775 = arith.constant 16 : i32
    %div3A_1776 = arith.divsi %select_n3A_1774, %jit3A_1775 : i32
    %sign3A_1777 = arith.constant 0 : i32
    %sign3A_1778 = arith.cmpi sgt, %select_n3A_1774, %sign3A_1777 : i32
    %sign3A_1779 = arith.extui %sign3A_1778 : i1 to i32
    %sign3A_1780 = arith.constant 0 : i32
    %sign3A_1781 = arith.cmpi slt, %select_n3A_1774, %sign3A_1780 : i32
    %sign3A_1782 = arith.extui %sign3A_1781 : i1 to i32
    %sign3A_1783 = arith.subi %sign3A_1779, %sign3A_1782 : i32
    %sign3A_1784 = arith.constant 0 : i32
    %sign3A_1785 = arith.cmpi sgt, %jit3A_1775, %sign3A_1784 : i32
    %sign3A_1786 = arith.extui %sign3A_1785 : i1 to i32
    %sign3A_1787 = arith.constant 0 : i32
    %sign3A_1788 = arith.cmpi slt, %jit3A_1775, %sign3A_1787 : i32
    %sign3A_1789 = arith.extui %sign3A_1788 : i1 to i32
    %sign3A_1790 = arith.subi %sign3A_1786, %sign3A_1789 : i32
    %ne3A_1791 = arith.cmpi ne, %sign3A_1783, %sign3A_1790 : i32
    %rem3A_1792 = arith.remsi %select_n3A_1774, %jit3A_1775 : i32
    %ne3A_1793 = arith.constant 0 : i32
    %ne3A_1794 = arith.cmpi ne, %rem3A_1792, %ne3A_1793 : i32
    %and3A_1795 = arith.andi %ne3A_1791, %ne3A_1794 : i1
    %sub3A_1796 = arith.constant 1 : i32
    %sub3A_1797 = arith.subi %div3A_1776, %sub3A_1796 : i32
    %select_n3A_1798 = arith.select %and3A_1795, %sub3A_1797, %div3A_1776 : i32
    %mul3A_1799 = arith.constant 16 : i32
    %mul3A_1800 = arith.muli %select_n3A_1798, %mul3A_1799 : i32
    %jit3A_1801 = arith.constant 16 : i32
    %eq3A_1802 = arith.constant 0 : i32
    %eq3A_1803 = arith.cmpi eq, %jit3A_1801, %eq3A_1802 : i32
    %jit3A_1804 = arith.constant 1 : i32
    %select_n3A_1805 = arith.select %eq3A_1803, %jit3A_1804, %jit3A_1801 : i32
    %rem3A_1806 = arith.remsi %select_n3A_1774, %select_n3A_1805 : i32
    %ne3A_1807 = arith.constant 0 : i32
    %ne3A_1808 = arith.cmpi ne, %rem3A_1806, %ne3A_1807 : i32
    %lt3A_1809 = arith.constant 0 : i32
    %lt3A_1810 = arith.cmpi slt, %rem3A_1806, %lt3A_1809 : i32
    %lt3A_1811 = arith.constant 0 : i32
    %lt3A_1812 = arith.cmpi slt, %select_n3A_1805, %lt3A_1811 : i32
    %ne3A_1813 = arith.xori %lt3A_1810, %lt3A_1812 : i1
    %and3A_1814 = arith.andi %ne3A_1813, %ne3A_1808 : i1
    %add3A_1815 = arith.addi %rem3A_1806, %select_n3A_1805 : i32
    %select_n3A_1816 = arith.select %and3A_1814, %add3A_1815, %rem3A_1806 : i32
    %eq3A_1817 = vector.broadcast %select_n3A_1816 : i32 to vector<16xi32>
    %eq3A_1818 = arith.cmpi eq, %iota3A, %eq3A_1817 : vector<16xi32>
    %get3A_1819 = arith.index_cast %mul3A_1800 : i32 to index
    %get3A_1820 = tpu.vector_load %arg11[%get3A_1819] {strides = array<i32>} : memref<8832xf32, #tpu.memory_space<vmem>>, vector<16xf32>,
    %get3A_1821 = vector.shape_cast %get3A_1820 : vector<16xf32> to vector<16xf32>
    %jit3A_1822 = arith.constant 2.000000e+00 : f32
    %broadcast_in_dim3A_1823 = vector.broadcast %jit3A_1822 : f32 to vector<16xf32>
    %select_n3A_1824 = arith.select %eq3A_1818, %broadcast_in_dim3A_1823, %get3A_1821 : vector<16xi1>, vector<16xf32>
    %swap3A_1825 = arith.index_cast %mul3A_1800 : i32 to index
    %swap3A_1826 = tpu.vector_load %arg11[%swap3A_1825] {strides = array<i32>} : memref<8832xf32, #tpu.memory_space<vmem>>, vector<16xf32>,
    %swap3A_1827 = vector.shape_cast %swap3A_1826 : vector<16xf32> to vector<16xf32>
    %swap3A_1828 = vector.shape_cast %select_n3A_1824 : vector<16xf32> to vector<16xf32>
    tpu.vector_store %arg11[%swap3A_1825], %swap3A_1828 {strides = array<i32>} : memref<8832xf32, #tpu.memory_space<vmem>>, vector<16xf32>,
    %get3A_1829 = arith.index_cast %mul3A_1800 : i32 to index
    %get3A_1830 = tpu.vector_load %arg12[%get3A_1829] {strides = array<i32>} : memref<8832xf32, #tpu.memory_space<vmem>>, vector<16xf32>,
    %get3A_1831 = vector.shape_cast %get3A_1830 : vector<16xf32> to vector<16xf32>
    %select_n3A_1832 = arith.select %eq3A_1818, %broadcast_in_dim3A_1597, %get3A_1831 : vector<16xi1>, vector<16xf32>
    %swap3A_1833 = arith.index_cast %mul3A_1800 : i32 to index
    %swap3A_1834 = tpu.vector_load %arg12[%swap3A_1833] {strides = array<i32>} : memref<8832xf32, #tpu.memory_space<vmem>>, vector<16xf32>,
    %swap3A_1835 = vector.shape_cast %swap3A_1834 : vector<16xf32> to vector<16xf32>
    %swap3A_1836 = vector.shape_cast %select_n3A_1832 : vector<16xf32> to vector<16xf32>
    tpu.vector_store %arg12[%swap3A_1833], %swap3A_1836 {strides = array<i32>} : memref<8832xf32, #tpu.memory_space<vmem>>, vector<16xf32>,
    %get3A_1837 = arith.constant 28 : i32
    %get3A_1838 = arith.index_cast %get3A_1837 : i32 to index
    %get3A_1839 = arith.constant 0 : index
    %get3A_1840 = tpu.vector_load %arg10[%get3A_1838, %get3A_1839] {strides = array<i32>} : memref<40x16xf32, #tpu.memory_space<vmem>>, vector<1x16xf32>,
    %get3A_1841 = vector.shape_cast %get3A_1840 : vector<1x16xf32> to vector<16xf32>
    %get3A_1842 = arith.constant 29 : i32
    %get3A_1843 = arith.index_cast %get3A_1842 : i32 to index
    %get3A_1844 = arith.constant 0 : index
    %get3A_1845 = tpu.vector_load %arg10[%get3A_1843, %get3A_1844] {strides = array<i32>} : memref<40x16xf32, #tpu.memory_space<vmem>>, vector<1x16xf32>,
    %get3A_1846 = vector.shape_cast %get3A_1845 : vector<1x16xf32> to vector<16xf32>
    %get3A_1847 = arith.constant 30 : i32
    %get3A_1848 = arith.index_cast %get3A_1847 : i32 to index
    %get3A_1849 = arith.constant 0 : index
    %get3A_1850 = tpu.vector_load %arg10[%get3A_1848, %get3A_1849] {strides = array<i32>} : memref<40x16xf32, #tpu.memory_space<vmem>>, vector<1x16xf32>,
    %get3A_1851 = vector.shape_cast %get3A_1850 : vector<1x16xf32> to vector<16xf32>
    %get3A_1852 = arith.constant 31 : i32
    %get3A_1853 = arith.index_cast %get3A_1852 : i32 to index
    %get3A_1854 = arith.constant 0 : index
    %get3A_1855 = tpu.vector_load %arg10[%get3A_1853, %get3A_1854] {strides = array<i32>} : memref<40x16xf32, #tpu.memory_space<vmem>>, vector<1x16xf32>,
    %get3A_1856 = vector.shape_cast %get3A_1855 : vector<1x16xf32> to vector<16xf32>
    %sub3A_1857 = arith.subf %get3A_1851, %get3A_1841 : vector<16xf32>
    %sub3A_1858 = arith.subf %get3A_1856, %get3A_1846 : vector<16xf32>
    %mul3A_1859 = arith.mulf %sub3A_1857, %sub3A_1858 : vector<16xf32>
    %broadcast_in_dim3A_1860 = arith.constant 7.000000e+00 : f32
    %broadcast_in_dim3A_1861 = vector.broadcast %broadcast_in_dim3A_1860 : f32 to vector<16xf32>
    %broadcast_in_dim3A_1862 = arith.constant -2.000000e+00 : f32
    %broadcast_in_dim3A_1863 = vector.broadcast %broadcast_in_dim3A_1862 : f32 to vector<16xf32>
    %broadcast_in_dim3A_1864 = arith.constant 0 : i32
    %broadcast_in_dim3A_1865 = vector.broadcast %broadcast_in_dim3A_1864 : i32 to vector<16xi32>
    %parallel_loop3A_1866 = arith.constant 0 : i32
    %parallel_loop3A_1867 = arith.constant 552 : i32
    %parallel_loop3A_1868 = arith.constant 1 : i32
    %parallel_loop3A_1869:2 = scf.for %parallel_loop3A_2632 = %parallel_loop3A_1866 to %parallel_loop3A_1867 step %parallel_loop3A_1868 iter_args(%parallel_loop3A_2633 = %broadcast_in_dim3A_1863, %parallel_loop3A_2634 = %broadcast_in_dim3A_1865) -> (vector<16xf32>, vector<16xi32>)  : i32 {
      %parallel_loop3A_2635 = arith.constant 16 : i32
      %parallel_loop3A_2636 = arith.muli %parallel_loop3A_2632, %parallel_loop3A_2635 : i32
      %parallel_loop3A_2637 = arith.index_cast %parallel_loop3A_2636 : i32 to index
      %parallel_loop3A_2638 = tpu.vector_load %arg6[%parallel_loop3A_2637] {strides = array<i32>} : memref<8832xf32, #tpu.memory_space<vmem>>, vector<16xf32>,
      %parallel_loop3A_2639 = vector.shape_cast %parallel_loop3A_2638 : vector<16xf32> to vector<16xf32>
      %parallel_loop3A_2640 = arith.index_cast %parallel_loop3A_2636 : i32 to index
      %parallel_loop3A_2641 = tpu.vector_load %arg7[%parallel_loop3A_2640] {strides = array<i32>} : memref<8832xf32, #tpu.memory_space<vmem>>, vector<16xf32>,
      %parallel_loop3A_2642 = vector.shape_cast %parallel_loop3A_2641 : vector<16xf32> to vector<16xf32>
      %parallel_loop3A_2643 = arith.index_cast %parallel_loop3A_2636 : i32 to index
      %parallel_loop3A_2644 = tpu.vector_load %arg8[%parallel_loop3A_2643] {strides = array<i32>} : memref<8832xf32, #tpu.memory_space<vmem>>, vector<16xf32>,
      %parallel_loop3A_2645 = vector.shape_cast %parallel_loop3A_2644 : vector<16xf32> to vector<16xf32>
      %parallel_loop3A_2646 = arith.index_cast %parallel_loop3A_2636 : i32 to index
      %parallel_loop3A_2647 = tpu.vector_load %arg9[%parallel_loop3A_2646] {strides = array<i32>} : memref<8832xf32, #tpu.memory_space<vmem>>, vector<16xf32>,
      %parallel_loop3A_2648 = vector.shape_cast %parallel_loop3A_2647 : vector<16xf32> to vector<16xf32>
      %parallel_loop3A_2649 = arith.subf %parallel_loop3A_2645, %parallel_loop3A_2639 : vector<16xf32>
      %parallel_loop3A_2650 = arith.subf %parallel_loop3A_2648, %parallel_loop3A_2642 : vector<16xf32>
      %parallel_loop3A_2651 = arith.mulf %parallel_loop3A_2649, %parallel_loop3A_2650 : vector<16xf32>
      %parallel_loop3A_2652 = arith.minimumf %parallel_loop3A_2645, %get3A_1851 : vector<16xf32>
      %parallel_loop3A_2653 = arith.maximumf %parallel_loop3A_2639, %get3A_1841 : vector<16xf32>
      %parallel_loop3A_2654 = arith.subf %parallel_loop3A_2652, %parallel_loop3A_2653 : vector<16xf32>
      %parallel_loop3A_2655 = arith.constant 0.000000e+00 : f32
      %parallel_loop3A_2656 = vector.broadcast %parallel_loop3A_2655 : f32 to vector<16xf32>
      %parallel_loop3A_2657 = arith.maximumf %parallel_loop3A_2654, %parallel_loop3A_2656 : vector<16xf32>
      %parallel_loop3A_2658 = arith.minimumf %parallel_loop3A_2648, %get3A_1856 : vector<16xf32>
      %parallel_loop3A_2659 = arith.maximumf %parallel_loop3A_2642, %get3A_1846 : vector<16xf32>
      %parallel_loop3A_2660 = arith.subf %parallel_loop3A_2658, %parallel_loop3A_2659 : vector<16xf32>
      %parallel_loop3A_2661 = arith.constant 0.000000e+00 : f32
      %parallel_loop3A_2662 = vector.broadcast %parallel_loop3A_2661 : f32 to vector<16xf32>
      %parallel_loop3A_2663 = arith.maximumf %parallel_loop3A_2660, %parallel_loop3A_2662 : vector<16xf32>
      %parallel_loop3A_2664 = arith.mulf %parallel_loop3A_2657, %parallel_loop3A_2663 : vector<16xf32>
      %parallel_loop3A_2665 = arith.addf %parallel_loop3A_2651, %mul3A_1859 : vector<16xf32>
      %parallel_loop3A_2666 = arith.subf %parallel_loop3A_2665, %parallel_loop3A_2664 : vector<16xf32>
      %parallel_loop3A_2667 = arith.divf %parallel_loop3A_2664, %parallel_loop3A_2666 : vector<16xf32>
      %parallel_loop3A_2668 = arith.index_cast %parallel_loop3A_2636 : i32 to index
      %parallel_loop3A_2669 = tpu.vector_load %arg11[%parallel_loop3A_2668] {strides = array<i32>} : memref<8832xf32, #tpu.memory_space<vmem>>, vector<16xf32>,
      %parallel_loop3A_2670 = vector.shape_cast %parallel_loop3A_2669 : vector<16xf32> to vector<16xf32>
      %parallel_loop3A_2671 = arith.cmpf ogt, %parallel_loop3A_2667, %parallel_loop3A_2670 : vector<16xf32>
      %parallel_loop3A_2672 = arith.select %parallel_loop3A_2671, %parallel_loop3A_2667, %parallel_loop3A_2670 : vector<16xi1>, vector<16xf32>
      %parallel_loop3A_2673 = arith.index_cast %parallel_loop3A_2636 : i32 to index
      %parallel_loop3A_2674 = tpu.vector_load %arg11[%parallel_loop3A_2673] {strides = array<i32>} : memref<8832xf32, #tpu.memory_space<vmem>>, vector<16xf32>,
      %parallel_loop3A_2675 = vector.shape_cast %parallel_loop3A_2674 : vector<16xf32> to vector<16xf32>
      %parallel_loop3A_2676 = vector.shape_cast %parallel_loop3A_2672 : vector<16xf32> to vector<16xf32>
      tpu.vector_store %arg11[%parallel_loop3A_2673], %parallel_loop3A_2676 {strides = array<i32>} : memref<8832xf32, #tpu.memory_space<vmem>>, vector<16xf32>,
      %parallel_loop3A_2677 = arith.index_cast %parallel_loop3A_2636 : i32 to index
      %parallel_loop3A_2678 = tpu.vector_load %arg12[%parallel_loop3A_2677] {strides = array<i32>} : memref<8832xf32, #tpu.memory_space<vmem>>, vector<16xf32>,
      %parallel_loop3A_2679 = vector.shape_cast %parallel_loop3A_2678 : vector<16xf32> to vector<16xf32>
      %parallel_loop3A_2680 = arith.select %parallel_loop3A_2671, %broadcast_in_dim3A_1861, %parallel_loop3A_2679 : vector<16xi1>, vector<16xf32>
      %parallel_loop3A_2681 = arith.index_cast %parallel_loop3A_2636 : i32 to index
      %parallel_loop3A_2682 = tpu.vector_load %arg12[%parallel_loop3A_2681] {strides = array<i32>} : memref<8832xf32, #tpu.memory_space<vmem>>, vector<16xf32>,
      %parallel_loop3A_2683 = vector.shape_cast %parallel_loop3A_2682 : vector<16xf32> to vector<16xf32>
      %parallel_loop3A_2684 = vector.shape_cast %parallel_loop3A_2680 : vector<16xf32> to vector<16xf32>
      tpu.vector_store %arg12[%parallel_loop3A_2681], %parallel_loop3A_2684 {strides = array<i32>} : memref<8832xf32, #tpu.memory_space<vmem>>, vector<16xf32>,
      %parallel_loop3A_2685 = arith.cmpf ogt, %parallel_loop3A_2667, %parallel_loop3A_2633 : vector<16xf32>
      %parallel_loop3A_2686 = arith.select %parallel_loop3A_2685, %parallel_loop3A_2667, %parallel_loop3A_2633 : vector<16xi1>, vector<16xf32>
      %parallel_loop3A_2687 = vector.broadcast %parallel_loop3A_2636 : i32 to vector<16xi32>
      %parallel_loop3A_2688 = arith.addi %parallel_loop3A_2687, %iota3A : vector<16xi32>
      %parallel_loop3A_2689 = arith.select %parallel_loop3A_2685, %parallel_loop3A_2688, %parallel_loop3A_2634 : vector<16xi1>, vector<16xi32>
      scf.yield %parallel_loop3A_2686, %parallel_loop3A_2689 : vector<16xf32>, vector<16xi32>
    } {sc.loop_unroll_factor = 8 : i64, sc.parallel_access}
    %slice3A_1870 = vector.extract_strided_slice %parallel_loop3A_1869#0 {offsets = [0], sizes = [1], strides = [1]} : vector<16xf32> to vector<1xf32>
    %squeeze3A_1871 = vector.extract %slice3A_1870[0] : f32 from vector<1xf32>
    %slice3A_1872 = vector.extract_strided_slice %parallel_loop3A_1869#1 {offsets = [0], sizes = [1], strides = [1]} : vector<16xi32> to vector<1xi32>
    %squeeze3A_1873 = vector.extract %slice3A_1872[0] : i32 from vector<1xi32>
    %slice3A_1874 = vector.extract_strided_slice %parallel_loop3A_1869#0 {offsets = [1], sizes = [1], strides = [1]} : vector<16xf32> to vector<1xf32>
    %squeeze3A_1875 = vector.extract %slice3A_1874[0] : f32 from vector<1xf32>
    %slice3A_1876 = vector.extract_strided_slice %parallel_loop3A_1869#1 {offsets = [1], sizes = [1], strides = [1]} : vector<16xi32> to vector<1xi32>
    %squeeze3A_1877 = vector.extract %slice3A_1876[0] : i32 from vector<1xi32>
    %gt3A_1878 = arith.cmpf ogt, %squeeze3A_1875, %squeeze3A_1871 : f32
    %eq3A_1879 = arith.cmpf oeq, %squeeze3A_1875, %squeeze3A_1871 : f32
    %lt3A_1880 = arith.cmpi slt, %squeeze3A_1877, %squeeze3A_1873 : i32
    %and3A_1881 = arith.andi %eq3A_1879, %lt3A_1880 : i1
    %or3A_1882 = arith.ori %gt3A_1878, %and3A_1881 : i1
    %select_n3A_1883 = arith.select %or3A_1882, %squeeze3A_1875, %squeeze3A_1871 : f32
    %select_n3A_1884 = arith.select %or3A_1882, %squeeze3A_1877, %squeeze3A_1873 : i32
    %slice3A_1885 = vector.extract_strided_slice %parallel_loop3A_1869#0 {offsets = [2], sizes = [1], strides = [1]} : vector<16xf32> to vector<1xf32>
    %squeeze3A_1886 = vector.extract %slice3A_1885[0] : f32 from vector<1xf32>
    %slice3A_1887 = vector.extract_strided_slice %parallel_loop3A_1869#1 {offsets = [2], sizes = [1], strides = [1]} : vector<16xi32> to vector<1xi32>
    %squeeze3A_1888 = vector.extract %slice3A_1887[0] : i32 from vector<1xi32>
    %gt3A_1889 = arith.cmpf ogt, %squeeze3A_1886, %select_n3A_1883 : f32
    %eq3A_1890 = arith.cmpf oeq, %squeeze3A_1886, %select_n3A_1883 : f32
    %lt3A_1891 = arith.cmpi slt, %squeeze3A_1888, %select_n3A_1884 : i32
    %and3A_1892 = arith.andi %eq3A_1890, %lt3A_1891 : i1
    %or3A_1893 = arith.ori %gt3A_1889, %and3A_1892 : i1
    %select_n3A_1894 = arith.select %or3A_1893, %squeeze3A_1886, %select_n3A_1883 : f32
    %select_n3A_1895 = arith.select %or3A_1893, %squeeze3A_1888, %select_n3A_1884 : i32
    %slice3A_1896 = vector.extract_strided_slice %parallel_loop3A_1869#0 {offsets = [3], sizes = [1], strides = [1]} : vector<16xf32> to vector<1xf32>
    %squeeze3A_1897 = vector.extract %slice3A_1896[0] : f32 from vector<1xf32>
    %slice3A_1898 = vector.extract_strided_slice %parallel_loop3A_1869#1 {offsets = [3], sizes = [1], strides = [1]} : vector<16xi32> to vector<1xi32>
    %squeeze3A_1899 = vector.extract %slice3A_1898[0] : i32 from vector<1xi32>
    %gt3A_1900 = arith.cmpf ogt, %squeeze3A_1897, %select_n3A_1894 : f32
    %eq3A_1901 = arith.cmpf oeq, %squeeze3A_1897, %select_n3A_1894 : f32
    %lt3A_1902 = arith.cmpi slt, %squeeze3A_1899, %select_n3A_1895 : i32
    %and3A_1903 = arith.andi %eq3A_1901, %lt3A_1902 : i1
    %or3A_1904 = arith.ori %gt3A_1900, %and3A_1903 : i1
    %select_n3A_1905 = arith.select %or3A_1904, %squeeze3A_1897, %select_n3A_1894 : f32
    %select_n3A_1906 = arith.select %or3A_1904, %squeeze3A_1899, %select_n3A_1895 : i32
    %slice3A_1907 = vector.extract_strided_slice %parallel_loop3A_1869#0 {offsets = [4], sizes = [1], strides = [1]} : vector<16xf32> to vector<1xf32>
    %squeeze3A_1908 = vector.extract %slice3A_1907[0] : f32 from vector<1xf32>
    %slice3A_1909 = vector.extract_strided_slice %parallel_loop3A_1869#1 {offsets = [4], sizes = [1], strides = [1]} : vector<16xi32> to vector<1xi32>
    %squeeze3A_1910 = vector.extract %slice3A_1909[0] : i32 from vector<1xi32>
    %gt3A_1911 = arith.cmpf ogt, %squeeze3A_1908, %select_n3A_1905 : f32
    %eq3A_1912 = arith.cmpf oeq, %squeeze3A_1908, %select_n3A_1905 : f32
    %lt3A_1913 = arith.cmpi slt, %squeeze3A_1910, %select_n3A_1906 : i32
    %and3A_1914 = arith.andi %eq3A_1912, %lt3A_1913 : i1
    %or3A_1915 = arith.ori %gt3A_1911, %and3A_1914 : i1
    %select_n3A_1916 = arith.select %or3A_1915, %squeeze3A_1908, %select_n3A_1905 : f32
    %select_n3A_1917 = arith.select %or3A_1915, %squeeze3A_1910, %select_n3A_1906 : i32
    %slice3A_1918 = vector.extract_strided_slice %parallel_loop3A_1869#0 {offsets = [5], sizes = [1], strides = [1]} : vector<16xf32> to vector<1xf32>
    %squeeze3A_1919 = vector.extract %slice3A_1918[0] : f32 from vector<1xf32>
    %slice3A_1920 = vector.extract_strided_slice %parallel_loop3A_1869#1 {offsets = [5], sizes = [1], strides = [1]} : vector<16xi32> to vector<1xi32>
    %squeeze3A_1921 = vector.extract %slice3A_1920[0] : i32 from vector<1xi32>
    %gt3A_1922 = arith.cmpf ogt, %squeeze3A_1919, %select_n3A_1916 : f32
    %eq3A_1923 = arith.cmpf oeq, %squeeze3A_1919, %select_n3A_1916 : f32
    %lt3A_1924 = arith.cmpi slt, %squeeze3A_1921, %select_n3A_1917 : i32
    %and3A_1925 = arith.andi %eq3A_1923, %lt3A_1924 : i1
    %or3A_1926 = arith.ori %gt3A_1922, %and3A_1925 : i1
    %select_n3A_1927 = arith.select %or3A_1926, %squeeze3A_1919, %select_n3A_1916 : f32
    %select_n3A_1928 = arith.select %or3A_1926, %squeeze3A_1921, %select_n3A_1917 : i32
    %slice3A_1929 = vector.extract_strided_slice %parallel_loop3A_1869#0 {offsets = [6], sizes = [1], strides = [1]} : vector<16xf32> to vector<1xf32>
    %squeeze3A_1930 = vector.extract %slice3A_1929[0] : f32 from vector<1xf32>
    %slice3A_1931 = vector.extract_strided_slice %parallel_loop3A_1869#1 {offsets = [6], sizes = [1], strides = [1]} : vector<16xi32> to vector<1xi32>
    %squeeze3A_1932 = vector.extract %slice3A_1931[0] : i32 from vector<1xi32>
    %gt3A_1933 = arith.cmpf ogt, %squeeze3A_1930, %select_n3A_1927 : f32
    %eq3A_1934 = arith.cmpf oeq, %squeeze3A_1930, %select_n3A_1927 : f32
    %lt3A_1935 = arith.cmpi slt, %squeeze3A_1932, %select_n3A_1928 : i32
    %and3A_1936 = arith.andi %eq3A_1934, %lt3A_1935 : i1
    %or3A_1937 = arith.ori %gt3A_1933, %and3A_1936 : i1
    %select_n3A_1938 = arith.select %or3A_1937, %squeeze3A_1930, %select_n3A_1927 : f32
    %select_n3A_1939 = arith.select %or3A_1937, %squeeze3A_1932, %select_n3A_1928 : i32
    %slice3A_1940 = vector.extract_strided_slice %parallel_loop3A_1869#0 {offsets = [7], sizes = [1], strides = [1]} : vector<16xf32> to vector<1xf32>
    %squeeze3A_1941 = vector.extract %slice3A_1940[0] : f32 from vector<1xf32>
    %slice3A_1942 = vector.extract_strided_slice %parallel_loop3A_1869#1 {offsets = [7], sizes = [1], strides = [1]} : vector<16xi32> to vector<1xi32>
    %squeeze3A_1943 = vector.extract %slice3A_1942[0] : i32 from vector<1xi32>
    %gt3A_1944 = arith.cmpf ogt, %squeeze3A_1941, %select_n3A_1938 : f32
    %eq3A_1945 = arith.cmpf oeq, %squeeze3A_1941, %select_n3A_1938 : f32
    %lt3A_1946 = arith.cmpi slt, %squeeze3A_1943, %select_n3A_1939 : i32
    %and3A_1947 = arith.andi %eq3A_1945, %lt3A_1946 : i1
    %or3A_1948 = arith.ori %gt3A_1944, %and3A_1947 : i1
    %select_n3A_1949 = arith.select %or3A_1948, %squeeze3A_1941, %select_n3A_1938 : f32
    %select_n3A_1950 = arith.select %or3A_1948, %squeeze3A_1943, %select_n3A_1939 : i32
    %slice3A_1951 = vector.extract_strided_slice %parallel_loop3A_1869#0 {offsets = [8], sizes = [1], strides = [1]} : vector<16xf32> to vector<1xf32>
    %squeeze3A_1952 = vector.extract %slice3A_1951[0] : f32 from vector<1xf32>
    %slice3A_1953 = vector.extract_strided_slice %parallel_loop3A_1869#1 {offsets = [8], sizes = [1], strides = [1]} : vector<16xi32> to vector<1xi32>
    %squeeze3A_1954 = vector.extract %slice3A_1953[0] : i32 from vector<1xi32>
    %gt3A_1955 = arith.cmpf ogt, %squeeze3A_1952, %select_n3A_1949 : f32
    %eq3A_1956 = arith.cmpf oeq, %squeeze3A_1952, %select_n3A_1949 : f32
    %lt3A_1957 = arith.cmpi slt, %squeeze3A_1954, %select_n3A_1950 : i32
    %and3A_1958 = arith.andi %eq3A_1956, %lt3A_1957 : i1
    %or3A_1959 = arith.ori %gt3A_1955, %and3A_1958 : i1
    %select_n3A_1960 = arith.select %or3A_1959, %squeeze3A_1952, %select_n3A_1949 : f32
    %select_n3A_1961 = arith.select %or3A_1959, %squeeze3A_1954, %select_n3A_1950 : i32
    %slice3A_1962 = vector.extract_strided_slice %parallel_loop3A_1869#0 {offsets = [9], sizes = [1], strides = [1]} : vector<16xf32> to vector<1xf32>
    %squeeze3A_1963 = vector.extract %slice3A_1962[0] : f32 from vector<1xf32>
    %slice3A_1964 = vector.extract_strided_slice %parallel_loop3A_1869#1 {offsets = [9], sizes = [1], strides = [1]} : vector<16xi32> to vector<1xi32>
    %squeeze3A_1965 = vector.extract %slice3A_1964[0] : i32 from vector<1xi32>
    %gt3A_1966 = arith.cmpf ogt, %squeeze3A_1963, %select_n3A_1960 : f32
    %eq3A_1967 = arith.cmpf oeq, %squeeze3A_1963, %select_n3A_1960 : f32
    %lt3A_1968 = arith.cmpi slt, %squeeze3A_1965, %select_n3A_1961 : i32
    %and3A_1969 = arith.andi %eq3A_1967, %lt3A_1968 : i1
    %or3A_1970 = arith.ori %gt3A_1966, %and3A_1969 : i1
    %select_n3A_1971 = arith.select %or3A_1970, %squeeze3A_1963, %select_n3A_1960 : f32
    %select_n3A_1972 = arith.select %or3A_1970, %squeeze3A_1965, %select_n3A_1961 : i32
    %slice3A_1973 = vector.extract_strided_slice %parallel_loop3A_1869#0 {offsets = [10], sizes = [1], strides = [1]} : vector<16xf32> to vector<1xf32>
    %squeeze3A_1974 = vector.extract %slice3A_1973[0] : f32 from vector<1xf32>
    %slice3A_1975 = vector.extract_strided_slice %parallel_loop3A_1869#1 {offsets = [10], sizes = [1], strides = [1]} : vector<16xi32> to vector<1xi32>
    %squeeze3A_1976 = vector.extract %slice3A_1975[0] : i32 from vector<1xi32>
    %gt3A_1977 = arith.cmpf ogt, %squeeze3A_1974, %select_n3A_1971 : f32
    %eq3A_1978 = arith.cmpf oeq, %squeeze3A_1974, %select_n3A_1971 : f32
    %lt3A_1979 = arith.cmpi slt, %squeeze3A_1976, %select_n3A_1972 : i32
    %and3A_1980 = arith.andi %eq3A_1978, %lt3A_1979 : i1
    %or3A_1981 = arith.ori %gt3A_1977, %and3A_1980 : i1
    %select_n3A_1982 = arith.select %or3A_1981, %squeeze3A_1974, %select_n3A_1971 : f32
    %select_n3A_1983 = arith.select %or3A_1981, %squeeze3A_1976, %select_n3A_1972 : i32
    %slice3A_1984 = vector.extract_strided_slice %parallel_loop3A_1869#0 {offsets = [11], sizes = [1], strides = [1]} : vector<16xf32> to vector<1xf32>
    %squeeze3A_1985 = vector.extract %slice3A_1984[0] : f32 from vector<1xf32>
    %slice3A_1986 = vector.extract_strided_slice %parallel_loop3A_1869#1 {offsets = [11], sizes = [1], strides = [1]} : vector<16xi32> to vector<1xi32>
    %squeeze3A_1987 = vector.extract %slice3A_1986[0] : i32 from vector<1xi32>
    %gt3A_1988 = arith.cmpf ogt, %squeeze3A_1985, %select_n3A_1982 : f32
    %eq3A_1989 = arith.cmpf oeq, %squeeze3A_1985, %select_n3A_1982 : f32
    %lt3A_1990 = arith.cmpi slt, %squeeze3A_1987, %select_n3A_1983 : i32
    %and3A_1991 = arith.andi %eq3A_1989, %lt3A_1990 : i1
    %or3A_1992 = arith.ori %gt3A_1988, %and3A_1991 : i1
    %select_n3A_1993 = arith.select %or3A_1992, %squeeze3A_1985, %select_n3A_1982 : f32
    %select_n3A_1994 = arith.select %or3A_1992, %squeeze3A_1987, %select_n3A_1983 : i32
    %slice3A_1995 = vector.extract_strided_slice %parallel_loop3A_1869#0 {offsets = [12], sizes = [1], strides = [1]} : vector<16xf32> to vector<1xf32>
    %squeeze3A_1996 = vector.extract %slice3A_1995[0] : f32 from vector<1xf32>
    %slice3A_1997 = vector.extract_strided_slice %parallel_loop3A_1869#1 {offsets = [12], sizes = [1], strides = [1]} : vector<16xi32> to vector<1xi32>
    %squeeze3A_1998 = vector.extract %slice3A_1997[0] : i32 from vector<1xi32>
    %gt3A_1999 = arith.cmpf ogt, %squeeze3A_1996, %select_n3A_1993 : f32
    %eq3A_2000 = arith.cmpf oeq, %squeeze3A_1996, %select_n3A_1993 : f32
    %lt3A_2001 = arith.cmpi slt, %squeeze3A_1998, %select_n3A_1994 : i32
    %and3A_2002 = arith.andi %eq3A_2000, %lt3A_2001 : i1
    %or3A_2003 = arith.ori %gt3A_1999, %and3A_2002 : i1
    %select_n3A_2004 = arith.select %or3A_2003, %squeeze3A_1996, %select_n3A_1993 : f32
    %select_n3A_2005 = arith.select %or3A_2003, %squeeze3A_1998, %select_n3A_1994 : i32
    %slice3A_2006 = vector.extract_strided_slice %parallel_loop3A_1869#0 {offsets = [13], sizes = [1], strides = [1]} : vector<16xf32> to vector<1xf32>
    %squeeze3A_2007 = vector.extract %slice3A_2006[0] : f32 from vector<1xf32>
    %slice3A_2008 = vector.extract_strided_slice %parallel_loop3A_1869#1 {offsets = [13], sizes = [1], strides = [1]} : vector<16xi32> to vector<1xi32>
    %squeeze3A_2009 = vector.extract %slice3A_2008[0] : i32 from vector<1xi32>
    %gt3A_2010 = arith.cmpf ogt, %squeeze3A_2007, %select_n3A_2004 : f32
    %eq3A_2011 = arith.cmpf oeq, %squeeze3A_2007, %select_n3A_2004 : f32
    %lt3A_2012 = arith.cmpi slt, %squeeze3A_2009, %select_n3A_2005 : i32
    %and3A_2013 = arith.andi %eq3A_2011, %lt3A_2012 : i1
    %or3A_2014 = arith.ori %gt3A_2010, %and3A_2013 : i1
    %select_n3A_2015 = arith.select %or3A_2014, %squeeze3A_2007, %select_n3A_2004 : f32
    %select_n3A_2016 = arith.select %or3A_2014, %squeeze3A_2009, %select_n3A_2005 : i32
    %slice3A_2017 = vector.extract_strided_slice %parallel_loop3A_1869#0 {offsets = [14], sizes = [1], strides = [1]} : vector<16xf32> to vector<1xf32>
    %squeeze3A_2018 = vector.extract %slice3A_2017[0] : f32 from vector<1xf32>
    %slice3A_2019 = vector.extract_strided_slice %parallel_loop3A_1869#1 {offsets = [14], sizes = [1], strides = [1]} : vector<16xi32> to vector<1xi32>
    %squeeze3A_2020 = vector.extract %slice3A_2019[0] : i32 from vector<1xi32>
    %gt3A_2021 = arith.cmpf ogt, %squeeze3A_2018, %select_n3A_2015 : f32
    %eq3A_2022 = arith.cmpf oeq, %squeeze3A_2018, %select_n3A_2015 : f32
    %lt3A_2023 = arith.cmpi slt, %squeeze3A_2020, %select_n3A_2016 : i32
    %and3A_2024 = arith.andi %eq3A_2022, %lt3A_2023 : i1
    %or3A_2025 = arith.ori %gt3A_2021, %and3A_2024 : i1
    %select_n3A_2026 = arith.select %or3A_2025, %squeeze3A_2018, %select_n3A_2015 : f32
    %select_n3A_2027 = arith.select %or3A_2025, %squeeze3A_2020, %select_n3A_2016 : i32
    %slice3A_2028 = vector.extract_strided_slice %parallel_loop3A_1869#0 {offsets = [15], sizes = [1], strides = [1]} : vector<16xf32> to vector<1xf32>
    %squeeze3A_2029 = vector.extract %slice3A_2028[0] : f32 from vector<1xf32>
    %slice3A_2030 = vector.extract_strided_slice %parallel_loop3A_1869#1 {offsets = [15], sizes = [1], strides = [1]} : vector<16xi32> to vector<1xi32>
    %squeeze3A_2031 = vector.extract %slice3A_2030[0] : i32 from vector<1xi32>
    %gt3A_2032 = arith.cmpf ogt, %squeeze3A_2029, %select_n3A_2026 : f32
    %eq3A_2033 = arith.cmpf oeq, %squeeze3A_2029, %select_n3A_2026 : f32
    %lt3A_2034 = arith.cmpi slt, %squeeze3A_2031, %select_n3A_2027 : i32
    %and3A_2035 = arith.andi %eq3A_2033, %lt3A_2034 : i1
    %or3A_2036 = arith.ori %gt3A_2032, %and3A_2035 : i1
    %select_n3A_2037 = arith.select %or3A_2036, %squeeze3A_2029, %select_n3A_2026 : f32
    %select_n3A_2038 = arith.select %or3A_2036, %squeeze3A_2031, %select_n3A_2027 : i32
    %jit3A_2039 = arith.constant 16 : i32
    %div3A_2040 = arith.divsi %select_n3A_2038, %jit3A_2039 : i32
    %sign3A_2041 = arith.constant 0 : i32
    %sign3A_2042 = arith.cmpi sgt, %select_n3A_2038, %sign3A_2041 : i32
    %sign3A_2043 = arith.extui %sign3A_2042 : i1 to i32
    %sign3A_2044 = arith.constant 0 : i32
    %sign3A_2045 = arith.cmpi slt, %select_n3A_2038, %sign3A_2044 : i32
    %sign3A_2046 = arith.extui %sign3A_2045 : i1 to i32
    %sign3A_2047 = arith.subi %sign3A_2043, %sign3A_2046 : i32
    %sign3A_2048 = arith.constant 0 : i32
    %sign3A_2049 = arith.cmpi sgt, %jit3A_2039, %sign3A_2048 : i32
    %sign3A_2050 = arith.extui %sign3A_2049 : i1 to i32
    %sign3A_2051 = arith.constant 0 : i32
    %sign3A_2052 = arith.cmpi slt, %jit3A_2039, %sign3A_2051 : i32
    %sign3A_2053 = arith.extui %sign3A_2052 : i1 to i32
    %sign3A_2054 = arith.subi %sign3A_2050, %sign3A_2053 : i32
    %ne3A_2055 = arith.cmpi ne, %sign3A_2047, %sign3A_2054 : i32
    %rem3A_2056 = arith.remsi %select_n3A_2038, %jit3A_2039 : i32
    %ne3A_2057 = arith.constant 0 : i32
    %ne3A_2058 = arith.cmpi ne, %rem3A_2056, %ne3A_2057 : i32
    %and3A_2059 = arith.andi %ne3A_2055, %ne3A_2058 : i1
    %sub3A_2060 = arith.constant 1 : i32
    %sub3A_2061 = arith.subi %div3A_2040, %sub3A_2060 : i32
    %select_n3A_2062 = arith.select %and3A_2059, %sub3A_2061, %div3A_2040 : i32
    %mul3A_2063 = arith.constant 16 : i32
    %mul3A_2064 = arith.muli %select_n3A_2062, %mul3A_2063 : i32
    %jit3A_2065 = arith.constant 16 : i32
    %eq3A_2066 = arith.constant 0 : i32
    %eq3A_2067 = arith.cmpi eq, %jit3A_2065, %eq3A_2066 : i32
    %jit3A_2068 = arith.constant 1 : i32
    %select_n3A_2069 = arith.select %eq3A_2067, %jit3A_2068, %jit3A_2065 : i32
    %rem3A_2070 = arith.remsi %select_n3A_2038, %select_n3A_2069 : i32
    %ne3A_2071 = arith.constant 0 : i32
    %ne3A_2072 = arith.cmpi ne, %rem3A_2070, %ne3A_2071 : i32
    %lt3A_2073 = arith.constant 0 : i32
    %lt3A_2074 = arith.cmpi slt, %rem3A_2070, %lt3A_2073 : i32
    %lt3A_2075 = arith.constant 0 : i32
    %lt3A_2076 = arith.cmpi slt, %select_n3A_2069, %lt3A_2075 : i32
    %ne3A_2077 = arith.xori %lt3A_2074, %lt3A_2076 : i1
    %and3A_2078 = arith.andi %ne3A_2077, %ne3A_2072 : i1
    %add3A_2079 = arith.addi %rem3A_2070, %select_n3A_2069 : i32
    %select_n3A_2080 = arith.select %and3A_2078, %add3A_2079, %rem3A_2070 : i32
    %eq3A_2081 = vector.broadcast %select_n3A_2080 : i32 to vector<16xi32>
    %eq3A_2082 = arith.cmpi eq, %iota3A, %eq3A_2081 : vector<16xi32>
    %get3A_2083 = arith.index_cast %mul3A_2064 : i32 to index
    %get3A_2084 = tpu.vector_load %arg11[%get3A_2083] {strides = array<i32>} : memref<8832xf32, #tpu.memory_space<vmem>>, vector<16xf32>,
    %get3A_2085 = vector.shape_cast %get3A_2084 : vector<16xf32> to vector<16xf32>
    %jit3A_2086 = arith.constant 2.000000e+00 : f32
    %broadcast_in_dim3A_2087 = vector.broadcast %jit3A_2086 : f32 to vector<16xf32>
    %select_n3A_2088 = arith.select %eq3A_2082, %broadcast_in_dim3A_2087, %get3A_2085 : vector<16xi1>, vector<16xf32>
    %swap3A_2089 = arith.index_cast %mul3A_2064 : i32 to index
    %swap3A_2090 = tpu.vector_load %arg11[%swap3A_2089] {strides = array<i32>} : memref<8832xf32, #tpu.memory_space<vmem>>, vector<16xf32>,
    %swap3A_2091 = vector.shape_cast %swap3A_2090 : vector<16xf32> to vector<16xf32>
    %swap3A_2092 = vector.shape_cast %select_n3A_2088 : vector<16xf32> to vector<16xf32>
    tpu.vector_store %arg11[%swap3A_2089], %swap3A_2092 {strides = array<i32>} : memref<8832xf32, #tpu.memory_space<vmem>>, vector<16xf32>,
    %get3A_2093 = arith.index_cast %mul3A_2064 : i32 to index
    %get3A_2094 = tpu.vector_load %arg12[%get3A_2093] {strides = array<i32>} : memref<8832xf32, #tpu.memory_space<vmem>>, vector<16xf32>,
    %get3A_2095 = vector.shape_cast %get3A_2094 : vector<16xf32> to vector<16xf32>
    %select_n3A_2096 = arith.select %eq3A_2082, %broadcast_in_dim3A_1861, %get3A_2095 : vector<16xi1>, vector<16xf32>
    %swap3A_2097 = arith.index_cast %mul3A_2064 : i32 to index
    %swap3A_2098 = tpu.vector_load %arg12[%swap3A_2097] {strides = array<i32>} : memref<8832xf32, #tpu.memory_space<vmem>>, vector<16xf32>,
    %swap3A_2099 = vector.shape_cast %swap3A_2098 : vector<16xf32> to vector<16xf32>
    %swap3A_2100 = vector.shape_cast %select_n3A_2096 : vector<16xf32> to vector<16xf32>
    tpu.vector_store %arg12[%swap3A_2097], %swap3A_2100 {strides = array<i32>} : memref<8832xf32, #tpu.memory_space<vmem>>, vector<16xf32>,
    %get3A_2101 = arith.constant 32 : i32
    %get3A_2102 = arith.index_cast %get3A_2101 : i32 to index
    %get3A_2103 = arith.constant 0 : index
    %get3A_2104 = tpu.vector_load %arg10[%get3A_2102, %get3A_2103] {strides = array<i32>} : memref<40x16xf32, #tpu.memory_space<vmem>>, vector<1x16xf32>,
    %get3A_2105 = vector.shape_cast %get3A_2104 : vector<1x16xf32> to vector<16xf32>
    %get3A_2106 = arith.constant 33 : i32
    %get3A_2107 = arith.index_cast %get3A_2106 : i32 to index
    %get3A_2108 = arith.constant 0 : index
    %get3A_2109 = tpu.vector_load %arg10[%get3A_2107, %get3A_2108] {strides = array<i32>} : memref<40x16xf32, #tpu.memory_space<vmem>>, vector<1x16xf32>,
    %get3A_2110 = vector.shape_cast %get3A_2109 : vector<1x16xf32> to vector<16xf32>
    %get3A_2111 = arith.constant 34 : i32
    %get3A_2112 = arith.index_cast %get3A_2111 : i32 to index
    %get3A_2113 = arith.constant 0 : index
    %get3A_2114 = tpu.vector_load %arg10[%get3A_2112, %get3A_2113] {strides = array<i32>} : memref<40x16xf32, #tpu.memory_space<vmem>>, vector<1x16xf32>,
    %get3A_2115 = vector.shape_cast %get3A_2114 : vector<1x16xf32> to vector<16xf32>
    %get3A_2116 = arith.constant 35 : i32
    %get3A_2117 = arith.index_cast %get3A_2116 : i32 to index
    %get3A_2118 = arith.constant 0 : index
    %get3A_2119 = tpu.vector_load %arg10[%get3A_2117, %get3A_2118] {strides = array<i32>} : memref<40x16xf32, #tpu.memory_space<vmem>>, vector<1x16xf32>,
    %get3A_2120 = vector.shape_cast %get3A_2119 : vector<1x16xf32> to vector<16xf32>
    %sub3A_2121 = arith.subf %get3A_2115, %get3A_2105 : vector<16xf32>
    %sub3A_2122 = arith.subf %get3A_2120, %get3A_2110 : vector<16xf32>
    %mul3A_2123 = arith.mulf %sub3A_2121, %sub3A_2122 : vector<16xf32>
    %broadcast_in_dim3A_2124 = arith.constant 8.000000e+00 : f32
    %broadcast_in_dim3A_2125 = vector.broadcast %broadcast_in_dim3A_2124 : f32 to vector<16xf32>
    %broadcast_in_dim3A_2126 = arith.constant -2.000000e+00 : f32
    %broadcast_in_dim3A_2127 = vector.broadcast %broadcast_in_dim3A_2126 : f32 to vector<16xf32>
    %broadcast_in_dim3A_2128 = arith.constant 0 : i32
    %broadcast_in_dim3A_2129 = vector.broadcast %broadcast_in_dim3A_2128 : i32 to vector<16xi32>
    %parallel_loop3A_2130 = arith.constant 0 : i32
    %parallel_loop3A_2131 = arith.constant 552 : i32
    %parallel_loop3A_2132 = arith.constant 1 : i32
    %parallel_loop3A_2133:2 = scf.for %parallel_loop3A_2632 = %parallel_loop3A_2130 to %parallel_loop3A_2131 step %parallel_loop3A_2132 iter_args(%parallel_loop3A_2633 = %broadcast_in_dim3A_2127, %parallel_loop3A_2634 = %broadcast_in_dim3A_2129) -> (vector<16xf32>, vector<16xi32>)  : i32 {
      %parallel_loop3A_2635 = arith.constant 16 : i32
      %parallel_loop3A_2636 = arith.muli %parallel_loop3A_2632, %parallel_loop3A_2635 : i32
      %parallel_loop3A_2637 = arith.index_cast %parallel_loop3A_2636 : i32 to index
      %parallel_loop3A_2638 = tpu.vector_load %arg6[%parallel_loop3A_2637] {strides = array<i32>} : memref<8832xf32, #tpu.memory_space<vmem>>, vector<16xf32>,
      %parallel_loop3A_2639 = vector.shape_cast %parallel_loop3A_2638 : vector<16xf32> to vector<16xf32>
      %parallel_loop3A_2640 = arith.index_cast %parallel_loop3A_2636 : i32 to index
      %parallel_loop3A_2641 = tpu.vector_load %arg7[%parallel_loop3A_2640] {strides = array<i32>} : memref<8832xf32, #tpu.memory_space<vmem>>, vector<16xf32>,
      %parallel_loop3A_2642 = vector.shape_cast %parallel_loop3A_2641 : vector<16xf32> to vector<16xf32>
      %parallel_loop3A_2643 = arith.index_cast %parallel_loop3A_2636 : i32 to index
      %parallel_loop3A_2644 = tpu.vector_load %arg8[%parallel_loop3A_2643] {strides = array<i32>} : memref<8832xf32, #tpu.memory_space<vmem>>, vector<16xf32>,
      %parallel_loop3A_2645 = vector.shape_cast %parallel_loop3A_2644 : vector<16xf32> to vector<16xf32>
      %parallel_loop3A_2646 = arith.index_cast %parallel_loop3A_2636 : i32 to index
      %parallel_loop3A_2647 = tpu.vector_load %arg9[%parallel_loop3A_2646] {strides = array<i32>} : memref<8832xf32, #tpu.memory_space<vmem>>, vector<16xf32>,
      %parallel_loop3A_2648 = vector.shape_cast %parallel_loop3A_2647 : vector<16xf32> to vector<16xf32>
      %parallel_loop3A_2649 = arith.subf %parallel_loop3A_2645, %parallel_loop3A_2639 : vector<16xf32>
      %parallel_loop3A_2650 = arith.subf %parallel_loop3A_2648, %parallel_loop3A_2642 : vector<16xf32>
      %parallel_loop3A_2651 = arith.mulf %parallel_loop3A_2649, %parallel_loop3A_2650 : vector<16xf32>
      %parallel_loop3A_2652 = arith.minimumf %parallel_loop3A_2645, %get3A_2115 : vector<16xf32>
      %parallel_loop3A_2653 = arith.maximumf %parallel_loop3A_2639, %get3A_2105 : vector<16xf32>
      %parallel_loop3A_2654 = arith.subf %parallel_loop3A_2652, %parallel_loop3A_2653 : vector<16xf32>
      %parallel_loop3A_2655 = arith.constant 0.000000e+00 : f32
      %parallel_loop3A_2656 = vector.broadcast %parallel_loop3A_2655 : f32 to vector<16xf32>
      %parallel_loop3A_2657 = arith.maximumf %parallel_loop3A_2654, %parallel_loop3A_2656 : vector<16xf32>
      %parallel_loop3A_2658 = arith.minimumf %parallel_loop3A_2648, %get3A_2120 : vector<16xf32>
      %parallel_loop3A_2659 = arith.maximumf %parallel_loop3A_2642, %get3A_2110 : vector<16xf32>
      %parallel_loop3A_2660 = arith.subf %parallel_loop3A_2658, %parallel_loop3A_2659 : vector<16xf32>
      %parallel_loop3A_2661 = arith.constant 0.000000e+00 : f32
      %parallel_loop3A_2662 = vector.broadcast %parallel_loop3A_2661 : f32 to vector<16xf32>
      %parallel_loop3A_2663 = arith.maximumf %parallel_loop3A_2660, %parallel_loop3A_2662 : vector<16xf32>
      %parallel_loop3A_2664 = arith.mulf %parallel_loop3A_2657, %parallel_loop3A_2663 : vector<16xf32>
      %parallel_loop3A_2665 = arith.addf %parallel_loop3A_2651, %mul3A_2123 : vector<16xf32>
      %parallel_loop3A_2666 = arith.subf %parallel_loop3A_2665, %parallel_loop3A_2664 : vector<16xf32>
      %parallel_loop3A_2667 = arith.divf %parallel_loop3A_2664, %parallel_loop3A_2666 : vector<16xf32>
      %parallel_loop3A_2668 = arith.index_cast %parallel_loop3A_2636 : i32 to index
      %parallel_loop3A_2669 = tpu.vector_load %arg11[%parallel_loop3A_2668] {strides = array<i32>} : memref<8832xf32, #tpu.memory_space<vmem>>, vector<16xf32>,
      %parallel_loop3A_2670 = vector.shape_cast %parallel_loop3A_2669 : vector<16xf32> to vector<16xf32>
      %parallel_loop3A_2671 = arith.cmpf ogt, %parallel_loop3A_2667, %parallel_loop3A_2670 : vector<16xf32>
      %parallel_loop3A_2672 = arith.select %parallel_loop3A_2671, %parallel_loop3A_2667, %parallel_loop3A_2670 : vector<16xi1>, vector<16xf32>
      %parallel_loop3A_2673 = arith.index_cast %parallel_loop3A_2636 : i32 to index
      %parallel_loop3A_2674 = tpu.vector_load %arg11[%parallel_loop3A_2673] {strides = array<i32>} : memref<8832xf32, #tpu.memory_space<vmem>>, vector<16xf32>,
      %parallel_loop3A_2675 = vector.shape_cast %parallel_loop3A_2674 : vector<16xf32> to vector<16xf32>
      %parallel_loop3A_2676 = vector.shape_cast %parallel_loop3A_2672 : vector<16xf32> to vector<16xf32>
      tpu.vector_store %arg11[%parallel_loop3A_2673], %parallel_loop3A_2676 {strides = array<i32>} : memref<8832xf32, #tpu.memory_space<vmem>>, vector<16xf32>,
      %parallel_loop3A_2677 = arith.index_cast %parallel_loop3A_2636 : i32 to index
      %parallel_loop3A_2678 = tpu.vector_load %arg12[%parallel_loop3A_2677] {strides = array<i32>} : memref<8832xf32, #tpu.memory_space<vmem>>, vector<16xf32>,
      %parallel_loop3A_2679 = vector.shape_cast %parallel_loop3A_2678 : vector<16xf32> to vector<16xf32>
      %parallel_loop3A_2680 = arith.select %parallel_loop3A_2671, %broadcast_in_dim3A_2125, %parallel_loop3A_2679 : vector<16xi1>, vector<16xf32>
      %parallel_loop3A_2681 = arith.index_cast %parallel_loop3A_2636 : i32 to index
      %parallel_loop3A_2682 = tpu.vector_load %arg12[%parallel_loop3A_2681] {strides = array<i32>} : memref<8832xf32, #tpu.memory_space<vmem>>, vector<16xf32>,
      %parallel_loop3A_2683 = vector.shape_cast %parallel_loop3A_2682 : vector<16xf32> to vector<16xf32>
      %parallel_loop3A_2684 = vector.shape_cast %parallel_loop3A_2680 : vector<16xf32> to vector<16xf32>
      tpu.vector_store %arg12[%parallel_loop3A_2681], %parallel_loop3A_2684 {strides = array<i32>} : memref<8832xf32, #tpu.memory_space<vmem>>, vector<16xf32>,
      %parallel_loop3A_2685 = arith.cmpf ogt, %parallel_loop3A_2667, %parallel_loop3A_2633 : vector<16xf32>
      %parallel_loop3A_2686 = arith.select %parallel_loop3A_2685, %parallel_loop3A_2667, %parallel_loop3A_2633 : vector<16xi1>, vector<16xf32>
      %parallel_loop3A_2687 = vector.broadcast %parallel_loop3A_2636 : i32 to vector<16xi32>
      %parallel_loop3A_2688 = arith.addi %parallel_loop3A_2687, %iota3A : vector<16xi32>
      %parallel_loop3A_2689 = arith.select %parallel_loop3A_2685, %parallel_loop3A_2688, %parallel_loop3A_2634 : vector<16xi1>, vector<16xi32>
      scf.yield %parallel_loop3A_2686, %parallel_loop3A_2689 : vector<16xf32>, vector<16xi32>
    } {sc.loop_unroll_factor = 8 : i64, sc.parallel_access}
    %slice3A_2134 = vector.extract_strided_slice %parallel_loop3A_2133#0 {offsets = [0], sizes = [1], strides = [1]} : vector<16xf32> to vector<1xf32>
    %squeeze3A_2135 = vector.extract %slice3A_2134[0] : f32 from vector<1xf32>
    %slice3A_2136 = vector.extract_strided_slice %parallel_loop3A_2133#1 {offsets = [0], sizes = [1], strides = [1]} : vector<16xi32> to vector<1xi32>
    %squeeze3A_2137 = vector.extract %slice3A_2136[0] : i32 from vector<1xi32>
    %slice3A_2138 = vector.extract_strided_slice %parallel_loop3A_2133#0 {offsets = [1], sizes = [1], strides = [1]} : vector<16xf32> to vector<1xf32>
    %squeeze3A_2139 = vector.extract %slice3A_2138[0] : f32 from vector<1xf32>
    %slice3A_2140 = vector.extract_strided_slice %parallel_loop3A_2133#1 {offsets = [1], sizes = [1], strides = [1]} : vector<16xi32> to vector<1xi32>
    %squeeze3A_2141 = vector.extract %slice3A_2140[0] : i32 from vector<1xi32>
    %gt3A_2142 = arith.cmpf ogt, %squeeze3A_2139, %squeeze3A_2135 : f32
    %eq3A_2143 = arith.cmpf oeq, %squeeze3A_2139, %squeeze3A_2135 : f32
    %lt3A_2144 = arith.cmpi slt, %squeeze3A_2141, %squeeze3A_2137 : i32
    %and3A_2145 = arith.andi %eq3A_2143, %lt3A_2144 : i1
    %or3A_2146 = arith.ori %gt3A_2142, %and3A_2145 : i1
    %select_n3A_2147 = arith.select %or3A_2146, %squeeze3A_2139, %squeeze3A_2135 : f32
    %select_n3A_2148 = arith.select %or3A_2146, %squeeze3A_2141, %squeeze3A_2137 : i32
    %slice3A_2149 = vector.extract_strided_slice %parallel_loop3A_2133#0 {offsets = [2], sizes = [1], strides = [1]} : vector<16xf32> to vector<1xf32>
    %squeeze3A_2150 = vector.extract %slice3A_2149[0] : f32 from vector<1xf32>
    %slice3A_2151 = vector.extract_strided_slice %parallel_loop3A_2133#1 {offsets = [2], sizes = [1], strides = [1]} : vector<16xi32> to vector<1xi32>
    %squeeze3A_2152 = vector.extract %slice3A_2151[0] : i32 from vector<1xi32>
    %gt3A_2153 = arith.cmpf ogt, %squeeze3A_2150, %select_n3A_2147 : f32
    %eq3A_2154 = arith.cmpf oeq, %squeeze3A_2150, %select_n3A_2147 : f32
    %lt3A_2155 = arith.cmpi slt, %squeeze3A_2152, %select_n3A_2148 : i32
    %and3A_2156 = arith.andi %eq3A_2154, %lt3A_2155 : i1
    %or3A_2157 = arith.ori %gt3A_2153, %and3A_2156 : i1
    %select_n3A_2158 = arith.select %or3A_2157, %squeeze3A_2150, %select_n3A_2147 : f32
    %select_n3A_2159 = arith.select %or3A_2157, %squeeze3A_2152, %select_n3A_2148 : i32
    %slice3A_2160 = vector.extract_strided_slice %parallel_loop3A_2133#0 {offsets = [3], sizes = [1], strides = [1]} : vector<16xf32> to vector<1xf32>
    %squeeze3A_2161 = vector.extract %slice3A_2160[0] : f32 from vector<1xf32>
    %slice3A_2162 = vector.extract_strided_slice %parallel_loop3A_2133#1 {offsets = [3], sizes = [1], strides = [1]} : vector<16xi32> to vector<1xi32>
    %squeeze3A_2163 = vector.extract %slice3A_2162[0] : i32 from vector<1xi32>
    %gt3A_2164 = arith.cmpf ogt, %squeeze3A_2161, %select_n3A_2158 : f32
    %eq3A_2165 = arith.cmpf oeq, %squeeze3A_2161, %select_n3A_2158 : f32
    %lt3A_2166 = arith.cmpi slt, %squeeze3A_2163, %select_n3A_2159 : i32
    %and3A_2167 = arith.andi %eq3A_2165, %lt3A_2166 : i1
    %or3A_2168 = arith.ori %gt3A_2164, %and3A_2167 : i1
    %select_n3A_2169 = arith.select %or3A_2168, %squeeze3A_2161, %select_n3A_2158 : f32
    %select_n3A_2170 = arith.select %or3A_2168, %squeeze3A_2163, %select_n3A_2159 : i32
    %slice3A_2171 = vector.extract_strided_slice %parallel_loop3A_2133#0 {offsets = [4], sizes = [1], strides = [1]} : vector<16xf32> to vector<1xf32>
    %squeeze3A_2172 = vector.extract %slice3A_2171[0] : f32 from vector<1xf32>
    %slice3A_2173 = vector.extract_strided_slice %parallel_loop3A_2133#1 {offsets = [4], sizes = [1], strides = [1]} : vector<16xi32> to vector<1xi32>
    %squeeze3A_2174 = vector.extract %slice3A_2173[0] : i32 from vector<1xi32>
    %gt3A_2175 = arith.cmpf ogt, %squeeze3A_2172, %select_n3A_2169 : f32
    %eq3A_2176 = arith.cmpf oeq, %squeeze3A_2172, %select_n3A_2169 : f32
    %lt3A_2177 = arith.cmpi slt, %squeeze3A_2174, %select_n3A_2170 : i32
    %and3A_2178 = arith.andi %eq3A_2176, %lt3A_2177 : i1
    %or3A_2179 = arith.ori %gt3A_2175, %and3A_2178 : i1
    %select_n3A_2180 = arith.select %or3A_2179, %squeeze3A_2172, %select_n3A_2169 : f32
    %select_n3A_2181 = arith.select %or3A_2179, %squeeze3A_2174, %select_n3A_2170 : i32
    %slice3A_2182 = vector.extract_strided_slice %parallel_loop3A_2133#0 {offsets = [5], sizes = [1], strides = [1]} : vector<16xf32> to vector<1xf32>
    %squeeze3A_2183 = vector.extract %slice3A_2182[0] : f32 from vector<1xf32>
    %slice3A_2184 = vector.extract_strided_slice %parallel_loop3A_2133#1 {offsets = [5], sizes = [1], strides = [1]} : vector<16xi32> to vector<1xi32>
    %squeeze3A_2185 = vector.extract %slice3A_2184[0] : i32 from vector<1xi32>
    %gt3A_2186 = arith.cmpf ogt, %squeeze3A_2183, %select_n3A_2180 : f32
    %eq3A_2187 = arith.cmpf oeq, %squeeze3A_2183, %select_n3A_2180 : f32
    %lt3A_2188 = arith.cmpi slt, %squeeze3A_2185, %select_n3A_2181 : i32
    %and3A_2189 = arith.andi %eq3A_2187, %lt3A_2188 : i1
    %or3A_2190 = arith.ori %gt3A_2186, %and3A_2189 : i1
    %select_n3A_2191 = arith.select %or3A_2190, %squeeze3A_2183, %select_n3A_2180 : f32
    %select_n3A_2192 = arith.select %or3A_2190, %squeeze3A_2185, %select_n3A_2181 : i32
    %slice3A_2193 = vector.extract_strided_slice %parallel_loop3A_2133#0 {offsets = [6], sizes = [1], strides = [1]} : vector<16xf32> to vector<1xf32>
    %squeeze3A_2194 = vector.extract %slice3A_2193[0] : f32 from vector<1xf32>
    %slice3A_2195 = vector.extract_strided_slice %parallel_loop3A_2133#1 {offsets = [6], sizes = [1], strides = [1]} : vector<16xi32> to vector<1xi32>
    %squeeze3A_2196 = vector.extract %slice3A_2195[0] : i32 from vector<1xi32>
    %gt3A_2197 = arith.cmpf ogt, %squeeze3A_2194, %select_n3A_2191 : f32
    %eq3A_2198 = arith.cmpf oeq, %squeeze3A_2194, %select_n3A_2191 : f32
    %lt3A_2199 = arith.cmpi slt, %squeeze3A_2196, %select_n3A_2192 : i32
    %and3A_2200 = arith.andi %eq3A_2198, %lt3A_2199 : i1
    %or3A_2201 = arith.ori %gt3A_2197, %and3A_2200 : i1
    %select_n3A_2202 = arith.select %or3A_2201, %squeeze3A_2194, %select_n3A_2191 : f32
    %select_n3A_2203 = arith.select %or3A_2201, %squeeze3A_2196, %select_n3A_2192 : i32
    %slice3A_2204 = vector.extract_strided_slice %parallel_loop3A_2133#0 {offsets = [7], sizes = [1], strides = [1]} : vector<16xf32> to vector<1xf32>
    %squeeze3A_2205 = vector.extract %slice3A_2204[0] : f32 from vector<1xf32>
    %slice3A_2206 = vector.extract_strided_slice %parallel_loop3A_2133#1 {offsets = [7], sizes = [1], strides = [1]} : vector<16xi32> to vector<1xi32>
    %squeeze3A_2207 = vector.extract %slice3A_2206[0] : i32 from vector<1xi32>
    %gt3A_2208 = arith.cmpf ogt, %squeeze3A_2205, %select_n3A_2202 : f32
    %eq3A_2209 = arith.cmpf oeq, %squeeze3A_2205, %select_n3A_2202 : f32
    %lt3A_2210 = arith.cmpi slt, %squeeze3A_2207, %select_n3A_2203 : i32
    %and3A_2211 = arith.andi %eq3A_2209, %lt3A_2210 : i1
    %or3A_2212 = arith.ori %gt3A_2208, %and3A_2211 : i1
    %select_n3A_2213 = arith.select %or3A_2212, %squeeze3A_2205, %select_n3A_2202 : f32
    %select_n3A_2214 = arith.select %or3A_2212, %squeeze3A_2207, %select_n3A_2203 : i32
    %slice3A_2215 = vector.extract_strided_slice %parallel_loop3A_2133#0 {offsets = [8], sizes = [1], strides = [1]} : vector<16xf32> to vector<1xf32>
    %squeeze3A_2216 = vector.extract %slice3A_2215[0] : f32 from vector<1xf32>
    %slice3A_2217 = vector.extract_strided_slice %parallel_loop3A_2133#1 {offsets = [8], sizes = [1], strides = [1]} : vector<16xi32> to vector<1xi32>
    %squeeze3A_2218 = vector.extract %slice3A_2217[0] : i32 from vector<1xi32>
    %gt3A_2219 = arith.cmpf ogt, %squeeze3A_2216, %select_n3A_2213 : f32
    %eq3A_2220 = arith.cmpf oeq, %squeeze3A_2216, %select_n3A_2213 : f32
    %lt3A_2221 = arith.cmpi slt, %squeeze3A_2218, %select_n3A_2214 : i32
    %and3A_2222 = arith.andi %eq3A_2220, %lt3A_2221 : i1
    %or3A_2223 = arith.ori %gt3A_2219, %and3A_2222 : i1
    %select_n3A_2224 = arith.select %or3A_2223, %squeeze3A_2216, %select_n3A_2213 : f32
    %select_n3A_2225 = arith.select %or3A_2223, %squeeze3A_2218, %select_n3A_2214 : i32
    %slice3A_2226 = vector.extract_strided_slice %parallel_loop3A_2133#0 {offsets = [9], sizes = [1], strides = [1]} : vector<16xf32> to vector<1xf32>
    %squeeze3A_2227 = vector.extract %slice3A_2226[0] : f32 from vector<1xf32>
    %slice3A_2228 = vector.extract_strided_slice %parallel_loop3A_2133#1 {offsets = [9], sizes = [1], strides = [1]} : vector<16xi32> to vector<1xi32>
    %squeeze3A_2229 = vector.extract %slice3A_2228[0] : i32 from vector<1xi32>
    %gt3A_2230 = arith.cmpf ogt, %squeeze3A_2227, %select_n3A_2224 : f32
    %eq3A_2231 = arith.cmpf oeq, %squeeze3A_2227, %select_n3A_2224 : f32
    %lt3A_2232 = arith.cmpi slt, %squeeze3A_2229, %select_n3A_2225 : i32
    %and3A_2233 = arith.andi %eq3A_2231, %lt3A_2232 : i1
    %or3A_2234 = arith.ori %gt3A_2230, %and3A_2233 : i1
    %select_n3A_2235 = arith.select %or3A_2234, %squeeze3A_2227, %select_n3A_2224 : f32
    %select_n3A_2236 = arith.select %or3A_2234, %squeeze3A_2229, %select_n3A_2225 : i32
    %slice3A_2237 = vector.extract_strided_slice %parallel_loop3A_2133#0 {offsets = [10], sizes = [1], strides = [1]} : vector<16xf32> to vector<1xf32>
    %squeeze3A_2238 = vector.extract %slice3A_2237[0] : f32 from vector<1xf32>
    %slice3A_2239 = vector.extract_strided_slice %parallel_loop3A_2133#1 {offsets = [10], sizes = [1], strides = [1]} : vector<16xi32> to vector<1xi32>
    %squeeze3A_2240 = vector.extract %slice3A_2239[0] : i32 from vector<1xi32>
    %gt3A_2241 = arith.cmpf ogt, %squeeze3A_2238, %select_n3A_2235 : f32
    %eq3A_2242 = arith.cmpf oeq, %squeeze3A_2238, %select_n3A_2235 : f32
    %lt3A_2243 = arith.cmpi slt, %squeeze3A_2240, %select_n3A_2236 : i32
    %and3A_2244 = arith.andi %eq3A_2242, %lt3A_2243 : i1
    %or3A_2245 = arith.ori %gt3A_2241, %and3A_2244 : i1
    %select_n3A_2246 = arith.select %or3A_2245, %squeeze3A_2238, %select_n3A_2235 : f32
    %select_n3A_2247 = arith.select %or3A_2245, %squeeze3A_2240, %select_n3A_2236 : i32
    %slice3A_2248 = vector.extract_strided_slice %parallel_loop3A_2133#0 {offsets = [11], sizes = [1], strides = [1]} : vector<16xf32> to vector<1xf32>
    %squeeze3A_2249 = vector.extract %slice3A_2248[0] : f32 from vector<1xf32>
    %slice3A_2250 = vector.extract_strided_slice %parallel_loop3A_2133#1 {offsets = [11], sizes = [1], strides = [1]} : vector<16xi32> to vector<1xi32>
    %squeeze3A_2251 = vector.extract %slice3A_2250[0] : i32 from vector<1xi32>
    %gt3A_2252 = arith.cmpf ogt, %squeeze3A_2249, %select_n3A_2246 : f32
    %eq3A_2253 = arith.cmpf oeq, %squeeze3A_2249, %select_n3A_2246 : f32
    %lt3A_2254 = arith.cmpi slt, %squeeze3A_2251, %select_n3A_2247 : i32
    %and3A_2255 = arith.andi %eq3A_2253, %lt3A_2254 : i1
    %or3A_2256 = arith.ori %gt3A_2252, %and3A_2255 : i1
    %select_n3A_2257 = arith.select %or3A_2256, %squeeze3A_2249, %select_n3A_2246 : f32
    %select_n3A_2258 = arith.select %or3A_2256, %squeeze3A_2251, %select_n3A_2247 : i32
    %slice3A_2259 = vector.extract_strided_slice %parallel_loop3A_2133#0 {offsets = [12], sizes = [1], strides = [1]} : vector<16xf32> to vector<1xf32>
    %squeeze3A_2260 = vector.extract %slice3A_2259[0] : f32 from vector<1xf32>
    %slice3A_2261 = vector.extract_strided_slice %parallel_loop3A_2133#1 {offsets = [12], sizes = [1], strides = [1]} : vector<16xi32> to vector<1xi32>
    %squeeze3A_2262 = vector.extract %slice3A_2261[0] : i32 from vector<1xi32>
    %gt3A_2263 = arith.cmpf ogt, %squeeze3A_2260, %select_n3A_2257 : f32
    %eq3A_2264 = arith.cmpf oeq, %squeeze3A_2260, %select_n3A_2257 : f32
    %lt3A_2265 = arith.cmpi slt, %squeeze3A_2262, %select_n3A_2258 : i32
    %and3A_2266 = arith.andi %eq3A_2264, %lt3A_2265 : i1
    %or3A_2267 = arith.ori %gt3A_2263, %and3A_2266 : i1
    %select_n3A_2268 = arith.select %or3A_2267, %squeeze3A_2260, %select_n3A_2257 : f32
    %select_n3A_2269 = arith.select %or3A_2267, %squeeze3A_2262, %select_n3A_2258 : i32
    %slice3A_2270 = vector.extract_strided_slice %parallel_loop3A_2133#0 {offsets = [13], sizes = [1], strides = [1]} : vector<16xf32> to vector<1xf32>
    %squeeze3A_2271 = vector.extract %slice3A_2270[0] : f32 from vector<1xf32>
    %slice3A_2272 = vector.extract_strided_slice %parallel_loop3A_2133#1 {offsets = [13], sizes = [1], strides = [1]} : vector<16xi32> to vector<1xi32>
    %squeeze3A_2273 = vector.extract %slice3A_2272[0] : i32 from vector<1xi32>
    %gt3A_2274 = arith.cmpf ogt, %squeeze3A_2271, %select_n3A_2268 : f32
    %eq3A_2275 = arith.cmpf oeq, %squeeze3A_2271, %select_n3A_2268 : f32
    %lt3A_2276 = arith.cmpi slt, %squeeze3A_2273, %select_n3A_2269 : i32
    %and3A_2277 = arith.andi %eq3A_2275, %lt3A_2276 : i1
    %or3A_2278 = arith.ori %gt3A_2274, %and3A_2277 : i1
    %select_n3A_2279 = arith.select %or3A_2278, %squeeze3A_2271, %select_n3A_2268 : f32
    %select_n3A_2280 = arith.select %or3A_2278, %squeeze3A_2273, %select_n3A_2269 : i32
    %slice3A_2281 = vector.extract_strided_slice %parallel_loop3A_2133#0 {offsets = [14], sizes = [1], strides = [1]} : vector<16xf32> to vector<1xf32>
    %squeeze3A_2282 = vector.extract %slice3A_2281[0] : f32 from vector<1xf32>
    %slice3A_2283 = vector.extract_strided_slice %parallel_loop3A_2133#1 {offsets = [14], sizes = [1], strides = [1]} : vector<16xi32> to vector<1xi32>
    %squeeze3A_2284 = vector.extract %slice3A_2283[0] : i32 from vector<1xi32>
    %gt3A_2285 = arith.cmpf ogt, %squeeze3A_2282, %select_n3A_2279 : f32
    %eq3A_2286 = arith.cmpf oeq, %squeeze3A_2282, %select_n3A_2279 : f32
    %lt3A_2287 = arith.cmpi slt, %squeeze3A_2284, %select_n3A_2280 : i32
    %and3A_2288 = arith.andi %eq3A_2286, %lt3A_2287 : i1
    %or3A_2289 = arith.ori %gt3A_2285, %and3A_2288 : i1
    %select_n3A_2290 = arith.select %or3A_2289, %squeeze3A_2282, %select_n3A_2279 : f32
    %select_n3A_2291 = arith.select %or3A_2289, %squeeze3A_2284, %select_n3A_2280 : i32
    %slice3A_2292 = vector.extract_strided_slice %parallel_loop3A_2133#0 {offsets = [15], sizes = [1], strides = [1]} : vector<16xf32> to vector<1xf32>
    %squeeze3A_2293 = vector.extract %slice3A_2292[0] : f32 from vector<1xf32>
    %slice3A_2294 = vector.extract_strided_slice %parallel_loop3A_2133#1 {offsets = [15], sizes = [1], strides = [1]} : vector<16xi32> to vector<1xi32>
    %squeeze3A_2295 = vector.extract %slice3A_2294[0] : i32 from vector<1xi32>
    %gt3A_2296 = arith.cmpf ogt, %squeeze3A_2293, %select_n3A_2290 : f32
    %eq3A_2297 = arith.cmpf oeq, %squeeze3A_2293, %select_n3A_2290 : f32
    %lt3A_2298 = arith.cmpi slt, %squeeze3A_2295, %select_n3A_2291 : i32
    %and3A_2299 = arith.andi %eq3A_2297, %lt3A_2298 : i1
    %or3A_2300 = arith.ori %gt3A_2296, %and3A_2299 : i1
    %select_n3A_2301 = arith.select %or3A_2300, %squeeze3A_2293, %select_n3A_2290 : f32
    %select_n3A_2302 = arith.select %or3A_2300, %squeeze3A_2295, %select_n3A_2291 : i32
    %jit3A_2303 = arith.constant 16 : i32
    %div3A_2304 = arith.divsi %select_n3A_2302, %jit3A_2303 : i32
    %sign3A_2305 = arith.constant 0 : i32
    %sign3A_2306 = arith.cmpi sgt, %select_n3A_2302, %sign3A_2305 : i32
    %sign3A_2307 = arith.extui %sign3A_2306 : i1 to i32
    %sign3A_2308 = arith.constant 0 : i32
    %sign3A_2309 = arith.cmpi slt, %select_n3A_2302, %sign3A_2308 : i32
    %sign3A_2310 = arith.extui %sign3A_2309 : i1 to i32
    %sign3A_2311 = arith.subi %sign3A_2307, %sign3A_2310 : i32
    %sign3A_2312 = arith.constant 0 : i32
    %sign3A_2313 = arith.cmpi sgt, %jit3A_2303, %sign3A_2312 : i32
    %sign3A_2314 = arith.extui %sign3A_2313 : i1 to i32
    %sign3A_2315 = arith.constant 0 : i32
    %sign3A_2316 = arith.cmpi slt, %jit3A_2303, %sign3A_2315 : i32
    %sign3A_2317 = arith.extui %sign3A_2316 : i1 to i32
    %sign3A_2318 = arith.subi %sign3A_2314, %sign3A_2317 : i32
    %ne3A_2319 = arith.cmpi ne, %sign3A_2311, %sign3A_2318 : i32
    %rem3A_2320 = arith.remsi %select_n3A_2302, %jit3A_2303 : i32
    %ne3A_2321 = arith.constant 0 : i32
    %ne3A_2322 = arith.cmpi ne, %rem3A_2320, %ne3A_2321 : i32
    %and3A_2323 = arith.andi %ne3A_2319, %ne3A_2322 : i1
    %sub3A_2324 = arith.constant 1 : i32
    %sub3A_2325 = arith.subi %div3A_2304, %sub3A_2324 : i32
    %select_n3A_2326 = arith.select %and3A_2323, %sub3A_2325, %div3A_2304 : i32
    %mul3A_2327 = arith.constant 16 : i32
    %mul3A_2328 = arith.muli %select_n3A_2326, %mul3A_2327 : i32
    %jit3A_2329 = arith.constant 16 : i32
    %eq3A_2330 = arith.constant 0 : i32
    %eq3A_2331 = arith.cmpi eq, %jit3A_2329, %eq3A_2330 : i32
    %jit3A_2332 = arith.constant 1 : i32
    %select_n3A_2333 = arith.select %eq3A_2331, %jit3A_2332, %jit3A_2329 : i32
    %rem3A_2334 = arith.remsi %select_n3A_2302, %select_n3A_2333 : i32
    %ne3A_2335 = arith.constant 0 : i32
    %ne3A_2336 = arith.cmpi ne, %rem3A_2334, %ne3A_2335 : i32
    %lt3A_2337 = arith.constant 0 : i32
    %lt3A_2338 = arith.cmpi slt, %rem3A_2334, %lt3A_2337 : i32
    %lt3A_2339 = arith.constant 0 : i32
    %lt3A_2340 = arith.cmpi slt, %select_n3A_2333, %lt3A_2339 : i32
    %ne3A_2341 = arith.xori %lt3A_2338, %lt3A_2340 : i1
    %and3A_2342 = arith.andi %ne3A_2341, %ne3A_2336 : i1
    %add3A_2343 = arith.addi %rem3A_2334, %select_n3A_2333 : i32
    %select_n3A_2344 = arith.select %and3A_2342, %add3A_2343, %rem3A_2334 : i32
    %eq3A_2345 = vector.broadcast %select_n3A_2344 : i32 to vector<16xi32>
    %eq3A_2346 = arith.cmpi eq, %iota3A, %eq3A_2345 : vector<16xi32>
    %get3A_2347 = arith.index_cast %mul3A_2328 : i32 to index
    %get3A_2348 = tpu.vector_load %arg11[%get3A_2347] {strides = array<i32>} : memref<8832xf32, #tpu.memory_space<vmem>>, vector<16xf32>,
    %get3A_2349 = vector.shape_cast %get3A_2348 : vector<16xf32> to vector<16xf32>
    %jit3A_2350 = arith.constant 2.000000e+00 : f32
    %broadcast_in_dim3A_2351 = vector.broadcast %jit3A_2350 : f32 to vector<16xf32>
    %select_n3A_2352 = arith.select %eq3A_2346, %broadcast_in_dim3A_2351, %get3A_2349 : vector<16xi1>, vector<16xf32>
    %swap3A_2353 = arith.index_cast %mul3A_2328 : i32 to index
    %swap3A_2354 = tpu.vector_load %arg11[%swap3A_2353] {strides = array<i32>} : memref<8832xf32, #tpu.memory_space<vmem>>, vector<16xf32>,
    %swap3A_2355 = vector.shape_cast %swap3A_2354 : vector<16xf32> to vector<16xf32>
    %swap3A_2356 = vector.shape_cast %select_n3A_2352 : vector<16xf32> to vector<16xf32>
    tpu.vector_store %arg11[%swap3A_2353], %swap3A_2356 {strides = array<i32>} : memref<8832xf32, #tpu.memory_space<vmem>>, vector<16xf32>,
    %get3A_2357 = arith.index_cast %mul3A_2328 : i32 to index
    %get3A_2358 = tpu.vector_load %arg12[%get3A_2357] {strides = array<i32>} : memref<8832xf32, #tpu.memory_space<vmem>>, vector<16xf32>,
    %get3A_2359 = vector.shape_cast %get3A_2358 : vector<16xf32> to vector<16xf32>
    %select_n3A_2360 = arith.select %eq3A_2346, %broadcast_in_dim3A_2125, %get3A_2359 : vector<16xi1>, vector<16xf32>
    %swap3A_2361 = arith.index_cast %mul3A_2328 : i32 to index
    %swap3A_2362 = tpu.vector_load %arg12[%swap3A_2361] {strides = array<i32>} : memref<8832xf32, #tpu.memory_space<vmem>>, vector<16xf32>,
    %swap3A_2363 = vector.shape_cast %swap3A_2362 : vector<16xf32> to vector<16xf32>
    %swap3A_2364 = vector.shape_cast %select_n3A_2360 : vector<16xf32> to vector<16xf32>
    tpu.vector_store %arg12[%swap3A_2361], %swap3A_2364 {strides = array<i32>} : memref<8832xf32, #tpu.memory_space<vmem>>, vector<16xf32>,
    %get3A_2365 = arith.constant 36 : i32
    %get3A_2366 = arith.index_cast %get3A_2365 : i32 to index
    %get3A_2367 = arith.constant 0 : index
    %get3A_2368 = tpu.vector_load %arg10[%get3A_2366, %get3A_2367] {strides = array<i32>} : memref<40x16xf32, #tpu.memory_space<vmem>>, vector<1x16xf32>,
    %get3A_2369 = vector.shape_cast %get3A_2368 : vector<1x16xf32> to vector<16xf32>
    %get3A_2370 = arith.constant 37 : i32
    %get3A_2371 = arith.index_cast %get3A_2370 : i32 to index
    %get3A_2372 = arith.constant 0 : index
    %get3A_2373 = tpu.vector_load %arg10[%get3A_2371, %get3A_2372] {strides = array<i32>} : memref<40x16xf32, #tpu.memory_space<vmem>>, vector<1x16xf32>,
    %get3A_2374 = vector.shape_cast %get3A_2373 : vector<1x16xf32> to vector<16xf32>
    %get3A_2375 = arith.constant 38 : i32
    %get3A_2376 = arith.index_cast %get3A_2375 : i32 to index
    %get3A_2377 = arith.constant 0 : index
    %get3A_2378 = tpu.vector_load %arg10[%get3A_2376, %get3A_2377] {strides = array<i32>} : memref<40x16xf32, #tpu.memory_space<vmem>>, vector<1x16xf32>,
    %get3A_2379 = vector.shape_cast %get3A_2378 : vector<1x16xf32> to vector<16xf32>
    %get3A_2380 = arith.constant 39 : i32
    %get3A_2381 = arith.index_cast %get3A_2380 : i32 to index
    %get3A_2382 = arith.constant 0 : index
    %get3A_2383 = tpu.vector_load %arg10[%get3A_2381, %get3A_2382] {strides = array<i32>} : memref<40x16xf32, #tpu.memory_space<vmem>>, vector<1x16xf32>,
    %get3A_2384 = vector.shape_cast %get3A_2383 : vector<1x16xf32> to vector<16xf32>
    %sub3A_2385 = arith.subf %get3A_2379, %get3A_2369 : vector<16xf32>
    %sub3A_2386 = arith.subf %get3A_2384, %get3A_2374 : vector<16xf32>
    %mul3A_2387 = arith.mulf %sub3A_2385, %sub3A_2386 : vector<16xf32>
    %broadcast_in_dim3A_2388 = arith.constant 9.000000e+00 : f32
    %broadcast_in_dim3A_2389 = vector.broadcast %broadcast_in_dim3A_2388 : f32 to vector<16xf32>
    %broadcast_in_dim3A_2390 = arith.constant -2.000000e+00 : f32
    %broadcast_in_dim3A_2391 = vector.broadcast %broadcast_in_dim3A_2390 : f32 to vector<16xf32>
    %broadcast_in_dim3A_2392 = arith.constant 0 : i32
    %broadcast_in_dim3A_2393 = vector.broadcast %broadcast_in_dim3A_2392 : i32 to vector<16xi32>
    %parallel_loop3A_2394 = arith.constant 0 : i32
    %parallel_loop3A_2395 = arith.constant 552 : i32
    %parallel_loop3A_2396 = arith.constant 1 : i32
    %parallel_loop3A_2397:2 = scf.for %parallel_loop3A_2632 = %parallel_loop3A_2394 to %parallel_loop3A_2395 step %parallel_loop3A_2396 iter_args(%parallel_loop3A_2633 = %broadcast_in_dim3A_2391, %parallel_loop3A_2634 = %broadcast_in_dim3A_2393) -> (vector<16xf32>, vector<16xi32>)  : i32 {
      %parallel_loop3A_2635 = arith.constant 16 : i32
      %parallel_loop3A_2636 = arith.muli %parallel_loop3A_2632, %parallel_loop3A_2635 : i32
      %parallel_loop3A_2637 = arith.index_cast %parallel_loop3A_2636 : i32 to index
      %parallel_loop3A_2638 = tpu.vector_load %arg6[%parallel_loop3A_2637] {strides = array<i32>} : memref<8832xf32, #tpu.memory_space<vmem>>, vector<16xf32>,
      %parallel_loop3A_2639 = vector.shape_cast %parallel_loop3A_2638 : vector<16xf32> to vector<16xf32>
      %parallel_loop3A_2640 = arith.index_cast %parallel_loop3A_2636 : i32 to index
      %parallel_loop3A_2641 = tpu.vector_load %arg7[%parallel_loop3A_2640] {strides = array<i32>} : memref<8832xf32, #tpu.memory_space<vmem>>, vector<16xf32>,
      %parallel_loop3A_2642 = vector.shape_cast %parallel_loop3A_2641 : vector<16xf32> to vector<16xf32>
      %parallel_loop3A_2643 = arith.index_cast %parallel_loop3A_2636 : i32 to index
      %parallel_loop3A_2644 = tpu.vector_load %arg8[%parallel_loop3A_2643] {strides = array<i32>} : memref<8832xf32, #tpu.memory_space<vmem>>, vector<16xf32>,
      %parallel_loop3A_2645 = vector.shape_cast %parallel_loop3A_2644 : vector<16xf32> to vector<16xf32>
      %parallel_loop3A_2646 = arith.index_cast %parallel_loop3A_2636 : i32 to index
      %parallel_loop3A_2647 = tpu.vector_load %arg9[%parallel_loop3A_2646] {strides = array<i32>} : memref<8832xf32, #tpu.memory_space<vmem>>, vector<16xf32>,
      %parallel_loop3A_2648 = vector.shape_cast %parallel_loop3A_2647 : vector<16xf32> to vector<16xf32>
      %parallel_loop3A_2649 = arith.subf %parallel_loop3A_2645, %parallel_loop3A_2639 : vector<16xf32>
      %parallel_loop3A_2650 = arith.subf %parallel_loop3A_2648, %parallel_loop3A_2642 : vector<16xf32>
      %parallel_loop3A_2651 = arith.mulf %parallel_loop3A_2649, %parallel_loop3A_2650 : vector<16xf32>
      %parallel_loop3A_2652 = arith.minimumf %parallel_loop3A_2645, %get3A_2379 : vector<16xf32>
      %parallel_loop3A_2653 = arith.maximumf %parallel_loop3A_2639, %get3A_2369 : vector<16xf32>
      %parallel_loop3A_2654 = arith.subf %parallel_loop3A_2652, %parallel_loop3A_2653 : vector<16xf32>
      %parallel_loop3A_2655 = arith.constant 0.000000e+00 : f32
      %parallel_loop3A_2656 = vector.broadcast %parallel_loop3A_2655 : f32 to vector<16xf32>
      %parallel_loop3A_2657 = arith.maximumf %parallel_loop3A_2654, %parallel_loop3A_2656 : vector<16xf32>
      %parallel_loop3A_2658 = arith.minimumf %parallel_loop3A_2648, %get3A_2384 : vector<16xf32>
      %parallel_loop3A_2659 = arith.maximumf %parallel_loop3A_2642, %get3A_2374 : vector<16xf32>
      %parallel_loop3A_2660 = arith.subf %parallel_loop3A_2658, %parallel_loop3A_2659 : vector<16xf32>
      %parallel_loop3A_2661 = arith.constant 0.000000e+00 : f32
      %parallel_loop3A_2662 = vector.broadcast %parallel_loop3A_2661 : f32 to vector<16xf32>
      %parallel_loop3A_2663 = arith.maximumf %parallel_loop3A_2660, %parallel_loop3A_2662 : vector<16xf32>
      %parallel_loop3A_2664 = arith.mulf %parallel_loop3A_2657, %parallel_loop3A_2663 : vector<16xf32>
      %parallel_loop3A_2665 = arith.addf %parallel_loop3A_2651, %mul3A_2387 : vector<16xf32>
      %parallel_loop3A_2666 = arith.subf %parallel_loop3A_2665, %parallel_loop3A_2664 : vector<16xf32>
      %parallel_loop3A_2667 = arith.divf %parallel_loop3A_2664, %parallel_loop3A_2666 : vector<16xf32>
      %parallel_loop3A_2668 = arith.index_cast %parallel_loop3A_2636 : i32 to index
      %parallel_loop3A_2669 = tpu.vector_load %arg11[%parallel_loop3A_2668] {strides = array<i32>} : memref<8832xf32, #tpu.memory_space<vmem>>, vector<16xf32>,
      %parallel_loop3A_2670 = vector.shape_cast %parallel_loop3A_2669 : vector<16xf32> to vector<16xf32>
      %parallel_loop3A_2671 = arith.cmpf ogt, %parallel_loop3A_2667, %parallel_loop3A_2670 : vector<16xf32>
      %parallel_loop3A_2672 = arith.select %parallel_loop3A_2671, %parallel_loop3A_2667, %parallel_loop3A_2670 : vector<16xi1>, vector<16xf32>
      %parallel_loop3A_2673 = arith.index_cast %parallel_loop3A_2636 : i32 to index
      %parallel_loop3A_2674 = tpu.vector_load %arg11[%parallel_loop3A_2673] {strides = array<i32>} : memref<8832xf32, #tpu.memory_space<vmem>>, vector<16xf32>,
      %parallel_loop3A_2675 = vector.shape_cast %parallel_loop3A_2674 : vector<16xf32> to vector<16xf32>
      %parallel_loop3A_2676 = vector.shape_cast %parallel_loop3A_2672 : vector<16xf32> to vector<16xf32>
      tpu.vector_store %arg11[%parallel_loop3A_2673], %parallel_loop3A_2676 {strides = array<i32>} : memref<8832xf32, #tpu.memory_space<vmem>>, vector<16xf32>,
      %parallel_loop3A_2677 = arith.index_cast %parallel_loop3A_2636 : i32 to index
      %parallel_loop3A_2678 = tpu.vector_load %arg12[%parallel_loop3A_2677] {strides = array<i32>} : memref<8832xf32, #tpu.memory_space<vmem>>, vector<16xf32>,
      %parallel_loop3A_2679 = vector.shape_cast %parallel_loop3A_2678 : vector<16xf32> to vector<16xf32>
      %parallel_loop3A_2680 = arith.select %parallel_loop3A_2671, %broadcast_in_dim3A_2389, %parallel_loop3A_2679 : vector<16xi1>, vector<16xf32>
      %parallel_loop3A_2681 = arith.index_cast %parallel_loop3A_2636 : i32 to index
      %parallel_loop3A_2682 = tpu.vector_load %arg12[%parallel_loop3A_2681] {strides = array<i32>} : memref<8832xf32, #tpu.memory_space<vmem>>, vector<16xf32>,
      %parallel_loop3A_2683 = vector.shape_cast %parallel_loop3A_2682 : vector<16xf32> to vector<16xf32>
      %parallel_loop3A_2684 = vector.shape_cast %parallel_loop3A_2680 : vector<16xf32> to vector<16xf32>
      tpu.vector_store %arg12[%parallel_loop3A_2681], %parallel_loop3A_2684 {strides = array<i32>} : memref<8832xf32, #tpu.memory_space<vmem>>, vector<16xf32>,
      %parallel_loop3A_2685 = arith.cmpf ogt, %parallel_loop3A_2667, %parallel_loop3A_2633 : vector<16xf32>
      %parallel_loop3A_2686 = arith.select %parallel_loop3A_2685, %parallel_loop3A_2667, %parallel_loop3A_2633 : vector<16xi1>, vector<16xf32>
      %parallel_loop3A_2687 = vector.broadcast %parallel_loop3A_2636 : i32 to vector<16xi32>
      %parallel_loop3A_2688 = arith.addi %parallel_loop3A_2687, %iota3A : vector<16xi32>
      %parallel_loop3A_2689 = arith.select %parallel_loop3A_2685, %parallel_loop3A_2688, %parallel_loop3A_2634 : vector<16xi1>, vector<16xi32>
      scf.yield %parallel_loop3A_2686, %parallel_loop3A_2689 : vector<16xf32>, vector<16xi32>
    } {sc.loop_unroll_factor = 8 : i64, sc.parallel_access}
    %slice3A_2398 = vector.extract_strided_slice %parallel_loop3A_2397#0 {offsets = [0], sizes = [1], strides = [1]} : vector<16xf32> to vector<1xf32>
    %squeeze3A_2399 = vector.extract %slice3A_2398[0] : f32 from vector<1xf32>
    %slice3A_2400 = vector.extract_strided_slice %parallel_loop3A_2397#1 {offsets = [0], sizes = [1], strides = [1]} : vector<16xi32> to vector<1xi32>
    %squeeze3A_2401 = vector.extract %slice3A_2400[0] : i32 from vector<1xi32>
    %slice3A_2402 = vector.extract_strided_slice %parallel_loop3A_2397#0 {offsets = [1], sizes = [1], strides = [1]} : vector<16xf32> to vector<1xf32>
    %squeeze3A_2403 = vector.extract %slice3A_2402[0] : f32 from vector<1xf32>
    %slice3A_2404 = vector.extract_strided_slice %parallel_loop3A_2397#1 {offsets = [1], sizes = [1], strides = [1]} : vector<16xi32> to vector<1xi32>
    %squeeze3A_2405 = vector.extract %slice3A_2404[0] : i32 from vector<1xi32>
    %gt3A_2406 = arith.cmpf ogt, %squeeze3A_2403, %squeeze3A_2399 : f32
    %eq3A_2407 = arith.cmpf oeq, %squeeze3A_2403, %squeeze3A_2399 : f32
    %lt3A_2408 = arith.cmpi slt, %squeeze3A_2405, %squeeze3A_2401 : i32
    %and3A_2409 = arith.andi %eq3A_2407, %lt3A_2408 : i1
    %or3A_2410 = arith.ori %gt3A_2406, %and3A_2409 : i1
    %select_n3A_2411 = arith.select %or3A_2410, %squeeze3A_2403, %squeeze3A_2399 : f32
    %select_n3A_2412 = arith.select %or3A_2410, %squeeze3A_2405, %squeeze3A_2401 : i32
    %slice3A_2413 = vector.extract_strided_slice %parallel_loop3A_2397#0 {offsets = [2], sizes = [1], strides = [1]} : vector<16xf32> to vector<1xf32>
    %squeeze3A_2414 = vector.extract %slice3A_2413[0] : f32 from vector<1xf32>
    %slice3A_2415 = vector.extract_strided_slice %parallel_loop3A_2397#1 {offsets = [2], sizes = [1], strides = [1]} : vector<16xi32> to vector<1xi32>
    %squeeze3A_2416 = vector.extract %slice3A_2415[0] : i32 from vector<1xi32>
    %gt3A_2417 = arith.cmpf ogt, %squeeze3A_2414, %select_n3A_2411 : f32
    %eq3A_2418 = arith.cmpf oeq, %squeeze3A_2414, %select_n3A_2411 : f32
    %lt3A_2419 = arith.cmpi slt, %squeeze3A_2416, %select_n3A_2412 : i32
    %and3A_2420 = arith.andi %eq3A_2418, %lt3A_2419 : i1
    %or3A_2421 = arith.ori %gt3A_2417, %and3A_2420 : i1
    %select_n3A_2422 = arith.select %or3A_2421, %squeeze3A_2414, %select_n3A_2411 : f32
    %select_n3A_2423 = arith.select %or3A_2421, %squeeze3A_2416, %select_n3A_2412 : i32
    %slice3A_2424 = vector.extract_strided_slice %parallel_loop3A_2397#0 {offsets = [3], sizes = [1], strides = [1]} : vector<16xf32> to vector<1xf32>
    %squeeze3A_2425 = vector.extract %slice3A_2424[0] : f32 from vector<1xf32>
    %slice3A_2426 = vector.extract_strided_slice %parallel_loop3A_2397#1 {offsets = [3], sizes = [1], strides = [1]} : vector<16xi32> to vector<1xi32>
    %squeeze3A_2427 = vector.extract %slice3A_2426[0] : i32 from vector<1xi32>
    %gt3A_2428 = arith.cmpf ogt, %squeeze3A_2425, %select_n3A_2422 : f32
    %eq3A_2429 = arith.cmpf oeq, %squeeze3A_2425, %select_n3A_2422 : f32
    %lt3A_2430 = arith.cmpi slt, %squeeze3A_2427, %select_n3A_2423 : i32
    %and3A_2431 = arith.andi %eq3A_2429, %lt3A_2430 : i1
    %or3A_2432 = arith.ori %gt3A_2428, %and3A_2431 : i1
    %select_n3A_2433 = arith.select %or3A_2432, %squeeze3A_2425, %select_n3A_2422 : f32
    %select_n3A_2434 = arith.select %or3A_2432, %squeeze3A_2427, %select_n3A_2423 : i32
    %slice3A_2435 = vector.extract_strided_slice %parallel_loop3A_2397#0 {offsets = [4], sizes = [1], strides = [1]} : vector<16xf32> to vector<1xf32>
    %squeeze3A_2436 = vector.extract %slice3A_2435[0] : f32 from vector<1xf32>
    %slice3A_2437 = vector.extract_strided_slice %parallel_loop3A_2397#1 {offsets = [4], sizes = [1], strides = [1]} : vector<16xi32> to vector<1xi32>
    %squeeze3A_2438 = vector.extract %slice3A_2437[0] : i32 from vector<1xi32>
    %gt3A_2439 = arith.cmpf ogt, %squeeze3A_2436, %select_n3A_2433 : f32
    %eq3A_2440 = arith.cmpf oeq, %squeeze3A_2436, %select_n3A_2433 : f32
    %lt3A_2441 = arith.cmpi slt, %squeeze3A_2438, %select_n3A_2434 : i32
    %and3A_2442 = arith.andi %eq3A_2440, %lt3A_2441 : i1
    %or3A_2443 = arith.ori %gt3A_2439, %and3A_2442 : i1
    %select_n3A_2444 = arith.select %or3A_2443, %squeeze3A_2436, %select_n3A_2433 : f32
    %select_n3A_2445 = arith.select %or3A_2443, %squeeze3A_2438, %select_n3A_2434 : i32
    %slice3A_2446 = vector.extract_strided_slice %parallel_loop3A_2397#0 {offsets = [5], sizes = [1], strides = [1]} : vector<16xf32> to vector<1xf32>
    %squeeze3A_2447 = vector.extract %slice3A_2446[0] : f32 from vector<1xf32>
    %slice3A_2448 = vector.extract_strided_slice %parallel_loop3A_2397#1 {offsets = [5], sizes = [1], strides = [1]} : vector<16xi32> to vector<1xi32>
    %squeeze3A_2449 = vector.extract %slice3A_2448[0] : i32 from vector<1xi32>
    %gt3A_2450 = arith.cmpf ogt, %squeeze3A_2447, %select_n3A_2444 : f32
    %eq3A_2451 = arith.cmpf oeq, %squeeze3A_2447, %select_n3A_2444 : f32
    %lt3A_2452 = arith.cmpi slt, %squeeze3A_2449, %select_n3A_2445 : i32
    %and3A_2453 = arith.andi %eq3A_2451, %lt3A_2452 : i1
    %or3A_2454 = arith.ori %gt3A_2450, %and3A_2453 : i1
    %select_n3A_2455 = arith.select %or3A_2454, %squeeze3A_2447, %select_n3A_2444 : f32
    %select_n3A_2456 = arith.select %or3A_2454, %squeeze3A_2449, %select_n3A_2445 : i32
    %slice3A_2457 = vector.extract_strided_slice %parallel_loop3A_2397#0 {offsets = [6], sizes = [1], strides = [1]} : vector<16xf32> to vector<1xf32>
    %squeeze3A_2458 = vector.extract %slice3A_2457[0] : f32 from vector<1xf32>
    %slice3A_2459 = vector.extract_strided_slice %parallel_loop3A_2397#1 {offsets = [6], sizes = [1], strides = [1]} : vector<16xi32> to vector<1xi32>
    %squeeze3A_2460 = vector.extract %slice3A_2459[0] : i32 from vector<1xi32>
    %gt3A_2461 = arith.cmpf ogt, %squeeze3A_2458, %select_n3A_2455 : f32
    %eq3A_2462 = arith.cmpf oeq, %squeeze3A_2458, %select_n3A_2455 : f32
    %lt3A_2463 = arith.cmpi slt, %squeeze3A_2460, %select_n3A_2456 : i32
    %and3A_2464 = arith.andi %eq3A_2462, %lt3A_2463 : i1
    %or3A_2465 = arith.ori %gt3A_2461, %and3A_2464 : i1
    %select_n3A_2466 = arith.select %or3A_2465, %squeeze3A_2458, %select_n3A_2455 : f32
    %select_n3A_2467 = arith.select %or3A_2465, %squeeze3A_2460, %select_n3A_2456 : i32
    %slice3A_2468 = vector.extract_strided_slice %parallel_loop3A_2397#0 {offsets = [7], sizes = [1], strides = [1]} : vector<16xf32> to vector<1xf32>
    %squeeze3A_2469 = vector.extract %slice3A_2468[0] : f32 from vector<1xf32>
    %slice3A_2470 = vector.extract_strided_slice %parallel_loop3A_2397#1 {offsets = [7], sizes = [1], strides = [1]} : vector<16xi32> to vector<1xi32>
    %squeeze3A_2471 = vector.extract %slice3A_2470[0] : i32 from vector<1xi32>
    %gt3A_2472 = arith.cmpf ogt, %squeeze3A_2469, %select_n3A_2466 : f32
    %eq3A_2473 = arith.cmpf oeq, %squeeze3A_2469, %select_n3A_2466 : f32
    %lt3A_2474 = arith.cmpi slt, %squeeze3A_2471, %select_n3A_2467 : i32
    %and3A_2475 = arith.andi %eq3A_2473, %lt3A_2474 : i1
    %or3A_2476 = arith.ori %gt3A_2472, %and3A_2475 : i1
    %select_n3A_2477 = arith.select %or3A_2476, %squeeze3A_2469, %select_n3A_2466 : f32
    %select_n3A_2478 = arith.select %or3A_2476, %squeeze3A_2471, %select_n3A_2467 : i32
    %slice3A_2479 = vector.extract_strided_slice %parallel_loop3A_2397#0 {offsets = [8], sizes = [1], strides = [1]} : vector<16xf32> to vector<1xf32>
    %squeeze3A_2480 = vector.extract %slice3A_2479[0] : f32 from vector<1xf32>
    %slice3A_2481 = vector.extract_strided_slice %parallel_loop3A_2397#1 {offsets = [8], sizes = [1], strides = [1]} : vector<16xi32> to vector<1xi32>
    %squeeze3A_2482 = vector.extract %slice3A_2481[0] : i32 from vector<1xi32>
    %gt3A_2483 = arith.cmpf ogt, %squeeze3A_2480, %select_n3A_2477 : f32
    %eq3A_2484 = arith.cmpf oeq, %squeeze3A_2480, %select_n3A_2477 : f32
    %lt3A_2485 = arith.cmpi slt, %squeeze3A_2482, %select_n3A_2478 : i32
    %and3A_2486 = arith.andi %eq3A_2484, %lt3A_2485 : i1
    %or3A_2487 = arith.ori %gt3A_2483, %and3A_2486 : i1
    %select_n3A_2488 = arith.select %or3A_2487, %squeeze3A_2480, %select_n3A_2477 : f32
    %select_n3A_2489 = arith.select %or3A_2487, %squeeze3A_2482, %select_n3A_2478 : i32
    %slice3A_2490 = vector.extract_strided_slice %parallel_loop3A_2397#0 {offsets = [9], sizes = [1], strides = [1]} : vector<16xf32> to vector<1xf32>
    %squeeze3A_2491 = vector.extract %slice3A_2490[0] : f32 from vector<1xf32>
    %slice3A_2492 = vector.extract_strided_slice %parallel_loop3A_2397#1 {offsets = [9], sizes = [1], strides = [1]} : vector<16xi32> to vector<1xi32>
    %squeeze3A_2493 = vector.extract %slice3A_2492[0] : i32 from vector<1xi32>
    %gt3A_2494 = arith.cmpf ogt, %squeeze3A_2491, %select_n3A_2488 : f32
    %eq3A_2495 = arith.cmpf oeq, %squeeze3A_2491, %select_n3A_2488 : f32
    %lt3A_2496 = arith.cmpi slt, %squeeze3A_2493, %select_n3A_2489 : i32
    %and3A_2497 = arith.andi %eq3A_2495, %lt3A_2496 : i1
    %or3A_2498 = arith.ori %gt3A_2494, %and3A_2497 : i1
    %select_n3A_2499 = arith.select %or3A_2498, %squeeze3A_2491, %select_n3A_2488 : f32
    %select_n3A_2500 = arith.select %or3A_2498, %squeeze3A_2493, %select_n3A_2489 : i32
    %slice3A_2501 = vector.extract_strided_slice %parallel_loop3A_2397#0 {offsets = [10], sizes = [1], strides = [1]} : vector<16xf32> to vector<1xf32>
    %squeeze3A_2502 = vector.extract %slice3A_2501[0] : f32 from vector<1xf32>
    %slice3A_2503 = vector.extract_strided_slice %parallel_loop3A_2397#1 {offsets = [10], sizes = [1], strides = [1]} : vector<16xi32> to vector<1xi32>
    %squeeze3A_2504 = vector.extract %slice3A_2503[0] : i32 from vector<1xi32>
    %gt3A_2505 = arith.cmpf ogt, %squeeze3A_2502, %select_n3A_2499 : f32
    %eq3A_2506 = arith.cmpf oeq, %squeeze3A_2502, %select_n3A_2499 : f32
    %lt3A_2507 = arith.cmpi slt, %squeeze3A_2504, %select_n3A_2500 : i32
    %and3A_2508 = arith.andi %eq3A_2506, %lt3A_2507 : i1
    %or3A_2509 = arith.ori %gt3A_2505, %and3A_2508 : i1
    %select_n3A_2510 = arith.select %or3A_2509, %squeeze3A_2502, %select_n3A_2499 : f32
    %select_n3A_2511 = arith.select %or3A_2509, %squeeze3A_2504, %select_n3A_2500 : i32
    %slice3A_2512 = vector.extract_strided_slice %parallel_loop3A_2397#0 {offsets = [11], sizes = [1], strides = [1]} : vector<16xf32> to vector<1xf32>
    %squeeze3A_2513 = vector.extract %slice3A_2512[0] : f32 from vector<1xf32>
    %slice3A_2514 = vector.extract_strided_slice %parallel_loop3A_2397#1 {offsets = [11], sizes = [1], strides = [1]} : vector<16xi32> to vector<1xi32>
    %squeeze3A_2515 = vector.extract %slice3A_2514[0] : i32 from vector<1xi32>
    %gt3A_2516 = arith.cmpf ogt, %squeeze3A_2513, %select_n3A_2510 : f32
    %eq3A_2517 = arith.cmpf oeq, %squeeze3A_2513, %select_n3A_2510 : f32
    %lt3A_2518 = arith.cmpi slt, %squeeze3A_2515, %select_n3A_2511 : i32
    %and3A_2519 = arith.andi %eq3A_2517, %lt3A_2518 : i1
    %or3A_2520 = arith.ori %gt3A_2516, %and3A_2519 : i1
    %select_n3A_2521 = arith.select %or3A_2520, %squeeze3A_2513, %select_n3A_2510 : f32
    %select_n3A_2522 = arith.select %or3A_2520, %squeeze3A_2515, %select_n3A_2511 : i32
    %slice3A_2523 = vector.extract_strided_slice %parallel_loop3A_2397#0 {offsets = [12], sizes = [1], strides = [1]} : vector<16xf32> to vector<1xf32>
    %squeeze3A_2524 = vector.extract %slice3A_2523[0] : f32 from vector<1xf32>
    %slice3A_2525 = vector.extract_strided_slice %parallel_loop3A_2397#1 {offsets = [12], sizes = [1], strides = [1]} : vector<16xi32> to vector<1xi32>
    %squeeze3A_2526 = vector.extract %slice3A_2525[0] : i32 from vector<1xi32>
    %gt3A_2527 = arith.cmpf ogt, %squeeze3A_2524, %select_n3A_2521 : f32
    %eq3A_2528 = arith.cmpf oeq, %squeeze3A_2524, %select_n3A_2521 : f32
    %lt3A_2529 = arith.cmpi slt, %squeeze3A_2526, %select_n3A_2522 : i32
    %and3A_2530 = arith.andi %eq3A_2528, %lt3A_2529 : i1
    %or3A_2531 = arith.ori %gt3A_2527, %and3A_2530 : i1
    %select_n3A_2532 = arith.select %or3A_2531, %squeeze3A_2524, %select_n3A_2521 : f32
    %select_n3A_2533 = arith.select %or3A_2531, %squeeze3A_2526, %select_n3A_2522 : i32
    %slice3A_2534 = vector.extract_strided_slice %parallel_loop3A_2397#0 {offsets = [13], sizes = [1], strides = [1]} : vector<16xf32> to vector<1xf32>
    %squeeze3A_2535 = vector.extract %slice3A_2534[0] : f32 from vector<1xf32>
    %slice3A_2536 = vector.extract_strided_slice %parallel_loop3A_2397#1 {offsets = [13], sizes = [1], strides = [1]} : vector<16xi32> to vector<1xi32>
    %squeeze3A_2537 = vector.extract %slice3A_2536[0] : i32 from vector<1xi32>
    %gt3A_2538 = arith.cmpf ogt, %squeeze3A_2535, %select_n3A_2532 : f32
    %eq3A_2539 = arith.cmpf oeq, %squeeze3A_2535, %select_n3A_2532 : f32
    %lt3A_2540 = arith.cmpi slt, %squeeze3A_2537, %select_n3A_2533 : i32
    %and3A_2541 = arith.andi %eq3A_2539, %lt3A_2540 : i1
    %or3A_2542 = arith.ori %gt3A_2538, %and3A_2541 : i1
    %select_n3A_2543 = arith.select %or3A_2542, %squeeze3A_2535, %select_n3A_2532 : f32
    %select_n3A_2544 = arith.select %or3A_2542, %squeeze3A_2537, %select_n3A_2533 : i32
    %slice3A_2545 = vector.extract_strided_slice %parallel_loop3A_2397#0 {offsets = [14], sizes = [1], strides = [1]} : vector<16xf32> to vector<1xf32>
    %squeeze3A_2546 = vector.extract %slice3A_2545[0] : f32 from vector<1xf32>
    %slice3A_2547 = vector.extract_strided_slice %parallel_loop3A_2397#1 {offsets = [14], sizes = [1], strides = [1]} : vector<16xi32> to vector<1xi32>
    %squeeze3A_2548 = vector.extract %slice3A_2547[0] : i32 from vector<1xi32>
    %gt3A_2549 = arith.cmpf ogt, %squeeze3A_2546, %select_n3A_2543 : f32
    %eq3A_2550 = arith.cmpf oeq, %squeeze3A_2546, %select_n3A_2543 : f32
    %lt3A_2551 = arith.cmpi slt, %squeeze3A_2548, %select_n3A_2544 : i32
    %and3A_2552 = arith.andi %eq3A_2550, %lt3A_2551 : i1
    %or3A_2553 = arith.ori %gt3A_2549, %and3A_2552 : i1
    %select_n3A_2554 = arith.select %or3A_2553, %squeeze3A_2546, %select_n3A_2543 : f32
    %select_n3A_2555 = arith.select %or3A_2553, %squeeze3A_2548, %select_n3A_2544 : i32
    %slice3A_2556 = vector.extract_strided_slice %parallel_loop3A_2397#0 {offsets = [15], sizes = [1], strides = [1]} : vector<16xf32> to vector<1xf32>
    %squeeze3A_2557 = vector.extract %slice3A_2556[0] : f32 from vector<1xf32>
    %slice3A_2558 = vector.extract_strided_slice %parallel_loop3A_2397#1 {offsets = [15], sizes = [1], strides = [1]} : vector<16xi32> to vector<1xi32>
    %squeeze3A_2559 = vector.extract %slice3A_2558[0] : i32 from vector<1xi32>
    %gt3A_2560 = arith.cmpf ogt, %squeeze3A_2557, %select_n3A_2554 : f32
    %eq3A_2561 = arith.cmpf oeq, %squeeze3A_2557, %select_n3A_2554 : f32
    %lt3A_2562 = arith.cmpi slt, %squeeze3A_2559, %select_n3A_2555 : i32
    %and3A_2563 = arith.andi %eq3A_2561, %lt3A_2562 : i1
    %or3A_2564 = arith.ori %gt3A_2560, %and3A_2563 : i1
    %select_n3A_2565 = arith.select %or3A_2564, %squeeze3A_2557, %select_n3A_2554 : f32
    %select_n3A_2566 = arith.select %or3A_2564, %squeeze3A_2559, %select_n3A_2555 : i32
    %jit3A_2567 = arith.constant 16 : i32
    %div3A_2568 = arith.divsi %select_n3A_2566, %jit3A_2567 : i32
    %sign3A_2569 = arith.constant 0 : i32
    %sign3A_2570 = arith.cmpi sgt, %select_n3A_2566, %sign3A_2569 : i32
    %sign3A_2571 = arith.extui %sign3A_2570 : i1 to i32
    %sign3A_2572 = arith.constant 0 : i32
    %sign3A_2573 = arith.cmpi slt, %select_n3A_2566, %sign3A_2572 : i32
    %sign3A_2574 = arith.extui %sign3A_2573 : i1 to i32
    %sign3A_2575 = arith.subi %sign3A_2571, %sign3A_2574 : i32
    %sign3A_2576 = arith.constant 0 : i32
    %sign3A_2577 = arith.cmpi sgt, %jit3A_2567, %sign3A_2576 : i32
    %sign3A_2578 = arith.extui %sign3A_2577 : i1 to i32
    %sign3A_2579 = arith.constant 0 : i32
    %sign3A_2580 = arith.cmpi slt, %jit3A_2567, %sign3A_2579 : i32
    %sign3A_2581 = arith.extui %sign3A_2580 : i1 to i32
    %sign3A_2582 = arith.subi %sign3A_2578, %sign3A_2581 : i32
    %ne3A_2583 = arith.cmpi ne, %sign3A_2575, %sign3A_2582 : i32
    %rem3A_2584 = arith.remsi %select_n3A_2566, %jit3A_2567 : i32
    %ne3A_2585 = arith.constant 0 : i32
    %ne3A_2586 = arith.cmpi ne, %rem3A_2584, %ne3A_2585 : i32
    %and3A_2587 = arith.andi %ne3A_2583, %ne3A_2586 : i1
    %sub3A_2588 = arith.constant 1 : i32
    %sub3A_2589 = arith.subi %div3A_2568, %sub3A_2588 : i32
    %select_n3A_2590 = arith.select %and3A_2587, %sub3A_2589, %div3A_2568 : i32
    %mul3A_2591 = arith.constant 16 : i32
    %mul3A_2592 = arith.muli %select_n3A_2590, %mul3A_2591 : i32
    %jit3A_2593 = arith.constant 16 : i32
    %eq3A_2594 = arith.constant 0 : i32
    %eq3A_2595 = arith.cmpi eq, %jit3A_2593, %eq3A_2594 : i32
    %jit3A_2596 = arith.constant 1 : i32
    %select_n3A_2597 = arith.select %eq3A_2595, %jit3A_2596, %jit3A_2593 : i32
    %rem3A_2598 = arith.remsi %select_n3A_2566, %select_n3A_2597 : i32
    %ne3A_2599 = arith.constant 0 : i32
    %ne3A_2600 = arith.cmpi ne, %rem3A_2598, %ne3A_2599 : i32
    %lt3A_2601 = arith.constant 0 : i32
    %lt3A_2602 = arith.cmpi slt, %rem3A_2598, %lt3A_2601 : i32
    %lt3A_2603 = arith.constant 0 : i32
    %lt3A_2604 = arith.cmpi slt, %select_n3A_2597, %lt3A_2603 : i32
    %ne3A_2605 = arith.xori %lt3A_2602, %lt3A_2604 : i1
    %and3A_2606 = arith.andi %ne3A_2605, %ne3A_2600 : i1
    %add3A_2607 = arith.addi %rem3A_2598, %select_n3A_2597 : i32
    %select_n3A_2608 = arith.select %and3A_2606, %add3A_2607, %rem3A_2598 : i32
    %eq3A_2609 = vector.broadcast %select_n3A_2608 : i32 to vector<16xi32>
    %eq3A_2610 = arith.cmpi eq, %iota3A, %eq3A_2609 : vector<16xi32>
    %get3A_2611 = arith.index_cast %mul3A_2592 : i32 to index
    %get3A_2612 = tpu.vector_load %arg11[%get3A_2611] {strides = array<i32>} : memref<8832xf32, #tpu.memory_space<vmem>>, vector<16xf32>,
    %get3A_2613 = vector.shape_cast %get3A_2612 : vector<16xf32> to vector<16xf32>
    %jit3A_2614 = arith.constant 2.000000e+00 : f32
    %broadcast_in_dim3A_2615 = vector.broadcast %jit3A_2614 : f32 to vector<16xf32>
    %select_n3A_2616 = arith.select %eq3A_2610, %broadcast_in_dim3A_2615, %get3A_2613 : vector<16xi1>, vector<16xf32>
    %swap3A_2617 = arith.index_cast %mul3A_2592 : i32 to index
    %swap3A_2618 = tpu.vector_load %arg11[%swap3A_2617] {strides = array<i32>} : memref<8832xf32, #tpu.memory_space<vmem>>, vector<16xf32>,
    %swap3A_2619 = vector.shape_cast %swap3A_2618 : vector<16xf32> to vector<16xf32>
    %swap3A_2620 = vector.shape_cast %select_n3A_2616 : vector<16xf32> to vector<16xf32>
    tpu.vector_store %arg11[%swap3A_2617], %swap3A_2620 {strides = array<i32>} : memref<8832xf32, #tpu.memory_space<vmem>>, vector<16xf32>,
    %get3A_2621 = arith.index_cast %mul3A_2592 : i32 to index
    %get3A_2622 = tpu.vector_load %arg12[%get3A_2621] {strides = array<i32>} : memref<8832xf32, #tpu.memory_space<vmem>>, vector<16xf32>,
    %get3A_2623 = vector.shape_cast %get3A_2622 : vector<16xf32> to vector<16xf32>
    %select_n3A_2624 = arith.select %eq3A_2610, %broadcast_in_dim3A_2389, %get3A_2623 : vector<16xi1>, vector<16xf32>
    %swap3A_2625 = arith.index_cast %mul3A_2592 : i32 to index
    %swap3A_2626 = tpu.vector_load %arg12[%swap3A_2625] {strides = array<i32>} : memref<8832xf32, #tpu.memory_space<vmem>>, vector<16xf32>,
    %swap3A_2627 = vector.shape_cast %swap3A_2626 : vector<16xf32> to vector<16xf32>
    %swap3A_2628 = vector.shape_cast %select_n3A_2624 : vector<16xf32> to vector<16xf32>
    tpu.vector_store %arg12[%swap3A_2625], %swap3A_2628 {strides = array<i32>} : memref<8832xf32, #tpu.memory_space<vmem>>, vector<16xf32>,
    %parallel_loop3A_2629 = arith.constant 0 : i32
    %parallel_loop3A_2630 = arith.constant 552 : i32
    %parallel_loop3A_2631 = arith.constant 1 : i32
    scf.for %parallel_loop3A_2632 = %parallel_loop3A_2629 to %parallel_loop3A_2630 step %parallel_loop3A_2631  : i32 {
      %parallel_loop3A_2633 = arith.constant 16 : i32
      %parallel_loop3A_2634 = arith.muli %parallel_loop3A_2632, %parallel_loop3A_2633 : i32
      %parallel_loop3A_2635 = arith.index_cast %parallel_loop3A_2634 : i32 to index
      %parallel_loop3A_2636 = tpu.vector_load %arg11[%parallel_loop3A_2635] {strides = array<i32>} : memref<8832xf32, #tpu.memory_space<vmem>>, vector<16xf32>,
      %parallel_loop3A_2637 = vector.shape_cast %parallel_loop3A_2636 : vector<16xf32> to vector<16xf32>
      %parallel_loop3A_2638 = arith.constant 5.000000e-01 : f32
      %parallel_loop3A_2639 = vector.broadcast %parallel_loop3A_2638 : f32 to vector<16xf32>
      %parallel_loop3A_2640 = arith.cmpf oge, %parallel_loop3A_2637, %parallel_loop3A_2639 : vector<16xf32>
      %parallel_loop3A_2641 = arith.constant 1.000000e+00 : f32
      %parallel_loop3A_2642 = arith.constant 0.000000e+00 : f32
      %parallel_loop3A_2643 = vector.broadcast %parallel_loop3A_2641 : f32 to vector<16xf32>
      %parallel_loop3A_2644 = vector.broadcast %parallel_loop3A_2642 : f32 to vector<16xf32>
      %parallel_loop3A_2645 = arith.select %parallel_loop3A_2640, %parallel_loop3A_2643, %parallel_loop3A_2644 : vector<16xi1>, vector<16xf32>
      %parallel_loop3A_2646 = arith.index_cast %parallel_loop3A_2634 : i32 to index
      %parallel_loop3A_2647 = tpu.vector_load %arg13[%parallel_loop3A_2646] {strides = array<i32>} : memref<8832xf32, #tpu.memory_space<vmem>>, vector<16xf32>,
      %parallel_loop3A_2648 = vector.shape_cast %parallel_loop3A_2647 : vector<16xf32> to vector<16xf32>
      %parallel_loop3A_2649 = vector.shape_cast %parallel_loop3A_2645 : vector<16xf32> to vector<16xf32>
      tpu.vector_store %arg13[%parallel_loop3A_2646], %parallel_loop3A_2649 {strides = array<i32>} : memref<8832xf32, #tpu.memory_space<vmem>>, vector<16xf32>,
    } {sc.loop_unroll_factor = 8 : i64, sc.parallel_access}
    "tpu.region"() ({
      %run_scoped3A_2632 = tpu.sem_alloc : memref<!tpu.dma_semaphore, #tpu.memory_space<semaphore_mem>>
      %dma_start3A = arith.constant 0 : i32
      %dma_start3A_2633 = tpu.memref_slice %arg4[%add3A, %dma_start3A] : memref<32x8832xf32, #tpu.memory_space<hbm>> -> memref<1x8832xf32, #tpu.memory_space<hbm>>
      %dma_start3A_2634 = tpu.memref_squeeze %dma_start3A_2633 : memref<1x8832xf32, #tpu.memory_space<hbm>> -> memref<8832xf32, #tpu.memory_space<hbm>>
      %dma_start3A_2635 = arith.constant 0 : i32
      %dma_start3A_2636 = tpu.memref_slice %arg4[%add3A, %dma_start3A_2635] : memref<32x8832xf32, #tpu.memory_space<hbm>> -> memref<1x8832xf32, #tpu.memory_space<hbm>>
      %dma_start3A_2637 = tpu.memref_squeeze %dma_start3A_2636 : memref<1x8832xf32, #tpu.memory_space<hbm>> -> memref<8832xf32, #tpu.memory_space<hbm>>
      tpu.enqueue_dma source(%arg13 : memref<8832xf32, #tpu.memory_space<vmem>>) target(%dma_start3A_2637 : memref<8832xf32, #tpu.memory_space<hbm>>) target_semaphore(%run_scoped3A_2632 : memref<!tpu.dma_semaphore, #tpu.memory_space<semaphore_mem>>)
      %dma_wait3A = arith.constant 0 : i32
      %dma_wait3A_2638 = tpu.memref_slice %arg4[%add3A, %dma_wait3A] : memref<32x8832xf32, #tpu.memory_space<hbm>> -> memref<1x8832xf32, #tpu.memory_space<hbm>>
      %dma_wait3A_2639 = tpu.memref_squeeze %dma_wait3A_2638 : memref<1x8832xf32, #tpu.memory_space<hbm>> -> memref<8832xf32, #tpu.memory_space<hbm>>
      %dma_wait3A_2640 = arith.constant 0 : i32
      %dma_wait3A_2641 = tpu.memref_slice %arg4[%add3A, %dma_wait3A_2640] : memref<32x8832xf32, #tpu.memory_space<hbm>> -> memref<1x8832xf32, #tpu.memory_space<hbm>>
      %dma_wait3A_2642 = tpu.memref_squeeze %dma_wait3A_2641 : memref<1x8832xf32, #tpu.memory_space<hbm>> -> memref<8832xf32, #tpu.memory_space<hbm>>
      tpu.wait_dma2 semaphore(%run_scoped3A_2632 : memref<!tpu.dma_semaphore, #tpu.memory_space<semaphore_mem>>) src(%arg13 : memref<8832xf32, #tpu.memory_space<vmem>>) dst(%dma_wait3A_2642 : memref<8832xf32, #tpu.memory_space<hbm>>)
      tpu.yield
    }) : () -> ()
    "tpu.region"() ({
      %run_scoped3A_2632 = tpu.sem_alloc : memref<!tpu.dma_semaphore, #tpu.memory_space<semaphore_mem>>
      %dma_start3A = arith.constant 0 : i32
      %dma_start3A_2633 = tpu.memref_slice %arg5[%add3A, %dma_start3A] : memref<32x8832xf32, #tpu.memory_space<hbm>> -> memref<1x8832xf32, #tpu.memory_space<hbm>>
      %dma_start3A_2634 = tpu.memref_squeeze %dma_start3A_2633 : memref<1x8832xf32, #tpu.memory_space<hbm>> -> memref<8832xf32, #tpu.memory_space<hbm>>
      %dma_start3A_2635 = arith.constant 0 : i32
      %dma_start3A_2636 = tpu.memref_slice %arg5[%add3A, %dma_start3A_2635] : memref<32x8832xf32, #tpu.memory_space<hbm>> -> memref<1x8832xf32, #tpu.memory_space<hbm>>
      %dma_start3A_2637 = tpu.memref_squeeze %dma_start3A_2636 : memref<1x8832xf32, #tpu.memory_space<hbm>> -> memref<8832xf32, #tpu.memory_space<hbm>>
      tpu.enqueue_dma source(%arg12 : memref<8832xf32, #tpu.memory_space<vmem>>) target(%dma_start3A_2637 : memref<8832xf32, #tpu.memory_space<hbm>>) target_semaphore(%run_scoped3A_2632 : memref<!tpu.dma_semaphore, #tpu.memory_space<semaphore_mem>>)
      %dma_wait3A = arith.constant 0 : i32
      %dma_wait3A_2638 = tpu.memref_slice %arg5[%add3A, %dma_wait3A] : memref<32x8832xf32, #tpu.memory_space<hbm>> -> memref<1x8832xf32, #tpu.memory_space<hbm>>
      %dma_wait3A_2639 = tpu.memref_squeeze %dma_wait3A_2638 : memref<1x8832xf32, #tpu.memory_space<hbm>> -> memref<8832xf32, #tpu.memory_space<hbm>>
      %dma_wait3A_2640 = arith.constant 0 : i32
      %dma_wait3A_2641 = tpu.memref_slice %arg5[%add3A, %dma_wait3A_2640] : memref<32x8832xf32, #tpu.memory_space<hbm>> -> memref<1x8832xf32, #tpu.memory_space<hbm>>
      %dma_wait3A_2642 = tpu.memref_squeeze %dma_wait3A_2641 : memref<1x8832xf32, #tpu.memory_space<hbm>> -> memref<8832xf32, #tpu.memory_space<hbm>>
      tpu.wait_dma2 semaphore(%run_scoped3A_2632 : memref<!tpu.dma_semaphore, #tpu.memory_space<semaphore_mem>>) src(%arg12 : memref<8832xf32, #tpu.memory_space<vmem>>) dst(%dma_wait3A_2642 : memref<8832xf32, #tpu.memory_space<hbm>>)
      tpu.yield
    }) : () -> ()
    return
  }
}

module attributes {stable_mosaic.version = 14 : i64} {
  func.func @_conf_kernel(%arg0: i32, %arg1: memref<1x8732x21xf32, #tpu.memory_space<vmem>>, %arg2: memref<64x8732xf32, #tpu.memory_space<vmem>>) attributes {dimension_semantics = [#tpu.dimension_semantics<arbitrary>], iteration_bounds = array<i64: 32>, scalar_prefetch = 0 : i64, scratch_operands = 0 : i64, tpu.core_type = #tpu.core_type<tc>, window_params = [{transform_indices = @transform_0, window_bounds = array<i64: 1, 8732, 21>}, {pipeline_mode = #tpu.pipeline_mode<synchronous>, transform_indices = @transform_1, window_bounds = array<i64: 64, 8732>}]} {
    %get3A = arith.constant 0 : index
    %get3A_0 = arith.constant 0 : index
    %get3A_1 = arith.constant 0 : index
    %get3A_2 = vector.load %arg1[%get3A, %get3A_0, %get3A_1] : memref<1x8732x21xf32, #tpu.memory_space<vmem>>, vector<1x8732x21xf32>
    %get3A_3 = vector.shape_cast %get3A_2 : vector<1x8732x21xf32> to vector<8732x21xf32>
    %iota3A = tpu.iota {dimensions = array<i32: 0>} : vector<21x21xi32>
    %iota3A_4 = tpu.iota {dimensions = array<i32: 1>} : vector<21x21xi32>
    %eq3A = arith.cmpi eq, %iota3A, %iota3A_4 : vector<21x21xi32>
    %convert_element_type3A = arith.extui %eq3A : vector<21x21xi1> to vector<21x21xi32>
    %convert_element_type3A_5 = arith.sitofp %convert_element_type3A : vector<21x21xi32> to vector<21x21xf32>
    %dot_general3A = arith.constant dense<0.000000e+00> : vector<21x8732xf32>
    %dot_general3A_6 = tpu.matmul %convert_element_type3A_5, %get3A_3, %dot_general3A {dimension_numbers = #tpu.dot_dimension_numbers<[1], [1], [0], [0], [0, 0, 1, 0], [], []>, transpose_lhs_hint = false} : vector<21x21xf32>, vector<8732x21xf32>, vector<21x8732xf32> -> vector<21x8732xf32>
    %exp3A = math.exp %dot_general3A_6 : vector<21x8732xf32>
    %reduce_sum3A = arith.constant dense<0.000000e+00> : vector<8732xf32>
    %reduce_sum3A_7 = vector.multi_reduction <add>, %exp3A, %reduce_sum3A [0] : vector<21x8732xf32> to vector<8732xf32>
    %broadcast_in_dim3A = vector.shape_cast %reduce_sum3A_7 : vector<8732xf32> to vector<1x8732xf32>
    %swap3A = arith.index_cast %arg0 : i32 to index
    %swap3A_8 = arith.constant 0 : index
    %swap3A_9 = vector.load %arg2[%swap3A, %swap3A_8] : memref<64x8732xf32, #tpu.memory_space<vmem>>, vector<1x8732xf32>
    tpu.vector_store %arg2[%swap3A, %swap3A_8], %broadcast_in_dim3A {strides = array<i32>} : memref<64x8732xf32, #tpu.memory_space<vmem>>, vector<1x8732xf32>,
    %slice3A = vector.extract_strided_slice %dot_general3A_6 {offsets = [0, 0], sizes = [1, 8732], strides = [1, 1]} : vector<21x8732xf32> to vector<1x8732xf32>
    %add3A = arith.constant 32 : i32
    %add3A_10 = arith.addi %add3A, %arg0 : i32
    %swap3A_11 = arith.index_cast %add3A_10 : i32 to index
    %swap3A_12 = arith.constant 0 : index
    %swap3A_13 = vector.load %arg2[%swap3A_11, %swap3A_12] : memref<64x8732xf32, #tpu.memory_space<vmem>>, vector<1x8732xf32>
    tpu.vector_store %arg2[%swap3A_11, %swap3A_12], %slice3A {strides = array<i32>} : memref<64x8732xf32, #tpu.memory_space<vmem>>, vector<1x8732xf32>,
    return
  }
  func.func @transform_0(%arg0: i32) -> (i32, i32, i32) {
    %c0_i32 = arith.constant 0 : i32
    %c0_i32_0 = arith.constant 0 : i32
    %c0_i32_1 = arith.constant 0 : i32
    return %arg0, %c0_i32, %c0_i32_0 : i32, i32, i32
  }
  func.func @transform_1(%arg0: i32) -> (i32, i32) {
    %c0_i32 = arith.constant 0 : i32
    %c0_i32_0 = arith.constant 0 : i32
    %c0_i32_1 = arith.constant 0 : i32
    return %c0_i32, %c0_i32_0 : i32, i32
  }
}

module attributes {stable_mosaic.version = 14 : i64} {
  func.func @_loss_kernel(%arg0: i32, %arg1: memref<1x4x8732xf32, #tpu.memory_space<vmem>>, %arg2: memref<1x10x4xf32, #tpu.memory_space<vmem>>, %arg3: memref<4x8732xf32, #tpu.memory_space<vmem>>, %arg4: memref<1x1x8832xf32, #tpu.memory_space<vmem>>, %arg5: memref<32x8832xf32, #tpu.memory_space<vmem>>, %arg6: memref<64x8732xf32, #tpu.memory_space<vmem>>, %arg7: memref<1x1xf32, #tpu.memory_space<vmem>>, %arg8: memref<1x1xf32, #tpu.memory_space<vmem>>) attributes {dimension_semantics = [#tpu.dimension_semantics<arbitrary>], iteration_bounds = array<i64: 32>, scalar_prefetch = 0 : i64, scratch_operands = 0 : i64, tpu.core_type = #tpu.core_type<tc>, window_params = [{transform_indices = @transform_0, window_bounds = array<i64: 1, 4, 8732>}, {transform_indices = @transform_1, window_bounds = array<i64: 1, 10, 4>}, {pipeline_mode = #tpu.pipeline_mode<synchronous>, transform_indices = @transform_2, window_bounds = array<i64: 4, 8732>}, {transform_indices = @transform_3, window_bounds = array<i64: 1, 1, 8832>}, {pipeline_mode = #tpu.pipeline_mode<synchronous>, transform_indices = @transform_4, window_bounds = array<i64: 32, 8832>}, {pipeline_mode = #tpu.pipeline_mode<synchronous>, transform_indices = @transform_5, window_bounds = array<i64: 64, 8732>}, {pipeline_mode = #tpu.pipeline_mode<synchronous>, transform_indices = @transform_6, window_bounds = array<i64: 1, 1>}, {pipeline_mode = #tpu.pipeline_mode<synchronous>, transform_indices = @transform_7, window_bounds = array<i64: 1, 1>}]} {
    %get3A = arith.constant 0 : index
    %get3A_0 = arith.constant 0 : index
    %get3A_1 = vector.load %arg3[%get3A, %get3A_0] : memref<4x8732xf32, #tpu.memory_space<vmem>>, vector<4x8732xf32>
    %slice3A = vector.extract_strided_slice %get3A_1 {offsets = [0, 0], sizes = [1, 8732], strides = [1, 1]} : vector<4x8732xf32> to vector<1x8732xf32>
    %slice3A_2 = vector.extract_strided_slice %get3A_1 {offsets = [1, 0], sizes = [1, 8732], strides = [1, 1]} : vector<4x8732xf32> to vector<1x8732xf32>
    %slice3A_3 = vector.extract_strided_slice %get3A_1 {offsets = [2, 0], sizes = [1, 8732], strides = [1, 1]} : vector<4x8732xf32> to vector<1x8732xf32>
    %slice3A_4 = vector.extract_strided_slice %get3A_1 {offsets = [3, 0], sizes = [1, 8732], strides = [1, 1]} : vector<4x8732xf32> to vector<1x8732xf32>
    %get3A_5 = arith.constant 0 : index
    %get3A_6 = arith.constant 0 : index
    %get3A_7 = arith.constant 0 : index
    %get3A_8 = vector.load %arg2[%get3A_5, %get3A_6, %get3A_7] : memref<1x10x4xf32, #tpu.memory_space<vmem>>, vector<1x10x4xf32>
    %get3A_9 = vector.shape_cast %get3A_8 : vector<1x10x4xf32> to vector<10x4xf32>
    %get3A_10 = arith.index_cast %arg0 : i32 to index
    %get3A_11 = arith.constant 0 : index
    %get3A_12 = vector.load %arg5[%get3A_10, %get3A_11] : memref<32x8832xf32, #tpu.memory_space<vmem>>, vector<1x8732xf32>
    %gt3A = arith.constant 5.000000e-01 : f32
    %gt3A_13 = vector.broadcast %gt3A : f32 to vector<1x8732xf32>
    %gt3A_14 = arith.cmpf ogt, %get3A_12, %gt3A_13 : vector<1x8732xf32>
    %get3A_15 = arith.constant 0 : index
    %get3A_16 = arith.constant 0 : index
    %get3A_17 = arith.constant 0 : index
    %get3A_18 = vector.load %arg4[%get3A_15, %get3A_16, %get3A_17] : memref<1x1x8832xf32, #tpu.memory_space<vmem>>, vector<1x1x8732xf32>
    %get3A_19 = vector.shape_cast %get3A_18 : vector<1x1x8732xf32> to vector<1x8732xf32>
    %iota3A = tpu.iota {dimensions = array<i32: 0>} : vector<10x8732xi32>
    %convert_element_type3A = arith.sitofp %iota3A : vector<10x8732xi32> to vector<10x8732xf32>
    %eq3A = vector.broadcast %get3A_19 : vector<1x8732xf32> to vector<10x8732xf32>
    %eq3A_20 = arith.cmpf oeq, %convert_element_type3A, %eq3A : vector<10x8732xf32>
    %convert_element_type3A_21 = arith.extui %eq3A_20 : vector<10x8732xi1> to vector<10x8732xi32>
    %convert_element_type3A_22 = arith.sitofp %convert_element_type3A_21 : vector<10x8732xi32> to vector<10x8732xf32>
    %transpose3A = tpu.transpose %get3A_9, [1, 0] : vector<10x4xf32> -> vector<4x10xf32>
    %slice3A_23 = vector.extract_strided_slice %transpose3A {offsets = [0, 0], sizes = [1, 10], strides = [1, 1]} : vector<4x10xf32> to vector<1x10xf32>
    %slice3A_24 = vector.extract_strided_slice %transpose3A {offsets = [1, 0], sizes = [1, 10], strides = [1, 1]} : vector<4x10xf32> to vector<1x10xf32>
    %slice3A_25 = vector.extract_strided_slice %transpose3A {offsets = [2, 0], sizes = [1, 10], strides = [1, 1]} : vector<4x10xf32> to vector<1x10xf32>
    %slice3A_26 = vector.extract_strided_slice %transpose3A {offsets = [3, 0], sizes = [1, 10], strides = [1, 1]} : vector<4x10xf32> to vector<1x10xf32>
    %add3A = arith.addf %slice3A_23, %slice3A_25 : vector<1x10xf32>
    %mul3A = arith.constant 5.000000e-01 : f32
    %mul3A_27 = vector.broadcast %mul3A : f32 to vector<1x10xf32>
    %mul3A_28 = arith.mulf %add3A, %mul3A_27 : vector<1x10xf32>
    %add3A_29 = arith.addf %slice3A_24, %slice3A_26 : vector<1x10xf32>
    %mul3A_30 = arith.constant 5.000000e-01 : f32
    %mul3A_31 = vector.broadcast %mul3A_30 : f32 to vector<1x10xf32>
    %mul3A_32 = arith.mulf %add3A_29, %mul3A_31 : vector<1x10xf32>
    %sub3A = arith.subf %slice3A_25, %slice3A_23 : vector<1x10xf32>
    %sub3A_33 = arith.subf %slice3A_26, %slice3A_24 : vector<1x10xf32>
    %concatenate3A = tpu.concatenate %mul3A_28, %mul3A_32, %sub3A, %sub3A_33 in 0 : vector<1x10xf32>, vector<1x10xf32>, vector<1x10xf32>, vector<1x10xf32> -> vector<4x10xf32>
    %dot_general3A = arith.constant dense<0.000000e+00> : vector<4x8732xf32>
    %dot_general3A_34 = tpu.matmul %concatenate3A, %convert_element_type3A_22, %dot_general3A {dimension_numbers = #tpu.dot_dimension_numbers<[1], [0], [0], [1], [0, 0, 1, 1], [], []>, transpose_lhs_hint = false} : vector<4x10xf32>, vector<10x8732xf32>, vector<4x8732xf32> -> vector<4x8732xf32>
    %sub3A_35 = arith.subf %slice3A_3, %slice3A : vector<1x8732xf32>
    %sub3A_36 = arith.subf %slice3A_4, %slice3A_2 : vector<1x8732xf32>
    %mul3A_37 = arith.constant 5.000000e-01 : f32
    %mul3A_38 = vector.broadcast %mul3A_37 : f32 to vector<1x8732xf32>
    %mul3A_39 = arith.mulf %sub3A_35, %mul3A_38 : vector<1x8732xf32>
    %add3A_40 = arith.addf %slice3A, %mul3A_39 : vector<1x8732xf32>
    %mul3A_41 = arith.constant 5.000000e-01 : f32
    %mul3A_42 = vector.broadcast %mul3A_41 : f32 to vector<1x8732xf32>
    %mul3A_43 = arith.mulf %sub3A_36, %mul3A_42 : vector<1x8732xf32>
    %add3A_44 = arith.addf %slice3A_2, %mul3A_43 : vector<1x8732xf32>
    %add3A_45 = arith.constant 9.99999993E-9 : f32
    %add3A_46 = vector.broadcast %add3A_45 : f32 to vector<1x8732xf32>
    %add3A_47 = arith.addf %sub3A_35, %add3A_46 : vector<1x8732xf32>
    %add3A_48 = arith.constant 9.99999993E-9 : f32
    %add3A_49 = vector.broadcast %add3A_48 : f32 to vector<1x8732xf32>
    %add3A_50 = arith.addf %sub3A_36, %add3A_49 : vector<1x8732xf32>
    %slice3A_51 = vector.extract_strided_slice %dot_general3A_34 {offsets = [0, 0], sizes = [1, 8732], strides = [1, 1]} : vector<4x8732xf32> to vector<1x8732xf32>
    %sub3A_52 = arith.subf %slice3A_51, %add3A_40 : vector<1x8732xf32>
    %div3A = arith.divf %sub3A_52, %add3A_47 : vector<1x8732xf32>
    %slice3A_53 = vector.extract_strided_slice %dot_general3A_34 {offsets = [1, 0], sizes = [1, 8732], strides = [1, 1]} : vector<4x8732xf32> to vector<1x8732xf32>
    %sub3A_54 = arith.subf %slice3A_53, %add3A_44 : vector<1x8732xf32>
    %div3A_55 = arith.divf %sub3A_54, %add3A_50 : vector<1x8732xf32>
    %slice3A_56 = vector.extract_strided_slice %dot_general3A_34 {offsets = [2, 0], sizes = [1, 8732], strides = [1, 1]} : vector<4x8732xf32> to vector<1x8732xf32>
    %div3A_57 = arith.divf %slice3A_56, %add3A_47 : vector<1x8732xf32>
    %log3A = math.log %div3A_57 : vector<1x8732xf32>
    %slice3A_58 = vector.extract_strided_slice %dot_general3A_34 {offsets = [3, 0], sizes = [1, 8732], strides = [1, 1]} : vector<4x8732xf32> to vector<1x8732xf32>
    %div3A_59 = arith.divf %slice3A_58, %add3A_50 : vector<1x8732xf32>
    %log3A_60 = math.log %div3A_59 : vector<1x8732xf32>
    %get3A_61 = arith.constant 0 : index
    %get3A_62 = arith.constant 0 : index
    %get3A_63 = arith.constant 0 : index
    %get3A_64 = vector.load %arg1[%get3A_61, %get3A_62, %get3A_63] : memref<1x4x8732xf32, #tpu.memory_space<vmem>>, vector<1x4x8732xf32>
    %get3A_65 = vector.shape_cast %get3A_64 : vector<1x4x8732xf32> to vector<4x8732xf32>
    %slice3A_66 = vector.extract_strided_slice %get3A_65 {offsets = [0, 0], sizes = [1, 8732], strides = [1, 1]} : vector<4x8732xf32> to vector<1x8732xf32>
    %sub3A_67 = arith.subf %slice3A_66, %div3A : vector<1x8732xf32>
    %abs3A = math.absf %sub3A_67 : vector<1x8732xf32>
    %lt3A = arith.constant 1.000000e+00 : f32
    %lt3A_68 = vector.broadcast %lt3A : f32 to vector<1x8732xf32>
    %lt3A_69 = arith.cmpf olt, %abs3A, %lt3A_68 : vector<1x8732xf32>
    %mul3A_70 = arith.constant 5.000000e-01 : f32
    %mul3A_71 = vector.broadcast %mul3A_70 : f32 to vector<1x8732xf32>
    %mul3A_72 = arith.mulf %mul3A_71, %abs3A : vector<1x8732xf32>
    %mul3A_73 = arith.mulf %mul3A_72, %abs3A : vector<1x8732xf32>
    %sub3A_74 = arith.constant 5.000000e-01 : f32
    %sub3A_75 = vector.broadcast %sub3A_74 : f32 to vector<1x8732xf32>
    %sub3A_76 = arith.subf %abs3A, %sub3A_75 : vector<1x8732xf32>
    %select_n3A = arith.select %lt3A_69, %mul3A_73, %sub3A_76 : vector<1x8732xi1>, vector<1x8732xf32>
    %slice3A_77 = vector.extract_strided_slice %get3A_65 {offsets = [1, 0], sizes = [1, 8732], strides = [1, 1]} : vector<4x8732xf32> to vector<1x8732xf32>
    %sub3A_78 = arith.subf %slice3A_77, %div3A_55 : vector<1x8732xf32>
    %abs3A_79 = math.absf %sub3A_78 : vector<1x8732xf32>
    %lt3A_80 = arith.constant 1.000000e+00 : f32
    %lt3A_81 = vector.broadcast %lt3A_80 : f32 to vector<1x8732xf32>
    %lt3A_82 = arith.cmpf olt, %abs3A_79, %lt3A_81 : vector<1x8732xf32>
    %mul3A_83 = arith.constant 5.000000e-01 : f32
    %mul3A_84 = vector.broadcast %mul3A_83 : f32 to vector<1x8732xf32>
    %mul3A_85 = arith.mulf %mul3A_84, %abs3A_79 : vector<1x8732xf32>
    %mul3A_86 = arith.mulf %mul3A_85, %abs3A_79 : vector<1x8732xf32>
    %sub3A_87 = arith.constant 5.000000e-01 : f32
    %sub3A_88 = vector.broadcast %sub3A_87 : f32 to vector<1x8732xf32>
    %sub3A_89 = arith.subf %abs3A_79, %sub3A_88 : vector<1x8732xf32>
    %select_n3A_90 = arith.select %lt3A_82, %mul3A_86, %sub3A_89 : vector<1x8732xi1>, vector<1x8732xf32>
    %add3A_91 = arith.addf %select_n3A, %select_n3A_90 : vector<1x8732xf32>
    %slice3A_92 = vector.extract_strided_slice %get3A_65 {offsets = [2, 0], sizes = [1, 8732], strides = [1, 1]} : vector<4x8732xf32> to vector<1x8732xf32>
    %sub3A_93 = arith.subf %slice3A_92, %log3A : vector<1x8732xf32>
    %abs3A_94 = math.absf %sub3A_93 : vector<1x8732xf32>
    %lt3A_95 = arith.constant 1.000000e+00 : f32
    %lt3A_96 = vector.broadcast %lt3A_95 : f32 to vector<1x8732xf32>
    %lt3A_97 = arith.cmpf olt, %abs3A_94, %lt3A_96 : vector<1x8732xf32>
    %mul3A_98 = arith.constant 5.000000e-01 : f32
    %mul3A_99 = vector.broadcast %mul3A_98 : f32 to vector<1x8732xf32>
    %mul3A_100 = arith.mulf %mul3A_99, %abs3A_94 : vector<1x8732xf32>
    %mul3A_101 = arith.mulf %mul3A_100, %abs3A_94 : vector<1x8732xf32>
    %sub3A_102 = arith.constant 5.000000e-01 : f32
    %sub3A_103 = vector.broadcast %sub3A_102 : f32 to vector<1x8732xf32>
    %sub3A_104 = arith.subf %abs3A_94, %sub3A_103 : vector<1x8732xf32>
    %select_n3A_105 = arith.select %lt3A_97, %mul3A_101, %sub3A_104 : vector<1x8732xi1>, vector<1x8732xf32>
    %add3A_106 = arith.addf %add3A_91, %select_n3A_105 : vector<1x8732xf32>
    %slice3A_107 = vector.extract_strided_slice %get3A_65 {offsets = [3, 0], sizes = [1, 8732], strides = [1, 1]} : vector<4x8732xf32> to vector<1x8732xf32>
    %sub3A_108 = arith.subf %slice3A_107, %log3A_60 : vector<1x8732xf32>
    %abs3A_109 = math.absf %sub3A_108 : vector<1x8732xf32>
    %lt3A_110 = arith.constant 1.000000e+00 : f32
    %lt3A_111 = vector.broadcast %lt3A_110 : f32 to vector<1x8732xf32>
    %lt3A_112 = arith.cmpf olt, %abs3A_109, %lt3A_111 : vector<1x8732xf32>
    %mul3A_113 = arith.constant 5.000000e-01 : f32
    %mul3A_114 = vector.broadcast %mul3A_113 : f32 to vector<1x8732xf32>
    %mul3A_115 = arith.mulf %mul3A_114, %abs3A_109 : vector<1x8732xf32>
    %mul3A_116 = arith.mulf %mul3A_115, %abs3A_109 : vector<1x8732xf32>
    %sub3A_117 = arith.constant 5.000000e-01 : f32
    %sub3A_118 = vector.broadcast %sub3A_117 : f32 to vector<1x8732xf32>
    %sub3A_119 = arith.subf %abs3A_109, %sub3A_118 : vector<1x8732xf32>
    %select_n3A_120 = arith.select %lt3A_112, %mul3A_116, %sub3A_119 : vector<1x8732xi1>, vector<1x8732xf32>
    %add3A_121 = arith.addf %add3A_106, %select_n3A_120 : vector<1x8732xf32>
    %jit3A = arith.constant 0.000000e+00 : f32
    %broadcast_in_dim3A = vector.broadcast %jit3A : f32 to vector<1x8732xf32>
    %select_n3A_122 = arith.select %gt3A_14, %add3A_121, %broadcast_in_dim3A : vector<1x8732xi1>, vector<1x8732xf32>
    %reduce_sum3A = vector.shape_cast %select_n3A_122 : vector<1x8732xf32> to vector<1x1x8732xf32>
    %reduce_sum3A_123 = arith.constant dense<0.000000e+00> : vector<1xf32>
    %reduce_sum3A_124 = vector.multi_reduction <add>, %reduce_sum3A, %reduce_sum3A_123 [1, 2] : vector<1x1x8732xf32> to vector<1xf32>
    %reduce_sum3A_125 = vector.shape_cast %reduce_sum3A_124 : vector<1xf32> to vector<1x1x1xf32>
    %reduce_sum3A_126 = vector.extract %reduce_sum3A_125[0, 0, 0] : f32 from vector<1x1x1xf32>
    %reshape3A = vector.broadcast %reduce_sum3A_126 : f32 to vector<1x1xf32>
    %eq3A_127 = arith.constant 0 : i32
    %eq3A_128 = arith.cmpi eq, %arg0, %eq3A_127 : i32
    %convert_element_type3A_129 = arith.extui %eq3A_128 : i1 to i32
    %cond3A = arith.constant 0 : i32
    %cond3A_130 = arith.cmpi ne, %convert_element_type3A_129, %cond3A : i32
    scf.if %cond3A_130 {
      %swap3A = arith.constant 0 : index
      %swap3A_140 = arith.constant 0 : index
      %swap3A_141 = vector.load %arg7[%swap3A, %swap3A_140] : memref<1x1xf32, #tpu.memory_space<vmem>>, vector<1x1xf32>
      tpu.vector_store %arg7[%swap3A, %swap3A_140], %reshape3A {strides = array<i32>} : memref<1x1xf32, #tpu.memory_space<vmem>>, vector<1x1xf32>,
    } else {
    }
    %ne3A = arith.constant 0 : i32
    %ne3A_131 = arith.cmpi ne, %arg0, %ne3A : i32
    %convert_element_type3A_132 = arith.extui %ne3A_131 : i1 to i32
    %cond3A_133 = arith.constant 0 : i32
    %cond3A_134 = arith.cmpi ne, %convert_element_type3A_132, %cond3A_133 : i32
    scf.if %cond3A_134 {
      %get3A_140 = arith.constant 0 : index
      %get3A_141 = arith.constant 0 : index
      %get3A_142 = vector.load %arg7[%get3A_140, %get3A_141] : memref<1x1xf32, #tpu.memory_space<vmem>>, vector<1x1xf32>
      %add3A_143 = arith.addf %get3A_142, %reshape3A : vector<1x1xf32>
      %swap3A = arith.constant 0 : index
      %swap3A_144 = arith.constant 0 : index
      %swap3A_145 = vector.load %arg7[%swap3A, %swap3A_144] : memref<1x1xf32, #tpu.memory_space<vmem>>, vector<1x1xf32>
      tpu.vector_store %arg7[%swap3A, %swap3A_144], %add3A_143 {strides = array<i32>} : memref<1x1xf32, #tpu.memory_space<vmem>>, vector<1x1xf32>,
    } else {
    }
    %eq3A_135 = arith.constant 31 : i32
    %eq3A_136 = arith.cmpi eq, %arg0, %eq3A_135 : i32
    %convert_element_type3A_137 = arith.extui %eq3A_136 : i1 to i32
    %cond3A_138 = arith.constant 0 : i32
    %cond3A_139 = arith.cmpi ne, %convert_element_type3A_137, %cond3A_138 : i32
    scf.if %cond3A_139 {
      %get3A_140 = arith.constant 0 : index
      %get3A_141 = arith.constant 0 : index
      %get3A_142 = vector.load %arg5[%get3A_140, %get3A_141] : memref<32x8832xf32, #tpu.memory_space<vmem>>, vector<32x8732xf32>
      %get3A_143 = arith.constant 0 : index
      %get3A_144 = arith.constant 0 : index
      %get3A_145 = vector.load %arg6[%get3A_143, %get3A_144] : memref<64x8732xf32, #tpu.memory_space<vmem>>, vector<64x8732xf32>
      %slice3A_146 = vector.extract_strided_slice %get3A_145 {offsets = [0, 0], sizes = [32, 8732], strides = [1, 1]} : vector<64x8732xf32> to vector<32x8732xf32>
      %log3A_147 = math.log %slice3A_146 : vector<32x8732xf32>
      %slice3A_148 = vector.extract_strided_slice %get3A_145 {offsets = [32, 0], sizes = [32, 8732], strides = [1, 1]} : vector<64x8732xf32> to vector<32x8732xf32>
      %sub3A_149 = arith.subf %log3A_147, %slice3A_148 : vector<32x8732xf32>
      %gt3A_150 = arith.constant 5.000000e-01 : f32
      %gt3A_151 = vector.broadcast %gt3A_150 : f32 to vector<32x8732xf32>
      %gt3A_152 = arith.cmpf ogt, %get3A_142, %gt3A_151 : vector<32x8732xf32>
      %jit3A_153 = arith.constant 0.000000e+00 : f32
      %broadcast_in_dim3A_154 = vector.broadcast %jit3A_153 : f32 to vector<32x8732xf32>
      %select_n3A_155 = arith.select %gt3A_152, %broadcast_in_dim3A_154, %sub3A_149 : vector<32x8732xi1>, vector<32x8732xf32>
      %bitcast_convert_type3A = tpu.bitcast %select_n3A_155 : vector<32x8732xf32> -> vector<32x8732xi32>
      %convert_element_type3A_156 = arith.fptosi %get3A_142 : vector<32x8732xf32> to vector<32x8732xi32>
      %reduce_sum3A_157 = arith.constant dense<0> : vector<32xi32>
      %reduce_sum3A_158 = vector.multi_reduction <add>, %convert_element_type3A_156, %reduce_sum3A_157 [1] : vector<32x8732xi32> to vector<32xi32>
      %broadcast_in_dim3A_159 = vector.shape_cast %reduce_sum3A_158 : vector<32xi32> to vector<32x1xi32>
      %mul3A_160 = arith.constant 3 : i32
      %mul3A_161 = vector.broadcast %mul3A_160 : i32 to vector<32x1xi32>
      %mul3A_162 = arith.muli %mul3A_161, %broadcast_in_dim3A_159 : vector<32x1xi32>
      %min3A = arith.constant 8731 : i32
      %min3A_163 = vector.broadcast %min3A : i32 to vector<32x1xi32>
      %min3A_164 = arith.minsi %mul3A_162, %min3A_163 : vector<32x1xi32>
      %broadcast_in_dim3A_165 = arith.constant -1 : i32
      %broadcast_in_dim3A_166 = vector.broadcast %broadcast_in_dim3A_165 : i32 to vector<32x1xi32>
      %broadcast_in_dim3A_167 = arith.constant 2139095040 : i32
      %broadcast_in_dim3A_168 = vector.broadcast %broadcast_in_dim3A_167 : i32 to vector<32x1xi32>
      %scan3A = arith.constant 0 : i32
      %scan3A_169 = arith.constant 31 : i32
      %scan3A_170 = arith.addi %scan3A, %scan3A_169 : i32
      %scan3A_171 = arith.constant 1 : i32
      %scan3A_172:2 = scf.for %scan3A_218 = %scan3A to %scan3A_170 step %scan3A_171 iter_args(%scan3A_219 = %broadcast_in_dim3A_166, %scan3A_220 = %broadcast_in_dim3A_168) -> (vector<32x1xi32>, vector<32x1xi32>)  : i32 {
        %sub3A_221 = arith.subi %scan3A_220, %scan3A_219 : vector<32x1xi32>
        %jit3A_222 = arith.constant 2 : i32
        %div3A_223 = vector.broadcast %jit3A_222 : i32 to vector<32x1xi32>
        %div3A_224 = arith.divsi %sub3A_221, %div3A_223 : vector<32x1xi32>
        %sign3A = arith.constant 0 : i32
        %sign3A_225 = vector.broadcast %sign3A : i32 to vector<32x1xi32>
        %sign3A_226 = arith.cmpi sgt, %sub3A_221, %sign3A_225 : vector<32x1xi32>
        %sign3A_227 = arith.extui %sign3A_226 : vector<32x1xi1> to vector<32x1xi32>
        %sign3A_228 = arith.constant 0 : i32
        %sign3A_229 = vector.broadcast %sign3A_228 : i32 to vector<32x1xi32>
        %sign3A_230 = arith.cmpi slt, %sub3A_221, %sign3A_229 : vector<32x1xi32>
        %sign3A_231 = arith.extui %sign3A_230 : vector<32x1xi1> to vector<32x1xi32>
        %sign3A_232 = arith.subi %sign3A_227, %sign3A_231 : vector<32x1xi32>
        %sign3A_233 = arith.constant 0 : i32
        %sign3A_234 = arith.cmpi sgt, %jit3A_222, %sign3A_233 : i32
        %sign3A_235 = arith.extui %sign3A_234 : i1 to i32
        %sign3A_236 = arith.constant 0 : i32
        %sign3A_237 = arith.cmpi slt, %jit3A_222, %sign3A_236 : i32
        %sign3A_238 = arith.extui %sign3A_237 : i1 to i32
        %sign3A_239 = arith.subi %sign3A_235, %sign3A_238 : i32
        %ne3A_240 = vector.broadcast %sign3A_239 : i32 to vector<32x1xi32>
        %ne3A_241 = arith.cmpi ne, %sign3A_232, %ne3A_240 : vector<32x1xi32>
        %rem3A = vector.broadcast %jit3A_222 : i32 to vector<32x1xi32>
        %rem3A_242 = arith.remsi %sub3A_221, %rem3A : vector<32x1xi32>
        %ne3A_243 = arith.constant 0 : i32
        %ne3A_244 = vector.broadcast %ne3A_243 : i32 to vector<32x1xi32>
        %ne3A_245 = arith.cmpi ne, %rem3A_242, %ne3A_244 : vector<32x1xi32>
        %and3A = arith.andi %ne3A_241, %ne3A_245 : vector<32x1xi1>
        %sub3A_246 = arith.constant 1 : i32
        %sub3A_247 = vector.broadcast %sub3A_246 : i32 to vector<32x1xi32>
        %sub3A_248 = arith.subi %div3A_224, %sub3A_247 : vector<32x1xi32>
        %select_n3A_249 = arith.select %and3A, %sub3A_248, %div3A_224 : vector<32x1xi1>, vector<32x1xi32>
        %add3A_250 = arith.addi %scan3A_219, %select_n3A_249 : vector<32x1xi32>
        %gt3A_251 = vector.broadcast %add3A_250 : vector<32x1xi32> to vector<32x8732xi32>
        %gt3A_252 = arith.cmpi sgt, %bitcast_convert_type3A, %gt3A_251 : vector<32x8732xi32>
        %convert_element_type3A_253 = arith.extui %gt3A_252 : vector<32x8732xi1> to vector<32x8732xi32>
        %reduce_sum3A_254 = arith.constant dense<0> : vector<32xi32>
        %reduce_sum3A_255 = vector.multi_reduction <add>, %convert_element_type3A_253, %reduce_sum3A_254 [1] : vector<32x8732xi32> to vector<32xi32>
        %broadcast_in_dim3A_256 = vector.shape_cast %reduce_sum3A_255 : vector<32xi32> to vector<32x1xi32>
        %ge3A = arith.cmpi sge, %broadcast_in_dim3A_256, %min3A_164 : vector<32x1xi32>
        %select_n3A_257 = arith.select %ge3A, %add3A_250, %scan3A_219 : vector<32x1xi1>, vector<32x1xi32>
        %select_n3A_258 = arith.select %ge3A, %scan3A_220, %add3A_250 : vector<32x1xi1>, vector<32x1xi32>
        scf.yield %select_n3A_257, %select_n3A_258 : vector<32x1xi32>, vector<32x1xi32>
      }
      %gt3A_173 = vector.broadcast %scan3A_172#1 : vector<32x1xi32> to vector<32x8732xi32>
      %gt3A_174 = arith.cmpi sgt, %bitcast_convert_type3A, %gt3A_173 : vector<32x8732xi32>
      %convert_element_type3A_175 = arith.extui %gt3A_174 : vector<32x8732xi1> to vector<32x8732xi32>
      %reduce_sum3A_176 = arith.constant dense<0> : vector<32xi32>
      %reduce_sum3A_177 = vector.multi_reduction <add>, %convert_element_type3A_175, %reduce_sum3A_176 [1] : vector<32x8732xi32> to vector<32xi32>
      %broadcast_in_dim3A_178 = vector.shape_cast %reduce_sum3A_177 : vector<32xi32> to vector<32x1xi32>
      %jit3A_179 = arith.constant 0.000000e+00 : f32
      %broadcast_in_dim3A_180 = vector.broadcast %jit3A_179 : f32 to vector<32x8732xf32>
      %select_n3A_181 = arith.select %gt3A_174, %select_n3A_155, %broadcast_in_dim3A_180 : vector<32x8732xi1>, vector<32x8732xf32>
      %reduce_sum3A_182 = arith.constant dense<0.000000e+00> : vector<32xf32>
      %reduce_sum3A_183 = vector.multi_reduction <add>, %select_n3A_181, %reduce_sum3A_182 [1] : vector<32x8732xf32> to vector<32xf32>
      %broadcast_in_dim3A_184 = vector.shape_cast %reduce_sum3A_183 : vector<32xf32> to vector<32x1xf32>
      %bitcast_convert_type3A_185 = tpu.bitcast %scan3A_172#1 : vector<32x1xi32> -> vector<32x1xf32>
      %sub3A_186 = arith.subi %min3A_164, %broadcast_in_dim3A_178 : vector<32x1xi32>
      %convert_element_type3A_187 = arith.sitofp %sub3A_186 : vector<32x1xi32> to vector<32x1xf32>
      %mul3A_188 = arith.mulf %bitcast_convert_type3A_185, %convert_element_type3A_187 : vector<32x1xf32>
      %add3A_189 = arith.addf %broadcast_in_dim3A_184, %mul3A_188 : vector<32x1xf32>
      %gt3A_190 = arith.constant 0 : i32
      %gt3A_191 = vector.broadcast %gt3A_190 : i32 to vector<32x1xi32>
      %gt3A_192 = arith.cmpi sgt, %min3A_164, %gt3A_191 : vector<32x1xi32>
      %jit3A_193 = arith.constant 0.000000e+00 : f32
      %broadcast_in_dim3A_194 = vector.broadcast %jit3A_193 : f32 to vector<32x1xf32>
      %select_n3A_195 = arith.select %gt3A_192, %add3A_189, %broadcast_in_dim3A_194 : vector<32x1xi1>, vector<32x1xf32>
      %get3A_196 = arith.constant 0 : index
      %get3A_197 = arith.constant 0 : index
      %get3A_198 = vector.load %arg7[%get3A_196, %get3A_197] : memref<1x1xf32, #tpu.memory_space<vmem>>, vector<1x1xf32>
      %reduce_sum3A_199 = vector.shape_cast %select_n3A_195 : vector<32x1xf32> to vector<1x32x1xf32>
      %reduce_sum3A_200 = arith.constant dense<0.000000e+00> : vector<1xf32>
      %reduce_sum3A_201 = vector.multi_reduction <add>, %reduce_sum3A_199, %reduce_sum3A_200 [1, 2] : vector<1x32x1xf32> to vector<1xf32>
      %reduce_sum3A_202 = vector.shape_cast %reduce_sum3A_201 : vector<1xf32> to vector<1x1x1xf32>
      %reduce_sum3A_203 = vector.extract %reduce_sum3A_202[0, 0, 0] : f32 from vector<1x1x1xf32>
      %reshape3A_204 = vector.broadcast %reduce_sum3A_203 : f32 to vector<1x1xf32>
      %add3A_205 = arith.addf %get3A_198, %reshape3A_204 : vector<1x1xf32>
      %swap3A = arith.constant 0 : index
      %swap3A_206 = arith.constant 0 : index
      %swap3A_207 = vector.load %arg7[%swap3A, %swap3A_206] : memref<1x1xf32, #tpu.memory_space<vmem>>, vector<1x1xf32>
      tpu.vector_store %arg7[%swap3A, %swap3A_206], %add3A_205 {strides = array<i32>} : memref<1x1xf32, #tpu.memory_space<vmem>>, vector<1x1xf32>,
      %convert_element_type3A_208 = arith.sitofp %broadcast_in_dim3A_159 : vector<32x1xi32> to vector<32x1xf32>
      %reduce_sum3A_209 = vector.shape_cast %convert_element_type3A_208 : vector<32x1xf32> to vector<1x32x1xf32>
      %reduce_sum3A_210 = arith.constant dense<0.000000e+00> : vector<1xf32>
      %reduce_sum3A_211 = vector.multi_reduction <add>, %reduce_sum3A_209, %reduce_sum3A_210 [1, 2] : vector<1x32x1xf32> to vector<1xf32>
      %reduce_sum3A_212 = vector.shape_cast %reduce_sum3A_211 : vector<1xf32> to vector<1x1x1xf32>
      %reduce_sum3A_213 = vector.extract %reduce_sum3A_212[0, 0, 0] : f32 from vector<1x1x1xf32>
      %reshape3A_214 = vector.broadcast %reduce_sum3A_213 : f32 to vector<1x1xf32>
      %swap3A_215 = arith.constant 0 : index
      %swap3A_216 = arith.constant 0 : index
      %swap3A_217 = vector.load %arg8[%swap3A_215, %swap3A_216] : memref<1x1xf32, #tpu.memory_space<vmem>>, vector<1x1xf32>
      tpu.vector_store %arg8[%swap3A_215, %swap3A_216], %reshape3A_214 {strides = array<i32>} : memref<1x1xf32, #tpu.memory_space<vmem>>, vector<1x1xf32>,
    } else {
    }
    return
  }
  func.func @transform_0(%arg0: i32) -> (i32, i32, i32) {
    %c0_i32 = arith.constant 0 : i32
    %c0_i32_0 = arith.constant 0 : i32
    %c0_i32_1 = arith.constant 0 : i32
    return %arg0, %c0_i32, %c0_i32_0 : i32, i32, i32
  }
  func.func @transform_1(%arg0: i32) -> (i32, i32, i32) {
    %c0_i32 = arith.constant 0 : i32
    %c0_i32_0 = arith.constant 0 : i32
    %c0_i32_1 = arith.constant 0 : i32
    return %arg0, %c0_i32, %c0_i32_0 : i32, i32, i32
  }
  func.func @transform_2(%arg0: i32) -> (i32, i32) {
    %c0_i32 = arith.constant 0 : i32
    %c0_i32_0 = arith.constant 0 : i32
    %c0_i32_1 = arith.constant 0 : i32
    return %c0_i32, %c0_i32_0 : i32, i32
  }
  func.func @transform_3(%arg0: i32) -> (i32, i32, i32) {
    %c0_i32 = arith.constant 0 : i32
    %c0_i32_0 = arith.constant 0 : i32
    %c0_i32_1 = arith.constant 0 : i32
    return %arg0, %c0_i32, %c0_i32_0 : i32, i32, i32
  }
  func.func @transform_4(%arg0: i32) -> (i32, i32) {
    %c0_i32 = arith.constant 0 : i32
    %c0_i32_0 = arith.constant 0 : i32
    %c0_i32_1 = arith.constant 0 : i32
    return %c0_i32, %c0_i32_0 : i32, i32
  }
  func.func @transform_5(%arg0: i32) -> (i32, i32) {
    %c0_i32 = arith.constant 0 : i32
    %c0_i32_0 = arith.constant 0 : i32
    %c0_i32_1 = arith.constant 0 : i32
    return %c0_i32, %c0_i32_0 : i32, i32
  }
  func.func @transform_6(%arg0: i32) -> (i32, i32) {
    %c0_i32 = arith.constant 0 : i32
    %c0_i32_0 = arith.constant 0 : i32
    %c0_i32_1 = arith.constant 0 : i32
    return %c0_i32, %c0_i32_0 : i32, i32
  }
  func.func @transform_7(%arg0: i32) -> (i32, i32) {
    %c0_i32 = arith.constant 0 : i32
    %c0_i32_0 = arith.constant 0 : i32
    %c0_i32_1 = arith.constant 0 : i32
    return %c0_i32, %c0_i32_0 : i32, i32
  }
}

</mosaic_0001>

<sc_bundles>
// kernel: _ssd_loss.5.cloned.1.call-start
scs
__scs_entry_jumppad:
0x0: {  	(pc) =	sbr.rel $0x88, $3  }
0x1: {  	(tag) =	ssettag $0x0;
	lr =	simm.s32 $0x1  }
0x2: {  	[smem:$0x3F9D] =	sst lr;
	_ =	strace $0xD0000000  }
0x3: {  	_ = 	snop  }
0x4: {  	_ = 	snop  }
0x5: {  	_ = 	snop  }
0x6: {  	_ = 	snop  }
0x7: {  	_ = 	snop  }
__scs_overlays_trampoline_lowered:
0x8: {  	[smem:$0x3FAC] =	sst s0  }
0x9: {  	[smem:$0x3FAD] =	sst s1  }
0xa: {  	[smem:$0x3FAE] =	sst s2  }
0xb: {  	[smem:$0x3FAF] =	sst s3  }
0xc: {  	[smem:$0x3FB0] =	sst s4  }
0xd: {  	[smem:$0x3FB1] =	sst s5  }
0xe: {  	[smem:$0x3FB2] =	sst s6  }
0xf: {  	[smem:$0x3FB3] =	sst s7  }
0x10: {  	[smem:$0x3FB4] =	sst s8  }
0x11: {  	[smem:$0x3FB5] =	sst s9;
	s0 =	simm.s32 @!p0 $0x0  }
0x12: {  	s1 =	sld [smem:$0x3F9B];
	s0 =	simm.s32 @p0 $0x1  }
0x13: {  	[smem:$0x3FB6] =	sst s0;
	s0 =	simm.s32 @!p1 $0x0  }
0x14: {  	s2 =	sld [smem:$0x3F9A];
	s0 =	simm.s32 @p1 $0x1  }
0x15: {  	[smem:$0x3FB7] =	sst s0;
	s0 =	simm.s32 @!p2 $0x0  }
0x16: {  	s3 =	sld [smem:$0x3FDB];
	s0 =	simm.s32 @p2 $0x1  }
0x17: {  	s4 =	simm.s32 $0x1BF5;
	[smem:$0x3FB9] =	sst s0  }
0x18: {  	s0 =	sld [smem:$0x3F9C];
	_ =	swait.ge [sflag:s4], $0x0  }
0x19: {  	s7 =	sld [smem:$0x3F9D]  }
0x1a: {  	s8 =	sadd.s32 $0xFFFFE003, lr  }
0x1b: {  	s9 =	sadd.s32 $0xFFFFFEF7, lr;
	s5 =	simm.s32 $0xFFFFFFFF;
	p2 =	slt.u32 s8, $0xFFFFF086  }
0x1c: {  	p1 =	slt.u32 s9, $0xF7A;
	s5 =	simm.s32 @!p2 $0x0  }
0x1d: {  	s5 =	simm.s32 @p1 $0x1;
	p0 =	seq.s32 s7, s2  }
0x1e: {  	s7 =	smul.u32 @!p0 $0xF7A, s2;
	p2 =	seq.s32 @!p0 s5, $0x0  }
0x1f: {  	s9 =	smul.u32 $0xF7A, s1;
	s8 =	simm.s32 @!p0 $0x1BF5;
	p2 =	por !p2, p0  }
0x20: {  	[sflag:s8] =	ssyncset.s32 @!p0 $0xFFFFF086;
	s6 =	sadd.s32 @!p0 s3, s7;
	s7 =	simm.s32 @!p0 $0x108  }
0x21: {  	s3 =	sadd.s32 s3, s9;
	s6 =	sadd.s32 @!p0 $0x88, s6;
	s7 =	simm.s32 @p2 $0x1082  }
0x22: {  	[simem:s7], [sflag:s8] =	dma.local @!p0 [hbm:s6], $0xF7A  }
0x23: {  	s9 =	sor.u32 $0xD0000000, s2;
	s6 =	simm.s32 $0x108;
	_ =	swait.ge @!p0 [sflag:s8], $0x0  }
0x24: {  	s3 =	sadd.s32 $0x88, s3;
	s6 =	simm.s32 @!p1 $0x1082;
	[sflag:s4] =	ssyncset.s32 $0xFFFFF086  }
0x25: {  	[simem:s6], [sflag:s4] =	dma.local [hbm:s3], $0xF7A  }
0x26: {  	[smem:$0x3F9D] =	sst s1;
	(tag) =	ssettag s2;
	_ =	strace s9  }
0x27: {  	s1 =	sld [smem:$0x3FAD]  }
0x28: {  	s2 =	sld [smem:$0x3FAE]  }
0x29: {  	s4 =	sld [smem:$0x3FB0]  }
0x2a: {  	p0 =	seq.s32 s5, $0x0;
	s5 =	sld [smem:$0x3FB1]  }
0x2b: {  	s6 =	sld [smem:$0x3FB2]  }
0x2c: {  	s7 =	sld [smem:$0x3FB3]  }
0x2d: {  	s3 =	simm.s32 $0x108;
	s8 =	sld [smem:$0x3FB4]  }
0x2e: {  	s3 =	simm.s32 @!p0 $0x1082;
	s9 =	sld [smem:$0x3FB5]  }
0x2f: {  	lr =	sadd.s32 s0, s3;
	s0 =	sld [smem:$0x3FAC]  }
0x30: {  	s3 =	sld [smem:$0x3FAF]  }
0x31: {  	[smem:$0x3FB8] =	sst s10  }
0x32: {  	s10 =	sld [smem:$0x3FB6];
	_ =	sdelay $0x3  }
0x33: {  	p0 =	seq.s32 s10, $0x1;
	s10 =	sld [smem:$0x3FB8];
	_ =	sdelay $0x3  }
0x34: {  	[smem:$0x3FB8] =	sst s10  }
0x35: {  	s10 =	sld [smem:$0x3FB7];
	_ =	sdelay $0x3  }
0x36: {  	p1 =	seq.s32 s10, $0x1;
	s10 =	sld [smem:$0x3FB8];
	_ =	sdelay $0x3  }
0x37: {  	[smem:$0x3FB8] =	sst s10  }
0x38: {  	s10 =	sld [smem:$0x3FB9]  }
0x39: {  	_ = 	snop;
	(pc) =	sbr.ind lr, $3  }
0x3a: {  	_ = 	snop  }
0x3b: {  	_ = 	snop  }
0x3c: {  	p2 =	seq.s32 s10, $0x1;
	s10 =	sld [smem:$0x3FB8]  }
0x3d: {  	_ =	shalt  }
0x3e: {  	_ =	shalt  }
0x3f: {  	_ =	shalt  }
0x40: {  	_ =	shalt  }
0x41: {  	_ =	shalt  }
0x42: {  	_ =	shalt  }
0x43: {  	_ =	shalt  }
0x44: {  	_ =	shalt  }
0x45: {  	_ =	shalt  }
0x46: {  	_ =	shalt  }
0x47: {  	_ =	shalt  }
0x48: {  	_ =	shalt  }
0x49: {  	_ =	shalt  }
0x4a: {  	_ =	shalt  }
0x4b: {  	_ =	shalt  }
0x4c: {  	_ =	shalt  }
0x4d: {  	_ =	shalt  }
0x4e: {  	_ =	shalt  }
0x4f: {  	_ =	shalt  }
0x50: {  	_ =	shalt  }
0x51: {  	_ =	shalt  }
0x52: {  	_ =	shalt  }
0x53: {  	_ =	shalt  }
0x54: {  	_ =	shalt  }
0x55: {  	_ =	shalt  }
0x56: {  	_ =	shalt  }
0x57: {  	_ =	shalt  }
0x58: {  	_ =	shalt  }
0x59: {  	_ =	shalt  }
0x5a: {  	_ =	shalt  }
0x5b: {  	_ =	shalt  }
0x5c: {  	_ =	shalt  }
0x5d: {  	_ =	shalt  }
0x5e: {  	_ =	shalt  }
0x5f: {  	_ =	shalt  }
0x60: {  	_ =	shalt  }
0x61: {  	_ =	shalt  }
0x62: {  	_ =	shalt  }
0x63: {  	_ =	shalt  }
0x64: {  	_ =	shalt  }
0x65: {  	_ =	shalt  }
0x66: {  	_ =	shalt  }
0x67: {  	_ =	shalt  }
0x68: {  	_ =	shalt  }
0x69: {  	_ =	shalt  }
0x6a: {  	_ =	shalt  }
0x6b: {  	_ =	shalt  }
0x6c: {  	_ =	shalt  }
0x6d: {  	_ =	shalt  }
0x6e: {  	_ =	shalt  }
0x6f: {  	_ =	shalt  }
0x70: {  	_ =	shalt  }
0x71: {  	_ =	shalt  }
0x72: {  	_ =	shalt  }
0x73: {  	_ =	shalt  }
0x74: {  	_ =	shalt  }
0x75: {  	_ =	shalt  }
0x76: {  	_ =	shalt  }
0x77: {  	_ =	shalt  }
0x78: {  	_ =	shalt  }
0x79: {  	_ =	shalt  }
0x7a: {  	_ =	shalt  }
0x7b: {  	_ =	shalt  }
0x7c: {  	_ =	shalt  }
0x7d: {  	_ =	shalt  }
0x7e: {  	_ =	shalt  }
0x7f: {  	_ =	shalt  }
0x80: {  	_ =	shalt  }
0x81: {  	_ =	shalt  }
0x82: {  	_ =	shalt  }
0x83: {  	_ =	shalt  }
0x84: {  	_ =	shalt  }
0x85: {  	_ =	shalt  }
0x86: {  	_ =	shalt  }
0x87: {  	_ =	shalt  }
.Lfunc_end0:
.L_simem_size_0:
called_computation_lowered:
.L_overlay_start_0:
0x88: {  	s2 =	sld [smem:$0x3FD9]  }
0x89: {  	s3 =	sld [smem:$0x3FFE];
	_ =	sdelay $0x1  }
0x8a: {  	s1 =	srdreg.scid  }
0x8b: {  	s0 =	sand.u32 $0x1, s1  }
0x8c: {  	s16 =	sshll.u32 s0, $0xA;
	s2 =	sadd.s32 s3, s2  }
0x8d: {  	s2 =	sadd.s32 s2, s16  }
0x8e: {  	[smem:$0x3FC4] =	sst s2  }
0x8f: {  	_ = 	snop  }
0x90: {  	(tm) =	ssettm $0x1  }
0x91: {  	s17 =	sld [smem:$0x3FFB];
	_ =	sdelay $0x3  }
0x92: {  	_ =	strace s17  }
0x93: {  	s2 =	sld [smem:$0x3FFC];
	_ =	sdelay $0x3  }
0x94: {  	_ =	strace s2  }
0x95: {  	s2 =	sld [smem:$0x3FFD];
	_ =	sdelay $0x3  }
0x96: {  	_ =	strace s2  }
0x97: {  	_ =	strace $0x8FFFFFFF  }
0x98: {  	s18 =	sld [smem:$0x3FDB];
	_ =	sdelay $0x1  }
0x99: {  	s19 =	simm.s32 $_scs_section_size  }
0x9a: {  	s4 =	simm.s32 $_size__tile_overlayer_lowered;
	s5 =	simm.s32 $_tile_overlayer_lowered  }
0x9b: {  	s22 =	simm.s32 $0x1BFF;
	s21 =	sshll.u32 s5, $0x1;
	s2 =	sadd.s32 s19, s18  }
0x9c: {  	s6 =	simm.s32 $0x0;
	s20 =	sshll.u32 s4, $0x1;
	s4 =	sadd.s32 s21, s2  }
0x9d: {  	[timem:s6], [sflag:s22] =	dma.local [hbm:s4], s20  }
0x9e: {  	_ =	swait.ge [sflag:s22], s20  }
0x9f: {  	s3 =	ssub.s32 $0x0, s20;
	[sflag:s22] =	ssyncset.done $0x0  }
0xa0: {  	[sflag:s22] =	ssyncadd.s32 s3;
	_ =	sdelay $0x1  }
0xa1: {  	s23 =	simm.s32 $0x1B8B  }
0xa2: {  	_ =	swait.ge [sflag:s23], $0x1  }
0xa3: {  	[sflag:s23] =	ssyncset.done $0x0  }
0xa4: {  	s25 =	simm.s32 $0x1B8E;
	s24 =	sld [smem:$0x3FFE];
	[sflag:s23] =	ssyncadd.s32 $0xFFFFFFFF  }
0xa5: {  	s26 =	simm.s32 $execute0_lowered;
	[smem:$0x3FD2] =	sst s25  }
0xa6: {  	s4 =	sshll.u32 s26, $0x1;
	_ =	strace $0x80000046;
	[dreg:$0x1] =	wrdreg $0xFFFFFFFF  }
0xa7: {  	s28 =	simm.s32 $_size_execute0_lowered;
	s2 =	sadd.s32 s2, s4;
	[dreg:$0x0] =	wrdreg $0x0  }
0xa8: {  	s4 =	sshll.u32 s28, $0x1;
	[dreg:$0x2] =	wrdreg s2  }
0xa9: {  	[dreg:$0x3] =	wrdreg s4  }
0xaa: {  	[dreg:$0x4] =	wrdreg $0xC0  }
0xab: {  	_ =	task [dreg:s6], $0x5FFFF  }
0xac: {  	[dreg:$0x1] =	wrdreg $0xFFFFFFFF  }
0xad: {  	[dreg:$0x0] =	wrdreg $0x60  }
0xae: {  	[dreg:$0x2] =	wrdreg s24  }
0xaf: {  	[dreg:$0x3] =	wrdreg $0x9  }
0xb0: {  	_ =	task.clear_ibuf [dreg:s6], $0x4FFFF;
	_ =	strace $0x90000046  }
0xb1: {  	s29 =	simm.s32 $0x9;
	_ =	strace $0x80000048  }
0xb2: {  	_ =	swait.ge [sflag:s29], $0x1  }
0xb3: {  	[sflag:s29] =	ssyncadd.s32 $0xFFFFFFFF  }
0xb4: {  	_ =	strace $0x90000048  }
0xb5: {  	_ =	sfence  }
0xb6: {  	s30 =	sld [smem:$0x0];
	_ =	sdelay $0x2  }
0xb7: {  	s31 =	sshll.u32 s1, $0xD;
	s1 =	sshrl.u32 s1, $0x2  }
0xb8: {  	s3 =	sand.u32 $0x4000, s31;
	s1 =	sadd.s32 s1, s30  }
0xb9: {  	s0 =	sor.u32 s3, s0;
	s1 =	sshll.u32 s1, $0x11  }
0xba: {  	s0 =	sor.u32 s1, s0  }
0xbb: {  	s0 =	sadd.s32 $0x8F2B, s0  }
0xbc: {  	[sflag:s0] =	ssyncadd.remote.s32 $0x1  }
0xbd: {  	_ =	sfence.sel $0xFFFF  }
0xbe: {  	[dreg:$0x0] =	wrdreg $0xFFFFFFFF;
	(pc) =	sbr.abs _section_cstart, $3  }
0xbf: {  	[dreg:$0x1] =	wrdreg $0xFFFFFFFF  }
0xc0: {  	_ =	task.clear_ibuf [dreg:s6], $0x2FFFF;
	_ =	strace $0x9FFFFFFF  }
0xc1: {  	(tm) =	ssettm $0x7FFFFFFF  }
tec
execute0_lowered:
.L_overlay_start_1:
0x0: {  	(tag) =	ssettag $0x1  }
0x1: {  	s1 =	srdreg.scid;
	s0 =	stileid.u32  }
0x2: {  	s6 =	rddreg [dreg:$0x0];
	s11 =	simm.s32 $0x80;
	s12 =	simm.s32 $0x200  }
0x3: {  	s13 =	simm.s32 $0x1;
	s14 =	simm.s32 $0x2280;
	s15 =	simm.s32 $0x4500  }
0x4: {  	s16 =	simm.s32 $0x6780;
	s17 =	simm.s32 $0x8A00;
	s18 =	simm.s32 $0x400  }
0x5: {  	s19 =	simm.s32 $0xE300;
	s20 =	simm.s32 $0xC080;
	s21 =	simm.s32 $0x0  }
0x6: {  	s3 =	sand.u32 $0x1, s1;
	s2 =	sshll.u32 s0, $0x1;
	s1 =	rddreg [dreg:$0x1]  }
0x7: {  	s5 =	sshrl.u32 s0, $0x2;
	s4 =	sor.u32 s3, s2;
	s2 =	simm.s32 $0x0  }
0x8: {  	s5 =	smul.u32 $0x11400, s5;
	s29 =	ssub.s32 $0x2, s3;
	s3 =	sadd.s32 $0x1800, s6  }
0x9: {  	s7 =	sshll.u32 s4, $0x7;
	[smem:$0x7FF] =	sst s2;
	s4 =	smul.u32 $0x280, s4  }
0xa: {  	s31 =	sshrl.u32 s29, $0x1;
	s7 =	sand.u32 $0x380, s7;
	_ =	strace $0x80000047  }
0xb: {  	s10 =	ssub.s32 s29, s31;
	s5 =	sor.u32 s5, s7;
	s8 =	sadd.s32 s4, s6  }
0xc: {  	s4 =	sadd.s32 $0x1810, s6;
	s10 =	smax.u32 s10, $0x1;
	s30 =	sshrl.u32 s5, $0x3  }
0xd: {  	s5 =	sadd.s32 $0x1820, s6;
	s7 =	sadd.s32 $0x2A00, s8;
	s9 =	sadd.s32 s30, s6  }
0xe: {  	v0 =	vimm.f32 $-1.000000000e+00;
	v1 =	vimm.f32 $0.0e+00;
	v2 =	vlaneseq.u32;
	s6 =	sadd.s32 $0x1830, s6;
	s8 =	sadd.s32 $0x10400, s9;
	s9 =	sadd.s32 $0x7A00, s9  }
.LBB2_1:
0xf: {  	[tilespmem:s2], [sflag:$0x1] =	stream.strided.gather [hbm4b:s3+s11], $0x2280, s12, s11, $0x38;
	[tilespmem:$0x10580] =	vst v63  }
0x10: {  	_ =	swait.ge [sflag:s13], $0x2280  }
0x11: {  	[sflag:s13] =	ssyncset.done $0x0  }
0x12: {  	[sflag:s13] =	ssyncadd.s32 $0xFFFFDD80  }
0x13: {  	[tilespmem:s14], [sflag:$0x1] =	stream.strided.gather [hbm4b:s4+s11], $0x2280, s12, s11, $0x38;
	[tilespmem:$0x10580] =	vst v63  }
0x14: {  	_ =	swait.ge [sflag:s13], $0x2280  }
0x15: {  	[sflag:s13] =	ssyncset.done $0x0  }
0x16: {  	[sflag:s13] =	ssyncadd.s32 $0xFFFFDD80  }
0x17: {  	[tilespmem:s15], [sflag:$0x1] =	stream.strided.gather [hbm4b:s5+s11], $0x2280, s12, s11, $0x38;
	[tilespmem:$0x10580] =	vst v63  }
0x18: {  	_ =	swait.ge [sflag:s13], $0x2280  }
0x19: {  	[sflag:s13] =	ssyncset.done $0x0  }
0x1a: {  	[sflag:s13] =	ssyncadd.s32 $0xFFFFDD80  }
0x1b: {  	[tilespmem:s16], [sflag:$0x1] =	stream.strided.gather [hbm4b:s6+s11], $0x2280, s12, s11, $0x38;
	[tilespmem:$0x10580] =	vst v63  }
0x1c: {  	_ =	swait.ge [sflag:s13], $0x2280  }
0x1d: {  	[sflag:s13] =	ssyncset.done $0x0  }
0x1e: {  	[sflag:s13] =	ssyncadd.s32 $0xFFFFDD80  }
0x1f: {  	[tilespmem:s17], [sflag:$0x1] =	stream.linear.gather [hbm4b:s7+s2], $0x1400, $0x38;
	[tilespmem:$0x10580] =	vst v63  }
0x20: {  	_ =	swait.ge [sflag:s13], $0x1400  }
0x21: {  	[sflag:s13] =	ssyncset.done $0x0  }
0x22: {  	s22 =	simm.s32 $0x9E40;
	[sflag:s13] =	ssyncadd.s32 $0xFFFFEC00  }
0x23: {  	[tilespmem:s22+$0x30] =	vst v0  }
0x24: {  	[tilespmem:s22+$0xFFFFFFF0] =	vst v0  }
0x25: {  	[tilespmem:s22+$0xFFFFFFC0] =	vst v0  }
0x26: {  	[tilespmem:s22+$0xFFFFFFE0] =	vst v0  }
0x27: {  	[tilespmem:s22+$0x10] =	vst v0  }
0x28: {  	[tilespmem:s22+$0x20] =	vst v0  }
0x29: {  	[tilespmem:s22+$0x0] =	vst v0  }
0x2a: {  	s23 =	simm.s32 $0xC0C0;
	[tilespmem:s22+$0xFFFFFFD0] =	vst v0  }
0x2b: {  	[tilespmem:s23+$0xFFFFFFC0] =	vst v1  }
0x2c: {  	[tilespmem:s23+$0x30] =	vst v1  }
0x2d: {  	[tilespmem:s23+$0x20] =	vst v1  }
0x2e: {  	[tilespmem:s23+$0x10] =	vst v1  }
0x2f: {  	[tilespmem:s23+$0xFFFFFFE0] =	vst v1  }
0x30: {  	[tilespmem:s23+$0x0] =	vst v1  }
0x31: {  	s24 =	simm.s32 $0x0;
	[tilespmem:s23+$0xFFFFFFF0] =	vst v1  }
.LBB2_2:
0x32: {  	s24 =	sadd.s32 $0x8, s24;
	[tilespmem:s23+$0xFFFFFFD0] =	vst v1;
	s22 =	sadd.s32 $0x80, s22;
	s23 =	sadd.s32 $0x80, s23  }
0x33: {  	[tilespmem:s22+$0x30] =	vst v0;
	p0 =	slt.u32 s24, $0x220  }
0x34: {  	[tilespmem:s22+$0xFFFFFFF0] =	vst v0  }
0x35: {  	[tilespmem:s22+$0xFFFFFFC0] =	vst v0  }
0x36: {  	[tilespmem:s23+$0xFFFFFFC0] =	vst v1  }
0x37: {  	[tilespmem:s23+$0x30] =	vst v1  }
0x38: {  	[tilespmem:s22+$0xFFFFFFE0] =	vst v0  }
0x39: {  	[tilespmem:s22+$0x10] =	vst v0  }
0x3a: {  	[tilespmem:s22+$0x20] =	vst v0  }
0x3b: {  	[tilespmem:s23+$0x20] =	vst v1  }
0x3c: {  	[tilespmem:s23+$0x10] =	vst v1  }
.Ltmp0:
0x3d: {  	[tilespmem:s23+$0xFFFFFFE0] =	vst v1;
	(pc) =	sbr.rel @p0 .LBB2_2-.Ltmp0, $4  }
0x3e: {  	[tilespmem:s22+$0x0] =	vst v0  }
0x3f: {  	[tilespmem:s23+$0x0] =	vst v1  }
0x40: {  	[tilespmem:s23+$0xFFFFFFF0] =	vst v1  }
0x41: {  	[tilespmem:s22+$0xFFFFFFD0] =	vst v0  }
0x42: {  	[tilespmem:s23+$0xFFFFFFD0] =	vst v1  }
0x43: {  	v6 =	vld [tilespmem:$0x8A00]  }
0x44: {  	v7 =	vld [tilespmem:$0x8A80]  }
0x45: {  	v8 =	vld [tilespmem:$0x8B00]  }
0x46: {  	s23 =	simm.s32 $0x4500;
	v9 =	vld [tilespmem:$0x8B80]  }
0x47: {  	s24 =	simm.s32 $0x0;
	v3 =	vld [tilespmem:s23+$0x0]  }
0x48: {  	s22 =	simm.s32 $0x6780;
	v4 =	vld [tilespmem:s24+$0x0]  }
0x49: {  	s25 =	simm.s32 $0x2280;
	v5 =	vld [tilespmem:s22+$0x0]  }
0x4a: {  	v10 =	vld [tilespmem:s25+$0x0];
	_ =	sdelay $0x2  }
0x4b: {  	v11 =	vsub.f32 v8, v6;
	v12 =	vsub.f32 v9, v7  }
0x4c: {  	v13 =	vsub.f32 v3, v4;
	v3 =	vmin.f32 v3, v8;
	v4 =	vmax.f32 v4, v6  }
0x4d: {  	v14 =	vsub.f32 v5, v10;
	v5 =	vmin.f32 v5, v9;
	v10 =	vmax.f32 v10, v7  }
0x4e: {  	v3 =	vsub.f32 v3, v4;
	v4 =	vsub.f32 v5, v10  }
0x4f: {  	v10 =	vmul.f32 v12, v11;
	v5 =	vmul.f32 v14, v13  }
0x50: {  	v3 =	vmax.f32 v3, $0.0e+00;
	v4 =	vmax.f32 v4, $0.0e+00  }
0x51: {  	v3 =	vmul.f32 v4, v3;
	v4 =	vadd.f32 v5, v10;
	_ =	sdelay $0x1  }
0x52: {  	v4 =	vsub.f32 v4, v3;
	_ =	sdelay $0x1  }
0x53: {  	(erf) = vrcp.f32 v4;
	_ =	sdelay $0x5  }
0x54: {  	s26 =	simm.s32 $0x9E00  }
0x55: {  	v4 =	vld [tilespmem:s26+$0x0];
	_ =	sdelay $0x1  }
0x56: {  	v5 =	vpop (erf)  }
0x57: {  	v3 =	vmul.f32 v5, v3;
	_ =	sdelay $0x1  }
0x58: {  	vm0 =	vgt.f32 v3, v4  }
0x59: {  	v4 =	vsel vm0, v3, v4  }
0x5a: {  	s22 =	simm.s32 $0xC080;
	[tilespmem:s26+$0x0] =	vst v4  }
0x5b: {  	v5 =	vld [tilespmem:s22+$0x0];
	_ =	sdelay $0x2  }
0x5c: {  	v4 =	vimm.f32 $-2.000000000e+00  }
0x5d: {  	s28 =	simm.s32 $0x6790;
	v63 =	vor.u32 s24, v2;
	v11 =	vimm.s32 $0x0;
	vm1 =	vgt.f32 v3, v4  }
0x5e: {  	s29 =	simm.s32 $0x9E10;
	s30 =	simm.s32 $0xC090;
	s26 =	simm.s32 $0x10;
	v4 =	vsel vm1, v3, v4;
	v3 =	vsel vm1, v63, v11;
	v5 =	vsel vm0, $0x0, v5  }
.LBB2_4:
0x5f: {  	[tilespmem:s22+$0x0] =	vst v5;
	s24 =	sadd.s32 $0x10, s24;
	s25 =	sadd.s32 $0x10, s25;
	s23 =	sadd.s32 $0x10, s23  }
0x60: {  	p0 =	sne.s32 s26, $0x2270;
	s31 =	smov.u32 s26;
	s26 =	sadd.s32 $0x10, s26;
	v5 =	vld [tilespmem:s23+$0x0]  }
0x61: {  	s22 =	smov.u32 s30;
	v11 =	vld [tilespmem:s24+$0x0]  }
0x62: {  	v12 =	vld [tilespmem:s28+$0x0]  }
0x63: {  	v13 =	vld [tilespmem:s25+$0x0];
	_ =	sdelay $0x2  }
0x64: {  	v14 =	vsub.f32 v5, v11;
	v5 =	vmin.f32 v5, v8;
	v11 =	vmax.f32 v11, v6  }
0x65: {  	v5 =	vsub.f32 v5, v11  }
0x66: {  	v11 =	vsub.f32 v12, v13;
	v12 =	vmin.f32 v12, v9;
	v13 =	vmax.f32 v13, v7  }
0x67: {  	v12 =	vsub.f32 v12, v13  }
0x68: {  	v11 =	vmul.f32 v11, v14  }
0x69: {  	v5 =	vmax.f32 v5, $0.0e+00;
	v12 =	vmax.f32 v12, $0.0e+00  }
0x6a: {  	v5 =	vmul.f32 v12, v5;
	v11 =	vadd.f32 v11, v10;
	_ =	sdelay $0x1  }
0x6b: {  	v11 =	vsub.f32 v11, v5;
	_ =	sdelay $0x1  }
0x6c: {  	(erf) = vrcp.f32 v11;
	_ =	sdelay $0x6  }
0x6d: {  	v11 =	vld [tilespmem:s29+$0x0];
	_ =	sdelay $0x1  }
0x6e: {  	v12 =	vpop (erf)  }
0x6f: {  	v5 =	vmul.f32 v12, v5;
	_ =	sdelay $0x1  }
0x70: {  	v12 =	vor.u32 s31, v2;
	vm0 =	vgt.f32 v5, v11;
	vm1 =	vgt.f32 v5, v4  }
0x71: {  	v11 =	vsel vm0, v5, v11;
	v4 =	vsel vm1, v5, v4;
	v3 =	vsel vm1, v12, v3  }
0x72: {  	[tilespmem:s29+$0x0] =	vst v11  }
0x73: {  	v5 =	vld [tilespmem:s30+$0x0]  }
.Ltmp1:
0x74: {  	(pc) =	sbr.rel @p0 .LBB2_4-.Ltmp1, $2  }
0x75: {  	_ =	sdelay $0x2  }
0x76: {  	s28 =	sadd.s32 $0x10, s28;
	s29 =	sadd.s32 $0x10, s29;
	s30 =	sadd.s32 $0x10, s30;
	v5 =	vsel vm0, $0x0, v5  }
0x77: {  	(v2sf) =	vpush v4, $0x0  }
0x78: {  	(v2sf) =	vpush v3, $0x0;
	_ =	sdelay $0x1  }
0x79: {  	(v2sf) =	vpush v4, $0x1  }
0x7a: {  	(v2sf) =	vpush v3, $0x1;
	_ =	sdelay $0x4  }
0x7b: {  	(v2sf) =	vpush v4, $0x2  }
0x7c: {  	(v2sf) =	vpush v3, $0x2;
	_ =	sdelay $0x4  }
0x7d: {  	s24 =	spop (v2sf);
	(v2sf) =	vpush v4, $0x3  }
0x7e: {  	s23 =	spop (v2sf);
	(v2sf) =	vpush v3, $0x3;
	_ =	sdelay $0x1  }
0x7f: {  	s25 =	spop (v2sf)  }
0x80: {  	s26 =	spop (v2sf);
	p0 =	seq.f32 s25, s24  }
0x81: {  	p1 =	slt.s32 s26, s23  }
0x82: {  	(v2sf) =	vpush v4, $0x4;
	p2 =	sgt.f32 s25, s24;
	p0 =	por !p0, !p1  }
0x83: {  	p0 =	por !p0, !p0  }
0x84: {  	p0 =	por p2, p0  }
0x85: {  	(v2sf) =	vpush v3, $0x4;
	s24 =	smov.u32 @p0 s25;
	s25 =	spop (v2sf)  }
0x86: {  	s23 =	smov.u32 @p0 s26;
	s26 =	spop (v2sf);
	p1 =	seq.f32 s25, s24  }
0x87: {  	p2 =	slt.s32 s26, s23  }
0x88: {  	p3 =	sgt.f32 s25, s24;
	p0 =	por !p1, !p2  }
0x89: {  	p0 =	por !p0, !p0  }
0x8a: {  	(v2sf) =	vpush v4, $0x5;
	p0 =	por p3, p0  }
0x8b: {  	(v2sf) =	vpush v3, $0x5;
	s24 =	smov.u32 @p0 s25;
	s25 =	spop (v2sf)  }
0x8c: {  	s23 =	smov.u32 @p0 s26;
	s26 =	spop (v2sf);
	p4 =	seq.f32 s25, s24  }
0x8d: {  	p5 =	slt.s32 s26, s23  }
0x8e: {  	p6 =	sgt.f32 s25, s24;
	p0 =	por !p4, !p5  }
0x8f: {  	p0 =	por !p0, !p0  }
0x90: {  	(v2sf) =	vpush v4, $0x6;
	p0 =	por p6, p0  }
0x91: {  	s24 =	smov.u32 @p0 s25;
	s25 =	spop (v2sf);
	(v2sf) =	vpush v3, $0x6;
	_ =	sdelay $0x2  }
0x92: {  	s23 =	smov.u32 @p0 s26;
	s26 =	spop (v2sf);
	p1 =	seq.f32 s25, s24  }
0x93: {  	p2 =	slt.s32 s26, s23  }
0x94: {  	p3 =	sgt.f32 s25, s24;
	(v2sf) =	vpush v4, $0x7;
	p0 =	por !p1, !p2  }
0x95: {  	p0 =	por !p0, !p0  }
0x96: {  	p0 =	por p3, p0  }
0x97: {  	s24 =	smov.u32 @p0 s25;
	s25 =	spop (v2sf);
	(v2sf) =	vpush v3, $0x7  }
0x98: {  	s23 =	smov.u32 @p0 s26;
	s26 =	spop (v2sf);
	p4 =	seq.f32 s25, s24  }
0x99: {  	p5 =	slt.s32 s26, s23  }
0x9a: {  	p6 =	sgt.f32 s25, s24;
	p0 =	por !p4, !p5  }
0x9b: {  	p0 =	por !p0, !p0  }
0x9c: {  	(v2sf) =	vpush v4, $0x8;
	p0 =	por p6, p0  }
0x9d: {  	s24 =	smov.u32 @p0 s25;
	s25 =	spop (v2sf);
	(v2sf) =	vpush v3, $0x8  }
0x9e: {  	s23 =	smov.u32 @p0 s26;
	p1 =	seq.f32 s25, s24;
	s26 =	spop (v2sf)  }
0x9f: {  	p2 =	slt.s32 s26, s23  }
0xa0: {  	p3 =	sgt.f32 s25, s24;
	p0 =	por !p1, !p2  }
0xa1: {  	p0 =	por !p0, !p0  }
0xa2: {  	(v2sf) =	vpush v4, $0x9;
	p0 =	por p3, p0  }
0xa3: {  	s24 =	smov.u32 @p0 s25;
	s25 =	spop (v2sf);
	(v2sf) =	vpush v3, $0x9;
	_ =	sdelay $0x2  }
0xa4: {  	s23 =	smov.u32 @p0 s26;
	s26 =	spop (v2sf);
	p4 =	seq.f32 s25, s24  }
0xa5: {  	p5 =	slt.s32 s26, s23  }
0xa6: {  	p6 =	sgt.f32 s25, s24;
	(v2sf) =	vpush v4, $0xA;
	p0 =	por !p4, !p5  }
0xa7: {  	p0 =	por !p0, !p0  }
0xa8: {  	p0 =	por p6, p0  }
0xa9: {  	s24 =	smov.u32 @p0 s25;
	s25 =	spop (v2sf);
	(v2sf) =	vpush v3, $0xA  }
0xaa: {  	s23 =	smov.u32 @p0 s26;
	s26 =	spop (v2sf);
	p1 =	seq.f32 s25, s24  }
0xab: {  	p2 =	slt.s32 s26, s23  }
0xac: {  	p3 =	sgt.f32 s25, s24;
	p0 =	por !p1, !p2  }
0xad: {  	p0 =	por !p0, !p0  }
0xae: {  	(v2sf) =	vpush v4, $0xB;
	p0 =	por p3, p0  }
0xaf: {  	s24 =	smov.u32 @p0 s25;
	s25 =	spop (v2sf);
	(v2sf) =	vpush v3, $0xB  }
0xb0: {  	s23 =	smov.u32 @p0 s26;
	p4 =	seq.f32 s25, s24;
	s26 =	spop (v2sf)  }
0xb1: {  	p5 =	slt.s32 s26, s23  }
0xb2: {  	p6 =	sgt.f32 s25, s24;
	p0 =	por !p4, !p5  }
0xb3: {  	p0 =	por !p0, !p0  }
0xb4: {  	(v2sf) =	vpush v4, $0xC;
	p0 =	por p6, p0  }
0xb5: {  	s24 =	smov.u32 @p0 s25;
	s25 =	spop (v2sf);
	(v2sf) =	vpush v3, $0xC;
	_ =	sdelay $0x2  }
0xb6: {  	s23 =	smov.u32 @p0 s26;
	s26 =	spop (v2sf);
	p1 =	seq.f32 s25, s24  }
0xb7: {  	p2 =	slt.s32 s26, s23  }
0xb8: {  	p3 =	sgt.f32 s25, s24;
	(v2sf) =	vpush v4, $0xD;
	p0 =	por !p1, !p2  }
0xb9: {  	(v2sf) =	vpush v3, $0xD;
	p0 =	por !p0, !p0  }
0xba: {  	p0 =	por p3, p0  }
0xbb: {  	s24 =	smov.u32 @p0 s25;
	s25 =	spop (v2sf)  }
0xbc: {  	s23 =	smov.u32 @p0 s26;
	s26 =	spop (v2sf);
	p4 =	seq.f32 s25, s24  }
0xbd: {  	p5 =	slt.s32 s26, s23  }
0xbe: {  	(v2sf) =	vpush v4, $0xE;
	p6 =	sgt.f32 s25, s24;
	p0 =	por !p4, !p5  }
0xbf: {  	(v2sf) =	vpush v3, $0xE;
	p0 =	por !p0, !p0  }
0xc0: {  	p0 =	por p6, p0  }
0xc1: {  	s24 =	smov.u32 @p0 s25;
	s25 =	spop (v2sf)  }
0xc2: {  	s23 =	smov.u32 @p0 s26;
	p1 =	seq.f32 s25, s24;
	s26 =	spop (v2sf)  }
0xc3: {  	(v2sf) =	vpush v4, $0xF;
	p2 =	slt.s32 s26, s23  }
0xc4: {  	p3 =	sgt.f32 s25, s24;
	(v2sf) =	vpush v3, $0xF;
	p0 =	por !p1, !p2  }
0xc5: {  	p0 =	por !p0, !p0  }
0xc6: {  	p0 =	por p3, p0  }
0xc7: {  	s28 =	spop (v2sf);
	s24 =	smov.u32 @p0 s25  }
0xc8: {  	s29 =	spop (v2sf);
	s23 =	smov.u32 @p0 s26;
	p4 =	seq.f32 s28, s24  }
0xc9: {  	p5 =	slt.s32 s29, s23  }
0xca: {  	p6 =	sgt.f32 s28, s24;
	p0 =	por !p4, !p5  }
0xcb: {  	p0 =	por !p0, !p0  }
0xcc: {  	p0 =	por p6, p0  }
0xcd: {  	s25 =	spop (v2sf);
	s24 =	smov.u32 @p0 s28  }
0xce: {  	s26 =	spop (v2sf);
	s23 =	smov.u32 @p0 s29;
	p2 =	seq.f32 s25, s24  }
0xcf: {  	p3 =	slt.s32 s26, s23  }
0xd0: {  	p4 =	sgt.f32 s25, s24;
	p0 =	por !p2, !p3  }
0xd1: {  	p0 =	por !p0, !p0  }
0xd2: {  	s28 =	spop (v2sf);
	p0 =	por p4, p0  }
0xd3: {  	s24 =	smov.u32 @p0 s25;
	s23 =	smov.u32 @p0 s26;
	s25 =	spop (v2sf)  }
0xd4: {  	p0 =	seq.f32 s28, s24;
	p1 =	slt.s32 s25, s23;
	s26 =	smov.u32 s23  }
0xd5: {  	p2 =	sgt.f32 s28, s24;
	s26 =	smov.u32 @p1 s25  }
0xd6: {  	s23 =	smov.u32 @p0 s26  }
0xd7: {  	s23 =	smov.u32 @p2 s25  }
0xd8: {  	s26 =	sshra.s32 s23, $0x1F  }
0xd9: {  	s24 =	sshrl.u32 s26, $0x1C  }
0xda: {  	s24 =	sadd.s32 s24, s23  }
0xdb: {  	s31 =	sand.u32 $0xFFFFFFF0, s24  }
0xdc: {  	p5 =	slt.s32 s23, $0x1;
	p6 =	sne.s32 s23, s31  }
0xdd: {  	p0 =	por !p5, !p6  }
0xde: {  	s25 =	simm.s32 $0x1;
	p0 =	por !p0, !p0  }
0xdf: {  	s24 =	sshrl.u32 s24, $0x4;
	s25 =	simm.s32 @!p0 $0x0  }
0xe0: {  	s24 =	ssub.s32 s24, s25  }
0xe1: {  	[tilespmem:s22+$0x0] =	vst v5;
	s25 =	sshll.u32 s24, $0x4  }
0xe2: {  	v3 =	vld [tilespmem:s25+$0x9E00]  }
0xe3: {  	v4 =	vld [tilespmem:s25+$0xC080]  }
0xe4: {  	s23 =	sand.u32 $0xF, s23  }
0xe5: {  	v5 =	vmov s23  }
0xe6: {  	vm0 =	veq.s32 v5, v2  }
0xe7: {  	v3 =	vsel vm0, $0x40000000, v3  }
0xe8: {  	[tilespmem:s25+$0x9E00] =	vst v3;
	v3 =	vsel vm0, $0x0, v4  }
0xe9: {  	[tilespmem:s25+$0xC080] =	vst v3  }
0xea: {  	v6 =	vld [tilespmem:$0x8C00]  }
0xeb: {  	v7 =	vld [tilespmem:$0x8C80]  }
0xec: {  	v8 =	vld [tilespmem:$0x8D00]  }
0xed: {  	s23 =	simm.s32 $0x4500;
	v9 =	vld [tilespmem:$0x8D80]  }
0xee: {  	s24 =	simm.s32 $0x0;
	v3 =	vld [tilespmem:s23+$0x0]  }
0xef: {  	s26 =	simm.s32 $0x6780;
	v4 =	vld [tilespmem:s24+$0x0]  }
0xf0: {  	s25 =	simm.s32 $0x2280;
	v5 =	vld [tilespmem:s26+$0x0]  }
0xf1: {  	v10 =	vld [tilespmem:s25+$0x0];
	_ =	sdelay $0x2  }
0xf2: {  	v11 =	vsub.f32 v8, v6;
	v12 =	vsub.f32 v9, v7  }
0xf3: {  	v13 =	vsub.f32 v3, v4;
	v3 =	vmin.f32 v3, v8;
	v4 =	vmax.f32 v4, v6  }
0xf4: {  	v14 =	vsub.f32 v5, v10;
	v5 =	vmin.f32 v5, v9;
	v10 =	vmax.f32 v10, v7  }
0xf5: {  	v3 =	vsub.f32 v3, v4;
	v4 =	vsub.f32 v5, v10  }
0xf6: {  	v10 =	vmul.f32 v12, v11;
	v5 =	vmul.f32 v14, v13  }
0xf7: {  	v3 =	vmax.f32 v3, $0.0e+00;
	v4 =	vmax.f32 v4, $0.0e+00  }
0xf8: {  	v3 =	vmul.f32 v4, v3;
	v4 =	vadd.f32 v5, v10;
	_ =	sdelay $0x1  }
0xf9: {  	v4 =	vsub.f32 v4, v3;
	_ =	sdelay $0x1  }
0xfa: {  	(erf) = vrcp.f32 v4;
	_ =	sdelay $0x5  }
0xfb: {  	s31 =	simm.s32 $0x9E00  }
0xfc: {  	v4 =	vld [tilespmem:s31+$0x0];
	_ =	sdelay $0x1  }
0xfd: {  	v5 =	vpop (erf)  }
0xfe: {  	v3 =	vmul.f32 v5, v3;
	_ =	sdelay $0x1  }
0xff: {  	vm15 =	vgt.f32 v3, v4  }
0x100: {  	v4 =	vsel vm15, v3, v4  }
0x101: {  	s22 =	simm.s32 $0xC080;
	[tilespmem:s31+$0x0] =	vst v4  }
0x102: {  	v5 =	vld [tilespmem:s22+$0x0];
	_ =	sdelay $0x2  }
0x103: {  	v4 =	vimm.f32 $-2.000000000e+00  }
0x104: {  	s30 =	simm.s32 $0xC090;
	v63 =	vor.u32 s24, v2;
	v11 =	vimm.s32 $0x0;
	vm1 =	vgt.f32 v3, v4  }
0x105: {  	s29 =	simm.s32 $0x9E10;
	s28 =	simm.s32 $0x6790;
	s26 =	simm.s32 $0x10;
	v4 =	vsel vm1, v3, v4;
	v3 =	vsel vm1, v63, v11;
	v5 =	vsel vm15, $0x3F800000, v5  }
.LBB2_6:
0x106: {  	[tilespmem:s22+$0x0] =	vst v5;
	s24 =	sadd.s32 $0x10, s24;
	s25 =	sadd.s32 $0x10, s25;
	s23 =	sadd.s32 $0x10, s23  }
0x107: {  	p0 =	sne.s32 s26, $0x2270;
	s31 =	smov.u32 s26;
	s26 =	sadd.s32 $0x10, s26;
	v5 =	vld [tilespmem:s23+$0x0]  }
0x108: {  	s22 =	smov.u32 s30;
	v11 =	vld [tilespmem:s24+$0x0]  }
0x109: {  	v12 =	vld [tilespmem:s28+$0x0]  }
0x10a: {  	v13 =	vld [tilespmem:s25+$0x0];
	_ =	sdelay $0x2  }
0x10b: {  	v14 =	vsub.f32 v5, v11;
	v5 =	vmin.f32 v5, v8;
	v11 =	vmax.f32 v11, v6  }
0x10c: {  	v5 =	vsub.f32 v5, v11  }
0x10d: {  	v11 =	vsub.f32 v12, v13;
	v12 =	vmin.f32 v12, v9;
	v13 =	vmax.f32 v13, v7  }
0x10e: {  	v12 =	vsub.f32 v12, v13  }
0x10f: {  	v11 =	vmul.f32 v11, v14  }
0x110: {  	v5 =	vmax.f32 v5, $0.0e+00;
	v12 =	vmax.f32 v12, $0.0e+00  }
0x111: {  	v5 =	vmul.f32 v12, v5;
	v11 =	vadd.f32 v11, v10;
	_ =	sdelay $0x1  }
0x112: {  	v11 =	vsub.f32 v11, v5;
	_ =	sdelay $0x1  }
0x113: {  	(erf) = vrcp.f32 v11;
	_ =	sdelay $0x6  }
0x114: {  	v11 =	vld [tilespmem:s29+$0x0];
	_ =	sdelay $0x1  }
0x115: {  	v12 =	vpop (erf)  }
0x116: {  	v5 =	vmul.f32 v12, v5;
	_ =	sdelay $0x1  }
0x117: {  	v12 =	vor.u32 s31, v2;
	vm0 =	vgt.f32 v5, v11;
	vm1 =	vgt.f32 v5, v4  }
0x118: {  	v11 =	vsel vm0, v5, v11;
	v4 =	vsel vm1, v5, v4;
	v3 =	vsel vm1, v12, v3  }
0x119: {  	[tilespmem:s29+$0x0] =	vst v11  }
0x11a: {  	v5 =	vld [tilespmem:s30+$0x0]  }
.Ltmp2:
0x11b: {  	(pc) =	sbr.rel @p0 .LBB2_6-.Ltmp2, $2  }
0x11c: {  	_ =	sdelay $0x2  }
0x11d: {  	s28 =	sadd.s32 $0x10, s28;
	s29 =	sadd.s32 $0x10, s29;
	s30 =	sadd.s32 $0x10, s30;
	v5 =	vsel vm0, $0x3F800000, v5  }
0x11e: {  	(v2sf) =	vpush v4, $0x0  }
0x11f: {  	(v2sf) =	vpush v3, $0x0;
	_ =	sdelay $0x1  }
0x120: {  	(v2sf) =	vpush v4, $0x1  }
0x121: {  	(v2sf) =	vpush v3, $0x1;
	_ =	sdelay $0x4  }
0x122: {  	(v2sf) =	vpush v4, $0x2  }
0x123: {  	(v2sf) =	vpush v3, $0x2;
	_ =	sdelay $0x4  }
0x124: {  	s24 =	spop (v2sf);
	(v2sf) =	vpush v4, $0x3  }
0x125: {  	s23 =	spop (v2sf);
	(v2sf) =	vpush v3, $0x3;
	_ =	sdelay $0x1  }
0x126: {  	s25 =	spop (v2sf)  }
0x127: {  	s26 =	spop (v2sf);
	p0 =	seq.f32 s25, s24  }
0x128: {  	p1 =	slt.s32 s26, s23  }
0x129: {  	(v2sf) =	vpush v4, $0x4;
	p2 =	sgt.f32 s25, s24;
	p0 =	por !p0, !p1  }
0x12a: {  	p0 =	por !p0, !p0  }
0x12b: {  	p0 =	por p2, p0  }
0x12c: {  	(v2sf) =	vpush v3, $0x4;
	s24 =	smov.u32 @p0 s25;
	s25 =	spop (v2sf)  }
0x12d: {  	s23 =	smov.u32 @p0 s26;
	s26 =	spop (v2sf);
	p1 =	seq.f32 s25, s24  }
0x12e: {  	p2 =	slt.s32 s26, s23  }
0x12f: {  	p3 =	sgt.f32 s25, s24;
	p0 =	por !p1, !p2  }
0x130: {  	p0 =	por !p0, !p0  }
0x131: {  	(v2sf) =	vpush v4, $0x5;
	p0 =	por p3, p0  }
0x132: {  	(v2sf) =	vpush v3, $0x5;
	s24 =	smov.u32 @p0 s25;
	s25 =	spop (v2sf)  }
0x133: {  	s23 =	smov.u32 @p0 s26;
	s26 =	spop (v2sf);
	p4 =	seq.f32 s25, s24  }
0x134: {  	p5 =	slt.s32 s26, s23  }
0x135: {  	p6 =	sgt.f32 s25, s24;
	p0 =	por !p4, !p5  }
0x136: {  	p0 =	por !p0, !p0  }
0x137: {  	(v2sf) =	vpush v4, $0x6;
	p0 =	por p6, p0  }
0x138: {  	s24 =	smov.u32 @p0 s25;
	s25 =	spop (v2sf);
	(v2sf) =	vpush v3, $0x6;
	_ =	sdelay $0x2  }
0x139: {  	s23 =	smov.u32 @p0 s26;
	s26 =	spop (v2sf);
	p1 =	seq.f32 s25, s24  }
0x13a: {  	p2 =	slt.s32 s26, s23  }
0x13b: {  	p3 =	sgt.f32 s25, s24;
	(v2sf) =	vpush v4, $0x7;
	p0 =	por !p1, !p2  }
0x13c: {  	p0 =	por !p0, !p0  }
0x13d: {  	p0 =	por p3, p0  }
0x13e: {  	s24 =	smov.u32 @p0 s25;
	s25 =	spop (v2sf);
	(v2sf) =	vpush v3, $0x7  }
0x13f: {  	s23 =	smov.u32 @p0 s26;
	s26 =	spop (v2sf);
	p4 =	seq.f32 s25, s24  }
0x140: {  	p5 =	slt.s32 s26, s23  }
0x141: {  	p6 =	sgt.f32 s25, s24;
	p0 =	por !p4, !p5  }
0x142: {  	p0 =	por !p0, !p0  }
0x143: {  	(v2sf) =	vpush v4, $0x8;
	p0 =	por p6, p0  }
0x144: {  	s24 =	smov.u32 @p0 s25;
	s25 =	spop (v2sf);
	(v2sf) =	vpush v3, $0x8  }
0x145: {  	s23 =	smov.u32 @p0 s26;
	p1 =	seq.f32 s25, s24;
	s26 =	spop (v2sf)  }
0x146: {  	p2 =	slt.s32 s26, s23  }
0x147: {  	p3 =	sgt.f32 s25, s24;
	p0 =	por !p1, !p2  }
0x148: {  	p0 =	por !p0, !p0  }
0x149: {  	(v2sf) =	vpush v4, $0x9;
	p0 =	por p3, p0  }
0x14a: {  	s24 =	smov.u32 @p0 s25;
	s25 =	spop (v2sf);
	(v2sf) =	vpush v3, $0x9;
	_ =	sdelay $0x2  }
0x14b: {  	s23 =	smov.u32 @p0 s26;
	s26 =	spop (v2sf);
	p4 =	seq.f32 s25, s24  }
0x14c: {  	p5 =	slt.s32 s26, s23  }
0x14d: {  	p6 =	sgt.f32 s25, s24;
	(v2sf) =	vpush v4, $0xA;
	p0 =	por !p4, !p5  }
0x14e: {  	p0 =	por !p0, !p0  }
0x14f: {  	p0 =	por p6, p0  }
0x150: {  	s24 =	smov.u32 @p0 s25;
	s25 =	spop (v2sf);
	(v2sf) =	vpush v3, $0xA  }
0x151: {  	s23 =	smov.u32 @p0 s26;
	s26 =	spop (v2sf);
	p1 =	seq.f32 s25, s24  }
0x152: {  	p2 =	slt.s32 s26, s23  }
0x153: {  	p3 =	sgt.f32 s25, s24;
	p0 =	por !p1, !p2  }
0x154: {  	p0 =	por !p0, !p0  }
0x155: {  	(v2sf) =	vpush v4, $0xB;
	p0 =	por p3, p0  }
0x156: {  	s24 =	smov.u32 @p0 s25;
	s25 =	spop (v2sf);
	(v2sf) =	vpush v3, $0xB  }
0x157: {  	s23 =	smov.u32 @p0 s26;
	p4 =	seq.f32 s25, s24;
	s26 =	spop (v2sf)  }
0x158: {  	p5 =	slt.s32 s26, s23  }
0x159: {  	p6 =	sgt.f32 s25, s24;
	p0 =	por !p4, !p5  }
0x15a: {  	p0 =	por !p0, !p0  }
0x15b: {  	(v2sf) =	vpush v4, $0xC;
	p0 =	por p6, p0  }
0x15c: {  	s24 =	smov.u32 @p0 s25;
	s25 =	spop (v2sf);
	(v2sf) =	vpush v3, $0xC;
	_ =	sdelay $0x2  }
0x15d: {  	s23 =	smov.u32 @p0 s26;
	s26 =	spop (v2sf);
	p1 =	seq.f32 s25, s24  }
0x15e: {  	p2 =	slt.s32 s26, s23  }
0x15f: {  	p3 =	sgt.f32 s25, s24;
	(v2sf) =	vpush v4, $0xD;
	p0 =	por !p1, !p2  }
0x160: {  	(v2sf) =	vpush v3, $0xD;
	p0 =	por !p0, !p0  }
0x161: {  	p0 =	por p3, p0  }
0x162: {  	s24 =	smov.u32 @p0 s25;
	s25 =	spop (v2sf)  }
0x163: {  	s23 =	smov.u32 @p0 s26;
	s26 =	spop (v2sf);
	p4 =	seq.f32 s25, s24  }
0x164: {  	p5 =	slt.s32 s26, s23  }
0x165: {  	(v2sf) =	vpush v4, $0xE;
	p6 =	sgt.f32 s25, s24;
	p0 =	por !p4, !p5  }
0x166: {  	(v2sf) =	vpush v3, $0xE;
	p0 =	por !p0, !p0  }
0x167: {  	p0 =	por p6, p0  }
0x168: {  	s24 =	smov.u32 @p0 s25;
	s25 =	spop (v2sf)  }
0x169: {  	s23 =	smov.u32 @p0 s26;
	p1 =	seq.f32 s25, s24;
	s26 =	spop (v2sf)  }
0x16a: {  	(v2sf) =	vpush v4, $0xF;
	p2 =	slt.s32 s26, s23  }
0x16b: {  	p3 =	sgt.f32 s25, s24;
	(v2sf) =	vpush v3, $0xF;
	p0 =	por !p1, !p2  }
0x16c: {  	p0 =	por !p0, !p0  }
0x16d: {  	p0 =	por p3, p0  }
0x16e: {  	s28 =	spop (v2sf);
	s24 =	smov.u32 @p0 s25  }
0x16f: {  	s29 =	spop (v2sf);
	s23 =	smov.u32 @p0 s26;
	p4 =	seq.f32 s28, s24  }
0x170: {  	p5 =	slt.s32 s29, s23  }
0x171: {  	p6 =	sgt.f32 s28, s24;
	p0 =	por !p4, !p5  }
0x172: {  	p0 =	por !p0, !p0  }
0x173: {  	p0 =	por p6, p0  }
0x174: {  	s25 =	spop (v2sf);
	s24 =	smov.u32 @p0 s28  }
0x175: {  	s26 =	spop (v2sf);
	s23 =	smov.u32 @p0 s29;
	p2 =	seq.f32 s25, s24  }
0x176: {  	p3 =	slt.s32 s26, s23  }
0x177: {  	p4 =	sgt.f32 s25, s24;
	p0 =	por !p2, !p3  }
0x178: {  	p0 =	por !p0, !p0  }
0x179: {  	s28 =	spop (v2sf);
	p0 =	por p4, p0  }
0x17a: {  	s24 =	smov.u32 @p0 s25;
	s23 =	smov.u32 @p0 s26;
	s25 =	spop (v2sf)  }
0x17b: {  	p0 =	seq.f32 s28, s24;
	p1 =	slt.s32 s25, s23;
	s26 =	smov.u32 s23  }
0x17c: {  	p2 =	sgt.f32 s28, s24;
	s26 =	smov.u32 @p1 s25  }
0x17d: {  	s23 =	smov.u32 @p0 s26  }
0x17e: {  	s23 =	smov.u32 @p2 s25  }
0x17f: {  	s26 =	sshra.s32 s23, $0x1F  }
0x180: {  	s24 =	sshrl.u32 s26, $0x1C  }
0x181: {  	s24 =	sadd.s32 s24, s23  }
0x182: {  	s31 =	sand.u32 $0xFFFFFFF0, s24  }
0x183: {  	p5 =	slt.s32 s23, $0x1;
	p6 =	sne.s32 s23, s31  }
0x184: {  	p0 =	por !p5, !p6  }
0x185: {  	s25 =	simm.s32 $0x1;
	p0 =	por !p0, !p0  }
0x186: {  	s24 =	sshrl.u32 s24, $0x4;
	s25 =	simm.s32 @!p0 $0x0  }
0x187: {  	s24 =	ssub.s32 s24, s25  }
0x188: {  	[tilespmem:s22+$0x0] =	vst v5;
	s25 =	sshll.u32 s24, $0x4  }
0x189: {  	v3 =	vld [tilespmem:s25+$0x9E00]  }
0x18a: {  	v4 =	vld [tilespmem:s25+$0xC080]  }
0x18b: {  	s23 =	sand.u32 $0xF, s23  }
0x18c: {  	v5 =	vmov s23  }
0x18d: {  	vm0 =	veq.s32 v5, v2  }
0x18e: {  	v3 =	vsel vm0, $0x40000000, v3  }
0x18f: {  	[tilespmem:s25+$0x9E00] =	vst v3;
	v3 =	vsel vm0, $0x3F800000, v4  }
0x190: {  	[tilespmem:s25+$0xC080] =	vst v3  }
0x191: {  	v6 =	vld [tilespmem:$0x8E00]  }
0x192: {  	v7 =	vld [tilespmem:$0x8E80]  }
0x193: {  	v8 =	vld [tilespmem:$0x8F00]  }
0x194: {  	s23 =	simm.s32 $0x4500;
	v9 =	vld [tilespmem:$0x8F80]  }
0x195: {  	s24 =	simm.s32 $0x0;
	v3 =	vld [tilespmem:s23+$0x0]  }
0x196: {  	s26 =	simm.s32 $0x6780;
	v4 =	vld [tilespmem:s24+$0x0]  }
0x197: {  	s25 =	simm.s32 $0x2280;
	v5 =	vld [tilespmem:s26+$0x0]  }
0x198: {  	v10 =	vld [tilespmem:s25+$0x0];
	_ =	sdelay $0x2  }
0x199: {  	v11 =	vsub.f32 v8, v6;
	v12 =	vsub.f32 v9, v7  }
0x19a: {  	v13 =	vsub.f32 v3, v4;
	v3 =	vmin.f32 v3, v8;
	v4 =	vmax.f32 v4, v6  }
0x19b: {  	v14 =	vsub.f32 v5, v10;
	v5 =	vmin.f32 v5, v9;
	v10 =	vmax.f32 v10, v7  }
0x19c: {  	v3 =	vsub.f32 v3, v4;
	v4 =	vsub.f32 v5, v10  }
0x19d: {  	v10 =	vmul.f32 v12, v11;
	v5 =	vmul.f32 v14, v13  }
0x19e: {  	v3 =	vmax.f32 v3, $0.0e+00;
	v4 =	vmax.f32 v4, $0.0e+00  }
0x19f: {  	v3 =	vmul.f32 v4, v3;
	v4 =	vadd.f32 v5, v10;
	_ =	sdelay $0x1  }
0x1a0: {  	v4 =	vsub.f32 v4, v3;
	_ =	sdelay $0x1  }
0x1a1: {  	(erf) = vrcp.f32 v4;
	_ =	sdelay $0x5  }
0x1a2: {  	s31 =	simm.s32 $0x9E00  }
0x1a3: {  	v4 =	vld [tilespmem:s31+$0x0];
	_ =	sdelay $0x1  }
0x1a4: {  	v5 =	vpop (erf)  }
0x1a5: {  	v3 =	vmul.f32 v5, v3;
	_ =	sdelay $0x1  }
0x1a6: {  	vm15 =	vgt.f32 v3, v4  }
0x1a7: {  	v4 =	vsel vm15, v3, v4  }
0x1a8: {  	s22 =	simm.s32 $0xC080;
	[tilespmem:s31+$0x0] =	vst v4  }
0x1a9: {  	v5 =	vld [tilespmem:s22+$0x0];
	_ =	sdelay $0x2  }
0x1aa: {  	v4 =	vimm.f32 $-2.000000000e+00  }
0x1ab: {  	s30 =	simm.s32 $0xC090;
	v63 =	vor.u32 s24, v2;
	v11 =	vimm.s32 $0x0;
	vm1 =	vgt.f32 v3, v4  }
0x1ac: {  	s29 =	simm.s32 $0x9E10;
	s28 =	simm.s32 $0x6790;
	s26 =	simm.s32 $0x10;
	v4 =	vsel vm1, v3, v4;
	v3 =	vsel vm1, v63, v11;
	v5 =	vsel vm15, $0x40000000, v5  }
.LBB2_8:
0x1ad: {  	[tilespmem:s22+$0x0] =	vst v5;
	s24 =	sadd.s32 $0x10, s24;
	s25 =	sadd.s32 $0x10, s25;
	s23 =	sadd.s32 $0x10, s23  }
0x1ae: {  	p0 =	sne.s32 s26, $0x2270;
	s31 =	smov.u32 s26;
	s26 =	sadd.s32 $0x10, s26;
	v5 =	vld [tilespmem:s23+$0x0]  }
0x1af: {  	s22 =	smov.u32 s30;
	v11 =	vld [tilespmem:s24+$0x0]  }
0x1b0: {  	v12 =	vld [tilespmem:s28+$0x0]  }
0x1b1: {  	v13 =	vld [tilespmem:s25+$0x0];
	_ =	sdelay $0x2  }
0x1b2: {  	v14 =	vsub.f32 v5, v11;
	v5 =	vmin.f32 v5, v8;
	v11 =	vmax.f32 v11, v6  }
0x1b3: {  	v5 =	vsub.f32 v5, v11  }
0x1b4: {  	v11 =	vsub.f32 v12, v13;
	v12 =	vmin.f32 v12, v9;
	v13 =	vmax.f32 v13, v7  }
0x1b5: {  	v12 =	vsub.f32 v12, v13  }
0x1b6: {  	v11 =	vmul.f32 v11, v14  }
0x1b7: {  	v5 =	vmax.f32 v5, $0.0e+00;
	v12 =	vmax.f32 v12, $0.0e+00  }
0x1b8: {  	v5 =	vmul.f32 v12, v5;
	v11 =	vadd.f32 v11, v10;
	_ =	sdelay $0x1  }
0x1b9: {  	v11 =	vsub.f32 v11, v5;
	_ =	sdelay $0x1  }
0x1ba: {  	(erf) = vrcp.f32 v11;
	_ =	sdelay $0x6  }
0x1bb: {  	v11 =	vld [tilespmem:s29+$0x0];
	_ =	sdelay $0x1  }
0x1bc: {  	v12 =	vpop (erf)  }
0x1bd: {  	v5 =	vmul.f32 v12, v5;
	_ =	sdelay $0x1  }
0x1be: {  	v12 =	vor.u32 s31, v2;
	vm0 =	vgt.f32 v5, v11;
	vm1 =	vgt.f32 v5, v4  }
0x1bf: {  	v11 =	vsel vm0, v5, v11;
	v4 =	vsel vm1, v5, v4;
	v3 =	vsel vm1, v12, v3  }
0x1c0: {  	[tilespmem:s29+$0x0] =	vst v11  }
0x1c1: {  	v5 =	vld [tilespmem:s30+$0x0]  }
.Ltmp3:
0x1c2: {  	(pc) =	sbr.rel @p0 .LBB2_8-.Ltmp3, $2  }
0x1c3: {  	_ =	sdelay $0x2  }
0x1c4: {  	s28 =	sadd.s32 $0x10, s28;
	s29 =	sadd.s32 $0x10, s29;
	s30 =	sadd.s32 $0x10, s30;
	v5 =	vsel vm0, $0x40000000, v5  }
0x1c5: {  	(v2sf) =	vpush v4, $0x0  }
0x1c6: {  	(v2sf) =	vpush v3, $0x0;
	_ =	sdelay $0x1  }
0x1c7: {  	(v2sf) =	vpush v4, $0x1  }
0x1c8: {  	(v2sf) =	vpush v3, $0x1;
	_ =	sdelay $0x4  }
0x1c9: {  	(v2sf) =	vpush v4, $0x2  }
0x1ca: {  	(v2sf) =	vpush v3, $0x2;
	_ =	sdelay $0x4  }
0x1cb: {  	s24 =	spop (v2sf);
	(v2sf) =	vpush v4, $0x3  }
0x1cc: {  	s23 =	spop (v2sf);
	(v2sf) =	vpush v3, $0x3;
	_ =	sdelay $0x1  }
0x1cd: {  	s25 =	spop (v2sf)  }
0x1ce: {  	s26 =	spop (v2sf);
	p0 =	seq.f32 s25, s24  }
0x1cf: {  	p1 =	slt.s32 s26, s23  }
0x1d0: {  	(v2sf) =	vpush v4, $0x4;
	p2 =	sgt.f32 s25, s24;
	p0 =	por !p0, !p1  }
0x1d1: {  	p0 =	por !p0, !p0  }
0x1d2: {  	p0 =	por p2, p0  }
0x1d3: {  	(v2sf) =	vpush v3, $0x4;
	s24 =	smov.u32 @p0 s25;
	s25 =	spop (v2sf)  }
0x1d4: {  	s23 =	smov.u32 @p0 s26;
	s26 =	spop (v2sf);
	p1 =	seq.f32 s25, s24  }
0x1d5: {  	p2 =	slt.s32 s26, s23  }
0x1d6: {  	p3 =	sgt.f32 s25, s24;
	p0 =	por !p1, !p2  }
0x1d7: {  	p0 =	por !p0, !p0  }
0x1d8: {  	(v2sf) =	vpush v4, $0x5;
	p0 =	por p3, p0  }
0x1d9: {  	(v2sf) =	vpush v3, $0x5;
	s24 =	smov.u32 @p0 s25;
	s25 =	spop (v2sf)  }
0x1da: {  	s23 =	smov.u32 @p0 s26;
	s26 =	spop (v2sf);
	p4 =	seq.f32 s25, s24  }
0x1db: {  	p5 =	slt.s32 s26, s23  }
0x1dc: {  	p6 =	sgt.f32 s25, s24;
	p0 =	por !p4, !p5  }
0x1dd: {  	p0 =	por !p0, !p0  }
0x1de: {  	(v2sf) =	vpush v4, $0x6;
	p0 =	por p6, p0  }
0x1df: {  	s24 =	smov.u32 @p0 s25;
	s25 =	spop (v2sf);
	(v2sf) =	vpush v3, $0x6;
	_ =	sdelay $0x2  }
0x1e0: {  	s23 =	smov.u32 @p0 s26;
	s26 =	spop (v2sf);
	p1 =	seq.f32 s25, s24  }
0x1e1: {  	p2 =	slt.s32 s26, s23  }
0x1e2: {  	p3 =	sgt.f32 s25, s24;
	(v2sf) =	vpush v4, $0x7;
	p0 =	por !p1, !p2  }
0x1e3: {  	p0 =	por !p0, !p0  }
0x1e4: {  	p0 =	por p3, p0  }
0x1e5: {  	s24 =	smov.u32 @p0 s25;
	s25 =	spop (v2sf);
	(v2sf) =	vpush v3, $0x7  }
0x1e6: {  	s23 =	smov.u32 @p0 s26;
	s26 =	spop (v2sf);
	p4 =	seq.f32 s25, s24  }
0x1e7: {  	p5 =	slt.s32 s26, s23  }
0x1e8: {  	p6 =	sgt.f32 s25, s24;
	p0 =	por !p4, !p5  }
0x1e9: {  	p0 =	por !p0, !p0  }
0x1ea: {  	(v2sf) =	vpush v4, $0x8;
	p0 =	por p6, p0  }
0x1eb: {  	s24 =	smov.u32 @p0 s25;
	s25 =	spop (v2sf);
	(v2sf) =	vpush v3, $0x8  }
0x1ec: {  	s23 =	smov.u32 @p0 s26;
	p1 =	seq.f32 s25, s24;
	s26 =	spop (v2sf)  }
0x1ed: {  	p2 =	slt.s32 s26, s23  }
0x1ee: {  	p3 =	sgt.f32 s25, s24;
	p0 =	por !p1, !p2  }
0x1ef: {  	p0 =	por !p0, !p0  }
0x1f0: {  	(v2sf) =	vpush v4, $0x9;
	p0 =	por p3, p0  }
0x1f1: {  	s24 =	smov.u32 @p0 s25;
	s25 =	spop (v2sf);
	(v2sf) =	vpush v3, $0x9;
	_ =	sdelay $0x2  }
0x1f2: {  	s23 =	smov.u32 @p0 s26;
	s26 =	spop (v2sf);
	p4 =	seq.f32 s25, s24  }
0x1f3: {  	p5 =	slt.s32 s26, s23  }
0x1f4: {  	p6 =	sgt.f32 s25, s24;
	(v2sf) =	vpush v4, $0xA;
	p0 =	por !p4, !p5  }
0x1f5: {  	p0 =	por !p0, !p0  }
0x1f6: {  	p0 =	por p6, p0  }
0x1f7: {  	s24 =	smov.u32 @p0 s25;
	s25 =	spop (v2sf);
	(v2sf) =	vpush v3, $0xA  }
0x1f8: {  	s23 =	smov.u32 @p0 s26;
	s26 =	spop (v2sf);
	p1 =	seq.f32 s25, s24  }
0x1f9: {  	p2 =	slt.s32 s26, s23  }
0x1fa: {  	p3 =	sgt.f32 s25, s24;
	p0 =	por !p1, !p2  }
0x1fb: {  	p0 =	por !p0, !p0  }
0x1fc: {  	(v2sf) =	vpush v4, $0xB;
	p0 =	por p3, p0  }
0x1fd: {  	s24 =	smov.u32 @p0 s25;
	s25 =	spop (v2sf);
	(v2sf) =	vpush v3, $0xB  }
0x1fe: {  	s23 =	smov.u32 @p0 s26;
	p4 =	seq.f32 s25, s24;
	s26 =	spop (v2sf)  }
0x1ff: {  	p5 =	slt.s32 s26, s23  }
0x200: {  	p6 =	sgt.f32 s25, s24;
	p0 =	por !p4, !p5  }
0x201: {  	p0 =	por !p0, !p0  }
0x202: {  	(v2sf) =	vpush v4, $0xC;
	p0 =	por p6, p0  }
0x203: {  	s24 =	smov.u32 @p0 s25;
	s25 =	spop (v2sf);
	(v2sf) =	vpush v3, $0xC;
	_ =	sdelay $0x2  }
0x204: {  	s23 =	smov.u32 @p0 s26;
	s26 =	spop (v2sf);
	p1 =	seq.f32 s25, s24  }
0x205: {  	p2 =	slt.s32 s26, s23  }
0x206: {  	p3 =	sgt.f32 s25, s24;
	(v2sf) =	vpush v4, $0xD;
	p0 =	por !p1, !p2  }
0x207: {  	(v2sf) =	vpush v3, $0xD;
	p0 =	por !p0, !p0  }
0x208: {  	p0 =	por p3, p0  }
0x209: {  	s24 =	smov.u32 @p0 s25;
	s25 =	spop (v2sf)  }
0x20a: {  	s23 =	smov.u32 @p0 s26;
	s26 =	spop (v2sf);
	p4 =	seq.f32 s25, s24  }
0x20b: {  	p5 =	slt.s32 s26, s23  }
0x20c: {  	(v2sf) =	vpush v4, $0xE;
	p6 =	sgt.f32 s25, s24;
	p0 =	por !p4, !p5  }
0x20d: {  	(v2sf) =	vpush v3, $0xE;
	p0 =	por !p0, !p0  }
0x20e: {  	p0 =	por p6, p0  }
0x20f: {  	s24 =	smov.u32 @p0 s25;
	s25 =	spop (v2sf)  }
0x210: {  	s23 =	smov.u32 @p0 s26;
	p1 =	seq.f32 s25, s24;
	s26 =	spop (v2sf)  }
0x211: {  	(v2sf) =	vpush v4, $0xF;
	p2 =	slt.s32 s26, s23  }
0x212: {  	p3 =	sgt.f32 s25, s24;
	(v2sf) =	vpush v3, $0xF;
	p0 =	por !p1, !p2  }
0x213: {  	p0 =	por !p0, !p0  }
0x214: {  	p0 =	por p3, p0  }
0x215: {  	s28 =	spop (v2sf);
	s24 =	smov.u32 @p0 s25  }
0x216: {  	s29 =	spop (v2sf);
	s23 =	smov.u32 @p0 s26;
	p4 =	seq.f32 s28, s24  }
0x217: {  	p5 =	slt.s32 s29, s23  }
0x218: {  	p6 =	sgt.f32 s28, s24;
	p0 =	por !p4, !p5  }
0x219: {  	p0 =	por !p0, !p0  }
0x21a: {  	p0 =	por p6, p0  }
0x21b: {  	s25 =	spop (v2sf);
	s24 =	smov.u32 @p0 s28  }
0x21c: {  	s26 =	spop (v2sf);
	s23 =	smov.u32 @p0 s29;
	p2 =	seq.f32 s25, s24  }
0x21d: {  	p3 =	slt.s32 s26, s23  }
0x21e: {  	p4 =	sgt.f32 s25, s24;
	p0 =	por !p2, !p3  }
0x21f: {  	p0 =	por !p0, !p0  }
0x220: {  	s28 =	spop (v2sf);
	p0 =	por p4, p0  }
0x221: {  	s24 =	smov.u32 @p0 s25;
	s23 =	smov.u32 @p0 s26;
	s25 =	spop (v2sf)  }
0x222: {  	p0 =	seq.f32 s28, s24;
	p1 =	slt.s32 s25, s23;
	s26 =	smov.u32 s23  }
0x223: {  	p2 =	sgt.f32 s28, s24;
	s26 =	smov.u32 @p1 s25  }
0x224: {  	s23 =	smov.u32 @p0 s26  }
0x225: {  	s23 =	smov.u32 @p2 s25  }
0x226: {  	s26 =	sshra.s32 s23, $0x1F  }
0x227: {  	s24 =	sshrl.u32 s26, $0x1C  }
0x228: {  	s24 =	sadd.s32 s24, s23  }
0x229: {  	s31 =	sand.u32 $0xFFFFFFF0, s24  }
0x22a: {  	p5 =	slt.s32 s23, $0x1;
	p6 =	sne.s32 s23, s31  }
0x22b: {  	p0 =	por !p5, !p6  }
0x22c: {  	s25 =	simm.s32 $0x1;
	p0 =	por !p0, !p0  }
0x22d: {  	s24 =	sshrl.u32 s24, $0x4;
	s25 =	simm.s32 @!p0 $0x0  }
0x22e: {  	s24 =	ssub.s32 s24, s25  }
0x22f: {  	[tilespmem:s22+$0x0] =	vst v5;
	s25 =	sshll.u32 s24, $0x4  }
0x230: {  	v3 =	vld [tilespmem:s25+$0x9E00]  }
0x231: {  	v4 =	vld [tilespmem:s25+$0xC080]  }
0x232: {  	s23 =	sand.u32 $0xF, s23  }
0x233: {  	v5 =	vmov s23  }
0x234: {  	vm0 =	veq.s32 v5, v2  }
0x235: {  	v3 =	vsel vm0, $0x40000000, v3  }
0x236: {  	[tilespmem:s25+$0x9E00] =	vst v3;
	v3 =	vsel vm0, $0x40000000, v4  }
0x237: {  	[tilespmem:s25+$0xC080] =	vst v3  }
0x238: {  	v6 =	vld [tilespmem:$0x9000]  }
0x239: {  	v7 =	vld [tilespmem:$0x9080]  }
0x23a: {  	v8 =	vld [tilespmem:$0x9100]  }
0x23b: {  	s23 =	simm.s32 $0x4500;
	v9 =	vld [tilespmem:$0x9180]  }
0x23c: {  	s24 =	simm.s32 $0x0;
	v3 =	vld [tilespmem:s23+$0x0]  }
0x23d: {  	s26 =	simm.s32 $0x6780;
	v4 =	vld [tilespmem:s24+$0x0]  }
0x23e: {  	s25 =	simm.s32 $0x2280;
	v5 =	vld [tilespmem:s26+$0x0]  }
0x23f: {  	v10 =	vld [tilespmem:s25+$0x0];
	_ =	sdelay $0x2  }
0x240: {  	v11 =	vsub.f32 v8, v6;
	v12 =	vsub.f32 v9, v7  }
0x241: {  	v13 =	vsub.f32 v3, v4;
	v3 =	vmin.f32 v3, v8;
	v4 =	vmax.f32 v4, v6  }
0x242: {  	v14 =	vsub.f32 v5, v10;
	v5 =	vmin.f32 v5, v9;
	v10 =	vmax.f32 v10, v7  }
0x243: {  	v3 =	vsub.f32 v3, v4;
	v4 =	vsub.f32 v5, v10  }
0x244: {  	v10 =	vmul.f32 v12, v11;
	v5 =	vmul.f32 v14, v13  }
0x245: {  	v3 =	vmax.f32 v3, $0.0e+00;
	v4 =	vmax.f32 v4, $0.0e+00  }
0x246: {  	v3 =	vmul.f32 v4, v3;
	v4 =	vadd.f32 v5, v10;
	_ =	sdelay $0x1  }
0x247: {  	v4 =	vsub.f32 v4, v3;
	_ =	sdelay $0x1  }
0x248: {  	(erf) = vrcp.f32 v4;
	_ =	sdelay $0x5  }
0x249: {  	s31 =	simm.s32 $0x9E00  }
0x24a: {  	v4 =	vld [tilespmem:s31+$0x0];
	_ =	sdelay $0x1  }
0x24b: {  	v5 =	vpop (erf)  }
0x24c: {  	v3 =	vmul.f32 v5, v3;
	_ =	sdelay $0x1  }
0x24d: {  	vm15 =	vgt.f32 v3, v4  }
0x24e: {  	v4 =	vsel vm15, v3, v4  }
0x24f: {  	s22 =	simm.s32 $0xC080;
	[tilespmem:s31+$0x0] =	vst v4  }
0x250: {  	v5 =	vld [tilespmem:s22+$0x0];
	_ =	sdelay $0x2  }
0x251: {  	v4 =	vimm.f32 $-2.000000000e+00  }
0x252: {  	s30 =	simm.s32 $0xC090;
	v63 =	vor.u32 s24, v2;
	v11 =	vimm.s32 $0x0;
	vm1 =	vgt.f32 v3, v4  }
0x253: {  	s29 =	simm.s32 $0x9E10;
	s28 =	simm.s32 $0x6790;
	s26 =	simm.s32 $0x10;
	v4 =	vsel vm1, v3, v4;
	v3 =	vsel vm1, v63, v11;
	v5 =	vsel vm15, $0x40400000, v5  }
.LBB2_10:
0x254: {  	[tilespmem:s22+$0x0] =	vst v5;
	s24 =	sadd.s32 $0x10, s24;
	s25 =	sadd.s32 $0x10, s25;
	s23 =	sadd.s32 $0x10, s23  }
0x255: {  	p0 =	sne.s32 s26, $0x2270;
	s31 =	smov.u32 s26;
	s26 =	sadd.s32 $0x10, s26;
	v5 =	vld [tilespmem:s23+$0x0]  }
0x256: {  	s22 =	smov.u32 s30;
	v11 =	vld [tilespmem:s24+$0x0]  }
0x257: {  	v12 =	vld [tilespmem:s28+$0x0]  }
0x258: {  	v13 =	vld [tilespmem:s25+$0x0];
	_ =	sdelay $0x2  }
0x259: {  	v14 =	vsub.f32 v5, v11;
	v5 =	vmin.f32 v5, v8;
	v11 =	vmax.f32 v11, v6  }
0x25a: {  	v5 =	vsub.f32 v5, v11  }
0x25b: {  	v11 =	vsub.f32 v12, v13;
	v12 =	vmin.f32 v12, v9;
	v13 =	vmax.f32 v13, v7  }
0x25c: {  	v12 =	vsub.f32 v12, v13  }
0x25d: {  	v11 =	vmul.f32 v11, v14  }
0x25e: {  	v5 =	vmax.f32 v5, $0.0e+00;
	v12 =	vmax.f32 v12, $0.0e+00  }
0x25f: {  	v5 =	vmul.f32 v12, v5;
	v11 =	vadd.f32 v11, v10;
	_ =	sdelay $0x1  }
0x260: {  	v11 =	vsub.f32 v11, v5;
	_ =	sdelay $0x1  }
0x261: {  	(erf) = vrcp.f32 v11;
	_ =	sdelay $0x6  }
0x262: {  	v11 =	vld [tilespmem:s29+$0x0];
	_ =	sdelay $0x1  }
0x263: {  	v12 =	vpop (erf)  }
0x264: {  	v5 =	vmul.f32 v12, v5;
	_ =	sdelay $0x1  }
0x265: {  	v12 =	vor.u32 s31, v2;
	vm0 =	vgt.f32 v5, v11;
	vm1 =	vgt.f32 v5, v4  }
0x266: {  	v11 =	vsel vm0, v5, v11;
	v4 =	vsel vm1, v5, v4;
	v3 =	vsel vm1, v12, v3  }
0x267: {  	[tilespmem:s29+$0x0] =	vst v11  }
0x268: {  	v5 =	vld [tilespmem:s30+$0x0]  }
.Ltmp4:
0x269: {  	(pc) =	sbr.rel @p0 .LBB2_10-.Ltmp4, $2  }
0x26a: {  	_ =	sdelay $0x2  }
0x26b: {  	s28 =	sadd.s32 $0x10, s28;
	s29 =	sadd.s32 $0x10, s29;
	s30 =	sadd.s32 $0x10, s30;
	v5 =	vsel vm0, $0x40400000, v5  }
0x26c: {  	(v2sf) =	vpush v4, $0x0  }
0x26d: {  	(v2sf) =	vpush v3, $0x0;
	_ =	sdelay $0x1  }
0x26e: {  	(v2sf) =	vpush v4, $0x1  }
0x26f: {  	(v2sf) =	vpush v3, $0x1;
	_ =	sdelay $0x4  }
0x270: {  	(v2sf) =	vpush v4, $0x2  }
0x271: {  	(v2sf) =	vpush v3, $0x2;
	_ =	sdelay $0x4  }
0x272: {  	s24 =	spop (v2sf);
	(v2sf) =	vpush v4, $0x3  }
0x273: {  	s23 =	spop (v2sf);
	(v2sf) =	vpush v3, $0x3;
	_ =	sdelay $0x1  }
0x274: {  	s25 =	spop (v2sf)  }
0x275: {  	s26 =	spop (v2sf);
	p0 =	seq.f32 s25, s24  }
0x276: {  	p1 =	slt.s32 s26, s23  }
0x277: {  	(v2sf) =	vpush v4, $0x4;
	p2 =	sgt.f32 s25, s24;
	p0 =	por !p0, !p1  }
0x278: {  	p0 =	por !p0, !p0  }
0x279: {  	p0 =	por p2, p0  }
0x27a: {  	(v2sf) =	vpush v3, $0x4;
	s24 =	smov.u32 @p0 s25;
	s25 =	spop (v2sf)  }
0x27b: {  	s23 =	smov.u32 @p0 s26;
	s26 =	spop (v2sf);
	p1 =	seq.f32 s25, s24  }
0x27c: {  	p2 =	slt.s32 s26, s23  }
0x27d: {  	p3 =	sgt.f32 s25, s24;
	p0 =	por !p1, !p2  }
0x27e: {  	p0 =	por !p0, !p0  }
0x27f: {  	(v2sf) =	vpush v4, $0x5;
	p0 =	por p3, p0  }
0x280: {  	(v2sf) =	vpush v3, $0x5;
	s24 =	smov.u32 @p0 s25;
	s25 =	spop (v2sf)  }
0x281: {  	s23 =	smov.u32 @p0 s26;
	s26 =	spop (v2sf);
	p4 =	seq.f32 s25, s24  }
0x282: {  	p5 =	slt.s32 s26, s23  }
0x283: {  	p6 =	sgt.f32 s25, s24;
	p0 =	por !p4, !p5  }
0x284: {  	p0 =	por !p0, !p0  }
0x285: {  	(v2sf) =	vpush v4, $0x6;
	p0 =	por p6, p0  }
0x286: {  	s24 =	smov.u32 @p0 s25;
	s25 =	spop (v2sf);
	(v2sf) =	vpush v3, $0x6;
	_ =	sdelay $0x2  }
0x287: {  	s23 =	smov.u32 @p0 s26;
	s26 =	spop (v2sf);
	p1 =	seq.f32 s25, s24  }
0x288: {  	p2 =	slt.s32 s26, s23  }
0x289: {  	p3 =	sgt.f32 s25, s24;
	(v2sf) =	vpush v4, $0x7;
	p0 =	por !p1, !p2  }
0x28a: {  	p0 =	por !p0, !p0  }
0x28b: {  	p0 =	por p3, p0  }
0x28c: {  	s24 =	smov.u32 @p0 s25;
	s25 =	spop (v2sf);
	(v2sf) =	vpush v3, $0x7  }
0x28d: {  	s23 =	smov.u32 @p0 s26;
	s26 =	spop (v2sf);
	p4 =	seq.f32 s25, s24  }
0x28e: {  	p5 =	slt.s32 s26, s23  }
0x28f: {  	p6 =	sgt.f32 s25, s24;
	p0 =	por !p4, !p5  }
0x290: {  	p0 =	por !p0, !p0  }
0x291: {  	(v2sf) =	vpush v4, $0x8;
	p0 =	por p6, p0  }
0x292: {  	s24 =	smov.u32 @p0 s25;
	s25 =	spop (v2sf);
	(v2sf) =	vpush v3, $0x8  }
0x293: {  	s23 =	smov.u32 @p0 s26;
	p1 =	seq.f32 s25, s24;
	s26 =	spop (v2sf)  }
0x294: {  	p2 =	slt.s32 s26, s23  }
0x295: {  	p3 =	sgt.f32 s25, s24;
	p0 =	por !p1, !p2  }
0x296: {  	p0 =	por !p0, !p0  }
0x297: {  	(v2sf) =	vpush v4, $0x9;
	p0 =	por p3, p0  }
0x298: {  	s24 =	smov.u32 @p0 s25;
	s25 =	spop (v2sf);
	(v2sf) =	vpush v3, $0x9;
	_ =	sdelay $0x2  }
0x299: {  	s23 =	smov.u32 @p0 s26;
	s26 =	spop (v2sf);
	p4 =	seq.f32 s25, s24  }
0x29a: {  	p5 =	slt.s32 s26, s23  }
0x29b: {  	p6 =	sgt.f32 s25, s24;
	(v2sf) =	vpush v4, $0xA;
	p0 =	por !p4, !p5  }
0x29c: {  	p0 =	por !p0, !p0  }
0x29d: {  	p0 =	por p6, p0  }
0x29e: {  	s24 =	smov.u32 @p0 s25;
	s25 =	spop (v2sf);
	(v2sf) =	vpush v3, $0xA  }
0x29f: {  	s23 =	smov.u32 @p0 s26;
	s26 =	spop (v2sf);
	p1 =	seq.f32 s25, s24  }
0x2a0: {  	p2 =	slt.s32 s26, s23  }
0x2a1: {  	p3 =	sgt.f32 s25, s24;
	p0 =	por !p1, !p2  }
0x2a2: {  	p0 =	por !p0, !p0  }
0x2a3: {  	(v2sf) =	vpush v4, $0xB;
	p0 =	por p3, p0  }
0x2a4: {  	s24 =	smov.u32 @p0 s25;
	s25 =	spop (v2sf);
	(v2sf) =	vpush v3, $0xB  }
0x2a5: {  	s23 =	smov.u32 @p0 s26;
	p4 =	seq.f32 s25, s24;
	s26 =	spop (v2sf)  }
0x2a6: {  	p5 =	slt.s32 s26, s23  }
0x2a7: {  	p6 =	sgt.f32 s25, s24;
	p0 =	por !p4, !p5  }
0x2a8: {  	p0 =	por !p0, !p0  }
0x2a9: {  	(v2sf) =	vpush v4, $0xC;
	p0 =	por p6, p0  }
0x2aa: {  	s24 =	smov.u32 @p0 s25;
	s25 =	spop (v2sf);
	(v2sf) =	vpush v3, $0xC;
	_ =	sdelay $0x2  }
0x2ab: {  	s23 =	smov.u32 @p0 s26;
	s26 =	spop (v2sf);
	p1 =	seq.f32 s25, s24  }
0x2ac: {  	p2 =	slt.s32 s26, s23  }
0x2ad: {  	p3 =	sgt.f32 s25, s24;
	(v2sf) =	vpush v4, $0xD;
	p0 =	por !p1, !p2  }
0x2ae: {  	(v2sf) =	vpush v3, $0xD;
	p0 =	por !p0, !p0  }
0x2af: {  	p0 =	por p3, p0  }
0x2b0: {  	s24 =	smov.u32 @p0 s25;
	s25 =	spop (v2sf)  }
0x2b1: {  	s23 =	smov.u32 @p0 s26;
	s26 =	spop (v2sf);
	p4 =	seq.f32 s25, s24  }
0x2b2: {  	p5 =	slt.s32 s26, s23  }
0x2b3: {  	(v2sf) =	vpush v4, $0xE;
	p6 =	sgt.f32 s25, s24;
	p0 =	por !p4, !p5  }
0x2b4: {  	(v2sf) =	vpush v3, $0xE;
	p0 =	por !p0, !p0  }
0x2b5: {  	p0 =	por p6, p0  }
0x2b6: {  	s24 =	smov.u32 @p0 s25;
	s25 =	spop (v2sf)  }
0x2b7: {  	s23 =	smov.u32 @p0 s26;
	p1 =	seq.f32 s25, s24;
	s26 =	spop (v2sf)  }
0x2b8: {  	(v2sf) =	vpush v4, $0xF;
	p2 =	slt.s32 s26, s23  }
0x2b9: {  	p3 =	sgt.f32 s25, s24;
	(v2sf) =	vpush v3, $0xF;
	p0 =	por !p1, !p2  }
0x2ba: {  	p0 =	por !p0, !p0  }
0x2bb: {  	p0 =	por p3, p0  }
0x2bc: {  	s28 =	spop (v2sf);
	s24 =	smov.u32 @p0 s25  }
0x2bd: {  	s29 =	spop (v2sf);
	s23 =	smov.u32 @p0 s26;
	p4 =	seq.f32 s28, s24  }
0x2be: {  	p5 =	slt.s32 s29, s23  }
0x2bf: {  	p6 =	sgt.f32 s28, s24;
	p0 =	por !p4, !p5  }
0x2c0: {  	p0 =	por !p0, !p0  }
0x2c1: {  	p0 =	por p6, p0  }
0x2c2: {  	s25 =	spop (v2sf);
	s24 =	smov.u32 @p0 s28  }
0x2c3: {  	s26 =	spop (v2sf);
	s23 =	smov.u32 @p0 s29;
	p2 =	seq.f32 s25, s24  }
0x2c4: {  	p3 =	slt.s32 s26, s23  }
0x2c5: {  	p4 =	sgt.f32 s25, s24;
	p0 =	por !p2, !p3  }
0x2c6: {  	p0 =	por !p0, !p0  }
0x2c7: {  	s28 =	spop (v2sf);
	p0 =	por p4, p0  }
0x2c8: {  	s24 =	smov.u32 @p0 s25;
	s23 =	smov.u32 @p0 s26;
	s25 =	spop (v2sf)  }
0x2c9: {  	p0 =	seq.f32 s28, s24;
	p1 =	slt.s32 s25, s23;
	s26 =	smov.u32 s23  }
0x2ca: {  	p2 =	sgt.f32 s28, s24;
	s26 =	smov.u32 @p1 s25  }
0x2cb: {  	s23 =	smov.u32 @p0 s26  }
0x2cc: {  	s23 =	smov.u32 @p2 s25  }
0x2cd: {  	s26 =	sshra.s32 s23, $0x1F  }
0x2ce: {  	s24 =	sshrl.u32 s26, $0x1C  }
0x2cf: {  	s24 =	sadd.s32 s24, s23  }
0x2d0: {  	s31 =	sand.u32 $0xFFFFFFF0, s24  }
0x2d1: {  	p5 =	slt.s32 s23, $0x1;
	p6 =	sne.s32 s23, s31  }
0x2d2: {  	p0 =	por !p5, !p6  }
0x2d3: {  	s25 =	simm.s32 $0x1;
	p0 =	por !p0, !p0  }
0x2d4: {  	s24 =	sshrl.u32 s24, $0x4;
	s25 =	simm.s32 @!p0 $0x0  }
0x2d5: {  	s24 =	ssub.s32 s24, s25  }
0x2d6: {  	[tilespmem:s22+$0x0] =	vst v5;
	s25 =	sshll.u32 s24, $0x4  }
0x2d7: {  	v3 =	vld [tilespmem:s25+$0x9E00]  }
0x2d8: {  	v4 =	vld [tilespmem:s25+$0xC080]  }
0x2d9: {  	s23 =	sand.u32 $0xF, s23  }
0x2da: {  	v5 =	vmov s23  }
0x2db: {  	vm0 =	veq.s32 v5, v2  }
0x2dc: {  	v3 =	vsel vm0, $0x40000000, v3  }
0x2dd: {  	[tilespmem:s25+$0x9E00] =	vst v3;
	v3 =	vsel vm0, $0x40400000, v4  }
0x2de: {  	[tilespmem:s25+$0xC080] =	vst v3  }
0x2df: {  	v6 =	vld [tilespmem:$0x9200]  }
0x2e0: {  	v7 =	vld [tilespmem:$0x9280]  }
0x2e1: {  	v8 =	vld [tilespmem:$0x9300]  }
0x2e2: {  	s23 =	simm.s32 $0x4500;
	v9 =	vld [tilespmem:$0x9380]  }
0x2e3: {  	s24 =	simm.s32 $0x0;
	v3 =	vld [tilespmem:s23+$0x0]  }
0x2e4: {  	s26 =	simm.s32 $0x6780;
	v4 =	vld [tilespmem:s24+$0x0]  }
0x2e5: {  	s25 =	simm.s32 $0x2280;
	v5 =	vld [tilespmem:s26+$0x0]  }
0x2e6: {  	v10 =	vld [tilespmem:s25+$0x0];
	_ =	sdelay $0x2  }
0x2e7: {  	v11 =	vsub.f32 v8, v6;
	v12 =	vsub.f32 v9, v7  }
0x2e8: {  	v13 =	vsub.f32 v3, v4;
	v3 =	vmin.f32 v3, v8;
	v4 =	vmax.f32 v4, v6  }
0x2e9: {  	v14 =	vsub.f32 v5, v10;
	v5 =	vmin.f32 v5, v9;
	v10 =	vmax.f32 v10, v7  }
0x2ea: {  	v3 =	vsub.f32 v3, v4;
	v4 =	vsub.f32 v5, v10  }
0x2eb: {  	v10 =	vmul.f32 v12, v11;
	v5 =	vmul.f32 v14, v13  }
0x2ec: {  	v3 =	vmax.f32 v3, $0.0e+00;
	v4 =	vmax.f32 v4, $0.0e+00  }
0x2ed: {  	v3 =	vmul.f32 v4, v3;
	v4 =	vadd.f32 v5, v10;
	_ =	sdelay $0x1  }
0x2ee: {  	v4 =	vsub.f32 v4, v3;
	_ =	sdelay $0x1  }
0x2ef: {  	(erf) = vrcp.f32 v4;
	_ =	sdelay $0x5  }
0x2f0: {  	s31 =	simm.s32 $0x9E00  }
0x2f1: {  	v4 =	vld [tilespmem:s31+$0x0];
	_ =	sdelay $0x1  }
0x2f2: {  	v5 =	vpop (erf)  }
0x2f3: {  	v3 =	vmul.f32 v5, v3;
	_ =	sdelay $0x1  }
0x2f4: {  	vm15 =	vgt.f32 v3, v4  }
0x2f5: {  	v4 =	vsel vm15, v3, v4  }
0x2f6: {  	s22 =	simm.s32 $0xC080;
	[tilespmem:s31+$0x0] =	vst v4  }
0x2f7: {  	v5 =	vld [tilespmem:s22+$0x0];
	_ =	sdelay $0x2  }
0x2f8: {  	v4 =	vimm.f32 $-2.000000000e+00  }
0x2f9: {  	s30 =	simm.s32 $0xC090;
	v63 =	vor.u32 s24, v2;
	v11 =	vimm.s32 $0x0;
	vm1 =	vgt.f32 v3, v4  }
0x2fa: {  	s29 =	simm.s32 $0x9E10;
	s28 =	simm.s32 $0x6790;
	s26 =	simm.s32 $0x10;
	v4 =	vsel vm1, v3, v4;
	v3 =	vsel vm1, v63, v11;
	v5 =	vsel vm15, $0x40800000, v5  }
.LBB2_12:
0x2fb: {  	[tilespmem:s22+$0x0] =	vst v5;
	s24 =	sadd.s32 $0x10, s24;
	s25 =	sadd.s32 $0x10, s25;
	s23 =	sadd.s32 $0x10, s23  }
0x2fc: {  	p0 =	sne.s32 s26, $0x2270;
	s31 =	smov.u32 s26;
	s26 =	sadd.s32 $0x10, s26;
	v5 =	vld [tilespmem:s23+$0x0]  }
0x2fd: {  	s22 =	smov.u32 s30;
	v11 =	vld [tilespmem:s24+$0x0]  }
0x2fe: {  	v12 =	vld [tilespmem:s28+$0x0]  }
0x2ff: {  	v13 =	vld [tilespmem:s25+$0x0];
	_ =	sdelay $0x2  }
0x300: {  	v14 =	vsub.f32 v5, v11;
	v5 =	vmin.f32 v5, v8;
	v11 =	vmax.f32 v11, v6  }
0x301: {  	v5 =	vsub.f32 v5, v11  }
0x302: {  	v11 =	vsub.f32 v12, v13;
	v12 =	vmin.f32 v12, v9;
	v13 =	vmax.f32 v13, v7  }
0x303: {  	v12 =	vsub.f32 v12, v13  }
0x304: {  	v11 =	vmul.f32 v11, v14  }
0x305: {  	v5 =	vmax.f32 v5, $0.0e+00;
	v12 =	vmax.f32 v12, $0.0e+00  }
0x306: {  	v5 =	vmul.f32 v12, v5;
	v11 =	vadd.f32 v11, v10;
	_ =	sdelay $0x1  }
0x307: {  	v11 =	vsub.f32 v11, v5;
	_ =	sdelay $0x1  }
0x308: {  	(erf) = vrcp.f32 v11;
	_ =	sdelay $0x6  }
0x309: {  	v11 =	vld [tilespmem:s29+$0x0];
	_ =	sdelay $0x1  }
0x30a: {  	v12 =	vpop (erf)  }
0x30b: {  	v5 =	vmul.f32 v12, v5;
	_ =	sdelay $0x1  }
0x30c: {  	v12 =	vor.u32 s31, v2;
	vm0 =	vgt.f32 v5, v11;
	vm1 =	vgt.f32 v5, v4  }
0x30d: {  	v11 =	vsel vm0, v5, v11;
	v4 =	vsel vm1, v5, v4;
	v3 =	vsel vm1, v12, v3  }
0x30e: {  	[tilespmem:s29+$0x0] =	vst v11  }
0x30f: {  	v5 =	vld [tilespmem:s30+$0x0]  }
.Ltmp5:
0x310: {  	(pc) =	sbr.rel @p0 .LBB2_12-.Ltmp5, $2  }
0x311: {  	_ =	sdelay $0x2  }
0x312: {  	s28 =	sadd.s32 $0x10, s28;
	s29 =	sadd.s32 $0x10, s29;
	s30 =	sadd.s32 $0x10, s30;
	v5 =	vsel vm0, $0x40800000, v5  }
0x313: {  	(v2sf) =	vpush v4, $0x0  }
0x314: {  	(v2sf) =	vpush v3, $0x0;
	_ =	sdelay $0x1  }
0x315: {  	(v2sf) =	vpush v4, $0x1  }
0x316: {  	(v2sf) =	vpush v3, $0x1;
	_ =	sdelay $0x4  }
0x317: {  	(v2sf) =	vpush v4, $0x2  }
0x318: {  	(v2sf) =	vpush v3, $0x2;
	_ =	sdelay $0x4  }
0x319: {  	s24 =	spop (v2sf);
	(v2sf) =	vpush v4, $0x3  }
0x31a: {  	s23 =	spop (v2sf);
	(v2sf) =	vpush v3, $0x3;
	_ =	sdelay $0x1  }
0x31b: {  	s25 =	spop (v2sf)  }
0x31c: {  	s26 =	spop (v2sf);
	p0 =	seq.f32 s25, s24  }
0x31d: {  	p1 =	slt.s32 s26, s23  }
0x31e: {  	(v2sf) =	vpush v4, $0x4;
	p2 =	sgt.f32 s25, s24;
	p0 =	por !p0, !p1  }
0x31f: {  	p0 =	por !p0, !p0  }
0x320: {  	p0 =	por p2, p0  }
0x321: {  	(v2sf) =	vpush v3, $0x4;
	s24 =	smov.u32 @p0 s25;
	s25 =	spop (v2sf)  }
0x322: {  	s23 =	smov.u32 @p0 s26;
	s26 =	spop (v2sf);
	p1 =	seq.f32 s25, s24  }
0x323: {  	p2 =	slt.s32 s26, s23  }
0x324: {  	p3 =	sgt.f32 s25, s24;
	p0 =	por !p1, !p2  }
0x325: {  	p0 =	por !p0, !p0  }
0x326: {  	(v2sf) =	vpush v4, $0x5;
	p0 =	por p3, p0  }
0x327: {  	(v2sf) =	vpush v3, $0x5;
	s24 =	smov.u32 @p0 s25;
	s25 =	spop (v2sf)  }
0x328: {  	s23 =	smov.u32 @p0 s26;
	s26 =	spop (v2sf);
	p4 =	seq.f32 s25, s24  }
0x329: {  	p5 =	slt.s32 s26, s23  }
0x32a: {  	p6 =	sgt.f32 s25, s24;
	p0 =	por !p4, !p5  }
0x32b: {  	p0 =	por !p0, !p0  }
0x32c: {  	(v2sf) =	vpush v4, $0x6;
	p0 =	por p6, p0  }
0x32d: {  	s24 =	smov.u32 @p0 s25;
	s25 =	spop (v2sf);
	(v2sf) =	vpush v3, $0x6;
	_ =	sdelay $0x2  }
0x32e: {  	s23 =	smov.u32 @p0 s26;
	s26 =	spop (v2sf);
	p1 =	seq.f32 s25, s24  }
0x32f: {  	p2 =	slt.s32 s26, s23  }
0x330: {  	p3 =	sgt.f32 s25, s24;
	(v2sf) =	vpush v4, $0x7;
	p0 =	por !p1, !p2  }
0x331: {  	p0 =	por !p0, !p0  }
0x332: {  	p0 =	por p3, p0  }
0x333: {  	s24 =	smov.u32 @p0 s25;
	s25 =	spop (v2sf);
	(v2sf) =	vpush v3, $0x7  }
0x334: {  	s23 =	smov.u32 @p0 s26;
	s26 =	spop (v2sf);
	p4 =	seq.f32 s25, s24  }
0x335: {  	p5 =	slt.s32 s26, s23  }
0x336: {  	p6 =	sgt.f32 s25, s24;
	p0 =	por !p4, !p5  }
0x337: {  	p0 =	por !p0, !p0  }
0x338: {  	(v2sf) =	vpush v4, $0x8;
	p0 =	por p6, p0  }
0x339: {  	s24 =	smov.u32 @p0 s25;
	s25 =	spop (v2sf);
	(v2sf) =	vpush v3, $0x8  }
0x33a: {  	s23 =	smov.u32 @p0 s26;
	p1 =	seq.f32 s25, s24;
	s26 =	spop (v2sf)  }
0x33b: {  	p2 =	slt.s32 s26, s23  }
0x33c: {  	p3 =	sgt.f32 s25, s24;
	p0 =	por !p1, !p2  }
0x33d: {  	p0 =	por !p0, !p0  }
0x33e: {  	(v2sf) =	vpush v4, $0x9;
	p0 =	por p3, p0  }
0x33f: {  	s24 =	smov.u32 @p0 s25;
	s25 =	spop (v2sf);
	(v2sf) =	vpush v3, $0x9;
	_ =	sdelay $0x2  }
0x340: {  	s23 =	smov.u32 @p0 s26;
	s26 =	spop (v2sf);
	p4 =	seq.f32 s25, s24  }
0x341: {  	p5 =	slt.s32 s26, s23  }
0x342: {  	p6 =	sgt.f32 s25, s24;
	(v2sf) =	vpush v4, $0xA;
	p0 =	por !p4, !p5  }
0x343: {  	p0 =	por !p0, !p0  }
0x344: {  	p0 =	por p6, p0  }
0x345: {  	s24 =	smov.u32 @p0 s25;
	s25 =	spop (v2sf);
	(v2sf) =	vpush v3, $0xA  }
0x346: {  	s23 =	smov.u32 @p0 s26;
	s26 =	spop (v2sf);
	p1 =	seq.f32 s25, s24  }
0x347: {  	p2 =	slt.s32 s26, s23  }
0x348: {  	p3 =	sgt.f32 s25, s24;
	p0 =	por !p1, !p2  }
0x349: {  	p0 =	por !p0, !p0  }
0x34a: {  	(v2sf) =	vpush v4, $0xB;
	p0 =	por p3, p0  }
0x34b: {  	s24 =	smov.u32 @p0 s25;
	s25 =	spop (v2sf);
	(v2sf) =	vpush v3, $0xB  }
0x34c: {  	s23 =	smov.u32 @p0 s26;
	p4 =	seq.f32 s25, s24;
	s26 =	spop (v2sf)  }
0x34d: {  	p5 =	slt.s32 s26, s23  }
0x34e: {  	p6 =	sgt.f32 s25, s24;
	p0 =	por !p4, !p5  }
0x34f: {  	p0 =	por !p0, !p0  }
0x350: {  	(v2sf) =	vpush v4, $0xC;
	p0 =	por p6, p0  }
0x351: {  	s24 =	smov.u32 @p0 s25;
	s25 =	spop (v2sf);
	(v2sf) =	vpush v3, $0xC;
	_ =	sdelay $0x2  }
0x352: {  	s23 =	smov.u32 @p0 s26;
	s26 =	spop (v2sf);
	p1 =	seq.f32 s25, s24  }
0x353: {  	p2 =	slt.s32 s26, s23  }
0x354: {  	p3 =	sgt.f32 s25, s24;
	(v2sf) =	vpush v4, $0xD;
	p0 =	por !p1, !p2  }
0x355: {  	(v2sf) =	vpush v3, $0xD;
	p0 =	por !p0, !p0  }
0x356: {  	p0 =	por p3, p0  }
0x357: {  	s24 =	smov.u32 @p0 s25;
	s25 =	spop (v2sf)  }
0x358: {  	s23 =	smov.u32 @p0 s26;
	s26 =	spop (v2sf);
	p4 =	seq.f32 s25, s24  }
0x359: {  	p5 =	slt.s32 s26, s23  }
0x35a: {  	(v2sf) =	vpush v4, $0xE;
	p6 =	sgt.f32 s25, s24;
	p0 =	por !p4, !p5  }
0x35b: {  	(v2sf) =	vpush v3, $0xE;
	p0 =	por !p0, !p0  }
0x35c: {  	p0 =	por p6, p0  }
0x35d: {  	s24 =	smov.u32 @p0 s25;
	s25 =	spop (v2sf)  }
0x35e: {  	s23 =	smov.u32 @p0 s26;
	p1 =	seq.f32 s25, s24;
	s26 =	spop (v2sf)  }
0x35f: {  	(v2sf) =	vpush v4, $0xF;
	p2 =	slt.s32 s26, s23  }
0x360: {  	p3 =	sgt.f32 s25, s24;
	(v2sf) =	vpush v3, $0xF;
	p0 =	por !p1, !p2  }
0x361: {  	p0 =	por !p0, !p0  }
0x362: {  	p0 =	por p3, p0  }
0x363: {  	s28 =	spop (v2sf);
	s24 =	smov.u32 @p0 s25  }
0x364: {  	s29 =	spop (v2sf);
	s23 =	smov.u32 @p0 s26;
	p4 =	seq.f32 s28, s24  }
0x365: {  	p5 =	slt.s32 s29, s23  }
0x366: {  	p6 =	sgt.f32 s28, s24;
	p0 =	por !p4, !p5  }
0x367: {  	p0 =	por !p0, !p0  }
0x368: {  	p0 =	por p6, p0  }
0x369: {  	s25 =	spop (v2sf);
	s24 =	smov.u32 @p0 s28  }
0x36a: {  	s26 =	spop (v2sf);
	s23 =	smov.u32 @p0 s29;
	p2 =	seq.f32 s25, s24  }
0x36b: {  	p3 =	slt.s32 s26, s23  }
0x36c: {  	p4 =	sgt.f32 s25, s24;
	p0 =	por !p2, !p3  }
0x36d: {  	p0 =	por !p0, !p0  }
0x36e: {  	s28 =	spop (v2sf);
	p0 =	por p4, p0  }
0x36f: {  	s24 =	smov.u32 @p0 s25;
	s23 =	smov.u32 @p0 s26;
	s25 =	spop (v2sf)  }
0x370: {  	p0 =	seq.f32 s28, s24;
	p1 =	slt.s32 s25, s23;
	s26 =	smov.u32 s23  }
0x371: {  	p2 =	sgt.f32 s28, s24;
	s26 =	smov.u32 @p1 s25  }
0x372: {  	s23 =	smov.u32 @p0 s26  }
0x373: {  	s23 =	smov.u32 @p2 s25  }
0x374: {  	s26 =	sshra.s32 s23, $0x1F  }
0x375: {  	s24 =	sshrl.u32 s26, $0x1C  }
0x376: {  	s24 =	sadd.s32 s24, s23  }
0x377: {  	s31 =	sand.u32 $0xFFFFFFF0, s24  }
0x378: {  	p5 =	slt.s32 s23, $0x1;
	p6 =	sne.s32 s23, s31  }
0x379: {  	p0 =	por !p5, !p6  }
0x37a: {  	s25 =	simm.s32 $0x1;
	p0 =	por !p0, !p0  }
0x37b: {  	s24 =	sshrl.u32 s24, $0x4;
	s25 =	simm.s32 @!p0 $0x0  }
0x37c: {  	s24 =	ssub.s32 s24, s25  }
0x37d: {  	[tilespmem:s22+$0x0] =	vst v5;
	s25 =	sshll.u32 s24, $0x4  }
0x37e: {  	v3 =	vld [tilespmem:s25+$0x9E00]  }
0x37f: {  	v4 =	vld [tilespmem:s25+$0xC080]  }
0x380: {  	s23 =	sand.u32 $0xF, s23  }
0x381: {  	v5 =	vmov s23  }
0x382: {  	vm0 =	veq.s32 v5, v2  }
0x383: {  	v3 =	vsel vm0, $0x40000000, v3  }
0x384: {  	[tilespmem:s25+$0x9E00] =	vst v3;
	v3 =	vsel vm0, $0x40800000, v4  }
0x385: {  	[tilespmem:s25+$0xC080] =	vst v3  }
0x386: {  	v6 =	vld [tilespmem:$0x9400]  }
0x387: {  	v7 =	vld [tilespmem:$0x9480]  }
0x388: {  	v8 =	vld [tilespmem:$0x9500]  }
0x389: {  	s23 =	simm.s32 $0x4500;
	v9 =	vld [tilespmem:$0x9580]  }
0x38a: {  	s24 =	simm.s32 $0x0;
	v3 =	vld [tilespmem:s23+$0x0]  }
0x38b: {  	s26 =	simm.s32 $0x6780;
	v4 =	vld [tilespmem:s24+$0x0]  }
0x38c: {  	s25 =	simm.s32 $0x2280;
	v5 =	vld [tilespmem:s26+$0x0]  }
0x38d: {  	v10 =	vld [tilespmem:s25+$0x0];
	_ =	sdelay $0x2  }
0x38e: {  	v11 =	vsub.f32 v8, v6;
	v12 =	vsub.f32 v9, v7  }
0x38f: {  	v13 =	vsub.f32 v3, v4;
	v3 =	vmin.f32 v3, v8;
	v4 =	vmax.f32 v4, v6  }
0x390: {  	v14 =	vsub.f32 v5, v10;
	v5 =	vmin.f32 v5, v9;
	v10 =	vmax.f32 v10, v7  }
0x391: {  	v3 =	vsub.f32 v3, v4;
	v4 =	vsub.f32 v5, v10  }
0x392: {  	v10 =	vmul.f32 v12, v11;
	v5 =	vmul.f32 v14, v13  }
0x393: {  	v3 =	vmax.f32 v3, $0.0e+00;
	v4 =	vmax.f32 v4, $0.0e+00  }
0x394: {  	v3 =	vmul.f32 v4, v3;
	v4 =	vadd.f32 v5, v10;
	_ =	sdelay $0x1  }
0x395: {  	v4 =	vsub.f32 v4, v3;
	_ =	sdelay $0x1  }
0x396: {  	(erf) = vrcp.f32 v4;
	_ =	sdelay $0x5  }
0x397: {  	s31 =	simm.s32 $0x9E00  }
0x398: {  	v4 =	vld [tilespmem:s31+$0x0];
	_ =	sdelay $0x1  }
0x399: {  	v5 =	vpop (erf)  }
0x39a: {  	v3 =	vmul.f32 v5, v3;
	_ =	sdelay $0x1  }
0x39b: {  	vm15 =	vgt.f32 v3, v4  }
0x39c: {  	v4 =	vsel vm15, v3, v4  }
0x39d: {  	s22 =	simm.s32 $0xC080;
	[tilespmem:s31+$0x0] =	vst v4  }
0x39e: {  	v5 =	vld [tilespmem:s22+$0x0];
	_ =	sdelay $0x2  }
0x39f: {  	v4 =	vimm.f32 $-2.000000000e+00  }
0x3a0: {  	s30 =	simm.s32 $0xC090;
	v63 =	vor.u32 s24, v2;
	v11 =	vimm.s32 $0x0;
	vm1 =	vgt.f32 v3, v4  }
0x3a1: {  	s29 =	simm.s32 $0x9E10;
	s28 =	simm.s32 $0x6790;
	s26 =	simm.s32 $0x10;
	v4 =	vsel vm1, v3, v4;
	v3 =	vsel vm1, v63, v11;
	v5 =	vsel vm15, $0x40A00000, v5  }
.LBB2_14:
0x3a2: {  	[tilespmem:s22+$0x0] =	vst v5;
	s24 =	sadd.s32 $0x10, s24;
	s25 =	sadd.s32 $0x10, s25;
	s23 =	sadd.s32 $0x10, s23  }
0x3a3: {  	p0 =	sne.s32 s26, $0x2270;
	s31 =	smov.u32 s26;
	s26 =	sadd.s32 $0x10, s26;
	v5 =	vld [tilespmem:s23+$0x0]  }
0x3a4: {  	s22 =	smov.u32 s30;
	v11 =	vld [tilespmem:s24+$0x0]  }
0x3a5: {  	v12 =	vld [tilespmem:s28+$0x0]  }
0x3a6: {  	v13 =	vld [tilespmem:s25+$0x0];
	_ =	sdelay $0x2  }
0x3a7: {  	v14 =	vsub.f32 v5, v11;
	v5 =	vmin.f32 v5, v8;
	v11 =	vmax.f32 v11, v6  }
0x3a8: {  	v5 =	vsub.f32 v5, v11  }
0x3a9: {  	v11 =	vsub.f32 v12, v13;
	v12 =	vmin.f32 v12, v9;
	v13 =	vmax.f32 v13, v7  }
0x3aa: {  	v12 =	vsub.f32 v12, v13  }
0x3ab: {  	v11 =	vmul.f32 v11, v14  }
0x3ac: {  	v5 =	vmax.f32 v5, $0.0e+00;
	v12 =	vmax.f32 v12, $0.0e+00  }
0x3ad: {  	v5 =	vmul.f32 v12, v5;
	v11 =	vadd.f32 v11, v10;
	_ =	sdelay $0x1  }
0x3ae: {  	v11 =	vsub.f32 v11, v5;
	_ =	sdelay $0x1  }
0x3af: {  	(erf) = vrcp.f32 v11;
	_ =	sdelay $0x6  }
0x3b0: {  	v11 =	vld [tilespmem:s29+$0x0];
	_ =	sdelay $0x1  }
0x3b1: {  	v12 =	vpop (erf)  }
0x3b2: {  	v5 =	vmul.f32 v12, v5;
	_ =	sdelay $0x1  }
0x3b3: {  	v12 =	vor.u32 s31, v2;
	vm0 =	vgt.f32 v5, v11;
	vm1 =	vgt.f32 v5, v4  }
0x3b4: {  	v11 =	vsel vm0, v5, v11;
	v4 =	vsel vm1, v5, v4;
	v3 =	vsel vm1, v12, v3  }
0x3b5: {  	[tilespmem:s29+$0x0] =	vst v11  }
0x3b6: {  	v5 =	vld [tilespmem:s30+$0x0]  }
.Ltmp6:
0x3b7: {  	(pc) =	sbr.rel @p0 .LBB2_14-.Ltmp6, $2  }
0x3b8: {  	_ =	sdelay $0x2  }
0x3b9: {  	s28 =	sadd.s32 $0x10, s28;
	s29 =	sadd.s32 $0x10, s29;
	s30 =	sadd.s32 $0x10, s30;
	v5 =	vsel vm0, $0x40A00000, v5  }
0x3ba: {  	(v2sf) =	vpush v4, $0x0  }
0x3bb: {  	(v2sf) =	vpush v3, $0x0;
	_ =	sdelay $0x1  }
0x3bc: {  	(v2sf) =	vpush v4, $0x1  }
0x3bd: {  	(v2sf) =	vpush v3, $0x1;
	_ =	sdelay $0x4  }
0x3be: {  	(v2sf) =	vpush v4, $0x2  }
0x3bf: {  	(v2sf) =	vpush v3, $0x2;
	_ =	sdelay $0x4  }
0x3c0: {  	s24 =	spop (v2sf);
	(v2sf) =	vpush v4, $0x3  }
0x3c1: {  	s23 =	spop (v2sf);
	(v2sf) =	vpush v3, $0x3;
	_ =	sdelay $0x1  }
0x3c2: {  	s25 =	spop (v2sf)  }
0x3c3: {  	s26 =	spop (v2sf);
	p0 =	seq.f32 s25, s24  }
0x3c4: {  	p1 =	slt.s32 s26, s23  }
0x3c5: {  	(v2sf) =	vpush v4, $0x4;
	p2 =	sgt.f32 s25, s24;
	p0 =	por !p0, !p1  }
0x3c6: {  	p0 =	por !p0, !p0  }
0x3c7: {  	p0 =	por p2, p0  }
0x3c8: {  	(v2sf) =	vpush v3, $0x4;
	s24 =	smov.u32 @p0 s25;
	s25 =	spop (v2sf)  }
0x3c9: {  	s23 =	smov.u32 @p0 s26;
	s26 =	spop (v2sf);
	p1 =	seq.f32 s25, s24  }
0x3ca: {  	p2 =	slt.s32 s26, s23  }
0x3cb: {  	p3 =	sgt.f32 s25, s24;
	p0 =	por !p1, !p2  }
0x3cc: {  	p0 =	por !p0, !p0  }
0x3cd: {  	(v2sf) =	vpush v4, $0x5;
	p0 =	por p3, p0  }
0x3ce: {  	(v2sf) =	vpush v3, $0x5;
	s24 =	smov.u32 @p0 s25;
	s25 =	spop (v2sf)  }
0x3cf: {  	s23 =	smov.u32 @p0 s26;
	s26 =	spop (v2sf);
	p4 =	seq.f32 s25, s24  }
0x3d0: {  	p5 =	slt.s32 s26, s23  }
0x3d1: {  	p6 =	sgt.f32 s25, s24;
	p0 =	por !p4, !p5  }
0x3d2: {  	p0 =	por !p0, !p0  }
0x3d3: {  	(v2sf) =	vpush v4, $0x6;
	p0 =	por p6, p0  }
0x3d4: {  	s24 =	smov.u32 @p0 s25;
	s25 =	spop (v2sf);
	(v2sf) =	vpush v3, $0x6;
	_ =	sdelay $0x2  }
0x3d5: {  	s23 =	smov.u32 @p0 s26;
	s26 =	spop (v2sf);
	p1 =	seq.f32 s25, s24  }
0x3d6: {  	p2 =	slt.s32 s26, s23  }
0x3d7: {  	p3 =	sgt.f32 s25, s24;
	(v2sf) =	vpush v4, $0x7;
	p0 =	por !p1, !p2  }
0x3d8: {  	p0 =	por !p0, !p0  }
0x3d9: {  	p0 =	por p3, p0  }
0x3da: {  	s24 =	smov.u32 @p0 s25;
	s25 =	spop (v2sf);
	(v2sf) =	vpush v3, $0x7  }
0x3db: {  	s23 =	smov.u32 @p0 s26;
	s26 =	spop (v2sf);
	p4 =	seq.f32 s25, s24  }
0x3dc: {  	p5 =	slt.s32 s26, s23  }
0x3dd: {  	p6 =	sgt.f32 s25, s24;
	p0 =	por !p4, !p5  }
0x3de: {  	p0 =	por !p0, !p0  }
0x3df: {  	(v2sf) =	vpush v4, $0x8;
	p0 =	por p6, p0  }
0x3e0: {  	s24 =	smov.u32 @p0 s25;
	s25 =	spop (v2sf);
	(v2sf) =	vpush v3, $0x8  }
0x3e1: {  	s23 =	smov.u32 @p0 s26;
	p1 =	seq.f32 s25, s24;
	s26 =	spop (v2sf)  }
0x3e2: {  	p2 =	slt.s32 s26, s23  }
0x3e3: {  	p3 =	sgt.f32 s25, s24;
	p0 =	por !p1, !p2  }
0x3e4: {  	p0 =	por !p0, !p0  }
0x3e5: {  	(v2sf) =	vpush v4, $0x9;
	p0 =	por p3, p0  }
0x3e6: {  	s24 =	smov.u32 @p0 s25;
	s25 =	spop (v2sf);
	(v2sf) =	vpush v3, $0x9;
	_ =	sdelay $0x2  }
0x3e7: {  	s23 =	smov.u32 @p0 s26;
	s26 =	spop (v2sf);
	p4 =	seq.f32 s25, s24  }
0x3e8: {  	p5 =	slt.s32 s26, s23  }
0x3e9: {  	p6 =	sgt.f32 s25, s24;
	(v2sf) =	vpush v4, $0xA;
	p0 =	por !p4, !p5  }
0x3ea: {  	p0 =	por !p0, !p0  }
0x3eb: {  	p0 =	por p6, p0  }
0x3ec: {  	s24 =	smov.u32 @p0 s25;
	s25 =	spop (v2sf);
	(v2sf) =	vpush v3, $0xA  }
0x3ed: {  	s23 =	smov.u32 @p0 s26;
	s26 =	spop (v2sf);
	p1 =	seq.f32 s25, s24  }
0x3ee: {  	p2 =	slt.s32 s26, s23  }
0x3ef: {  	p3 =	sgt.f32 s25, s24;
	p0 =	por !p1, !p2  }
0x3f0: {  	p0 =	por !p0, !p0  }
0x3f1: {  	(v2sf) =	vpush v4, $0xB;
	p0 =	por p3, p0  }
0x3f2: {  	s24 =	smov.u32 @p0 s25;
	s25 =	spop (v2sf);
	(v2sf) =	vpush v3, $0xB  }
0x3f3: {  	s23 =	smov.u32 @p0 s26;
	p4 =	seq.f32 s25, s24;
	s26 =	spop (v2sf)  }
0x3f4: {  	p5 =	slt.s32 s26, s23  }
0x3f5: {  	p6 =	sgt.f32 s25, s24;
	p0 =	por !p4, !p5  }
0x3f6: {  	p0 =	por !p0, !p0  }
0x3f7: {  	(v2sf) =	vpush v4, $0xC;
	p0 =	por p6, p0  }
0x3f8: {  	s24 =	smov.u32 @p0 s25;
	s25 =	spop (v2sf);
	(v2sf) =	vpush v3, $0xC;
	_ =	sdelay $0x2  }
0x3f9: {  	s23 =	smov.u32 @p0 s26;
	s26 =	spop (v2sf);
	p1 =	seq.f32 s25, s24  }
0x3fa: {  	p2 =	slt.s32 s26, s23  }
0x3fb: {  	p3 =	sgt.f32 s25, s24;
	(v2sf) =	vpush v4, $0xD;
	p0 =	por !p1, !p2  }
0x3fc: {  	(v2sf) =	vpush v3, $0xD;
	p0 =	por !p0, !p0  }
0x3fd: {  	p0 =	por p3, p0  }
0x3fe: {  	s24 =	smov.u32 @p0 s25;
	s25 =	spop (v2sf)  }
0x3ff: {  	s23 =	smov.u32 @p0 s26;
	s26 =	spop (v2sf);
	p4 =	seq.f32 s25, s24  }
0x400: {  	p5 =	slt.s32 s26, s23  }
0x401: {  	(v2sf) =	vpush v4, $0xE;
	p6 =	sgt.f32 s25, s24;
	p0 =	por !p4, !p5  }
0x402: {  	(v2sf) =	vpush v3, $0xE;
	p0 =	por !p0, !p0  }
0x403: {  	p0 =	por p6, p0  }
0x404: {  	s24 =	smov.u32 @p0 s25;
	s25 =	spop (v2sf)  }
0x405: {  	s23 =	smov.u32 @p0 s26;
	p1 =	seq.f32 s25, s24;
	s26 =	spop (v2sf)  }
0x406: {  	(v2sf) =	vpush v4, $0xF;
	p2 =	slt.s32 s26, s23  }
0x407: {  	p3 =	sgt.f32 s25, s24;
	(v2sf) =	vpush v3, $0xF;
	p0 =	por !p1, !p2  }
0x408: {  	p0 =	por !p0, !p0  }
0x409: {  	p0 =	por p3, p0  }
0x40a: {  	s28 =	spop (v2sf);
	s24 =	smov.u32 @p0 s25  }
0x40b: {  	s29 =	spop (v2sf);
	s23 =	smov.u32 @p0 s26;
	p4 =	seq.f32 s28, s24  }
0x40c: {  	p5 =	slt.s32 s29, s23  }
0x40d: {  	p6 =	sgt.f32 s28, s24;
	p0 =	por !p4, !p5  }
0x40e: {  	p0 =	por !p0, !p0  }
0x40f: {  	p0 =	por p6, p0  }
0x410: {  	s25 =	spop (v2sf);
	s24 =	smov.u32 @p0 s28  }
0x411: {  	s26 =	spop (v2sf);
	s23 =	smov.u32 @p0 s29;
	p2 =	seq.f32 s25, s24  }
0x412: {  	p3 =	slt.s32 s26, s23  }
0x413: {  	p4 =	sgt.f32 s25, s24;
	p0 =	por !p2, !p3  }
0x414: {  	p0 =	por !p0, !p0  }
0x415: {  	s28 =	spop (v2sf);
	p0 =	por p4, p0  }
0x416: {  	s24 =	smov.u32 @p0 s25;
	s23 =	smov.u32 @p0 s26;
	s25 =	spop (v2sf)  }
0x417: {  	p0 =	seq.f32 s28, s24;
	p1 =	slt.s32 s25, s23;
	s26 =	smov.u32 s23  }
0x418: {  	p2 =	sgt.f32 s28, s24;
	s26 =	smov.u32 @p1 s25  }
0x419: {  	s23 =	smov.u32 @p0 s26  }
0x41a: {  	s23 =	smov.u32 @p2 s25  }
0x41b: {  	s26 =	sshra.s32 s23, $0x1F  }
0x41c: {  	s24 =	sshrl.u32 s26, $0x1C  }
0x41d: {  	s24 =	sadd.s32 s24, s23  }
0x41e: {  	s31 =	sand.u32 $0xFFFFFFF0, s24  }
0x41f: {  	p5 =	slt.s32 s23, $0x1;
	p6 =	sne.s32 s23, s31  }
0x420: {  	p0 =	por !p5, !p6  }
0x421: {  	s25 =	simm.s32 $0x1;
	p0 =	por !p0, !p0  }
0x422: {  	s24 =	sshrl.u32 s24, $0x4;
	s25 =	simm.s32 @!p0 $0x0  }
0x423: {  	s24 =	ssub.s32 s24, s25  }
0x424: {  	[tilespmem:s22+$0x0] =	vst v5;
	s25 =	sshll.u32 s24, $0x4  }
0x425: {  	v3 =	vld [tilespmem:s25+$0x9E00]  }
0x426: {  	v4 =	vld [tilespmem:s25+$0xC080]  }
0x427: {  	s23 =	sand.u32 $0xF, s23  }
0x428: {  	v5 =	vmov s23  }
0x429: {  	vm0 =	veq.s32 v5, v2  }
0x42a: {  	v3 =	vsel vm0, $0x40000000, v3  }
0x42b: {  	[tilespmem:s25+$0x9E00] =	vst v3;
	v3 =	vsel vm0, $0x40A00000, v4  }
0x42c: {  	[tilespmem:s25+$0xC080] =	vst v3  }
0x42d: {  	v6 =	vld [tilespmem:$0x9600]  }
0x42e: {  	v7 =	vld [tilespmem:$0x9680]  }
0x42f: {  	v8 =	vld [tilespmem:$0x9700]  }
0x430: {  	s23 =	simm.s32 $0x4500;
	v9 =	vld [tilespmem:$0x9780]  }
0x431: {  	s24 =	simm.s32 $0x0;
	v3 =	vld [tilespmem:s23+$0x0]  }
0x432: {  	s26 =	simm.s32 $0x6780;
	v4 =	vld [tilespmem:s24+$0x0]  }
0x433: {  	s25 =	simm.s32 $0x2280;
	v5 =	vld [tilespmem:s26+$0x0]  }
0x434: {  	v10 =	vld [tilespmem:s25+$0x0];
	_ =	sdelay $0x2  }
0x435: {  	v11 =	vsub.f32 v8, v6;
	v12 =	vsub.f32 v9, v7  }
0x436: {  	v13 =	vsub.f32 v3, v4;
	v3 =	vmin.f32 v3, v8;
	v4 =	vmax.f32 v4, v6  }
0x437: {  	v14 =	vsub.f32 v5, v10;
	v5 =	vmin.f32 v5, v9;
	v10 =	vmax.f32 v10, v7  }
0x438: {  	v3 =	vsub.f32 v3, v4;
	v4 =	vsub.f32 v5, v10  }
0x439: {  	v10 =	vmul.f32 v12, v11;
	v5 =	vmul.f32 v14, v13  }
0x43a: {  	v3 =	vmax.f32 v3, $0.0e+00;
	v4 =	vmax.f32 v4, $0.0e+00  }
0x43b: {  	v3 =	vmul.f32 v4, v3;
	v4 =	vadd.f32 v5, v10;
	_ =	sdelay $0x1  }
0x43c: {  	v4 =	vsub.f32 v4, v3;
	_ =	sdelay $0x1  }
0x43d: {  	(erf) = vrcp.f32 v4;
	_ =	sdelay $0x5  }
0x43e: {  	s31 =	simm.s32 $0x9E00  }
0x43f: {  	v4 =	vld [tilespmem:s31+$0x0];
	_ =	sdelay $0x1  }
0x440: {  	v5 =	vpop (erf)  }
0x441: {  	v3 =	vmul.f32 v5, v3;
	_ =	sdelay $0x1  }
0x442: {  	vm15 =	vgt.f32 v3, v4  }
0x443: {  	v4 =	vsel vm15, v3, v4  }
0x444: {  	s22 =	simm.s32 $0xC080;
	[tilespmem:s31+$0x0] =	vst v4  }
0x445: {  	v5 =	vld [tilespmem:s22+$0x0];
	_ =	sdelay $0x2  }
0x446: {  	v4 =	vimm.f32 $-2.000000000e+00  }
0x447: {  	s30 =	simm.s32 $0xC090;
	v63 =	vor.u32 s24, v2;
	v11 =	vimm.s32 $0x0;
	vm1 =	vgt.f32 v3, v4  }
0x448: {  	s29 =	simm.s32 $0x9E10;
	s28 =	simm.s32 $0x6790;
	s26 =	simm.s32 $0x10;
	v4 =	vsel vm1, v3, v4;
	v3 =	vsel vm1, v63, v11;
	v5 =	vsel vm15, $0x40C00000, v5  }
.LBB2_16:
0x449: {  	[tilespmem:s22+$0x0] =	vst v5;
	s24 =	sadd.s32 $0x10, s24;
	s25 =	sadd.s32 $0x10, s25;
	s23 =	sadd.s32 $0x10, s23  }
0x44a: {  	p0 =	sne.s32 s26, $0x2270;
	s31 =	smov.u32 s26;
	s26 =	sadd.s32 $0x10, s26;
	v5 =	vld [tilespmem:s23+$0x0]  }
0x44b: {  	s22 =	smov.u32 s30;
	v11 =	vld [tilespmem:s24+$0x0]  }
0x44c: {  	v12 =	vld [tilespmem:s28+$0x0]  }
0x44d: {  	v13 =	vld [tilespmem:s25+$0x0];
	_ =	sdelay $0x2  }
0x44e: {  	v14 =	vsub.f32 v5, v11;
	v5 =	vmin.f32 v5, v8;
	v11 =	vmax.f32 v11, v6  }
0x44f: {  	v5 =	vsub.f32 v5, v11  }
0x450: {  	v11 =	vsub.f32 v12, v13;
	v12 =	vmin.f32 v12, v9;
	v13 =	vmax.f32 v13, v7  }
0x451: {  	v12 =	vsub.f32 v12, v13  }
0x452: {  	v11 =	vmul.f32 v11, v14  }
0x453: {  	v5 =	vmax.f32 v5, $0.0e+00;
	v12 =	vmax.f32 v12, $0.0e+00  }
0x454: {  	v5 =	vmul.f32 v12, v5;
	v11 =	vadd.f32 v11, v10;
	_ =	sdelay $0x1  }
0x455: {  	v11 =	vsub.f32 v11, v5;
	_ =	sdelay $0x1  }
0x456: {  	(erf) = vrcp.f32 v11;
	_ =	sdelay $0x6  }
0x457: {  	v11 =	vld [tilespmem:s29+$0x0];
	_ =	sdelay $0x1  }
0x458: {  	v12 =	vpop (erf)  }
0x459: {  	v5 =	vmul.f32 v12, v5;
	_ =	sdelay $0x1  }
0x45a: {  	v12 =	vor.u32 s31, v2;
	vm0 =	vgt.f32 v5, v11;
	vm1 =	vgt.f32 v5, v4  }
0x45b: {  	v11 =	vsel vm0, v5, v11;
	v4 =	vsel vm1, v5, v4;
	v3 =	vsel vm1, v12, v3  }
0x45c: {  	[tilespmem:s29+$0x0] =	vst v11  }
0x45d: {  	v5 =	vld [tilespmem:s30+$0x0]  }
.Ltmp7:
0x45e: {  	(pc) =	sbr.rel @p0 .LBB2_16-.Ltmp7, $2  }
0x45f: {  	_ =	sdelay $0x2  }
0x460: {  	s28 =	sadd.s32 $0x10, s28;
	s29 =	sadd.s32 $0x10, s29;
	s30 =	sadd.s32 $0x10, s30;
	v5 =	vsel vm0, $0x40C00000, v5  }
0x461: {  	(v2sf) =	vpush v4, $0x0  }
0x462: {  	(v2sf) =	vpush v3, $0x0;
	_ =	sdelay $0x1  }
0x463: {  	(v2sf) =	vpush v4, $0x1  }
0x464: {  	(v2sf) =	vpush v3, $0x1;
	_ =	sdelay $0x4  }
0x465: {  	(v2sf) =	vpush v4, $0x2  }
0x466: {  	(v2sf) =	vpush v3, $0x2;
	_ =	sdelay $0x4  }
0x467: {  	s24 =	spop (v2sf);
	(v2sf) =	vpush v4, $0x3  }
0x468: {  	s23 =	spop (v2sf);
	(v2sf) =	vpush v3, $0x3;
	_ =	sdelay $0x1  }
0x469: {  	s25 =	spop (v2sf)  }
0x46a: {  	s26 =	spop (v2sf);
	p0 =	seq.f32 s25, s24  }
0x46b: {  	p1 =	slt.s32 s26, s23  }
0x46c: {  	(v2sf) =	vpush v4, $0x4;
	p2 =	sgt.f32 s25, s24;
	p0 =	por !p0, !p1  }
0x46d: {  	p0 =	por !p0, !p0  }
0x46e: {  	p0 =	por p2, p0  }
0x46f: {  	(v2sf) =	vpush v3, $0x4;
	s24 =	smov.u32 @p0 s25;
	s25 =	spop (v2sf)  }
0x470: {  	s23 =	smov.u32 @p0 s26;
	s26 =	spop (v2sf);
	p1 =	seq.f32 s25, s24  }
0x471: {  	p2 =	slt.s32 s26, s23  }
0x472: {  	p3 =	sgt.f32 s25, s24;
	p0 =	por !p1, !p2  }
0x473: {  	p0 =	por !p0, !p0  }
0x474: {  	(v2sf) =	vpush v4, $0x5;
	p0 =	por p3, p0  }
0x475: {  	(v2sf) =	vpush v3, $0x5;
	s24 =	smov.u32 @p0 s25;
	s25 =	spop (v2sf)  }
0x476: {  	s23 =	smov.u32 @p0 s26;
	s26 =	spop (v2sf);
	p4 =	seq.f32 s25, s24  }
0x477: {  	p5 =	slt.s32 s26, s23  }
0x478: {  	p6 =	sgt.f32 s25, s24;
	p0 =	por !p4, !p5  }
0x479: {  	p0 =	por !p0, !p0  }
0x47a: {  	(v2sf) =	vpush v4, $0x6;
	p0 =	por p6, p0  }
0x47b: {  	s24 =	smov.u32 @p0 s25;
	s25 =	spop (v2sf);
	(v2sf) =	vpush v3, $0x6;
	_ =	sdelay $0x2  }
0x47c: {  	s23 =	smov.u32 @p0 s26;
	s26 =	spop (v2sf);
	p1 =	seq.f32 s25, s24  }
0x47d: {  	p2 =	slt.s32 s26, s23  }
0x47e: {  	p3 =	sgt.f32 s25, s24;
	(v2sf) =	vpush v4, $0x7;
	p0 =	por !p1, !p2  }
0x47f: {  	p0 =	por !p0, !p0  }
0x480: {  	p0 =	por p3, p0  }
0x481: {  	s24 =	smov.u32 @p0 s25;
	s25 =	spop (v2sf);
	(v2sf) =	vpush v3, $0x7  }
0x482: {  	s23 =	smov.u32 @p0 s26;
	s26 =	spop (v2sf);
	p4 =	seq.f32 s25, s24  }
0x483: {  	p5 =	slt.s32 s26, s23  }
0x484: {  	p6 =	sgt.f32 s25, s24;
	p0 =	por !p4, !p5  }
0x485: {  	p0 =	por !p0, !p0  }
0x486: {  	(v2sf) =	vpush v4, $0x8;
	p0 =	por p6, p0  }
0x487: {  	s24 =	smov.u32 @p0 s25;
	s25 =	spop (v2sf);
	(v2sf) =	vpush v3, $0x8  }
0x488: {  	s23 =	smov.u32 @p0 s26;
	p1 =	seq.f32 s25, s24;
	s26 =	spop (v2sf)  }
0x489: {  	p2 =	slt.s32 s26, s23  }
0x48a: {  	p3 =	sgt.f32 s25, s24;
	p0 =	por !p1, !p2  }
0x48b: {  	p0 =	por !p0, !p0  }
0x48c: {  	(v2sf) =	vpush v4, $0x9;
	p0 =	por p3, p0  }
0x48d: {  	s24 =	smov.u32 @p0 s25;
	s25 =	spop (v2sf);
	(v2sf) =	vpush v3, $0x9;
	_ =	sdelay $0x2  }
0x48e: {  	s23 =	smov.u32 @p0 s26;
	s26 =	spop (v2sf);
	p4 =	seq.f32 s25, s24  }
0x48f: {  	p5 =	slt.s32 s26, s23  }
0x490: {  	p6 =	sgt.f32 s25, s24;
	(v2sf) =	vpush v4, $0xA;
	p0 =	por !p4, !p5  }
0x491: {  	p0 =	por !p0, !p0  }
0x492: {  	p0 =	por p6, p0  }
0x493: {  	s24 =	smov.u32 @p0 s25;
	s25 =	spop (v2sf);
	(v2sf) =	vpush v3, $0xA  }
0x494: {  	s23 =	smov.u32 @p0 s26;
	s26 =	spop (v2sf);
	p1 =	seq.f32 s25, s24  }
0x495: {  	p2 =	slt.s32 s26, s23  }
0x496: {  	p3 =	sgt.f32 s25, s24;
	p0 =	por !p1, !p2  }
0x497: {  	p0 =	por !p0, !p0  }
0x498: {  	(v2sf) =	vpush v4, $0xB;
	p0 =	por p3, p0  }
0x499: {  	s24 =	smov.u32 @p0 s25;
	s25 =	spop (v2sf);
	(v2sf) =	vpush v3, $0xB  }
0x49a: {  	s23 =	smov.u32 @p0 s26;
	p4 =	seq.f32 s25, s24;
	s26 =	spop (v2sf)  }
0x49b: {  	p5 =	slt.s32 s26, s23  }
0x49c: {  	p6 =	sgt.f32 s25, s24;
	p0 =	por !p4, !p5  }
0x49d: {  	p0 =	por !p0, !p0  }
0x49e: {  	(v2sf) =	vpush v4, $0xC;
	p0 =	por p6, p0  }
0x49f: {  	s24 =	smov.u32 @p0 s25;
	s25 =	spop (v2sf);
	(v2sf) =	vpush v3, $0xC;
	_ =	sdelay $0x2  }
0x4a0: {  	s23 =	smov.u32 @p0 s26;
	s26 =	spop (v2sf);
	p1 =	seq.f32 s25, s24  }
0x4a1: {  	p2 =	slt.s32 s26, s23  }
0x4a2: {  	p3 =	sgt.f32 s25, s24;
	(v2sf) =	vpush v4, $0xD;
	p0 =	por !p1, !p2  }
0x4a3: {  	(v2sf) =	vpush v3, $0xD;
	p0 =	por !p0, !p0  }
0x4a4: {  	p0 =	por p3, p0  }
0x4a5: {  	s24 =	smov.u32 @p0 s25;
	s25 =	spop (v2sf)  }
0x4a6: {  	s23 =	smov.u32 @p0 s26;
	s26 =	spop (v2sf);
	p4 =	seq.f32 s25, s24  }
0x4a7: {  	p5 =	slt.s32 s26, s23  }
0x4a8: {  	(v2sf) =	vpush v4, $0xE;
	p6 =	sgt.f32 s25, s24;
	p0 =	por !p4, !p5  }
0x4a9: {  	(v2sf) =	vpush v3, $0xE;
	p0 =	por !p0, !p0  }
0x4aa: {  	p0 =	por p6, p0  }
0x4ab: {  	s24 =	smov.u32 @p0 s25;
	s25 =	spop (v2sf)  }
0x4ac: {  	s23 =	smov.u32 @p0 s26;
	p1 =	seq.f32 s25, s24;
	s26 =	spop (v2sf)  }
0x4ad: {  	(v2sf) =	vpush v4, $0xF;
	p2 =	slt.s32 s26, s23  }
0x4ae: {  	p3 =	sgt.f32 s25, s24;
	(v2sf) =	vpush v3, $0xF;
	p0 =	por !p1, !p2  }
0x4af: {  	p0 =	por !p0, !p0  }
0x4b0: {  	p0 =	por p3, p0  }
0x4b1: {  	s28 =	spop (v2sf);
	s24 =	smov.u32 @p0 s25  }
0x4b2: {  	s29 =	spop (v2sf);
	s23 =	smov.u32 @p0 s26;
	p4 =	seq.f32 s28, s24  }
0x4b3: {  	p5 =	slt.s32 s29, s23  }
0x4b4: {  	p6 =	sgt.f32 s28, s24;
	p0 =	por !p4, !p5  }
0x4b5: {  	p0 =	por !p0, !p0  }
0x4b6: {  	p0 =	por p6, p0  }
0x4b7: {  	s25 =	spop (v2sf);
	s24 =	smov.u32 @p0 s28  }
0x4b8: {  	s26 =	spop (v2sf);
	s23 =	smov.u32 @p0 s29;
	p2 =	seq.f32 s25, s24  }
0x4b9: {  	p3 =	slt.s32 s26, s23  }
0x4ba: {  	p4 =	sgt.f32 s25, s24;
	p0 =	por !p2, !p3  }
0x4bb: {  	p0 =	por !p0, !p0  }
0x4bc: {  	s28 =	spop (v2sf);
	p0 =	por p4, p0  }
0x4bd: {  	s24 =	smov.u32 @p0 s25;
	s23 =	smov.u32 @p0 s26;
	s25 =	spop (v2sf)  }
0x4be: {  	p0 =	seq.f32 s28, s24;
	p1 =	slt.s32 s25, s23;
	s26 =	smov.u32 s23  }
0x4bf: {  	p2 =	sgt.f32 s28, s24;
	s26 =	smov.u32 @p1 s25  }
0x4c0: {  	s23 =	smov.u32 @p0 s26  }
0x4c1: {  	s23 =	smov.u32 @p2 s25  }
0x4c2: {  	s26 =	sshra.s32 s23, $0x1F  }
0x4c3: {  	s24 =	sshrl.u32 s26, $0x1C  }
0x4c4: {  	s24 =	sadd.s32 s24, s23  }
0x4c5: {  	s31 =	sand.u32 $0xFFFFFFF0, s24  }
0x4c6: {  	p5 =	slt.s32 s23, $0x1;
	p6 =	sne.s32 s23, s31  }
0x4c7: {  	p0 =	por !p5, !p6  }
0x4c8: {  	s25 =	simm.s32 $0x1;
	p0 =	por !p0, !p0  }
0x4c9: {  	s24 =	sshrl.u32 s24, $0x4;
	s25 =	simm.s32 @!p0 $0x0  }
0x4ca: {  	s24 =	ssub.s32 s24, s25  }
0x4cb: {  	[tilespmem:s22+$0x0] =	vst v5;
	s25 =	sshll.u32 s24, $0x4  }
0x4cc: {  	v3 =	vld [tilespmem:s25+$0x9E00]  }
0x4cd: {  	v4 =	vld [tilespmem:s25+$0xC080]  }
0x4ce: {  	s23 =	sand.u32 $0xF, s23  }
0x4cf: {  	v5 =	vmov s23  }
0x4d0: {  	vm0 =	veq.s32 v5, v2  }
0x4d1: {  	v3 =	vsel vm0, $0x40000000, v3  }
0x4d2: {  	[tilespmem:s25+$0x9E00] =	vst v3;
	v3 =	vsel vm0, $0x40C00000, v4  }
0x4d3: {  	[tilespmem:s25+$0xC080] =	vst v3  }
0x4d4: {  	v6 =	vld [tilespmem:$0x9800]  }
0x4d5: {  	v7 =	vld [tilespmem:$0x9880]  }
0x4d6: {  	v8 =	vld [tilespmem:$0x9900]  }
0x4d7: {  	s23 =	simm.s32 $0x4500;
	v9 =	vld [tilespmem:$0x9980]  }
0x4d8: {  	s24 =	simm.s32 $0x0;
	v3 =	vld [tilespmem:s23+$0x0]  }
0x4d9: {  	s26 =	simm.s32 $0x6780;
	v4 =	vld [tilespmem:s24+$0x0]  }
0x4da: {  	s25 =	simm.s32 $0x2280;
	v5 =	vld [tilespmem:s26+$0x0]  }
0x4db: {  	v10 =	vld [tilespmem:s25+$0x0];
	_ =	sdelay $0x2  }
0x4dc: {  	v11 =	vsub.f32 v8, v6;
	v12 =	vsub.f32 v9, v7  }
0x4dd: {  	v13 =	vsub.f32 v3, v4;
	v3 =	vmin.f32 v3, v8;
	v4 =	vmax.f32 v4, v6  }
0x4de: {  	v14 =	vsub.f32 v5, v10;
	v5 =	vmin.f32 v5, v9;
	v10 =	vmax.f32 v10, v7  }
0x4df: {  	v3 =	vsub.f32 v3, v4;
	v4 =	vsub.f32 v5, v10  }
0x4e0: {  	v10 =	vmul.f32 v12, v11;
	v5 =	vmul.f32 v14, v13  }
0x4e1: {  	v3 =	vmax.f32 v3, $0.0e+00;
	v4 =	vmax.f32 v4, $0.0e+00  }
0x4e2: {  	v3 =	vmul.f32 v4, v3;
	v4 =	vadd.f32 v5, v10;
	_ =	sdelay $0x1  }
0x4e3: {  	v4 =	vsub.f32 v4, v3;
	_ =	sdelay $0x1  }
0x4e4: {  	(erf) = vrcp.f32 v4;
	_ =	sdelay $0x5  }
0x4e5: {  	s31 =	simm.s32 $0x9E00  }
0x4e6: {  	v4 =	vld [tilespmem:s31+$0x0];
	_ =	sdelay $0x1  }
0x4e7: {  	v5 =	vpop (erf)  }
0x4e8: {  	v3 =	vmul.f32 v5, v3;
	_ =	sdelay $0x1  }
0x4e9: {  	vm15 =	vgt.f32 v3, v4  }
0x4ea: {  	v4 =	vsel vm15, v3, v4  }
0x4eb: {  	s22 =	simm.s32 $0xC080;
	[tilespmem:s31+$0x0] =	vst v4  }
0x4ec: {  	v5 =	vld [tilespmem:s22+$0x0];
	_ =	sdelay $0x2  }
0x4ed: {  	v4 =	vimm.f32 $-2.000000000e+00  }
0x4ee: {  	s30 =	simm.s32 $0xC090;
	v63 =	vor.u32 s24, v2;
	v11 =	vimm.s32 $0x0;
	vm1 =	vgt.f32 v3, v4  }
0x4ef: {  	s29 =	simm.s32 $0x9E10;
	s28 =	simm.s32 $0x6790;
	s26 =	simm.s32 $0x10;
	v4 =	vsel vm1, v3, v4;
	v3 =	vsel vm1, v63, v11;
	v5 =	vsel vm15, $0x40E00000, v5  }
.LBB2_18:
0x4f0: {  	[tilespmem:s22+$0x0] =	vst v5;
	s24 =	sadd.s32 $0x10, s24;
	s25 =	sadd.s32 $0x10, s25;
	s23 =	sadd.s32 $0x10, s23  }
0x4f1: {  	p0 =	sne.s32 s26, $0x2270;
	s31 =	smov.u32 s26;
	s26 =	sadd.s32 $0x10, s26;
	v5 =	vld [tilespmem:s23+$0x0]  }
0x4f2: {  	s22 =	smov.u32 s30;
	v11 =	vld [tilespmem:s24+$0x0]  }
0x4f3: {  	v12 =	vld [tilespmem:s28+$0x0]  }
0x4f4: {  	v13 =	vld [tilespmem:s25+$0x0];
	_ =	sdelay $0x2  }
0x4f5: {  	v14 =	vsub.f32 v5, v11;
	v5 =	vmin.f32 v5, v8;
	v11 =	vmax.f32 v11, v6  }
0x4f6: {  	v5 =	vsub.f32 v5, v11  }
0x4f7: {  	v11 =	vsub.f32 v12, v13;
	v12 =	vmin.f32 v12, v9;
	v13 =	vmax.f32 v13, v7  }
0x4f8: {  	v12 =	vsub.f32 v12, v13  }
0x4f9: {  	v11 =	vmul.f32 v11, v14  }
0x4fa: {  	v5 =	vmax.f32 v5, $0.0e+00;
	v12 =	vmax.f32 v12, $0.0e+00  }
0x4fb: {  	v5 =	vmul.f32 v12, v5;
	v11 =	vadd.f32 v11, v10;
	_ =	sdelay $0x1  }
0x4fc: {  	v11 =	vsub.f32 v11, v5;
	_ =	sdelay $0x1  }
0x4fd: {  	(erf) = vrcp.f32 v11;
	_ =	sdelay $0x6  }
0x4fe: {  	v11 =	vld [tilespmem:s29+$0x0];
	_ =	sdelay $0x1  }
0x4ff: {  	v12 =	vpop (erf)  }
0x500: {  	v5 =	vmul.f32 v12, v5;
	_ =	sdelay $0x1  }
0x501: {  	v12 =	vor.u32 s31, v2;
	vm0 =	vgt.f32 v5, v11;
	vm1 =	vgt.f32 v5, v4  }
0x502: {  	v11 =	vsel vm0, v5, v11;
	v4 =	vsel vm1, v5, v4;
	v3 =	vsel vm1, v12, v3  }
0x503: {  	[tilespmem:s29+$0x0] =	vst v11  }
0x504: {  	v5 =	vld [tilespmem:s30+$0x0]  }
.Ltmp8:
0x505: {  	(pc) =	sbr.rel @p0 .LBB2_18-.Ltmp8, $2  }
0x506: {  	_ =	sdelay $0x2  }
0x507: {  	s28 =	sadd.s32 $0x10, s28;
	s29 =	sadd.s32 $0x10, s29;
	s30 =	sadd.s32 $0x10, s30;
	v5 =	vsel vm0, $0x40E00000, v5  }
0x508: {  	(v2sf) =	vpush v4, $0x0  }
0x509: {  	(v2sf) =	vpush v3, $0x0;
	_ =	sdelay $0x1  }
0x50a: {  	(v2sf) =	vpush v4, $0x1  }
0x50b: {  	(v2sf) =	vpush v3, $0x1;
	_ =	sdelay $0x4  }
0x50c: {  	(v2sf) =	vpush v4, $0x2  }
0x50d: {  	(v2sf) =	vpush v3, $0x2;
	_ =	sdelay $0x4  }
0x50e: {  	s24 =	spop (v2sf);
	(v2sf) =	vpush v4, $0x3  }
0x50f: {  	s23 =	spop (v2sf);
	(v2sf) =	vpush v3, $0x3;
	_ =	sdelay $0x1  }
0x510: {  	s25 =	spop (v2sf)  }
0x511: {  	s26 =	spop (v2sf);
	p0 =	seq.f32 s25, s24  }
0x512: {  	p1 =	slt.s32 s26, s23  }
0x513: {  	(v2sf) =	vpush v4, $0x4;
	p2 =	sgt.f32 s25, s24;
	p0 =	por !p0, !p1  }
0x514: {  	p0 =	por !p0, !p0  }
0x515: {  	p0 =	por p2, p0  }
0x516: {  	(v2sf) =	vpush v3, $0x4;
	s24 =	smov.u32 @p0 s25;
	s25 =	spop (v2sf)  }
0x517: {  	s23 =	smov.u32 @p0 s26;
	s26 =	spop (v2sf);
	p1 =	seq.f32 s25, s24  }
0x518: {  	p2 =	slt.s32 s26, s23  }
0x519: {  	p3 =	sgt.f32 s25, s24;
	p0 =	por !p1, !p2  }
0x51a: {  	p0 =	por !p0, !p0  }
0x51b: {  	(v2sf) =	vpush v4, $0x5;
	p0 =	por p3, p0  }
0x51c: {  	(v2sf) =	vpush v3, $0x5;
	s24 =	smov.u32 @p0 s25;
	s25 =	spop (v2sf)  }
0x51d: {  	s23 =	smov.u32 @p0 s26;
	s26 =	spop (v2sf);
	p4 =	seq.f32 s25, s24  }
0x51e: {  	p5 =	slt.s32 s26, s23  }
0x51f: {  	p6 =	sgt.f32 s25, s24;
	p0 =	por !p4, !p5  }
0x520: {  	p0 =	por !p0, !p0  }
0x521: {  	(v2sf) =	vpush v4, $0x6;
	p0 =	por p6, p0  }
0x522: {  	s24 =	smov.u32 @p0 s25;
	s25 =	spop (v2sf);
	(v2sf) =	vpush v3, $0x6;
	_ =	sdelay $0x2  }
0x523: {  	s23 =	smov.u32 @p0 s26;
	s26 =	spop (v2sf);
	p1 =	seq.f32 s25, s24  }
0x524: {  	p2 =	slt.s32 s26, s23  }
0x525: {  	p3 =	sgt.f32 s25, s24;
	(v2sf) =	vpush v4, $0x7;
	p0 =	por !p1, !p2  }
0x526: {  	p0 =	por !p0, !p0  }
0x527: {  	p0 =	por p3, p0  }
0x528: {  	s24 =	smov.u32 @p0 s25;
	s25 =	spop (v2sf);
	(v2sf) =	vpush v3, $0x7  }
0x529: {  	s23 =	smov.u32 @p0 s26;
	s26 =	spop (v2sf);
	p4 =	seq.f32 s25, s24  }
0x52a: {  	p5 =	slt.s32 s26, s23  }
0x52b: {  	p6 =	sgt.f32 s25, s24;
	p0 =	por !p4, !p5  }
0x52c: {  	p0 =	por !p0, !p0  }
0x52d: {  	(v2sf) =	vpush v4, $0x8;
	p0 =	por p6, p0  }
0x52e: {  	s24 =	smov.u32 @p0 s25;
	s25 =	spop (v2sf);
	(v2sf) =	vpush v3, $0x8  }
0x52f: {  	s23 =	smov.u32 @p0 s26;
	p1 =	seq.f32 s25, s24;
	s26 =	spop (v2sf)  }
0x530: {  	p2 =	slt.s32 s26, s23  }
0x531: {  	p3 =	sgt.f32 s25, s24;
	p0 =	por !p1, !p2  }
0x532: {  	p0 =	por !p0, !p0  }
0x533: {  	(v2sf) =	vpush v4, $0x9;
	p0 =	por p3, p0  }
0x534: {  	s24 =	smov.u32 @p0 s25;
	s25 =	spop (v2sf);
	(v2sf) =	vpush v3, $0x9;
	_ =	sdelay $0x2  }
0x535: {  	s23 =	smov.u32 @p0 s26;
	s26 =	spop (v2sf);
	p4 =	seq.f32 s25, s24  }
0x536: {  	p5 =	slt.s32 s26, s23  }
0x537: {  	p6 =	sgt.f32 s25, s24;
	(v2sf) =	vpush v4, $0xA;
	p0 =	por !p4, !p5  }
0x538: {  	p0 =	por !p0, !p0  }
0x539: {  	p0 =	por p6, p0  }
0x53a: {  	s24 =	smov.u32 @p0 s25;
	s25 =	spop (v2sf);
	(v2sf) =	vpush v3, $0xA  }
0x53b: {  	s23 =	smov.u32 @p0 s26;
	s26 =	spop (v2sf);
	p1 =	seq.f32 s25, s24  }
0x53c: {  	p2 =	slt.s32 s26, s23  }
0x53d: {  	p3 =	sgt.f32 s25, s24;
	p0 =	por !p1, !p2  }
0x53e: {  	p0 =	por !p0, !p0  }
0x53f: {  	(v2sf) =	vpush v4, $0xB;
	p0 =	por p3, p0  }
0x540: {  	s24 =	smov.u32 @p0 s25;
	s25 =	spop (v2sf);
	(v2sf) =	vpush v3, $0xB  }
0x541: {  	s23 =	smov.u32 @p0 s26;
	p4 =	seq.f32 s25, s24;
	s26 =	spop (v2sf)  }
0x542: {  	p5 =	slt.s32 s26, s23  }
0x543: {  	p6 =	sgt.f32 s25, s24;
	p0 =	por !p4, !p5  }
0x544: {  	p0 =	por !p0, !p0  }
0x545: {  	(v2sf) =	vpush v4, $0xC;
	p0 =	por p6, p0  }
0x546: {  	s24 =	smov.u32 @p0 s25;
	s25 =	spop (v2sf);
	(v2sf) =	vpush v3, $0xC;
	_ =	sdelay $0x2  }
0x547: {  	s23 =	smov.u32 @p0 s26;
	s26 =	spop (v2sf);
	p1 =	seq.f32 s25, s24  }
0x548: {  	p2 =	slt.s32 s26, s23  }
0x549: {  	p3 =	sgt.f32 s25, s24;
	(v2sf) =	vpush v4, $0xD;
	p0 =	por !p1, !p2  }
0x54a: {  	(v2sf) =	vpush v3, $0xD;
	p0 =	por !p0, !p0  }
0x54b: {  	p0 =	por p3, p0  }
0x54c: {  	s24 =	smov.u32 @p0 s25;
	s25 =	spop (v2sf)  }
0x54d: {  	s23 =	smov.u32 @p0 s26;
	s26 =	spop (v2sf);
	p4 =	seq.f32 s25, s24  }
0x54e: {  	p5 =	slt.s32 s26, s23  }
0x54f: {  	(v2sf) =	vpush v4, $0xE;
	p6 =	sgt.f32 s25, s24;
	p0 =	por !p4, !p5  }
0x550: {  	(v2sf) =	vpush v3, $0xE;
	p0 =	por !p0, !p0  }
0x551: {  	p0 =	por p6, p0  }
0x552: {  	s24 =	smov.u32 @p0 s25;
	s25 =	spop (v2sf)  }
0x553: {  	s23 =	smov.u32 @p0 s26;
	p1 =	seq.f32 s25, s24;
	s26 =	spop (v2sf)  }
0x554: {  	(v2sf) =	vpush v4, $0xF;
	p2 =	slt.s32 s26, s23  }
0x555: {  	p3 =	sgt.f32 s25, s24;
	(v2sf) =	vpush v3, $0xF;
	p0 =	por !p1, !p2  }
0x556: {  	p0 =	por !p0, !p0  }
0x557: {  	p0 =	por p3, p0  }
0x558: {  	s28 =	spop (v2sf);
	s24 =	smov.u32 @p0 s25  }
0x559: {  	s29 =	spop (v2sf);
	s23 =	smov.u32 @p0 s26;
	p4 =	seq.f32 s28, s24  }
0x55a: {  	p5 =	slt.s32 s29, s23  }
0x55b: {  	p6 =	sgt.f32 s28, s24;
	p0 =	por !p4, !p5  }
0x55c: {  	p0 =	por !p0, !p0  }
0x55d: {  	p0 =	por p6, p0  }
0x55e: {  	s25 =	spop (v2sf);
	s24 =	smov.u32 @p0 s28  }
0x55f: {  	s26 =	spop (v2sf);
	s23 =	smov.u32 @p0 s29;
	p2 =	seq.f32 s25, s24  }
0x560: {  	p3 =	slt.s32 s26, s23  }
0x561: {  	p4 =	sgt.f32 s25, s24;
	p0 =	por !p2, !p3  }
0x562: {  	p0 =	por !p0, !p0  }
0x563: {  	s28 =	spop (v2sf);
	p0 =	por p4, p0  }
0x564: {  	s24 =	smov.u32 @p0 s25;
	s23 =	smov.u32 @p0 s26;
	s25 =	spop (v2sf)  }
0x565: {  	p0 =	seq.f32 s28, s24;
	p1 =	slt.s32 s25, s23;
	s26 =	smov.u32 s23  }
0x566: {  	p2 =	sgt.f32 s28, s24;
	s26 =	smov.u32 @p1 s25  }
0x567: {  	s23 =	smov.u32 @p0 s26  }
0x568: {  	s23 =	smov.u32 @p2 s25  }
0x569: {  	s26 =	sshra.s32 s23, $0x1F  }
0x56a: {  	s24 =	sshrl.u32 s26, $0x1C  }
0x56b: {  	s24 =	sadd.s32 s24, s23  }
0x56c: {  	s31 =	sand.u32 $0xFFFFFFF0, s24  }
0x56d: {  	p5 =	slt.s32 s23, $0x1;
	p6 =	sne.s32 s23, s31  }
0x56e: {  	p0 =	por !p5, !p6  }
0x56f: {  	s25 =	simm.s32 $0x1;
	p0 =	por !p0, !p0  }
0x570: {  	s24 =	sshrl.u32 s24, $0x4;
	s25 =	simm.s32 @!p0 $0x0  }
0x571: {  	s24 =	ssub.s32 s24, s25  }
0x572: {  	[tilespmem:s22+$0x0] =	vst v5;
	s25 =	sshll.u32 s24, $0x4  }
0x573: {  	v3 =	vld [tilespmem:s25+$0x9E00]  }
0x574: {  	v4 =	vld [tilespmem:s25+$0xC080]  }
0x575: {  	s23 =	sand.u32 $0xF, s23  }
0x576: {  	v5 =	vmov s23  }
0x577: {  	vm0 =	veq.s32 v5, v2  }
0x578: {  	v3 =	vsel vm0, $0x40000000, v3  }
0x579: {  	[tilespmem:s25+$0x9E00] =	vst v3;
	v3 =	vsel vm0, $0x40E00000, v4  }
0x57a: {  	[tilespmem:s25+$0xC080] =	vst v3  }
0x57b: {  	v6 =	vld [tilespmem:$0x9A00]  }
0x57c: {  	v7 =	vld [tilespmem:$0x9A80]  }
0x57d: {  	v8 =	vld [tilespmem:$0x9B00]  }
0x57e: {  	s23 =	simm.s32 $0x4500;
	v9 =	vld [tilespmem:$0x9B80]  }
0x57f: {  	s24 =	simm.s32 $0x0;
	v3 =	vld [tilespmem:s23+$0x0]  }
0x580: {  	s26 =	simm.s32 $0x6780;
	v4 =	vld [tilespmem:s24+$0x0]  }
0x581: {  	s25 =	simm.s32 $0x2280;
	v5 =	vld [tilespmem:s26+$0x0]  }
0x582: {  	v10 =	vld [tilespmem:s25+$0x0];
	_ =	sdelay $0x2  }
0x583: {  	v11 =	vsub.f32 v8, v6;
	v12 =	vsub.f32 v9, v7  }
0x584: {  	v13 =	vsub.f32 v3, v4;
	v3 =	vmin.f32 v3, v8;
	v4 =	vmax.f32 v4, v6  }
0x585: {  	v14 =	vsub.f32 v5, v10;
	v5 =	vmin.f32 v5, v9;
	v10 =	vmax.f32 v10, v7  }
0x586: {  	v3 =	vsub.f32 v3, v4;
	v4 =	vsub.f32 v5, v10  }
0x587: {  	v10 =	vmul.f32 v12, v11;
	v5 =	vmul.f32 v14, v13  }
0x588: {  	v3 =	vmax.f32 v3, $0.0e+00;
	v4 =	vmax.f32 v4, $0.0e+00  }
0x589: {  	v3 =	vmul.f32 v4, v3;
	v4 =	vadd.f32 v5, v10;
	_ =	sdelay $0x1  }
0x58a: {  	v4 =	vsub.f32 v4, v3;
	_ =	sdelay $0x1  }
0x58b: {  	(erf) = vrcp.f32 v4;
	_ =	sdelay $0x5  }
0x58c: {  	s31 =	simm.s32 $0x9E00  }
0x58d: {  	v4 =	vld [tilespmem:s31+$0x0];
	_ =	sdelay $0x1  }
0x58e: {  	v5 =	vpop (erf)  }
0x58f: {  	v3 =	vmul.f32 v5, v3;
	_ =	sdelay $0x1  }
0x590: {  	vm15 =	vgt.f32 v3, v4  }
0x591: {  	v4 =	vsel vm15, v3, v4  }
0x592: {  	s22 =	simm.s32 $0xC080;
	[tilespmem:s31+$0x0] =	vst v4  }
0x593: {  	v5 =	vld [tilespmem:s22+$0x0];
	_ =	sdelay $0x2  }
0x594: {  	v4 =	vimm.f32 $-2.000000000e+00  }
0x595: {  	s30 =	simm.s32 $0xC090;
	v63 =	vor.u32 s24, v2;
	v11 =	vimm.s32 $0x0;
	vm1 =	vgt.f32 v3, v4  }
0x596: {  	s29 =	simm.s32 $0x9E10;
	s28 =	simm.s32 $0x6790;
	s26 =	simm.s32 $0x10;
	v4 =	vsel vm1, v3, v4;
	v3 =	vsel vm1, v63, v11;
	v5 =	vsel vm15, $0x41000000, v5  }
.LBB2_20:
0x597: {  	[tilespmem:s22+$0x0] =	vst v5;
	s24 =	sadd.s32 $0x10, s24;
	s25 =	sadd.s32 $0x10, s25;
	s23 =	sadd.s32 $0x10, s23  }
0x598: {  	p0 =	sne.s32 s26, $0x2270;
	s31 =	smov.u32 s26;
	s26 =	sadd.s32 $0x10, s26;
	v5 =	vld [tilespmem:s23+$0x0]  }
0x599: {  	s22 =	smov.u32 s30;
	v11 =	vld [tilespmem:s24+$0x0]  }
0x59a: {  	v12 =	vld [tilespmem:s28+$0x0]  }
0x59b: {  	v13 =	vld [tilespmem:s25+$0x0];
	_ =	sdelay $0x2  }
0x59c: {  	v14 =	vsub.f32 v5, v11;
	v5 =	vmin.f32 v5, v8;
	v11 =	vmax.f32 v11, v6  }
0x59d: {  	v5 =	vsub.f32 v5, v11  }
0x59e: {  	v11 =	vsub.f32 v12, v13;
	v12 =	vmin.f32 v12, v9;
	v13 =	vmax.f32 v13, v7  }
0x59f: {  	v12 =	vsub.f32 v12, v13  }
0x5a0: {  	v11 =	vmul.f32 v11, v14  }
0x5a1: {  	v5 =	vmax.f32 v5, $0.0e+00;
	v12 =	vmax.f32 v12, $0.0e+00  }
0x5a2: {  	v5 =	vmul.f32 v12, v5;
	v11 =	vadd.f32 v11, v10;
	_ =	sdelay $0x1  }
0x5a3: {  	v11 =	vsub.f32 v11, v5;
	_ =	sdelay $0x1  }
0x5a4: {  	(erf) = vrcp.f32 v11;
	_ =	sdelay $0x6  }
0x5a5: {  	v11 =	vld [tilespmem:s29+$0x0];
	_ =	sdelay $0x1  }
0x5a6: {  	v12 =	vpop (erf)  }
0x5a7: {  	v5 =	vmul.f32 v12, v5;
	_ =	sdelay $0x1  }
0x5a8: {  	v12 =	vor.u32 s31, v2;
	vm0 =	vgt.f32 v5, v11;
	vm1 =	vgt.f32 v5, v4  }
0x5a9: {  	v11 =	vsel vm0, v5, v11;
	v4 =	vsel vm1, v5, v4;
	v3 =	vsel vm1, v12, v3  }
0x5aa: {  	[tilespmem:s29+$0x0] =	vst v11  }
0x5ab: {  	v5 =	vld [tilespmem:s30+$0x0]  }
.Ltmp9:
0x5ac: {  	(pc) =	sbr.rel @p0 .LBB2_20-.Ltmp9, $2  }
0x5ad: {  	_ =	sdelay $0x2  }
0x5ae: {  	s28 =	sadd.s32 $0x10, s28;
	s29 =	sadd.s32 $0x10, s29;
	s30 =	sadd.s32 $0x10, s30;
	v5 =	vsel vm0, $0x41000000, v5  }
0x5af: {  	(v2sf) =	vpush v4, $0x0  }
0x5b0: {  	(v2sf) =	vpush v3, $0x0;
	_ =	sdelay $0x1  }
0x5b1: {  	(v2sf) =	vpush v4, $0x1  }
0x5b2: {  	(v2sf) =	vpush v3, $0x1;
	_ =	sdelay $0x4  }
0x5b3: {  	(v2sf) =	vpush v4, $0x2  }
0x5b4: {  	(v2sf) =	vpush v3, $0x2;
	_ =	sdelay $0x4  }
0x5b5: {  	s24 =	spop (v2sf);
	(v2sf) =	vpush v4, $0x3  }
0x5b6: {  	s23 =	spop (v2sf);
	(v2sf) =	vpush v3, $0x3;
	_ =	sdelay $0x1  }
0x5b7: {  	s25 =	spop (v2sf)  }
0x5b8: {  	s26 =	spop (v2sf);
	p0 =	seq.f32 s25, s24  }
0x5b9: {  	p1 =	slt.s32 s26, s23  }
0x5ba: {  	(v2sf) =	vpush v4, $0x4;
	p2 =	sgt.f32 s25, s24;
	p0 =	por !p0, !p1  }
0x5bb: {  	p0 =	por !p0, !p0  }
0x5bc: {  	p0 =	por p2, p0  }
0x5bd: {  	(v2sf) =	vpush v3, $0x4;
	s24 =	smov.u32 @p0 s25;
	s25 =	spop (v2sf)  }
0x5be: {  	s23 =	smov.u32 @p0 s26;
	s26 =	spop (v2sf);
	p1 =	seq.f32 s25, s24  }
0x5bf: {  	p2 =	slt.s32 s26, s23  }
0x5c0: {  	p3 =	sgt.f32 s25, s24;
	p0 =	por !p1, !p2  }
0x5c1: {  	p0 =	por !p0, !p0  }
0x5c2: {  	(v2sf) =	vpush v4, $0x5;
	p0 =	por p3, p0  }
0x5c3: {  	(v2sf) =	vpush v3, $0x5;
	s24 =	smov.u32 @p0 s25;
	s25 =	spop (v2sf)  }
0x5c4: {  	s23 =	smov.u32 @p0 s26;
	s26 =	spop (v2sf);
	p4 =	seq.f32 s25, s24  }
0x5c5: {  	p5 =	slt.s32 s26, s23  }
0x5c6: {  	p6 =	sgt.f32 s25, s24;
	p0 =	por !p4, !p5  }
0x5c7: {  	p0 =	por !p0, !p0  }
0x5c8: {  	(v2sf) =	vpush v4, $0x6;
	p0 =	por p6, p0  }
0x5c9: {  	s24 =	smov.u32 @p0 s25;
	s25 =	spop (v2sf);
	(v2sf) =	vpush v3, $0x6;
	_ =	sdelay $0x2  }
0x5ca: {  	s23 =	smov.u32 @p0 s26;
	s26 =	spop (v2sf);
	p1 =	seq.f32 s25, s24  }
0x5cb: {  	p2 =	slt.s32 s26, s23  }
0x5cc: {  	p3 =	sgt.f32 s25, s24;
	(v2sf) =	vpush v4, $0x7;
	p0 =	por !p1, !p2  }
0x5cd: {  	p0 =	por !p0, !p0  }
0x5ce: {  	p0 =	por p3, p0  }
0x5cf: {  	s24 =	smov.u32 @p0 s25;
	s25 =	spop (v2sf);
	(v2sf) =	vpush v3, $0x7  }
0x5d0: {  	s23 =	smov.u32 @p0 s26;
	s26 =	spop (v2sf);
	p4 =	seq.f32 s25, s24  }
0x5d1: {  	p5 =	slt.s32 s26, s23  }
0x5d2: {  	p6 =	sgt.f32 s25, s24;
	p0 =	por !p4, !p5  }
0x5d3: {  	p0 =	por !p0, !p0  }
0x5d4: {  	(v2sf) =	vpush v4, $0x8;
	p0 =	por p6, p0  }
0x5d5: {  	s24 =	smov.u32 @p0 s25;
	s25 =	spop (v2sf);
	(v2sf) =	vpush v3, $0x8  }
0x5d6: {  	s23 =	smov.u32 @p0 s26;
	p1 =	seq.f32 s25, s24;
	s26 =	spop (v2sf)  }
0x5d7: {  	p2 =	slt.s32 s26, s23  }
0x5d8: {  	p3 =	sgt.f32 s25, s24;
	p0 =	por !p1, !p2  }
0x5d9: {  	p0 =	por !p0, !p0  }
0x5da: {  	(v2sf) =	vpush v4, $0x9;
	p0 =	por p3, p0  }
0x5db: {  	s24 =	smov.u32 @p0 s25;
	s25 =	spop (v2sf);
	(v2sf) =	vpush v3, $0x9;
	_ =	sdelay $0x2  }
0x5dc: {  	s23 =	smov.u32 @p0 s26;
	s26 =	spop (v2sf);
	p4 =	seq.f32 s25, s24  }
0x5dd: {  	p5 =	slt.s32 s26, s23  }
0x5de: {  	p6 =	sgt.f32 s25, s24;
	(v2sf) =	vpush v4, $0xA;
	p0 =	por !p4, !p5  }
0x5df: {  	p0 =	por !p0, !p0  }
0x5e0: {  	p0 =	por p6, p0  }
0x5e1: {  	s24 =	smov.u32 @p0 s25;
	s25 =	spop (v2sf);
	(v2sf) =	vpush v3, $0xA  }
0x5e2: {  	s23 =	smov.u32 @p0 s26;
	s26 =	spop (v2sf);
	p1 =	seq.f32 s25, s24  }
0x5e3: {  	p2 =	slt.s32 s26, s23  }
0x5e4: {  	p3 =	sgt.f32 s25, s24;
	p0 =	por !p1, !p2  }
0x5e5: {  	p0 =	por !p0, !p0  }
0x5e6: {  	(v2sf) =	vpush v4, $0xB;
	p0 =	por p3, p0  }
0x5e7: {  	s24 =	smov.u32 @p0 s25;
	s25 =	spop (v2sf);
	(v2sf) =	vpush v3, $0xB  }
0x5e8: {  	s23 =	smov.u32 @p0 s26;
	p4 =	seq.f32 s25, s24;
	s26 =	spop (v2sf)  }
0x5e9: {  	p5 =	slt.s32 s26, s23  }
0x5ea: {  	p6 =	sgt.f32 s25, s24;
	p0 =	por !p4, !p5  }
0x5eb: {  	p0 =	por !p0, !p0  }
0x5ec: {  	(v2sf) =	vpush v4, $0xC;
	p0 =	por p6, p0  }
0x5ed: {  	s24 =	smov.u32 @p0 s25;
	s25 =	spop (v2sf);
	(v2sf) =	vpush v3, $0xC;
	_ =	sdelay $0x2  }
0x5ee: {  	s23 =	smov.u32 @p0 s26;
	s26 =	spop (v2sf);
	p1 =	seq.f32 s25, s24  }
0x5ef: {  	p2 =	slt.s32 s26, s23  }
0x5f0: {  	p3 =	sgt.f32 s25, s24;
	(v2sf) =	vpush v4, $0xD;
	p0 =	por !p1, !p2  }
0x5f1: {  	(v2sf) =	vpush v3, $0xD;
	p0 =	por !p0, !p0  }
0x5f2: {  	p0 =	por p3, p0  }
0x5f3: {  	s24 =	smov.u32 @p0 s25;
	s25 =	spop (v2sf)  }
0x5f4: {  	s23 =	smov.u32 @p0 s26;
	s26 =	spop (v2sf);
	p4 =	seq.f32 s25, s24  }
0x5f5: {  	p5 =	slt.s32 s26, s23  }
0x5f6: {  	(v2sf) =	vpush v4, $0xE;
	p6 =	sgt.f32 s25, s24;
	p0 =	por !p4, !p5  }
0x5f7: {  	(v2sf) =	vpush v3, $0xE;
	p0 =	por !p0, !p0  }
0x5f8: {  	p0 =	por p6, p0  }
0x5f9: {  	s24 =	smov.u32 @p0 s25;
	s25 =	spop (v2sf)  }
0x5fa: {  	s23 =	smov.u32 @p0 s26;
	p1 =	seq.f32 s25, s24;
	s26 =	spop (v2sf)  }
0x5fb: {  	(v2sf) =	vpush v4, $0xF;
	p2 =	slt.s32 s26, s23  }
0x5fc: {  	p3 =	sgt.f32 s25, s24;
	(v2sf) =	vpush v3, $0xF;
	p0 =	por !p1, !p2  }
0x5fd: {  	p0 =	por !p0, !p0  }
0x5fe: {  	p0 =	por p3, p0  }
0x5ff: {  	s28 =	spop (v2sf);
	s24 =	smov.u32 @p0 s25  }
0x600: {  	s29 =	spop (v2sf);
	s23 =	smov.u32 @p0 s26;
	p4 =	seq.f32 s28, s24  }
0x601: {  	p5 =	slt.s32 s29, s23  }
0x602: {  	p6 =	sgt.f32 s28, s24;
	p0 =	por !p4, !p5  }
0x603: {  	p0 =	por !p0, !p0  }
0x604: {  	p0 =	por p6, p0  }
0x605: {  	s25 =	spop (v2sf);
	s24 =	smov.u32 @p0 s28  }
0x606: {  	s26 =	spop (v2sf);
	s23 =	smov.u32 @p0 s29;
	p2 =	seq.f32 s25, s24  }
0x607: {  	p3 =	slt.s32 s26, s23  }
0x608: {  	p4 =	sgt.f32 s25, s24;
	p0 =	por !p2, !p3  }
0x609: {  	p0 =	por !p0, !p0  }
0x60a: {  	s28 =	spop (v2sf);
	p0 =	por p4, p0  }
0x60b: {  	s24 =	smov.u32 @p0 s25;
	s23 =	smov.u32 @p0 s26;
	s25 =	spop (v2sf)  }
0x60c: {  	p0 =	seq.f32 s28, s24;
	p1 =	slt.s32 s25, s23;
	s26 =	smov.u32 s23  }
0x60d: {  	p2 =	sgt.f32 s28, s24;
	s26 =	smov.u32 @p1 s25  }
0x60e: {  	s23 =	smov.u32 @p0 s26  }
0x60f: {  	s23 =	smov.u32 @p2 s25  }
0x610: {  	s26 =	sshra.s32 s23, $0x1F  }
0x611: {  	s24 =	sshrl.u32 s26, $0x1C  }
0x612: {  	s24 =	sadd.s32 s24, s23  }
0x613: {  	s31 =	sand.u32 $0xFFFFFFF0, s24  }
0x614: {  	p5 =	slt.s32 s23, $0x1;
	p6 =	sne.s32 s23, s31  }
0x615: {  	p0 =	por !p5, !p6  }
0x616: {  	s25 =	simm.s32 $0x1;
	p0 =	por !p0, !p0  }
0x617: {  	s24 =	sshrl.u32 s24, $0x4;
	s25 =	simm.s32 @!p0 $0x0  }
0x618: {  	s24 =	ssub.s32 s24, s25  }
0x619: {  	[tilespmem:s22+$0x0] =	vst v5;
	s25 =	sshll.u32 s24, $0x4  }
0x61a: {  	v3 =	vld [tilespmem:s25+$0x9E00]  }
0x61b: {  	v4 =	vld [tilespmem:s25+$0xC080]  }
0x61c: {  	s23 =	sand.u32 $0xF, s23  }
0x61d: {  	v5 =	vmov s23  }
0x61e: {  	vm0 =	veq.s32 v5, v2  }
0x61f: {  	v3 =	vsel vm0, $0x40000000, v3  }
0x620: {  	[tilespmem:s25+$0x9E00] =	vst v3;
	v3 =	vsel vm0, $0x41000000, v4  }
0x621: {  	[tilespmem:s25+$0xC080] =	vst v3  }
0x622: {  	v6 =	vld [tilespmem:$0x9C00]  }
0x623: {  	v7 =	vld [tilespmem:$0x9C80]  }
0x624: {  	v8 =	vld [tilespmem:$0x9D00]  }
0x625: {  	s23 =	simm.s32 $0x4500;
	v9 =	vld [tilespmem:$0x9D80]  }
0x626: {  	s24 =	simm.s32 $0x0;
	v3 =	vld [tilespmem:s23+$0x0]  }
0x627: {  	s26 =	simm.s32 $0x6780;
	v4 =	vld [tilespmem:s24+$0x0]  }
0x628: {  	s25 =	simm.s32 $0x2280;
	v5 =	vld [tilespmem:s26+$0x0]  }
0x629: {  	v10 =	vld [tilespmem:s25+$0x0];
	_ =	sdelay $0x2  }
0x62a: {  	v11 =	vsub.f32 v8, v6;
	v12 =	vsub.f32 v9, v7  }
0x62b: {  	v13 =	vsub.f32 v3, v4;
	v3 =	vmin.f32 v3, v8;
	v4 =	vmax.f32 v4, v6  }
0x62c: {  	v14 =	vsub.f32 v5, v10;
	v5 =	vmin.f32 v5, v9;
	v10 =	vmax.f32 v10, v7  }
0x62d: {  	v3 =	vsub.f32 v3, v4;
	v4 =	vsub.f32 v5, v10  }
0x62e: {  	v10 =	vmul.f32 v12, v11;
	v5 =	vmul.f32 v14, v13  }
0x62f: {  	v3 =	vmax.f32 v3, $0.0e+00;
	v4 =	vmax.f32 v4, $0.0e+00  }
0x630: {  	v3 =	vmul.f32 v4, v3;
	v4 =	vadd.f32 v5, v10;
	_ =	sdelay $0x1  }
0x631: {  	v4 =	vsub.f32 v4, v3;
	_ =	sdelay $0x1  }
0x632: {  	(erf) = vrcp.f32 v4;
	_ =	sdelay $0x5  }
0x633: {  	s31 =	simm.s32 $0x9E00  }
0x634: {  	v4 =	vld [tilespmem:s31+$0x0];
	_ =	sdelay $0x1  }
0x635: {  	v5 =	vpop (erf)  }
0x636: {  	v3 =	vmul.f32 v5, v3;
	_ =	sdelay $0x1  }
0x637: {  	vm15 =	vgt.f32 v3, v4  }
0x638: {  	v4 =	vsel vm15, v3, v4  }
0x639: {  	s22 =	simm.s32 $0xC080;
	[tilespmem:s31+$0x0] =	vst v4  }
0x63a: {  	v5 =	vld [tilespmem:s22+$0x0];
	_ =	sdelay $0x2  }
0x63b: {  	v4 =	vimm.f32 $-2.000000000e+00  }
0x63c: {  	s30 =	simm.s32 $0xC090;
	v63 =	vor.u32 s24, v2;
	v11 =	vimm.s32 $0x0;
	vm1 =	vgt.f32 v3, v4  }
0x63d: {  	s29 =	simm.s32 $0x9E10;
	s28 =	simm.s32 $0x6790;
	s26 =	simm.s32 $0x10;
	v4 =	vsel vm1, v3, v4;
	v3 =	vsel vm1, v63, v11;
	v5 =	vsel vm15, $0x41100000, v5  }
.LBB2_22:
0x63e: {  	[tilespmem:s22+$0x0] =	vst v5;
	s24 =	sadd.s32 $0x10, s24;
	s25 =	sadd.s32 $0x10, s25;
	s23 =	sadd.s32 $0x10, s23  }
0x63f: {  	p0 =	sne.s32 s26, $0x2270;
	s31 =	smov.u32 s26;
	s26 =	sadd.s32 $0x10, s26;
	v5 =	vld [tilespmem:s23+$0x0]  }
0x640: {  	s22 =	smov.u32 s30;
	v11 =	vld [tilespmem:s24+$0x0]  }
0x641: {  	v12 =	vld [tilespmem:s28+$0x0]  }
0x642: {  	v13 =	vld [tilespmem:s25+$0x0];
	_ =	sdelay $0x2  }
0x643: {  	v14 =	vsub.f32 v5, v11;
	v5 =	vmin.f32 v5, v8;
	v11 =	vmax.f32 v11, v6  }
0x644: {  	v5 =	vsub.f32 v5, v11  }
0x645: {  	v11 =	vsub.f32 v12, v13;
	v12 =	vmin.f32 v12, v9;
	v13 =	vmax.f32 v13, v7  }
0x646: {  	v12 =	vsub.f32 v12, v13  }
0x647: {  	v11 =	vmul.f32 v11, v14  }
0x648: {  	v5 =	vmax.f32 v5, $0.0e+00;
	v12 =	vmax.f32 v12, $0.0e+00  }
0x649: {  	v5 =	vmul.f32 v12, v5;
	v11 =	vadd.f32 v11, v10;
	_ =	sdelay $0x1  }
0x64a: {  	v11 =	vsub.f32 v11, v5;
	_ =	sdelay $0x1  }
0x64b: {  	(erf) = vrcp.f32 v11;
	_ =	sdelay $0x6  }
0x64c: {  	v11 =	vld [tilespmem:s29+$0x0];
	_ =	sdelay $0x1  }
0x64d: {  	v12 =	vpop (erf)  }
0x64e: {  	v5 =	vmul.f32 v12, v5;
	_ =	sdelay $0x1  }
0x64f: {  	v12 =	vor.u32 s31, v2;
	vm0 =	vgt.f32 v5, v11;
	vm1 =	vgt.f32 v5, v4  }
0x650: {  	v11 =	vsel vm0, v5, v11;
	v4 =	vsel vm1, v5, v4;
	v3 =	vsel vm1, v12, v3  }
0x651: {  	[tilespmem:s29+$0x0] =	vst v11  }
0x652: {  	v5 =	vld [tilespmem:s30+$0x0]  }
.Ltmp10:
0x653: {  	(pc) =	sbr.rel @p0 .LBB2_22-.Ltmp10, $2  }
0x654: {  	_ =	sdelay $0x2  }
0x655: {  	s28 =	sadd.s32 $0x10, s28;
	s29 =	sadd.s32 $0x10, s29;
	s30 =	sadd.s32 $0x10, s30;
	v5 =	vsel vm0, $0x41100000, v5  }
0x656: {  	(v2sf) =	vpush v4, $0x0  }
0x657: {  	(v2sf) =	vpush v3, $0x0;
	_ =	sdelay $0x1  }
0x658: {  	(v2sf) =	vpush v4, $0x1  }
0x659: {  	(v2sf) =	vpush v3, $0x1;
	_ =	sdelay $0x4  }
0x65a: {  	(v2sf) =	vpush v4, $0x2  }
0x65b: {  	(v2sf) =	vpush v3, $0x2;
	_ =	sdelay $0x4  }
0x65c: {  	s24 =	spop (v2sf);
	(v2sf) =	vpush v4, $0x3  }
0x65d: {  	s23 =	spop (v2sf);
	(v2sf) =	vpush v3, $0x3;
	_ =	sdelay $0x1  }
0x65e: {  	s25 =	spop (v2sf)  }
0x65f: {  	s26 =	spop (v2sf);
	p0 =	seq.f32 s25, s24  }
0x660: {  	p1 =	slt.s32 s26, s23  }
0x661: {  	(v2sf) =	vpush v4, $0x4;
	p2 =	sgt.f32 s25, s24;
	p0 =	por !p0, !p1  }
0x662: {  	p0 =	por !p0, !p0  }
0x663: {  	p0 =	por p2, p0  }
0x664: {  	(v2sf) =	vpush v3, $0x4;
	s24 =	smov.u32 @p0 s25;
	s25 =	spop (v2sf)  }
0x665: {  	s23 =	smov.u32 @p0 s26;
	s26 =	spop (v2sf);
	p1 =	seq.f32 s25, s24  }
0x666: {  	p2 =	slt.s32 s26, s23  }
0x667: {  	p3 =	sgt.f32 s25, s24;
	p0 =	por !p1, !p2  }
0x668: {  	p0 =	por !p0, !p0  }
0x669: {  	(v2sf) =	vpush v4, $0x5;
	p0 =	por p3, p0  }
0x66a: {  	(v2sf) =	vpush v3, $0x5;
	s24 =	smov.u32 @p0 s25;
	s25 =	spop (v2sf)  }
0x66b: {  	s23 =	smov.u32 @p0 s26;
	s26 =	spop (v2sf);
	p4 =	seq.f32 s25, s24  }
0x66c: {  	p5 =	slt.s32 s26, s23  }
0x66d: {  	p6 =	sgt.f32 s25, s24;
	p0 =	por !p4, !p5  }
0x66e: {  	p0 =	por !p0, !p0  }
0x66f: {  	(v2sf) =	vpush v4, $0x6;
	p0 =	por p6, p0  }
0x670: {  	s24 =	smov.u32 @p0 s25;
	s25 =	spop (v2sf);
	(v2sf) =	vpush v3, $0x6;
	_ =	sdelay $0x2  }
0x671: {  	s23 =	smov.u32 @p0 s26;
	s26 =	spop (v2sf);
	p1 =	seq.f32 s25, s24  }
0x672: {  	p2 =	slt.s32 s26, s23  }
0x673: {  	p3 =	sgt.f32 s25, s24;
	(v2sf) =	vpush v4, $0x7;
	p0 =	por !p1, !p2  }
0x674: {  	p0 =	por !p0, !p0  }
0x675: {  	p0 =	por p3, p0  }
0x676: {  	s24 =	smov.u32 @p0 s25;
	s25 =	spop (v2sf);
	(v2sf) =	vpush v3, $0x7  }
0x677: {  	s23 =	smov.u32 @p0 s26;
	s26 =	spop (v2sf);
	p4 =	seq.f32 s25, s24  }
0x678: {  	p5 =	slt.s32 s26, s23  }
0x679: {  	p6 =	sgt.f32 s25, s24;
	p0 =	por !p4, !p5  }
0x67a: {  	p0 =	por !p0, !p0  }
0x67b: {  	(v2sf) =	vpush v4, $0x8;
	p0 =	por p6, p0  }
0x67c: {  	s24 =	smov.u32 @p0 s25;
	s25 =	spop (v2sf);
	(v2sf) =	vpush v3, $0x8  }
0x67d: {  	s23 =	smov.u32 @p0 s26;
	p1 =	seq.f32 s25, s24;
	s26 =	spop (v2sf)  }
0x67e: {  	p2 =	slt.s32 s26, s23  }
0x67f: {  	p3 =	sgt.f32 s25, s24;
	p0 =	por !p1, !p2  }
0x680: {  	p0 =	por !p0, !p0  }
0x681: {  	(v2sf) =	vpush v4, $0x9;
	p0 =	por p3, p0  }
0x682: {  	s24 =	smov.u32 @p0 s25;
	s25 =	spop (v2sf);
	(v2sf) =	vpush v3, $0x9;
	_ =	sdelay $0x2  }
0x683: {  	s23 =	smov.u32 @p0 s26;
	s26 =	spop (v2sf);
	p4 =	seq.f32 s25, s24  }
0x684: {  	p5 =	slt.s32 s26, s23  }
0x685: {  	p6 =	sgt.f32 s25, s24;
	(v2sf) =	vpush v4, $0xA;
	p0 =	por !p4, !p5  }
0x686: {  	p0 =	por !p0, !p0  }
0x687: {  	p0 =	por p6, p0  }
0x688: {  	s24 =	smov.u32 @p0 s25;
	s25 =	spop (v2sf);
	(v2sf) =	vpush v3, $0xA  }
0x689: {  	s23 =	smov.u32 @p0 s26;
	s26 =	spop (v2sf);
	p1 =	seq.f32 s25, s24  }
0x68a: {  	p2 =	slt.s32 s26, s23  }
0x68b: {  	p3 =	sgt.f32 s25, s24;
	p0 =	por !p1, !p2  }
0x68c: {  	p0 =	por !p0, !p0  }
0x68d: {  	(v2sf) =	vpush v4, $0xB;
	p0 =	por p3, p0  }
0x68e: {  	s24 =	smov.u32 @p0 s25;
	s25 =	spop (v2sf);
	(v2sf) =	vpush v3, $0xB  }
0x68f: {  	s23 =	smov.u32 @p0 s26;
	p4 =	seq.f32 s25, s24;
	s26 =	spop (v2sf)  }
0x690: {  	p5 =	slt.s32 s26, s23  }
0x691: {  	p6 =	sgt.f32 s25, s24;
	p0 =	por !p4, !p5  }
0x692: {  	p0 =	por !p0, !p0  }
0x693: {  	(v2sf) =	vpush v4, $0xC;
	p0 =	por p6, p0  }
0x694: {  	s24 =	smov.u32 @p0 s25;
	s25 =	spop (v2sf);
	(v2sf) =	vpush v3, $0xC;
	_ =	sdelay $0x2  }
0x695: {  	s23 =	smov.u32 @p0 s26;
	s26 =	spop (v2sf);
	p1 =	seq.f32 s25, s24  }
0x696: {  	p2 =	slt.s32 s26, s23  }
0x697: {  	p3 =	sgt.f32 s25, s24;
	(v2sf) =	vpush v4, $0xD;
	p0 =	por !p1, !p2  }
0x698: {  	(v2sf) =	vpush v3, $0xD;
	p0 =	por !p0, !p0  }
0x699: {  	p0 =	por p3, p0  }
0x69a: {  	s24 =	smov.u32 @p0 s25;
	s25 =	spop (v2sf)  }
0x69b: {  	s23 =	smov.u32 @p0 s26;
	s26 =	spop (v2sf);
	p4 =	seq.f32 s25, s24  }
0x69c: {  	p5 =	slt.s32 s26, s23  }
0x69d: {  	(v2sf) =	vpush v4, $0xE;
	p6 =	sgt.f32 s25, s24;
	p0 =	por !p4, !p5  }
0x69e: {  	(v2sf) =	vpush v3, $0xE;
	p0 =	por !p0, !p0  }
0x69f: {  	p0 =	por p6, p0  }
0x6a0: {  	s24 =	smov.u32 @p0 s25;
	s25 =	spop (v2sf)  }
0x6a1: {  	s23 =	smov.u32 @p0 s26;
	p1 =	seq.f32 s25, s24;
	s26 =	spop (v2sf)  }
0x6a2: {  	(v2sf) =	vpush v4, $0xF;
	p2 =	slt.s32 s26, s23  }
0x6a3: {  	p3 =	sgt.f32 s25, s24;
	(v2sf) =	vpush v3, $0xF;
	p0 =	por !p1, !p2  }
0x6a4: {  	p0 =	por !p0, !p0  }
0x6a5: {  	p0 =	por p3, p0  }
0x6a6: {  	s28 =	spop (v2sf);
	s24 =	smov.u32 @p0 s25  }
0x6a7: {  	s25 =	spop (v2sf);
	s23 =	smov.u32 @p0 s26;
	p4 =	seq.f32 s28, s24  }
0x6a8: {  	p5 =	slt.s32 s25, s23  }
0x6a9: {  	p6 =	sgt.f32 s28, s24;
	p0 =	por !p4, !p5  }
0x6aa: {  	p0 =	por !p0, !p0  }
0x6ab: {  	p0 =	por p6, p0  }
0x6ac: {  	s26 =	spop (v2sf);
	s24 =	smov.u32 @p0 s28  }
0x6ad: {  	s28 =	spop (v2sf);
	s23 =	smov.u32 @p0 s25;
	p2 =	seq.f32 s26, s24  }
0x6ae: {  	p3 =	slt.s32 s28, s23  }
0x6af: {  	p4 =	sgt.f32 s26, s24;
	p0 =	por !p2, !p3  }
0x6b0: {  	p0 =	por !p0, !p0  }
0x6b1: {  	s31 =	spop (v2sf);
	p0 =	por p4, p0  }
0x6b2: {  	s24 =	smov.u32 @p0 s26;
	s23 =	smov.u32 @p0 s28;
	s26 =	spop (v2sf)  }
0x6b3: {  	p0 =	seq.f32 s31, s24;
	p1 =	slt.s32 s26, s23;
	s28 =	smov.u32 s23  }
0x6b4: {  	p2 =	sgt.f32 s31, s24;
	s28 =	smov.u32 @p1 s26  }
0x6b5: {  	s23 =	smov.u32 @p0 s28  }
0x6b6: {  	s23 =	smov.u32 @p2 s26  }
0x6b7: {  	s28 =	sshra.s32 s23, $0x1F  }
0x6b8: {  	s24 =	sshrl.u32 s28, $0x1C  }
0x6b9: {  	s24 =	sadd.s32 s24, s23  }
0x6ba: {  	s29 =	sand.u32 $0xFFFFFFF0, s24  }
0x6bb: {  	p5 =	slt.s32 s23, $0x1;
	p6 =	sne.s32 s23, s29  }
0x6bc: {  	p0 =	por !p5, !p6  }
0x6bd: {  	s25 =	simm.s32 $0x1;
	p0 =	por !p0, !p0  }
0x6be: {  	s24 =	sshrl.u32 s24, $0x4;
	s25 =	simm.s32 @!p0 $0x0  }
0x6bf: {  	s24 =	ssub.s32 s24, s25  }
0x6c0: {  	[tilespmem:s22+$0x0] =	vst v5;
	s30 =	sshll.u32 s24, $0x4  }
0x6c1: {  	v3 =	vld [tilespmem:s30+$0x9E00]  }
0x6c2: {  	v4 =	vld [tilespmem:s30+$0xC080]  }
0x6c3: {  	s23 =	sand.u32 $0xF, s23  }
0x6c4: {  	v5 =	vmov s23  }
0x6c5: {  	vm0 =	veq.s32 v5, v2  }
0x6c6: {  	v3 =	vsel vm0, $0x40000000, v3  }
0x6c7: {  	[tilespmem:s30+$0x9E00] =	vst v3;
	v3 =	vsel vm0, $0x41100000, v4  }
0x6c8: {  	s31 =	simm.s32 $0x9E40;
	[tilespmem:s30+$0xC080] =	vst v3  }
0x6c9: {  	v5 =	vld [tilespmem:s31+$0x30]  }
0x6ca: {  	v7 =	vld [tilespmem:s31+$0xFFFFFFD0]  }
0x6cb: {  	v9 =	vld [tilespmem:s31+$0xFFFFFFE0]  }
0x6cc: {  	v6 =	vld [tilespmem:s31+$0xFFFFFFF0]  }
0x6cd: {  	v4 =	vld [tilespmem:s31+$0x0]  }
0x6ce: {  	v3 =	vld [tilespmem:s31+$0x10];
	vm0 =	vge.f32 v5, $5.000000000e-01  }
0x6cf: {  	s22 =	simm.s32 $0xE340;
	vm1 =	vge.f32 v7, $5.000000000e-01;
	v5 =	vld [tilespmem:s31+$0x20];
	v10 =	vsel vm0, $0x3F800000, v1  }
0x6d0: {  	s23 =	simm.s32 $0x0;
	s24 =	simm.s32 $0x9EC0;
	v7 =	vld [tilespmem:s31+$0xFFFFFFC0];
	v8 =	vsel vm1, $0x3F800000, v1;
	vm0 =	vge.f32 v9, $5.000000000e-01;
	[tilespmem:s22+$0x30] =	vst v10  }
.LBB2_24:
0x6d1: {  	v9 =	vld [tilespmem:s24+$0x30];
	s23 =	sadd.s32 $0x8, s23;
	[tilespmem:s22+$0xFFFFFFD0] =	vst v8;
	v8 =	vsel vm0, $0x3F800000, v1;
	vm0 =	vge.f32 v6, $5.000000000e-01  }
0x6d2: {  	v10 =	vld [tilespmem:s24+$0xFFFFFFD0];
	p0 =	slt.u32 s23, $0x220;
	[tilespmem:s22+$0xFFFFFFE0] =	vst v8;
	v6 =	vsel vm0, $0x3F800000, v1;
	vm0 =	vge.f32 v4, $5.000000000e-01  }
0x6d3: {  	v11 =	vld [tilespmem:s24+$0xFFFFFFE0];
	[tilespmem:s22+$0xFFFFFFF0] =	vst v6;
	v4 =	vsel vm0, $0x3F800000, v1;
	vm0 =	vge.f32 v3, $5.000000000e-01  }
.Ltmp11:
0x6d4: {  	v6 =	vld [tilespmem:s24+$0xFFFFFFF0];
	[tilespmem:s22+$0x0] =	vst v4;
	v3 =	vsel vm0, $0x3F800000, v1;
	vm0 =	vge.f32 v5, $5.000000000e-01;
	(pc) =	sbr.rel @p0 .LBB2_24-.Ltmp11, $4  }
0x6d5: {  	v4 =	vld [tilespmem:s24+$0x0];
	vm1 =	vge.f32 v7, $5.000000000e-01;
	[tilespmem:s22+$0x10] =	vst v3;
	v5 =	vsel vm0, $0x3F800000, v1  }
0x6d6: {  	v3 =	vld [tilespmem:s24+$0x10];
	vm0 =	vge.f32 v9, $5.000000000e-01;
	v7 =	vsel vm1, $0x3F800000, v1;
	[tilespmem:s22+$0x20] =	vst v5  }
0x6d7: {  	vm1 =	vge.f32 v10, $5.000000000e-01;
	v5 =	vld [tilespmem:s24+$0x20];
	v9 =	vsel vm0, $0x3F800000, v1;
	[tilespmem:s22+$0xFFFFFFC0] =	vst v7;
	s22 =	sadd.s32 $0x80, s22  }
0x6d8: {  	v7 =	vld [tilespmem:s24+$0xFFFFFFC0];
	v8 =	vsel vm1, $0x3F800000, v1;
	vm0 =	vge.f32 v11, $5.000000000e-01;
	[tilespmem:s22+$0x30] =	vst v9;
	s24 =	sadd.s32 $0x80, s24  }
0x6d9: {  	[tilespmem:s22+$0xFFFFFFD0] =	vst v8;
	v62 =	vsel vm0, $0x3F800000, v1;
	vm12 =	vge.f32 v6, $5.000000000e-01  }
0x6da: {  	[tilespmem:s22+$0xFFFFFFE0] =	vst v62;
	v6 =	vsel vm12, $0x3F800000, v1;
	vm13 =	vge.f32 v4, $5.000000000e-01  }
0x6db: {  	[tilespmem:s22+$0xFFFFFFF0] =	vst v6;
	v4 =	vsel vm13, $0x3F800000, v1;
	vm14 =	vge.f32 v3, $5.000000000e-01  }
0x6dc: {  	[tilespmem:s22+$0x0] =	vst v4;
	v3 =	vsel vm14, $0x3F800000, v1;
	vm15 =	vge.f32 v5, $5.000000000e-01  }
0x6dd: {  	vm1 =	vge.f32 v7, $5.000000000e-01;
	[tilespmem:s22+$0x10] =	vst v3;
	v3 =	vsel vm15, $0x3F800000, v1  }
0x6de: {  	v63 =	vsel vm1, $0x3F800000, v1;
	[tilespmem:s22+$0x20] =	vst v3  }
0x6df: {  	[tilespmem:s22+$0xFFFFFFC0] =	vst v63  }
0x6e0: {  	[hbm4b:s8+s11] =	stream.strided.scatter [tilespmem:s19], [sflag:$0x1], $0x2280, s18, s11, $0x38;
	[tilespmem:$0x10580] =	vst v63  }
0x6e1: {  	s21 =	sadd.s32 $0x1, s21;
	_ =	swait.ge [sflag:s13], $0x2280  }
0x6e2: {  	p0 =	sne.s32 s21, s10;
	[sflag:s13] =	ssyncset.done $0x0  }
.Ltmp12:
0x6e3: {  	[sflag:s13] =	ssyncadd.s32 $0xFFFFDD80;
	(pc) =	sbr.rel @p0 .LBB2_1-.Ltmp12, $4  }
0x6e4: {  	[hbm4b:s9+s11] =	stream.strided.scatter [tilespmem:s20], [sflag:$0x1], $0x2280, s18, s11, $0x38;
	[tilespmem:$0x10580] =	vst v63  }
0x6e5: {  	_ =	swait.ge [sflag:s13], $0x2280  }
0x6e6: {  	[sflag:s13] =	ssyncset.done $0x0  }
0x6e7: {  	[sflag:s13] =	ssyncadd.s32 $0xFFFFDD80  }
0x6e8: {  	_ =	sfence.sel $0x180000  }
0x6e9: {  	[bflag:$0x0] =	sbarrier.arrive $0xFFFF  }
0x6ea: {  	p0 =	sne.s32 s0, $0x0;
	_ =	strace $0x90000047  }
0x6eb: {  	s0 =	sadd.s32 @!p0 $0x100000, s1;
	[bflag:$0x2] =	sbarrier.arrive $0xFFFF  }
0x6ec: {  	[sflag:s0] =	ssyncadd.tile.s32 @!p0 $0x1;
	_ =	shalt  }
.Lfunc_end2:
_tile_overlayer_lowered:
.L_overlay_start_2:
0x6ed: {  	(tag) =	ssettag $0x2  }
0x6ee: {  	s0 =	rddreg [dreg:$0x0];
	s2 =	stileid.u32  }
0x6ef: {  	s1 =	rddreg [dreg:$0x1];
	p0 =	sne.s32 s2, $0x0  }
0x6f0: {  	s3 =	rddreg [dreg:$0x2];
	[bflag:$0x3] =	sbarrier.arrive $0xFFFF;
	s2 =	simm.s32 @!p0 $0x1C01  }
0x6f1: {  	[timem:s3], [sflag:s2] =	dma.local @!p0 [hbm:s0], s1  }
0x6f2: {  	s0 =	simm.s32 @!p0 $0x1  }
0x6f3: {  	_ =	swait.ge @!p0 [sflag:s0], s1  }
0x6f4: {  	s1 =	ssub.s32 @!p0 $0x0, s1;
	[sflag:s0] =	ssyncset.done @!p0 $0x0  }
0x6f5: {  	[sflag:s0] =	ssyncadd.s32 @!p0 s1  }
0x6f6: {  	[bflag:$0x3] =	sbarrier.arrive $0xFFFF  }
0x6f7: {  	_ =	shalt  }

</sc_bundles>
